<compile_context>
chip_gen: v7x
topology: tpu7x:2x2x1
jax: 0.10.2.dev20260603
libtpu: 0.0.44.dev20260713+nightly
codegen_flags: <defaults>
</compile_context>

<pallas_src>
import jax
import jax.numpy as jnp
from jax import lax
from jax.experimental import pallas as pl
from jax.experimental.pallas import tpu as pltpu
from jax.experimental.pallas import tpu_sc as plsc

M = 65536
B = 16384
D = 128

NC = 2
NS = 16
NW = NC * NS

HALF = M // NC
PHASES = 8
R = HALF // PHASES
RT = R // NS
TRASH = 8
STRIPE = B // NS
K = 128
KS = 7
NCH_MAX = STRIPE // K
GPW = B // NW
GK = 128


def _mm_body(val_ref, w_ref, out_ref):
    out_ref[...] = jnp.tanh(
        jnp.dot(val_ref[...], w_ref[...],
                preferred_element_type=jnp.float32))


def _project(val, W):
    grid = 16
    rows = B // grid
    return pl.pallas_call(
        _mm_body,
        grid=(grid,),
        in_specs=[
            pl.BlockSpec((rows, D), lambda i: (i, 0)),
            pl.BlockSpec((D, D), lambda i: (0, 0)),
        ],
        out_specs=pl.BlockSpec((rows, D), lambda i: (i, 0)),
        out_shape=jax.ShapeDtypeStruct((B, D), jnp.float32),
    )(val, W)


def _iota16():
    return lax.broadcasted_iota(jnp.int32, (16,), 0)


def _scatter_body(mem_hbm, proj_hbm, idx_hbm, out_hbm,
                  idx_v, plist3d, lidx3d, projbufs, chunks, ldsems, wbsems,
                  psems, sem):
    c = lax.axis_index("c")
    s = lax.axis_index("s")
    stripe_base = s * STRIPE

    pltpu.sync_copy(idx_hbm.at[pl.ds(stripe_base, STRIPE)], idx_v)

    def chunk_base(p):
        return c * HALF + p * R

    def start_load(p):
        return pltpu.async_copy(
            mem_hbm.at[pl.ds(chunk_base(p) + s * RT, RT)],
            chunks[p % 2].at[pl.ds(s * RT, RT)],
            ldsems[p % 2])

    loads = [start_load(0), start_load(1)]
    wbs = [None, None]

    nchs = [None] * PHASES

    def do_compress(p):
        lo = chunk_base(p)
        pl2 = plist3d.at[p]
        li2 = lidx3d.at[p]

        def compress(v, cnt):
            idxv = idx_v[pl.ds(v * 16, 16)]
            lid = idxv - lo
            m = (lid >= 0) & (lid < R)
            posv = stripe_base + v * 16 + _iota16()
            mi = jnp.where(m, 1, 0)
            tgt = cnt + plsc.cumsum(mi) - 1
            plsc.store_scatter(pl2, [tgt >> KS, tgt & (K - 1)], posv,
                               mask=m)
            plsc.store_scatter(li2, [tgt >> KS, tgt & (K - 1)], lid,
                               mask=m)
            return cnt + jnp.sum(mi, axis=0)
        cnt = lax.fori_loop(0, STRIPE // 16, compress, jnp.int32(0))
        nch = (cnt + (K - 1)) // K

        def padtail(q, _):
            t = cnt + q * 16 + _iota16()
            tm = t < nch * K
            plsc.store_scatter(pl2, [t >> KS, t & (K - 1)],
                               stripe_base + _iota16() * 64, mask=tm)
            plsc.store_scatter(li2, [t >> KS, t & (K - 1)],
                               R + (_iota16() & (TRASH - 1)), mask=tm)
            return 0
        lax.fori_loop(0, (nch * K - cnt + 15) // 16, padtail, 0)
        nchs[p] = nch

    do_compress(0)
    do_compress(1)

    def prefetch(p):
        @pl.when(nchs[p] > 0)
        def _():
            pltpu.async_copy(proj_hbm.at[plist3d.at[p].at[0]],
                             projbufs[p % 2], psems[p % 2])

    prefetch(0)

    for p in range(PHASES):
        buf = p % 2
        chunk = chunks[buf]
        lo = chunk_base(p)
        nch = nchs[p]
        pbuf = projbufs[p % 2]

        if p + 1 < PHASES:
            prefetch(p + 1)
        if p + 2 < PHASES:
            do_compress(p + 2)

        loads[buf].wait()
        plsc.subcore_barrier()

        @pl.when(nch > 0)
        def _():
            pltpu.make_async_copy(proj_hbm.at[plist3d.at[p].at[0]],
                                  pbuf, psems[p % 2]).wait()
            pltpu.sync_copy(pbuf, chunk.at[lidx3d.at[p].at[0]], add=True)

        def scat_body(j, _):
            pltpu.async_copy(
                proj_hbm.at[plist3d.at[p].at[j]], pbuf, sem).wait()
            pltpu.sync_copy(pbuf, chunk.at[lidx3d.at[p].at[j]], add=True)
            return 0
        lax.fori_loop(1, nch, scat_body, 0)

        plsc.subcore_barrier()

        if 1 <= p < PHASES - 1:
            nbuf = (p + 1) % 2
            wbs[nbuf].wait()
            loads[nbuf] = start_load(p + 1)
        wbs[buf] = pltpu.async_copy(
            chunk.at[pl.ds(s * RT, RT)],
            out_hbm.at[pl.ds(lo + s * RT, RT)],
            wbsems[buf])

    wbs[0].wait()
    wbs[1].wait()


def _scatter(mem, proj, idx):
    mesh = plsc.VectorSubcoreMesh(core_axis_name="c", subcore_axis_name="s")
    return pl.kernel(
        _scatter_body,
        mesh=mesh,
        out_type=jax.ShapeDtypeStruct((M, D), jnp.float32),
        scratch_types=[
            pltpu.VMEM((STRIPE,), jnp.int32),
            pltpu.VMEM((PHASES, NCH_MAX, K), jnp.int32),
            pltpu.VMEM((PHASES, NCH_MAX, K), jnp.int32),
            [pltpu.VMEM((K, D), jnp.float32)
             for _ in range(2)],
            [pltpu.VMEM_SHARED((R + TRASH, D), jnp.float32)
             for _ in range(2)],
            [pltpu.SemaphoreType.DMA for _ in range(2)],
            [pltpu.SemaphoreType.DMA for _ in range(2)],
            [pltpu.SemaphoreType.DMA for _ in range(2)],
            pltpu.SemaphoreType.DMA,
        ],
        compiler_params=pltpu.CompilerParams(needs_layout_passes=False),
    )(mem, proj, idx)


def _gather_body(newmem_hbm, idx_hbm, read_hbm, idx_v, rowbufs, sems):
    c = lax.axis_index("c")
    s = lax.axis_index("s")
    wid = s * NC + c
    base = wid * GPW
    pltpu.sync_copy(idx_hbm.at[pl.ds(base, GPW)], idx_v)
    n = GPW // GK
    copies = [None, None]
    for j in range(n):
        copies[j % 2] = pltpu.async_copy(
            newmem_hbm.at[idx_v.at[pl.ds(j * GK, GK)]], rowbufs[j % 2],
            sems[j % 2])
        if j >= 1:
            copies[(j - 1) % 2].wait()
            pltpu.sync_copy(rowbufs[(j - 1) % 2],
                            read_hbm.at[pl.ds(base + (j - 1) * GK, GK)])
    copies[(n - 1) % 2].wait()
    pltpu.sync_copy(rowbufs[(n - 1) % 2],
                    read_hbm.at[pl.ds(base + (n - 1) * GK, GK)])


def _gather(new_mem, idx):
    mesh = plsc.VectorSubcoreMesh(core_axis_name="c", subcore_axis_name="s")
    return pl.kernel(
        _gather_body,
        mesh=mesh,
        out_type=jax.ShapeDtypeStruct((B, D), jnp.float32),
        scratch_types=[
            pltpu.VMEM((GPW,), jnp.int32),
            [pltpu.VMEM((GK, D), jnp.float32) for _ in range(2)],
            [pltpu.SemaphoreType.DMA for _ in range(2)],
        ],
        compiler_params=pltpu.CompilerParams(needs_layout_passes=False),
    )(new_mem, idx)


def kernel(mem, val, idx, W):
    proj = _project(val, W)
    new_mem = _scatter(mem, proj, idx.astype(jnp.int32))
    read = _gather(new_mem, idx.astype(jnp.int32))
    return new_mem, read

# --- scband reference (transcript-rebuilt; emitter-appended) ---
"""Pipeline reference for scband-self-supervised-memory-58892591563090 (READ-ONLY COPY).

The authoritative reference and input builder live on the scoring server;
editing this copy changes nothing except your own understanding.
"""

import jax, jax.numpy as jnp
import numpy as np

M = 65536   # memory rows (flattened memory_len x object_num x batch analogue)
B = 16384   # number of slot-feature writes per step
D = 128     # embed_dim per init_kwargs

def setup_inputs(seed: int = 0) -> dict:
    key = jax.random.key(seed)
    k1, k2, k3, k4 = jax.random.split(key, 4)
    mem = jax.random.normal(k1, (M, D), dtype=jnp.float32)
    val = jax.random.normal(k2, (B, D), dtype=jnp.float32)
    idx = jax.random.randint(k3, (B,), 0, M)
    # learned write-projection (stand-in for the module's attention value projection)
    W = jax.random.normal(k4, (D, D), dtype=jnp.float32) * 0.05
    return {"mem": mem, "val": val, "idx": idx, "W": W}

def reference(mem, val, idx, W):
    # project incoming object features (compute), then scatter-add them
    # into the persistent memory buffer at slot locations idx, then gather
    # back the updated slots (the read path used for the rollout module).
    proj = jnp.tanh(val @ W)                 # [B, D] compute-heavy projection
    new_mem = mem.at[idx].add(proj)          # scatter-add write into memory
    read = jnp.take(new_mem, idx, axis=0)    # gather updated slot features
    return new_mem, read

if __name__ == "__main__":
    import jax
    _d = setup_inputs()
    print(jax.jit(kernel)(*tuple(_d.values())))

</pallas_src>

<mosaic_0001>
#map = affine_map<(d0, d1) -> (0, 0)>
#map1 = affine_map<(d0, d1) -> (0)>
module attributes {stable_mosaic.version = 14 : i64} {
  func.func @_scatter_body(%arg0: i32, %arg1: i32, %arg2: memref<65536x128xf32, #tpu.memory_space<hbm>>, %arg3: memref<16384x128xf32, #tpu.memory_space<hbm>>, %arg4: memref<16384xi32, #tpu.memory_space<hbm>>, %arg5: memref<65536x128xf32, #tpu.memory_space<hbm>>, %arg6: memref<1024xi32, #tpu.memory_space<vmem>>, %arg7: memref<8x8x128xi32, #tpu.memory_space<vmem>>, %arg8: memref<8x8x128xi32, #tpu.memory_space<vmem>>, %arg9: memref<128x128xf32, #tpu.memory_space<vmem>>, %arg10: memref<128x128xf32, #tpu.memory_space<vmem>>, %arg11: memref<4104x128xf32, #tpu.memory_space<vmem_shared>>, %arg12: memref<4104x128xf32, #tpu.memory_space<vmem_shared>>, %arg13: memref<!tpu.dma_semaphore, #tpu.memory_space<semaphore_mem>>, %arg14: memref<!tpu.dma_semaphore, #tpu.memory_space<semaphore_mem>>, %arg15: memref<!tpu.dma_semaphore, #tpu.memory_space<semaphore_mem>>, %arg16: memref<!tpu.dma_semaphore, #tpu.memory_space<semaphore_mem>>, %arg17: memref<!tpu.dma_semaphore, #tpu.memory_space<semaphore_mem>>, %arg18: memref<!tpu.dma_semaphore, #tpu.memory_space<semaphore_mem>>, %arg19: memref<!tpu.dma_semaphore, #tpu.memory_space<semaphore_mem>>) attributes {dimension_semantics = [#tpu.dimension_semantics<core_parallel>, #tpu.dimension_semantics<subcore_parallel>], iteration_bounds = array<i64: 2, 16>, scalar_prefetch = 0 : i64, scratch_operands = 14 : i64, tpu.core_type = #tpu.core_type<sc_vector_subcore>, window_params = [{transform_indices = #map}, {transform_indices = #map}, {transform_indices = #map1}, {transform_indices = #map}]} {
    %mul3A = arith.constant 1024 : i32
    %mul3A_0 = arith.muli %arg1, %mul3A : i32
    "tpu.region"() ({
      %run_scoped3A = tpu.sem_alloc : memref<!tpu.dma_semaphore, #tpu.memory_space<semaphore_mem>>
      %dma_start3A_1104 = tpu.memref_slice %arg4[%mul3A_0] : memref<16384xi32, #tpu.memory_space<hbm>> -> memref<1024xi32, #tpu.memory_space<hbm>>
      %dma_start3A_1105 = tpu.memref_slice %arg4[%mul3A_0] : memref<16384xi32, #tpu.memory_space<hbm>> -> memref<1024xi32, #tpu.memory_space<hbm>>
      tpu.enqueue_dma source(%dma_start3A_1105 : memref<1024xi32, #tpu.memory_space<hbm>>) target(%arg6 : memref<1024xi32, #tpu.memory_space<vmem>>) target_semaphore(%run_scoped3A : memref<!tpu.dma_semaphore, #tpu.memory_space<semaphore_mem>>)
      %dma_wait3A_1106 = tpu.memref_slice %arg4[%mul3A_0] : memref<16384xi32, #tpu.memory_space<hbm>> -> memref<1024xi32, #tpu.memory_space<hbm>>
      %dma_wait3A_1107 = tpu.memref_slice %arg4[%mul3A_0] : memref<16384xi32, #tpu.memory_space<hbm>> -> memref<1024xi32, #tpu.memory_space<hbm>>
      tpu.wait_dma2 semaphore(%run_scoped3A : memref<!tpu.dma_semaphore, #tpu.memory_space<semaphore_mem>>) src(%dma_wait3A_1107 : memref<1024xi32, #tpu.memory_space<hbm>>) dst(%arg6 : memref<1024xi32, #tpu.memory_space<vmem>>)
      tpu.yield
    }) : () -> ()
    %mul3A_1 = arith.constant 32768 : i32
    %mul3A_2 = arith.muli %arg0, %mul3A_1 : i32
    %add3A = arith.constant 0 : i32
    %add3A_3 = arith.addi %mul3A_2, %add3A : i32
    %mul3A_4 = arith.constant 256 : i32
    %mul3A_5 = arith.muli %arg1, %mul3A_4 : i32
    %add3A_6 = arith.addi %add3A_3, %mul3A_5 : i32
    %mul3A_7 = arith.constant 256 : i32
    %mul3A_8 = arith.muli %arg1, %mul3A_7 : i32
    %dma_start3A = arith.constant 0 : i32
    %dma_start3A_9 = tpu.memref_slice %arg11[%mul3A_8, %dma_start3A] : memref<4104x128xf32, #tpu.memory_space<vmem_shared>> -> memref<256x128xf32, #tpu.memory_space<vmem_shared>>
    %dma_start3A_10 = arith.constant 0 : i32
    %dma_start3A_11 = tpu.memref_slice %arg2[%add3A_6, %dma_start3A_10] : memref<65536x128xf32, #tpu.memory_space<hbm>> -> memref<256x128xf32, #tpu.memory_space<hbm>>
    tpu.enqueue_dma source(%dma_start3A_11 : memref<256x128xf32, #tpu.memory_space<hbm>>) target(%dma_start3A_9 : memref<256x128xf32, #tpu.memory_space<vmem_shared>>) target_semaphore(%arg13 : memref<!tpu.dma_semaphore, #tpu.memory_space<semaphore_mem>>)
    %mul3A_12 = arith.constant 32768 : i32
    %mul3A_13 = arith.muli %arg0, %mul3A_12 : i32
    %add3A_14 = arith.constant 4096 : i32
    %add3A_15 = arith.addi %mul3A_13, %add3A_14 : i32
    %mul3A_16 = arith.constant 256 : i32
    %mul3A_17 = arith.muli %arg1, %mul3A_16 : i32
    %add3A_18 = arith.addi %add3A_15, %mul3A_17 : i32
    %mul3A_19 = arith.constant 256 : i32
    %mul3A_20 = arith.muli %arg1, %mul3A_19 : i32
    %dma_start3A_21 = arith.constant 0 : i32
    %dma_start3A_22 = tpu.memref_slice %arg12[%mul3A_20, %dma_start3A_21] : memref<4104x128xf32, #tpu.memory_space<vmem_shared>> -> memref<256x128xf32, #tpu.memory_space<vmem_shared>>
    %dma_start3A_23 = arith.constant 0 : i32
    %dma_start3A_24 = tpu.memref_slice %arg2[%add3A_18, %dma_start3A_23] : memref<65536x128xf32, #tpu.memory_space<hbm>> -> memref<256x128xf32, #tpu.memory_space<hbm>>
    tpu.enqueue_dma source(%dma_start3A_24 : memref<256x128xf32, #tpu.memory_space<hbm>>) target(%dma_start3A_22 : memref<256x128xf32, #tpu.memory_space<vmem_shared>>) target_semaphore(%arg14 : memref<!tpu.dma_semaphore, #tpu.memory_space<semaphore_mem>>)
    %mul3A_25 = arith.constant 32768 : i32
    %mul3A_26 = arith.muli %arg0, %mul3A_25 : i32
    %add3A_27 = arith.constant 0 : i32
    %add3A_28 = arith.addi %mul3A_26, %add3A_27 : i32
    %scan3A = arith.constant 0 : i32
    %scan3A_29 = arith.constant 0 : i32
    %scan3A_30 = arith.constant 0 : i32
    %scan3A_31 = arith.constant 0 : i32
    %scan3A_32 = arith.constant 64 : i32
    %scan3A_33 = arith.addi %scan3A_31, %scan3A_32 : i32
    %scan3A_34 = arith.constant 1 : i32
    %scan3A_35 = scf.for %scan3A_1104 = %scan3A_31 to %scan3A_33 step %scan3A_34 iter_args(%scan3A_1105 = %scan3A_30) -> (i32)  : i32 {
      %mul3A_1106 = arith.constant 16 : i32
      %mul3A_1107 = arith.muli %scan3A_1104, %mul3A_1106 : i32
      %get3A = arith.index_cast %mul3A_1107 : i32 to index
      %get3A_1108 = tpu.vector_load %arg6[%get3A] {strides = array<i32>} : memref<1024xi32, #tpu.memory_space<vmem>>, vector<16xi32>,
      %sub3A_1109 = vector.broadcast %add3A_28 : i32 to vector<16xi32>
      %sub3A_1110 = arith.subi %get3A_1108, %sub3A_1109 : vector<16xi32>
      %ge3A = arith.constant 0 : i32
      %ge3A_1111 = vector.broadcast %ge3A : i32 to vector<16xi32>
      %ge3A_1112 = arith.cmpi sge, %sub3A_1110, %ge3A_1111 : vector<16xi32>
      %lt3A = arith.constant 4096 : i32
      %lt3A_1113 = vector.broadcast %lt3A : i32 to vector<16xi32>
      %lt3A_1114 = arith.cmpi slt, %sub3A_1110, %lt3A_1113 : vector<16xi32>
      %and3A_1115 = arith.andi %ge3A_1112, %lt3A_1114 : vector<16xi1>
      %mul3A_1116 = arith.constant 16 : i32
      %mul3A_1117 = arith.muli %scan3A_1104, %mul3A_1116 : i32
      %add3A_1118 = arith.addi %mul3A_0, %mul3A_1117 : i32
      %iota3A = tpu.iota {dimensions = array<i32: 0>} : vector<16xi32>
      %add3A_1119 = vector.broadcast %add3A_1118 : i32 to vector<16xi32>
      %add3A_1120 = arith.addi %add3A_1119, %iota3A : vector<16xi32>
      %jit3A_1121 = arith.constant 1 : i32
      %jit3A_1122 = arith.constant 0 : i32
      %broadcast_in_dim3A = vector.broadcast %jit3A_1121 : i32 to vector<16xi32>
      %broadcast_in_dim3A_1123 = vector.broadcast %jit3A_1122 : i32 to vector<16xi32>
      %select_n3A_1124 = arith.select %and3A_1115, %broadcast_in_dim3A, %broadcast_in_dim3A_1123 : vector<16xi1>, vector<16xi32>
      %broadcast_in_dim3A_1125 = arith.constant true
      %broadcast_in_dim3A_1126 = vector.broadcast %broadcast_in_dim3A_1125 : i1 to vector<16xi1>
      %masked_cumsum3A = tpu.scan <sum>, %select_n3A_1124 masked %broadcast_in_dim3A_1126 : vector<16xi32>, vector<16xi1> -> vector<16xi32>
      %add3A_1127 = vector.broadcast %scan3A_1105 : i32 to vector<16xi32>
      %add3A_1128 = arith.addi %add3A_1127, %masked_cumsum3A : vector<16xi32>
      %sub3A_1129 = arith.constant 1 : i32
      %sub3A_1130 = vector.broadcast %sub3A_1129 : i32 to vector<16xi32>
      %sub3A_1131 = arith.subi %add3A_1128, %sub3A_1130 : vector<16xi32>
      %shift_right_arithmetic3A = arith.constant 7 : i32
      %shift_right_arithmetic3A_1132 = vector.broadcast %shift_right_arithmetic3A : i32 to vector<16xi32>
      %shift_right_arithmetic3A_1133 = arith.shrsi %sub3A_1131, %shift_right_arithmetic3A_1132 : vector<16xi32>
      %and3A_1134 = arith.constant 127 : i32
      %and3A_1135 = vector.broadcast %and3A_1134 : i32 to vector<16xi32>
      %and3A_1136 = arith.andi %sub3A_1131, %and3A_1135 : vector<16xi32>
      %scatter3A = arith.constant 0 : i32
      %scatter3A_1137 = arith.constant 0 : i32
      %scatter3A_1138 = tpu.memref_slice %arg7[%scan3A, %scatter3A, %scatter3A_1137] : memref<8x8x128xi32, #tpu.memory_space<vmem>> -> memref<1x8x128xi32, #tpu.memory_space<vmem>>
      %scatter3A_1139 = tpu.memref_squeeze %scatter3A_1138 : memref<1x8x128xi32, #tpu.memory_space<vmem>> -> memref<8x128xi32, #tpu.memory_space<vmem>>
      tpu.vector_store_idx %scatter3A_1139[%shift_right_arithmetic3A_1133, %and3A_1136], %add3A_1120 masked %and3A_1115 : memref<8x128xi32, #tpu.memory_space<vmem>>[vector<16xi32>, vector<16xi32>], vector<16xi32>, vector<16xi1>
      %shift_right_arithmetic3A_1140 = arith.constant 7 : i32
      %shift_right_arithmetic3A_1141 = vector.broadcast %shift_right_arithmetic3A_1140 : i32 to vector<16xi32>
      %shift_right_arithmetic3A_1142 = arith.shrsi %sub3A_1131, %shift_right_arithmetic3A_1141 : vector<16xi32>
      %and3A_1143 = arith.constant 127 : i32
      %and3A_1144 = vector.broadcast %and3A_1143 : i32 to vector<16xi32>
      %and3A_1145 = arith.andi %sub3A_1131, %and3A_1144 : vector<16xi32>
      %scatter3A_1146 = arith.constant 0 : i32
      %scatter3A_1147 = arith.constant 0 : i32
      %scatter3A_1148 = tpu.memref_slice %arg8[%scan3A_29, %scatter3A_1146, %scatter3A_1147] : memref<8x8x128xi32, #tpu.memory_space<vmem>> -> memref<1x8x128xi32, #tpu.memory_space<vmem>>
      %scatter3A_1149 = tpu.memref_squeeze %scatter3A_1148 : memref<1x8x128xi32, #tpu.memory_space<vmem>> -> memref<8x128xi32, #tpu.memory_space<vmem>>
      tpu.vector_store_idx %scatter3A_1149[%shift_right_arithmetic3A_1142, %and3A_1145], %sub3A_1110 masked %and3A_1115 : memref<8x128xi32, #tpu.memory_space<vmem>>[vector<16xi32>, vector<16xi32>], vector<16xi32>, vector<16xi1>
      %reduce_sum3A = arith.constant true
      %reduce_sum3A_1150 = vector.broadcast %reduce_sum3A : i1 to vector<16xi1>
      %reduce_sum3A_1151 = tpu.scan <sum>, %select_n3A_1124 masked %reduce_sum3A_1150 : vector<16xi32>, vector<16xi1> -> vector<16xi32>
      %reduce_sum3A_1152 = vector.extract %reduce_sum3A_1151[15] : i32 from vector<16xi32>
      %add3A_1153 = arith.addi %scan3A_1105, %reduce_sum3A_1152 : i32
      scf.yield %add3A_1153 : i32
    }
    %scan3A_36 = arith.constant 64 : i32
    %add3A_37 = arith.constant 127 : i32
    %add3A_38 = arith.addi %scan3A_35, %add3A_37 : i32
    %jit3A = arith.constant 128 : i32
    %div3A = arith.divsi %add3A_38, %jit3A : i32
    %sign3A = arith.constant 0 : i32
    %sign3A_39 = arith.cmpi sgt, %add3A_38, %sign3A : i32
    %sign3A_40 = arith.extui %sign3A_39 : i1 to i32
    %sign3A_41 = arith.constant 0 : i32
    %sign3A_42 = arith.cmpi slt, %add3A_38, %sign3A_41 : i32
    %sign3A_43 = arith.extui %sign3A_42 : i1 to i32
    %sign3A_44 = arith.subi %sign3A_40, %sign3A_43 : i32
    %sign3A_45 = arith.constant 0 : i32
    %sign3A_46 = arith.cmpi sgt, %jit3A, %sign3A_45 : i32
    %sign3A_47 = arith.extui %sign3A_46 : i1 to i32
    %sign3A_48 = arith.constant 0 : i32
    %sign3A_49 = arith.cmpi slt, %jit3A, %sign3A_48 : i32
    %sign3A_50 = arith.extui %sign3A_49 : i1 to i32
    %sign3A_51 = arith.subi %sign3A_47, %sign3A_50 : i32
    %ne3A = arith.cmpi ne, %sign3A_44, %sign3A_51 : i32
    %rem3A = arith.remsi %add3A_38, %jit3A : i32
    %ne3A_52 = arith.constant 0 : i32
    %ne3A_53 = arith.cmpi ne, %rem3A, %ne3A_52 : i32
    %and3A = arith.andi %ne3A, %ne3A_53 : i1
    %sub3A = arith.constant 1 : i32
    %sub3A_54 = arith.subi %div3A, %sub3A : i32
    %select_n3A = arith.select %and3A, %sub3A_54, %div3A : i32
    %mul3A_55 = arith.constant 128 : i32
    %mul3A_56 = arith.muli %select_n3A, %mul3A_55 : i32
    %sub3A_57 = arith.subi %mul3A_56, %scan3A_35 : i32
    %add3A_58 = arith.constant 15 : i32
    %add3A_59 = arith.addi %sub3A_57, %add3A_58 : i32
    %jit3A_60 = arith.constant 16 : i32
    %div3A_61 = arith.divsi %add3A_59, %jit3A_60 : i32
    %sign3A_62 = arith.constant 0 : i32
    %sign3A_63 = arith.cmpi sgt, %add3A_59, %sign3A_62 : i32
    %sign3A_64 = arith.extui %sign3A_63 : i1 to i32
    %sign3A_65 = arith.constant 0 : i32
    %sign3A_66 = arith.cmpi slt, %add3A_59, %sign3A_65 : i32
    %sign3A_67 = arith.extui %sign3A_66 : i1 to i32
    %sign3A_68 = arith.subi %sign3A_64, %sign3A_67 : i32
    %sign3A_69 = arith.constant 0 : i32
    %sign3A_70 = arith.cmpi sgt, %jit3A_60, %sign3A_69 : i32
    %sign3A_71 = arith.extui %sign3A_70 : i1 to i32
    %sign3A_72 = arith.constant 0 : i32
    %sign3A_73 = arith.cmpi slt, %jit3A_60, %sign3A_72 : i32
    %sign3A_74 = arith.extui %sign3A_73 : i1 to i32
    %sign3A_75 = arith.subi %sign3A_71, %sign3A_74 : i32
    %ne3A_76 = arith.cmpi ne, %sign3A_68, %sign3A_75 : i32
    %rem3A_77 = arith.remsi %add3A_59, %jit3A_60 : i32
    %ne3A_78 = arith.constant 0 : i32
    %ne3A_79 = arith.cmpi ne, %rem3A_77, %ne3A_78 : i32
    %and3A_80 = arith.andi %ne3A_76, %ne3A_79 : i1
    %sub3A_81 = arith.constant 1 : i32
    %sub3A_82 = arith.subi %div3A_61, %sub3A_81 : i32
    %select_n3A_83 = arith.select %and3A_80, %sub3A_82, %div3A_61 : i32
    %while3A = arith.constant 0 : i32
    %while3A_84 = arith.constant 0 : i32
    %while3A_85 = arith.constant 0 : i32
    %while3A_86 = arith.constant 0 : i32
    %while3A_87 = arith.subi %select_n3A_83, %while3A_85 : i32
    %while3A_88 = arith.addi %while3A_85, %while3A_87 : i32
    %while3A_89 = arith.constant 1 : i32
    %while3A_90 = arith.divsi %while3A_87, %while3A_89 : i32
    %while3A_91 = arith.muli %while3A_90, %while3A_89 : i32
    %while3A_92 = arith.addi %while3A_85, %while3A_91 : i32
    %while3A_93 = arith.constant 1 : i32
    %while3A_94 = scf.for %while3A_1104 = %while3A_85 to %while3A_92 step %while3A_93 iter_args(%while3A_1105 = %while3A_86) -> (i32)  : i32 {
      %mul3A_1106 = arith.constant 16 : i32
      %mul3A_1107 = arith.muli %while3A_1104, %mul3A_1106 : i32
      %add3A_1108 = arith.addi %scan3A_35, %mul3A_1107 : i32
      %iota3A = tpu.iota {dimensions = array<i32: 0>} : vector<16xi32>
      %add3A_1109 = vector.broadcast %add3A_1108 : i32 to vector<16xi32>
      %add3A_1110 = arith.addi %add3A_1109, %iota3A : vector<16xi32>
      %mul3A_1111 = arith.constant 128 : i32
      %mul3A_1112 = arith.muli %select_n3A, %mul3A_1111 : i32
      %lt3A = vector.broadcast %mul3A_1112 : i32 to vector<16xi32>
      %lt3A_1113 = arith.cmpi slt, %add3A_1110, %lt3A : vector<16xi32>
      %shift_right_arithmetic3A = arith.constant 7 : i32
      %shift_right_arithmetic3A_1114 = vector.broadcast %shift_right_arithmetic3A : i32 to vector<16xi32>
      %shift_right_arithmetic3A_1115 = arith.shrsi %add3A_1110, %shift_right_arithmetic3A_1114 : vector<16xi32>
      %and3A_1116 = arith.constant 127 : i32
      %and3A_1117 = vector.broadcast %and3A_1116 : i32 to vector<16xi32>
      %and3A_1118 = arith.andi %add3A_1110, %and3A_1117 : vector<16xi32>
      %iota3A_1119 = tpu.iota {dimensions = array<i32: 0>} : vector<16xi32>
      %mul3A_1120 = arith.constant 64 : i32
      %mul3A_1121 = vector.broadcast %mul3A_1120 : i32 to vector<16xi32>
      %mul3A_1122 = arith.muli %iota3A_1119, %mul3A_1121 : vector<16xi32>
      %add3A_1123 = vector.broadcast %mul3A_0 : i32 to vector<16xi32>
      %add3A_1124 = arith.addi %add3A_1123, %mul3A_1122 : vector<16xi32>
      %scatter3A = arith.constant 0 : i32
      %scatter3A_1125 = arith.constant 0 : i32
      %scatter3A_1126 = tpu.memref_slice %arg7[%while3A, %scatter3A, %scatter3A_1125] : memref<8x8x128xi32, #tpu.memory_space<vmem>> -> memref<1x8x128xi32, #tpu.memory_space<vmem>>
      %scatter3A_1127 = tpu.memref_squeeze %scatter3A_1126 : memref<1x8x128xi32, #tpu.memory_space<vmem>> -> memref<8x128xi32, #tpu.memory_space<vmem>>
      tpu.vector_store_idx %scatter3A_1127[%shift_right_arithmetic3A_1115, %and3A_1118], %add3A_1124 masked %lt3A_1113 : memref<8x128xi32, #tpu.memory_space<vmem>>[vector<16xi32>, vector<16xi32>], vector<16xi32>, vector<16xi1>
      %shift_right_arithmetic3A_1128 = arith.constant 7 : i32
      %shift_right_arithmetic3A_1129 = vector.broadcast %shift_right_arithmetic3A_1128 : i32 to vector<16xi32>
      %shift_right_arithmetic3A_1130 = arith.shrsi %add3A_1110, %shift_right_arithmetic3A_1129 : vector<16xi32>
      %and3A_1131 = arith.constant 127 : i32
      %and3A_1132 = vector.broadcast %and3A_1131 : i32 to vector<16xi32>
      %and3A_1133 = arith.andi %add3A_1110, %and3A_1132 : vector<16xi32>
      %iota3A_1134 = tpu.iota {dimensions = array<i32: 0>} : vector<16xi32>
      %and3A_1135 = arith.constant 7 : i32
      %and3A_1136 = vector.broadcast %and3A_1135 : i32 to vector<16xi32>
      %and3A_1137 = arith.andi %iota3A_1134, %and3A_1136 : vector<16xi32>
      %add3A_1138 = arith.constant 4096 : i32
      %add3A_1139 = vector.broadcast %add3A_1138 : i32 to vector<16xi32>
      %add3A_1140 = arith.addi %add3A_1139, %and3A_1137 : vector<16xi32>
      %scatter3A_1141 = arith.constant 0 : i32
      %scatter3A_1142 = arith.constant 0 : i32
      %scatter3A_1143 = tpu.memref_slice %arg8[%while3A_84, %scatter3A_1141, %scatter3A_1142] : memref<8x8x128xi32, #tpu.memory_space<vmem>> -> memref<1x8x128xi32, #tpu.memory_space<vmem>>
      %scatter3A_1144 = tpu.memref_squeeze %scatter3A_1143 : memref<1x8x128xi32, #tpu.memory_space<vmem>> -> memref<8x128xi32, #tpu.memory_space<vmem>>
      tpu.vector_store_idx %scatter3A_1144[%shift_right_arithmetic3A_1130, %and3A_1133], %add3A_1140 masked %lt3A_1113 : memref<8x128xi32, #tpu.memory_space<vmem>>[vector<16xi32>, vector<16xi32>], vector<16xi32>, vector<16xi1>
      %while3A_1145 = arith.constant 0 : i32
      scf.yield %while3A_1145 : i32
    }
    %while3A_95 = arith.constant 1 : i32
    %while3A_96 = scf.for %while3A_1104 = %while3A_92 to %while3A_88 step %while3A_95 iter_args(%while3A_1105 = %while3A_94) -> (i32)  : i32 {
      %mul3A_1106 = arith.constant 16 : i32
      %mul3A_1107 = arith.muli %while3A_1104, %mul3A_1106 : i32
      %add3A_1108 = arith.addi %scan3A_35, %mul3A_1107 : i32
      %iota3A = tpu.iota {dimensions = array<i32: 0>} : vector<16xi32>
      %add3A_1109 = vector.broadcast %add3A_1108 : i32 to vector<16xi32>
      %add3A_1110 = arith.addi %add3A_1109, %iota3A : vector<16xi32>
      %mul3A_1111 = arith.constant 128 : i32
      %mul3A_1112 = arith.muli %select_n3A, %mul3A_1111 : i32
      %lt3A = vector.broadcast %mul3A_1112 : i32 to vector<16xi32>
      %lt3A_1113 = arith.cmpi slt, %add3A_1110, %lt3A : vector<16xi32>
      %shift_right_arithmetic3A = arith.constant 7 : i32
      %shift_right_arithmetic3A_1114 = vector.broadcast %shift_right_arithmetic3A : i32 to vector<16xi32>
      %shift_right_arithmetic3A_1115 = arith.shrsi %add3A_1110, %shift_right_arithmetic3A_1114 : vector<16xi32>
      %and3A_1116 = arith.constant 127 : i32
      %and3A_1117 = vector.broadcast %and3A_1116 : i32 to vector<16xi32>
      %and3A_1118 = arith.andi %add3A_1110, %and3A_1117 : vector<16xi32>
      %iota3A_1119 = tpu.iota {dimensions = array<i32: 0>} : vector<16xi32>
      %mul3A_1120 = arith.constant 64 : i32
      %mul3A_1121 = vector.broadcast %mul3A_1120 : i32 to vector<16xi32>
      %mul3A_1122 = arith.muli %iota3A_1119, %mul3A_1121 : vector<16xi32>
      %add3A_1123 = vector.broadcast %mul3A_0 : i32 to vector<16xi32>
      %add3A_1124 = arith.addi %add3A_1123, %mul3A_1122 : vector<16xi32>
      %scatter3A = arith.constant 0 : i32
      %scatter3A_1125 = arith.constant 0 : i32
      %scatter3A_1126 = tpu.memref_slice %arg7[%while3A, %scatter3A, %scatter3A_1125] : memref<8x8x128xi32, #tpu.memory_space<vmem>> -> memref<1x8x128xi32, #tpu.memory_space<vmem>>
      %scatter3A_1127 = tpu.memref_squeeze %scatter3A_1126 : memref<1x8x128xi32, #tpu.memory_space<vmem>> -> memref<8x128xi32, #tpu.memory_space<vmem>>
      tpu.vector_store_idx %scatter3A_1127[%shift_right_arithmetic3A_1115, %and3A_1118], %add3A_1124 masked %lt3A_1113 : memref<8x128xi32, #tpu.memory_space<vmem>>[vector<16xi32>, vector<16xi32>], vector<16xi32>, vector<16xi1>
      %shift_right_arithmetic3A_1128 = arith.constant 7 : i32
      %shift_right_arithmetic3A_1129 = vector.broadcast %shift_right_arithmetic3A_1128 : i32 to vector<16xi32>
      %shift_right_arithmetic3A_1130 = arith.shrsi %add3A_1110, %shift_right_arithmetic3A_1129 : vector<16xi32>
      %and3A_1131 = arith.constant 127 : i32
      %and3A_1132 = vector.broadcast %and3A_1131 : i32 to vector<16xi32>
      %and3A_1133 = arith.andi %add3A_1110, %and3A_1132 : vector<16xi32>
      %iota3A_1134 = tpu.iota {dimensions = array<i32: 0>} : vector<16xi32>
      %and3A_1135 = arith.constant 7 : i32
      %and3A_1136 = vector.broadcast %and3A_1135 : i32 to vector<16xi32>
      %and3A_1137 = arith.andi %iota3A_1134, %and3A_1136 : vector<16xi32>
      %add3A_1138 = arith.constant 4096 : i32
      %add3A_1139 = vector.broadcast %add3A_1138 : i32 to vector<16xi32>
      %add3A_1140 = arith.addi %add3A_1139, %and3A_1137 : vector<16xi32>
      %scatter3A_1141 = arith.constant 0 : i32
      %scatter3A_1142 = arith.constant 0 : i32
      %scatter3A_1143 = tpu.memref_slice %arg8[%while3A_84, %scatter3A_1141, %scatter3A_1142] : memref<8x8x128xi32, #tpu.memory_space<vmem>> -> memref<1x8x128xi32, #tpu.memory_space<vmem>>
      %scatter3A_1144 = tpu.memref_squeeze %scatter3A_1143 : memref<1x8x128xi32, #tpu.memory_space<vmem>> -> memref<8x128xi32, #tpu.memory_space<vmem>>
      tpu.vector_store_idx %scatter3A_1144[%shift_right_arithmetic3A_1130, %and3A_1133], %add3A_1140 masked %lt3A_1113 : memref<8x128xi32, #tpu.memory_space<vmem>>[vector<16xi32>, vector<16xi32>], vector<16xi32>, vector<16xi1>
      %while3A_1145 = arith.constant 0 : i32
      scf.yield %while3A_1145 : i32
    }
    %mul3A_97 = arith.constant 32768 : i32
    %mul3A_98 = arith.muli %arg0, %mul3A_97 : i32
    %add3A_99 = arith.constant 4096 : i32
    %add3A_100 = arith.addi %mul3A_98, %add3A_99 : i32
    %scan3A_101 = arith.constant 1 : i32
    %scan3A_102 = arith.constant 1 : i32
    %scan3A_103 = arith.constant 0 : i32
    %scan3A_104 = arith.constant 0 : i32
    %scan3A_105 = arith.constant 64 : i32
    %scan3A_106 = arith.addi %scan3A_104, %scan3A_105 : i32
    %scan3A_107 = arith.constant 1 : i32
    %scan3A_108 = scf.for %scan3A_1104 = %scan3A_104 to %scan3A_106 step %scan3A_107 iter_args(%scan3A_1105 = %scan3A_103) -> (i32)  : i32 {
      %mul3A_1106 = arith.constant 16 : i32
      %mul3A_1107 = arith.muli %scan3A_1104, %mul3A_1106 : i32
      %get3A = arith.index_cast %mul3A_1107 : i32 to index
      %get3A_1108 = tpu.vector_load %arg6[%get3A] {strides = array<i32>} : memref<1024xi32, #tpu.memory_space<vmem>>, vector<16xi32>,
      %sub3A_1109 = vector.broadcast %add3A_100 : i32 to vector<16xi32>
      %sub3A_1110 = arith.subi %get3A_1108, %sub3A_1109 : vector<16xi32>
      %ge3A = arith.constant 0 : i32
      %ge3A_1111 = vector.broadcast %ge3A : i32 to vector<16xi32>
      %ge3A_1112 = arith.cmpi sge, %sub3A_1110, %ge3A_1111 : vector<16xi32>
      %lt3A = arith.constant 4096 : i32
      %lt3A_1113 = vector.broadcast %lt3A : i32 to vector<16xi32>
      %lt3A_1114 = arith.cmpi slt, %sub3A_1110, %lt3A_1113 : vector<16xi32>
      %and3A_1115 = arith.andi %ge3A_1112, %lt3A_1114 : vector<16xi1>
      %mul3A_1116 = arith.constant 16 : i32
      %mul3A_1117 = arith.muli %scan3A_1104, %mul3A_1116 : i32
      %add3A_1118 = arith.addi %mul3A_0, %mul3A_1117 : i32
      %iota3A = tpu.iota {dimensions = array<i32: 0>} : vector<16xi32>
      %add3A_1119 = vector.broadcast %add3A_1118 : i32 to vector<16xi32>
      %add3A_1120 = arith.addi %add3A_1119, %iota3A : vector<16xi32>
      %jit3A_1121 = arith.constant 1 : i32
      %jit3A_1122 = arith.constant 0 : i32
      %broadcast_in_dim3A = vector.broadcast %jit3A_1121 : i32 to vector<16xi32>
      %broadcast_in_dim3A_1123 = vector.broadcast %jit3A_1122 : i32 to vector<16xi32>
      %select_n3A_1124 = arith.select %and3A_1115, %broadcast_in_dim3A, %broadcast_in_dim3A_1123 : vector<16xi1>, vector<16xi32>
      %broadcast_in_dim3A_1125 = arith.constant true
      %broadcast_in_dim3A_1126 = vector.broadcast %broadcast_in_dim3A_1125 : i1 to vector<16xi1>
      %masked_cumsum3A = tpu.scan <sum>, %select_n3A_1124 masked %broadcast_in_dim3A_1126 : vector<16xi32>, vector<16xi1> -> vector<16xi32>
      %add3A_1127 = vector.broadcast %scan3A_1105 : i32 to vector<16xi32>
      %add3A_1128 = arith.addi %add3A_1127, %masked_cumsum3A : vector<16xi32>
      %sub3A_1129 = arith.constant 1 : i32
      %sub3A_1130 = vector.broadcast %sub3A_1129 : i32 to vector<16xi32>
      %sub3A_1131 = arith.subi %add3A_1128, %sub3A_1130 : vector<16xi32>
      %shift_right_arithmetic3A = arith.constant 7 : i32
      %shift_right_arithmetic3A_1132 = vector.broadcast %shift_right_arithmetic3A : i32 to vector<16xi32>
      %shift_right_arithmetic3A_1133 = arith.shrsi %sub3A_1131, %shift_right_arithmetic3A_1132 : vector<16xi32>
      %and3A_1134 = arith.constant 127 : i32
      %and3A_1135 = vector.broadcast %and3A_1134 : i32 to vector<16xi32>
      %and3A_1136 = arith.andi %sub3A_1131, %and3A_1135 : vector<16xi32>
      %scatter3A = arith.constant 0 : i32
      %scatter3A_1137 = arith.constant 0 : i32
      %scatter3A_1138 = tpu.memref_slice %arg7[%scan3A_101, %scatter3A, %scatter3A_1137] : memref<8x8x128xi32, #tpu.memory_space<vmem>> -> memref<1x8x128xi32, #tpu.memory_space<vmem>>
      %scatter3A_1139 = tpu.memref_squeeze %scatter3A_1138 : memref<1x8x128xi32, #tpu.memory_space<vmem>> -> memref<8x128xi32, #tpu.memory_space<vmem>>
      tpu.vector_store_idx %scatter3A_1139[%shift_right_arithmetic3A_1133, %and3A_1136], %add3A_1120 masked %and3A_1115 : memref<8x128xi32, #tpu.memory_space<vmem>>[vector<16xi32>, vector<16xi32>], vector<16xi32>, vector<16xi1>
      %shift_right_arithmetic3A_1140 = arith.constant 7 : i32
      %shift_right_arithmetic3A_1141 = vector.broadcast %shift_right_arithmetic3A_1140 : i32 to vector<16xi32>
      %shift_right_arithmetic3A_1142 = arith.shrsi %sub3A_1131, %shift_right_arithmetic3A_1141 : vector<16xi32>
      %and3A_1143 = arith.constant 127 : i32
      %and3A_1144 = vector.broadcast %and3A_1143 : i32 to vector<16xi32>
      %and3A_1145 = arith.andi %sub3A_1131, %and3A_1144 : vector<16xi32>
      %scatter3A_1146 = arith.constant 0 : i32
      %scatter3A_1147 = arith.constant 0 : i32
      %scatter3A_1148 = tpu.memref_slice %arg8[%scan3A_102, %scatter3A_1146, %scatter3A_1147] : memref<8x8x128xi32, #tpu.memory_space<vmem>> -> memref<1x8x128xi32, #tpu.memory_space<vmem>>
      %scatter3A_1149 = tpu.memref_squeeze %scatter3A_1148 : memref<1x8x128xi32, #tpu.memory_space<vmem>> -> memref<8x128xi32, #tpu.memory_space<vmem>>
      tpu.vector_store_idx %scatter3A_1149[%shift_right_arithmetic3A_1142, %and3A_1145], %sub3A_1110 masked %and3A_1115 : memref<8x128xi32, #tpu.memory_space<vmem>>[vector<16xi32>, vector<16xi32>], vector<16xi32>, vector<16xi1>
      %reduce_sum3A = arith.constant true
      %reduce_sum3A_1150 = vector.broadcast %reduce_sum3A : i1 to vector<16xi1>
      %reduce_sum3A_1151 = tpu.scan <sum>, %select_n3A_1124 masked %reduce_sum3A_1150 : vector<16xi32>, vector<16xi1> -> vector<16xi32>
      %reduce_sum3A_1152 = vector.extract %reduce_sum3A_1151[15] : i32 from vector<16xi32>
      %add3A_1153 = arith.addi %scan3A_1105, %reduce_sum3A_1152 : i32
      scf.yield %add3A_1153 : i32
    }
    %scan3A_109 = arith.constant 64 : i32
    %add3A_110 = arith.constant 127 : i32
    %add3A_111 = arith.addi %scan3A_108, %add3A_110 : i32
    %jit3A_112 = arith.constant 128 : i32
    %div3A_113 = arith.divsi %add3A_111, %jit3A_112 : i32
    %sign3A_114 = arith.constant 0 : i32
    %sign3A_115 = arith.cmpi sgt, %add3A_111, %sign3A_114 : i32
    %sign3A_116 = arith.extui %sign3A_115 : i1 to i32
    %sign3A_117 = arith.constant 0 : i32
    %sign3A_118 = arith.cmpi slt, %add3A_111, %sign3A_117 : i32
    %sign3A_119 = arith.extui %sign3A_118 : i1 to i32
    %sign3A_120 = arith.subi %sign3A_116, %sign3A_119 : i32
    %sign3A_121 = arith.constant 0 : i32
    %sign3A_122 = arith.cmpi sgt, %jit3A_112, %sign3A_121 : i32
    %sign3A_123 = arith.extui %sign3A_122 : i1 to i32
    %sign3A_124 = arith.constant 0 : i32
    %sign3A_125 = arith.cmpi slt, %jit3A_112, %sign3A_124 : i32
    %sign3A_126 = arith.extui %sign3A_125 : i1 to i32
    %sign3A_127 = arith.subi %sign3A_123, %sign3A_126 : i32
    %ne3A_128 = arith.cmpi ne, %sign3A_120, %sign3A_127 : i32
    %rem3A_129 = arith.remsi %add3A_111, %jit3A_112 : i32
    %ne3A_130 = arith.constant 0 : i32
    %ne3A_131 = arith.cmpi ne, %rem3A_129, %ne3A_130 : i32
    %and3A_132 = arith.andi %ne3A_128, %ne3A_131 : i1
    %sub3A_133 = arith.constant 1 : i32
    %sub3A_134 = arith.subi %div3A_113, %sub3A_133 : i32
    %select_n3A_135 = arith.select %and3A_132, %sub3A_134, %div3A_113 : i32
    %mul3A_136 = arith.constant 128 : i32
    %mul3A_137 = arith.muli %select_n3A_135, %mul3A_136 : i32
    %sub3A_138 = arith.subi %mul3A_137, %scan3A_108 : i32
    %add3A_139 = arith.constant 15 : i32
    %add3A_140 = arith.addi %sub3A_138, %add3A_139 : i32
    %jit3A_141 = arith.constant 16 : i32
    %div3A_142 = arith.divsi %add3A_140, %jit3A_141 : i32
    %sign3A_143 = arith.constant 0 : i32
    %sign3A_144 = arith.cmpi sgt, %add3A_140, %sign3A_143 : i32
    %sign3A_145 = arith.extui %sign3A_144 : i1 to i32
    %sign3A_146 = arith.constant 0 : i32
    %sign3A_147 = arith.cmpi slt, %add3A_140, %sign3A_146 : i32
    %sign3A_148 = arith.extui %sign3A_147 : i1 to i32
    %sign3A_149 = arith.subi %sign3A_145, %sign3A_148 : i32
    %sign3A_150 = arith.constant 0 : i32
    %sign3A_151 = arith.cmpi sgt, %jit3A_141, %sign3A_150 : i32
    %sign3A_152 = arith.extui %sign3A_151 : i1 to i32
    %sign3A_153 = arith.constant 0 : i32
    %sign3A_154 = arith.cmpi slt, %jit3A_141, %sign3A_153 : i32
    %sign3A_155 = arith.extui %sign3A_154 : i1 to i32
    %sign3A_156 = arith.subi %sign3A_152, %sign3A_155 : i32
    %ne3A_157 = arith.cmpi ne, %sign3A_149, %sign3A_156 : i32
    %rem3A_158 = arith.remsi %add3A_140, %jit3A_141 : i32
    %ne3A_159 = arith.constant 0 : i32
    %ne3A_160 = arith.cmpi ne, %rem3A_158, %ne3A_159 : i32
    %and3A_161 = arith.andi %ne3A_157, %ne3A_160 : i1
    %sub3A_162 = arith.constant 1 : i32
    %sub3A_163 = arith.subi %div3A_142, %sub3A_162 : i32
    %select_n3A_164 = arith.select %and3A_161, %sub3A_163, %div3A_142 : i32
    %while3A_165 = arith.constant 1 : i32
    %while3A_166 = arith.constant 1 : i32
    %while3A_167 = arith.constant 0 : i32
    %while3A_168 = arith.constant 0 : i32
    %while3A_169 = arith.subi %select_n3A_164, %while3A_167 : i32
    %while3A_170 = arith.addi %while3A_167, %while3A_169 : i32
    %while3A_171 = arith.constant 1 : i32
    %while3A_172 = arith.divsi %while3A_169, %while3A_171 : i32
    %while3A_173 = arith.muli %while3A_172, %while3A_171 : i32
    %while3A_174 = arith.addi %while3A_167, %while3A_173 : i32
    %while3A_175 = arith.constant 1 : i32
    %while3A_176 = scf.for %while3A_1104 = %while3A_167 to %while3A_174 step %while3A_175 iter_args(%while3A_1105 = %while3A_168) -> (i32)  : i32 {
      %mul3A_1106 = arith.constant 16 : i32
      %mul3A_1107 = arith.muli %while3A_1104, %mul3A_1106 : i32
      %add3A_1108 = arith.addi %scan3A_108, %mul3A_1107 : i32
      %iota3A = tpu.iota {dimensions = array<i32: 0>} : vector<16xi32>
      %add3A_1109 = vector.broadcast %add3A_1108 : i32 to vector<16xi32>
      %add3A_1110 = arith.addi %add3A_1109, %iota3A : vector<16xi32>
      %mul3A_1111 = arith.constant 128 : i32
      %mul3A_1112 = arith.muli %select_n3A_135, %mul3A_1111 : i32
      %lt3A = vector.broadcast %mul3A_1112 : i32 to vector<16xi32>
      %lt3A_1113 = arith.cmpi slt, %add3A_1110, %lt3A : vector<16xi32>
      %shift_right_arithmetic3A = arith.constant 7 : i32
      %shift_right_arithmetic3A_1114 = vector.broadcast %shift_right_arithmetic3A : i32 to vector<16xi32>
      %shift_right_arithmetic3A_1115 = arith.shrsi %add3A_1110, %shift_right_arithmetic3A_1114 : vector<16xi32>
      %and3A_1116 = arith.constant 127 : i32
      %and3A_1117 = vector.broadcast %and3A_1116 : i32 to vector<16xi32>
      %and3A_1118 = arith.andi %add3A_1110, %and3A_1117 : vector<16xi32>
      %iota3A_1119 = tpu.iota {dimensions = array<i32: 0>} : vector<16xi32>
      %mul3A_1120 = arith.constant 64 : i32
      %mul3A_1121 = vector.broadcast %mul3A_1120 : i32 to vector<16xi32>
      %mul3A_1122 = arith.muli %iota3A_1119, %mul3A_1121 : vector<16xi32>
      %add3A_1123 = vector.broadcast %mul3A_0 : i32 to vector<16xi32>
      %add3A_1124 = arith.addi %add3A_1123, %mul3A_1122 : vector<16xi32>
      %scatter3A = arith.constant 0 : i32
      %scatter3A_1125 = arith.constant 0 : i32
      %scatter3A_1126 = tpu.memref_slice %arg7[%while3A_165, %scatter3A, %scatter3A_1125] : memref<8x8x128xi32, #tpu.memory_space<vmem>> -> memref<1x8x128xi32, #tpu.memory_space<vmem>>
      %scatter3A_1127 = tpu.memref_squeeze %scatter3A_1126 : memref<1x8x128xi32, #tpu.memory_space<vmem>> -> memref<8x128xi32, #tpu.memory_space<vmem>>
      tpu.vector_store_idx %scatter3A_1127[%shift_right_arithmetic3A_1115, %and3A_1118], %add3A_1124 masked %lt3A_1113 : memref<8x128xi32, #tpu.memory_space<vmem>>[vector<16xi32>, vector<16xi32>], vector<16xi32>, vector<16xi1>
      %shift_right_arithmetic3A_1128 = arith.constant 7 : i32
      %shift_right_arithmetic3A_1129 = vector.broadcast %shift_right_arithmetic3A_1128 : i32 to vector<16xi32>
      %shift_right_arithmetic3A_1130 = arith.shrsi %add3A_1110, %shift_right_arithmetic3A_1129 : vector<16xi32>
      %and3A_1131 = arith.constant 127 : i32
      %and3A_1132 = vector.broadcast %and3A_1131 : i32 to vector<16xi32>
      %and3A_1133 = arith.andi %add3A_1110, %and3A_1132 : vector<16xi32>
      %iota3A_1134 = tpu.iota {dimensions = array<i32: 0>} : vector<16xi32>
      %and3A_1135 = arith.constant 7 : i32
      %and3A_1136 = vector.broadcast %and3A_1135 : i32 to vector<16xi32>
      %and3A_1137 = arith.andi %iota3A_1134, %and3A_1136 : vector<16xi32>
      %add3A_1138 = arith.constant 4096 : i32
      %add3A_1139 = vector.broadcast %add3A_1138 : i32 to vector<16xi32>
      %add3A_1140 = arith.addi %add3A_1139, %and3A_1137 : vector<16xi32>
      %scatter3A_1141 = arith.constant 0 : i32
      %scatter3A_1142 = arith.constant 0 : i32
      %scatter3A_1143 = tpu.memref_slice %arg8[%while3A_166, %scatter3A_1141, %scatter3A_1142] : memref<8x8x128xi32, #tpu.memory_space<vmem>> -> memref<1x8x128xi32, #tpu.memory_space<vmem>>
      %scatter3A_1144 = tpu.memref_squeeze %scatter3A_1143 : memref<1x8x128xi32, #tpu.memory_space<vmem>> -> memref<8x128xi32, #tpu.memory_space<vmem>>
      tpu.vector_store_idx %scatter3A_1144[%shift_right_arithmetic3A_1130, %and3A_1133], %add3A_1140 masked %lt3A_1113 : memref<8x128xi32, #tpu.memory_space<vmem>>[vector<16xi32>, vector<16xi32>], vector<16xi32>, vector<16xi1>
      %while3A_1145 = arith.constant 0 : i32
      scf.yield %while3A_1145 : i32
    }
    %while3A_177 = arith.constant 1 : i32
    %while3A_178 = scf.for %while3A_1104 = %while3A_174 to %while3A_170 step %while3A_177 iter_args(%while3A_1105 = %while3A_176) -> (i32)  : i32 {
      %mul3A_1106 = arith.constant 16 : i32
      %mul3A_1107 = arith.muli %while3A_1104, %mul3A_1106 : i32
      %add3A_1108 = arith.addi %scan3A_108, %mul3A_1107 : i32
      %iota3A = tpu.iota {dimensions = array<i32: 0>} : vector<16xi32>
      %add3A_1109 = vector.broadcast %add3A_1108 : i32 to vector<16xi32>
      %add3A_1110 = arith.addi %add3A_1109, %iota3A : vector<16xi32>
      %mul3A_1111 = arith.constant 128 : i32
      %mul3A_1112 = arith.muli %select_n3A_135, %mul3A_1111 : i32
      %lt3A = vector.broadcast %mul3A_1112 : i32 to vector<16xi32>
      %lt3A_1113 = arith.cmpi slt, %add3A_1110, %lt3A : vector<16xi32>
      %shift_right_arithmetic3A = arith.constant 7 : i32
      %shift_right_arithmetic3A_1114 = vector.broadcast %shift_right_arithmetic3A : i32 to vector<16xi32>
      %shift_right_arithmetic3A_1115 = arith.shrsi %add3A_1110, %shift_right_arithmetic3A_1114 : vector<16xi32>
      %and3A_1116 = arith.constant 127 : i32
      %and3A_1117 = vector.broadcast %and3A_1116 : i32 to vector<16xi32>
      %and3A_1118 = arith.andi %add3A_1110, %and3A_1117 : vector<16xi32>
      %iota3A_1119 = tpu.iota {dimensions = array<i32: 0>} : vector<16xi32>
      %mul3A_1120 = arith.constant 64 : i32
      %mul3A_1121 = vector.broadcast %mul3A_1120 : i32 to vector<16xi32>
      %mul3A_1122 = arith.muli %iota3A_1119, %mul3A_1121 : vector<16xi32>
      %add3A_1123 = vector.broadcast %mul3A_0 : i32 to vector<16xi32>
      %add3A_1124 = arith.addi %add3A_1123, %mul3A_1122 : vector<16xi32>
      %scatter3A = arith.constant 0 : i32
      %scatter3A_1125 = arith.constant 0 : i32
      %scatter3A_1126 = tpu.memref_slice %arg7[%while3A_165, %scatter3A, %scatter3A_1125] : memref<8x8x128xi32, #tpu.memory_space<vmem>> -> memref<1x8x128xi32, #tpu.memory_space<vmem>>
      %scatter3A_1127 = tpu.memref_squeeze %scatter3A_1126 : memref<1x8x128xi32, #tpu.memory_space<vmem>> -> memref<8x128xi32, #tpu.memory_space<vmem>>
      tpu.vector_store_idx %scatter3A_1127[%shift_right_arithmetic3A_1115, %and3A_1118], %add3A_1124 masked %lt3A_1113 : memref<8x128xi32, #tpu.memory_space<vmem>>[vector<16xi32>, vector<16xi32>], vector<16xi32>, vector<16xi1>
      %shift_right_arithmetic3A_1128 = arith.constant 7 : i32
      %shift_right_arithmetic3A_1129 = vector.broadcast %shift_right_arithmetic3A_1128 : i32 to vector<16xi32>
      %shift_right_arithmetic3A_1130 = arith.shrsi %add3A_1110, %shift_right_arithmetic3A_1129 : vector<16xi32>
      %and3A_1131 = arith.constant 127 : i32
      %and3A_1132 = vector.broadcast %and3A_1131 : i32 to vector<16xi32>
      %and3A_1133 = arith.andi %add3A_1110, %and3A_1132 : vector<16xi32>
      %iota3A_1134 = tpu.iota {dimensions = array<i32: 0>} : vector<16xi32>
      %and3A_1135 = arith.constant 7 : i32
      %and3A_1136 = vector.broadcast %and3A_1135 : i32 to vector<16xi32>
      %and3A_1137 = arith.andi %iota3A_1134, %and3A_1136 : vector<16xi32>
      %add3A_1138 = arith.constant 4096 : i32
      %add3A_1139 = vector.broadcast %add3A_1138 : i32 to vector<16xi32>
      %add3A_1140 = arith.addi %add3A_1139, %and3A_1137 : vector<16xi32>
      %scatter3A_1141 = arith.constant 0 : i32
      %scatter3A_1142 = arith.constant 0 : i32
      %scatter3A_1143 = tpu.memref_slice %arg8[%while3A_166, %scatter3A_1141, %scatter3A_1142] : memref<8x8x128xi32, #tpu.memory_space<vmem>> -> memref<1x8x128xi32, #tpu.memory_space<vmem>>
      %scatter3A_1144 = tpu.memref_squeeze %scatter3A_1143 : memref<1x8x128xi32, #tpu.memory_space<vmem>> -> memref<8x128xi32, #tpu.memory_space<vmem>>
      tpu.vector_store_idx %scatter3A_1144[%shift_right_arithmetic3A_1130, %and3A_1133], %add3A_1140 masked %lt3A_1113 : memref<8x128xi32, #tpu.memory_space<vmem>>[vector<16xi32>, vector<16xi32>], vector<16xi32>, vector<16xi1>
      %while3A_1145 = arith.constant 0 : i32
      scf.yield %while3A_1145 : i32
    }
    %gt3A = arith.constant 0 : i32
    %gt3A_179 = arith.cmpi sgt, %select_n3A, %gt3A : i32
    %convert_element_type3A = arith.extui %gt3A_179 : i1 to i32
    %cond3A = arith.constant 0 : i32
    %cond3A_180 = arith.cmpi ne, %convert_element_type3A, %cond3A : i32
    scf.if %cond3A_180 {
      %dma_start3A_1104 = arith.constant 0 : i32
      %dma_start3A_1105 = arith.constant 0 : i32
      %dma_start3A_1106 = arith.constant 0 : i32
      %dma_start3A_1107 = arith.constant 0 : i32
      %dma_start3A_1108 = tpu.memref_slice %arg7[%dma_start3A_1104, %dma_start3A_1106, %dma_start3A_1107] : memref<8x8x128xi32, #tpu.memory_space<vmem>> -> memref<1x8x128xi32, #tpu.memory_space<vmem>>
      %dma_start3A_1109 = tpu.memref_squeeze %dma_start3A_1108 : memref<1x8x128xi32, #tpu.memory_space<vmem>> -> memref<8x128xi32, #tpu.memory_space<vmem>>
      %dma_start3A_1110 = arith.constant 0 : i32
      %dma_start3A_1111 = tpu.memref_slice %dma_start3A_1109[%dma_start3A_1105, %dma_start3A_1110] : memref<8x128xi32, #tpu.memory_space<vmem>> -> memref<1x128xi32, #tpu.memory_space<vmem>>
      %dma_start3A_1112 = tpu.memref_squeeze %dma_start3A_1111 : memref<1x128xi32, #tpu.memory_space<vmem>> -> memref<128xi32, #tpu.memory_space<vmem>>
      %dma_start3A_1113 = arith.constant 0 : i32
      %dma_start3A_1114 = arith.constant 0 : i32
      %dma_start3A_1115 = tpu.memref_slice %arg3[%dma_start3A_1113, %dma_start3A_1114] : memref<16384x128xf32, #tpu.memory_space<hbm>> -> memref<16384x128xf32, #tpu.memory_space<hbm>>
      tpu.enqueue_indirect_dma source(%dma_start3A_1115 : memref<16384x128xf32, #tpu.memory_space<hbm>>) target(%arg9 : memref<128x128xf32, #tpu.memory_space<vmem>>) offsets(%dma_start3A_1112 : memref<128xi32, #tpu.memory_space<vmem>>) semaphore(%arg17 : memref<!tpu.dma_semaphore, #tpu.memory_space<semaphore_mem>>)
    } else {
    }
    %mul3A_181 = arith.constant 32768 : i32
    %mul3A_182 = arith.muli %arg0, %mul3A_181 : i32
    %add3A_183 = arith.constant 0 : i32
    %add3A_184 = arith.addi %mul3A_182, %add3A_183 : i32
    %gt3A_185 = arith.constant 0 : i32
    %gt3A_186 = arith.cmpi sgt, %select_n3A_135, %gt3A_185 : i32
    %convert_element_type3A_187 = arith.extui %gt3A_186 : i1 to i32
    %cond3A_188 = arith.constant 0 : i32
    %cond3A_189 = arith.cmpi ne, %convert_element_type3A_187, %cond3A_188 : i32
    scf.if %cond3A_189 {
      %dma_start3A_1104 = arith.constant 1 : i32
      %dma_start3A_1105 = arith.constant 0 : i32
      %dma_start3A_1106 = arith.constant 0 : i32
      %dma_start3A_1107 = arith.constant 0 : i32
      %dma_start3A_1108 = tpu.memref_slice %arg7[%dma_start3A_1104, %dma_start3A_1106, %dma_start3A_1107] : memref<8x8x128xi32, #tpu.memory_space<vmem>> -> memref<1x8x128xi32, #tpu.memory_space<vmem>>
      %dma_start3A_1109 = tpu.memref_squeeze %dma_start3A_1108 : memref<1x8x128xi32, #tpu.memory_space<vmem>> -> memref<8x128xi32, #tpu.memory_space<vmem>>
      %dma_start3A_1110 = arith.constant 0 : i32
      %dma_start3A_1111 = tpu.memref_slice %dma_start3A_1109[%dma_start3A_1105, %dma_start3A_1110] : memref<8x128xi32, #tpu.memory_space<vmem>> -> memref<1x128xi32, #tpu.memory_space<vmem>>
      %dma_start3A_1112 = tpu.memref_squeeze %dma_start3A_1111 : memref<1x128xi32, #tpu.memory_space<vmem>> -> memref<128xi32, #tpu.memory_space<vmem>>
      %dma_start3A_1113 = arith.constant 0 : i32
      %dma_start3A_1114 = arith.constant 0 : i32
      %dma_start3A_1115 = tpu.memref_slice %arg3[%dma_start3A_1113, %dma_start3A_1114] : memref<16384x128xf32, #tpu.memory_space<hbm>> -> memref<16384x128xf32, #tpu.memory_space<hbm>>
      tpu.enqueue_indirect_dma source(%dma_start3A_1115 : memref<16384x128xf32, #tpu.memory_space<hbm>>) target(%arg10 : memref<128x128xf32, #tpu.memory_space<vmem>>) offsets(%dma_start3A_1112 : memref<128xi32, #tpu.memory_space<vmem>>) semaphore(%arg18 : memref<!tpu.dma_semaphore, #tpu.memory_space<semaphore_mem>>)
    } else {
    }
    %mul3A_190 = arith.constant 32768 : i32
    %mul3A_191 = arith.muli %arg0, %mul3A_190 : i32
    %add3A_192 = arith.constant 8192 : i32
    %add3A_193 = arith.addi %mul3A_191, %add3A_192 : i32
    %scan3A_194 = arith.constant 2 : i32
    %scan3A_195 = arith.constant 2 : i32
    %scan3A_196 = arith.constant 0 : i32
    %scan3A_197 = arith.constant 0 : i32
    %scan3A_198 = arith.constant 64 : i32
    %scan3A_199 = arith.addi %scan3A_197, %scan3A_198 : i32
    %scan3A_200 = arith.constant 1 : i32
    %scan3A_201 = scf.for %scan3A_1104 = %scan3A_197 to %scan3A_199 step %scan3A_200 iter_args(%scan3A_1105 = %scan3A_196) -> (i32)  : i32 {
      %mul3A_1106 = arith.constant 16 : i32
      %mul3A_1107 = arith.muli %scan3A_1104, %mul3A_1106 : i32
      %get3A = arith.index_cast %mul3A_1107 : i32 to index
      %get3A_1108 = tpu.vector_load %arg6[%get3A] {strides = array<i32>} : memref<1024xi32, #tpu.memory_space<vmem>>, vector<16xi32>,
      %sub3A_1109 = vector.broadcast %add3A_193 : i32 to vector<16xi32>
      %sub3A_1110 = arith.subi %get3A_1108, %sub3A_1109 : vector<16xi32>
      %ge3A = arith.constant 0 : i32
      %ge3A_1111 = vector.broadcast %ge3A : i32 to vector<16xi32>
      %ge3A_1112 = arith.cmpi sge, %sub3A_1110, %ge3A_1111 : vector<16xi32>
      %lt3A = arith.constant 4096 : i32
      %lt3A_1113 = vector.broadcast %lt3A : i32 to vector<16xi32>
      %lt3A_1114 = arith.cmpi slt, %sub3A_1110, %lt3A_1113 : vector<16xi32>
      %and3A_1115 = arith.andi %ge3A_1112, %lt3A_1114 : vector<16xi1>
      %mul3A_1116 = arith.constant 16 : i32
      %mul3A_1117 = arith.muli %scan3A_1104, %mul3A_1116 : i32
      %add3A_1118 = arith.addi %mul3A_0, %mul3A_1117 : i32
      %iota3A = tpu.iota {dimensions = array<i32: 0>} : vector<16xi32>
      %add3A_1119 = vector.broadcast %add3A_1118 : i32 to vector<16xi32>
      %add3A_1120 = arith.addi %add3A_1119, %iota3A : vector<16xi32>
      %jit3A_1121 = arith.constant 1 : i32
      %jit3A_1122 = arith.constant 0 : i32
      %broadcast_in_dim3A = vector.broadcast %jit3A_1121 : i32 to vector<16xi32>
      %broadcast_in_dim3A_1123 = vector.broadcast %jit3A_1122 : i32 to vector<16xi32>
      %select_n3A_1124 = arith.select %and3A_1115, %broadcast_in_dim3A, %broadcast_in_dim3A_1123 : vector<16xi1>, vector<16xi32>
      %broadcast_in_dim3A_1125 = arith.constant true
      %broadcast_in_dim3A_1126 = vector.broadcast %broadcast_in_dim3A_1125 : i1 to vector<16xi1>
      %masked_cumsum3A = tpu.scan <sum>, %select_n3A_1124 masked %broadcast_in_dim3A_1126 : vector<16xi32>, vector<16xi1> -> vector<16xi32>
      %add3A_1127 = vector.broadcast %scan3A_1105 : i32 to vector<16xi32>
      %add3A_1128 = arith.addi %add3A_1127, %masked_cumsum3A : vector<16xi32>
      %sub3A_1129 = arith.constant 1 : i32
      %sub3A_1130 = vector.broadcast %sub3A_1129 : i32 to vector<16xi32>
      %sub3A_1131 = arith.subi %add3A_1128, %sub3A_1130 : vector<16xi32>
      %shift_right_arithmetic3A = arith.constant 7 : i32
      %shift_right_arithmetic3A_1132 = vector.broadcast %shift_right_arithmetic3A : i32 to vector<16xi32>
      %shift_right_arithmetic3A_1133 = arith.shrsi %sub3A_1131, %shift_right_arithmetic3A_1132 : vector<16xi32>
      %and3A_1134 = arith.constant 127 : i32
      %and3A_1135 = vector.broadcast %and3A_1134 : i32 to vector<16xi32>
      %and3A_1136 = arith.andi %sub3A_1131, %and3A_1135 : vector<16xi32>
      %scatter3A = arith.constant 0 : i32
      %scatter3A_1137 = arith.constant 0 : i32
      %scatter3A_1138 = tpu.memref_slice %arg7[%scan3A_194, %scatter3A, %scatter3A_1137] : memref<8x8x128xi32, #tpu.memory_space<vmem>> -> memref<1x8x128xi32, #tpu.memory_space<vmem>>
      %scatter3A_1139 = tpu.memref_squeeze %scatter3A_1138 : memref<1x8x128xi32, #tpu.memory_space<vmem>> -> memref<8x128xi32, #tpu.memory_space<vmem>>
      tpu.vector_store_idx %scatter3A_1139[%shift_right_arithmetic3A_1133, %and3A_1136], %add3A_1120 masked %and3A_1115 : memref<8x128xi32, #tpu.memory_space<vmem>>[vector<16xi32>, vector<16xi32>], vector<16xi32>, vector<16xi1>
      %shift_right_arithmetic3A_1140 = arith.constant 7 : i32
      %shift_right_arithmetic3A_1141 = vector.broadcast %shift_right_arithmetic3A_1140 : i32 to vector<16xi32>
      %shift_right_arithmetic3A_1142 = arith.shrsi %sub3A_1131, %shift_right_arithmetic3A_1141 : vector<16xi32>
      %and3A_1143 = arith.constant 127 : i32
      %and3A_1144 = vector.broadcast %and3A_1143 : i32 to vector<16xi32>
      %and3A_1145 = arith.andi %sub3A_1131, %and3A_1144 : vector<16xi32>
      %scatter3A_1146 = arith.constant 0 : i32
      %scatter3A_1147 = arith.constant 0 : i32
      %scatter3A_1148 = tpu.memref_slice %arg8[%scan3A_195, %scatter3A_1146, %scatter3A_1147] : memref<8x8x128xi32, #tpu.memory_space<vmem>> -> memref<1x8x128xi32, #tpu.memory_space<vmem>>
      %scatter3A_1149 = tpu.memref_squeeze %scatter3A_1148 : memref<1x8x128xi32, #tpu.memory_space<vmem>> -> memref<8x128xi32, #tpu.memory_space<vmem>>
      tpu.vector_store_idx %scatter3A_1149[%shift_right_arithmetic3A_1142, %and3A_1145], %sub3A_1110 masked %and3A_1115 : memref<8x128xi32, #tpu.memory_space<vmem>>[vector<16xi32>, vector<16xi32>], vector<16xi32>, vector<16xi1>
      %reduce_sum3A = arith.constant true
      %reduce_sum3A_1150 = vector.broadcast %reduce_sum3A : i1 to vector<16xi1>
      %reduce_sum3A_1151 = tpu.scan <sum>, %select_n3A_1124 masked %reduce_sum3A_1150 : vector<16xi32>, vector<16xi1> -> vector<16xi32>
      %reduce_sum3A_1152 = vector.extract %reduce_sum3A_1151[15] : i32 from vector<16xi32>
      %add3A_1153 = arith.addi %scan3A_1105, %reduce_sum3A_1152 : i32
      scf.yield %add3A_1153 : i32
    }
    %scan3A_202 = arith.constant 64 : i32
    %add3A_203 = arith.constant 127 : i32
    %add3A_204 = arith.addi %scan3A_201, %add3A_203 : i32
    %jit3A_205 = arith.constant 128 : i32
    %div3A_206 = arith.divsi %add3A_204, %jit3A_205 : i32
    %sign3A_207 = arith.constant 0 : i32
    %sign3A_208 = arith.cmpi sgt, %add3A_204, %sign3A_207 : i32
    %sign3A_209 = arith.extui %sign3A_208 : i1 to i32
    %sign3A_210 = arith.constant 0 : i32
    %sign3A_211 = arith.cmpi slt, %add3A_204, %sign3A_210 : i32
    %sign3A_212 = arith.extui %sign3A_211 : i1 to i32
    %sign3A_213 = arith.subi %sign3A_209, %sign3A_212 : i32
    %sign3A_214 = arith.constant 0 : i32
    %sign3A_215 = arith.cmpi sgt, %jit3A_205, %sign3A_214 : i32
    %sign3A_216 = arith.extui %sign3A_215 : i1 to i32
    %sign3A_217 = arith.constant 0 : i32
    %sign3A_218 = arith.cmpi slt, %jit3A_205, %sign3A_217 : i32
    %sign3A_219 = arith.extui %sign3A_218 : i1 to i32
    %sign3A_220 = arith.subi %sign3A_216, %sign3A_219 : i32
    %ne3A_221 = arith.cmpi ne, %sign3A_213, %sign3A_220 : i32
    %rem3A_222 = arith.remsi %add3A_204, %jit3A_205 : i32
    %ne3A_223 = arith.constant 0 : i32
    %ne3A_224 = arith.cmpi ne, %rem3A_222, %ne3A_223 : i32
    %and3A_225 = arith.andi %ne3A_221, %ne3A_224 : i1
    %sub3A_226 = arith.constant 1 : i32
    %sub3A_227 = arith.subi %div3A_206, %sub3A_226 : i32
    %select_n3A_228 = arith.select %and3A_225, %sub3A_227, %div3A_206 : i32
    %mul3A_229 = arith.constant 128 : i32
    %mul3A_230 = arith.muli %select_n3A_228, %mul3A_229 : i32
    %sub3A_231 = arith.subi %mul3A_230, %scan3A_201 : i32
    %add3A_232 = arith.constant 15 : i32
    %add3A_233 = arith.addi %sub3A_231, %add3A_232 : i32
    %jit3A_234 = arith.constant 16 : i32
    %div3A_235 = arith.divsi %add3A_233, %jit3A_234 : i32
    %sign3A_236 = arith.constant 0 : i32
    %sign3A_237 = arith.cmpi sgt, %add3A_233, %sign3A_236 : i32
    %sign3A_238 = arith.extui %sign3A_237 : i1 to i32
    %sign3A_239 = arith.constant 0 : i32
    %sign3A_240 = arith.cmpi slt, %add3A_233, %sign3A_239 : i32
    %sign3A_241 = arith.extui %sign3A_240 : i1 to i32
    %sign3A_242 = arith.subi %sign3A_238, %sign3A_241 : i32
    %sign3A_243 = arith.constant 0 : i32
    %sign3A_244 = arith.cmpi sgt, %jit3A_234, %sign3A_243 : i32
    %sign3A_245 = arith.extui %sign3A_244 : i1 to i32
    %sign3A_246 = arith.constant 0 : i32
    %sign3A_247 = arith.cmpi slt, %jit3A_234, %sign3A_246 : i32
    %sign3A_248 = arith.extui %sign3A_247 : i1 to i32
    %sign3A_249 = arith.subi %sign3A_245, %sign3A_248 : i32
    %ne3A_250 = arith.cmpi ne, %sign3A_242, %sign3A_249 : i32
    %rem3A_251 = arith.remsi %add3A_233, %jit3A_234 : i32
    %ne3A_252 = arith.constant 0 : i32
    %ne3A_253 = arith.cmpi ne, %rem3A_251, %ne3A_252 : i32
    %and3A_254 = arith.andi %ne3A_250, %ne3A_253 : i1
    %sub3A_255 = arith.constant 1 : i32
    %sub3A_256 = arith.subi %div3A_235, %sub3A_255 : i32
    %select_n3A_257 = arith.select %and3A_254, %sub3A_256, %div3A_235 : i32
    %while3A_258 = arith.constant 2 : i32
    %while3A_259 = arith.constant 2 : i32
    %while3A_260 = arith.constant 0 : i32
    %while3A_261 = arith.constant 0 : i32
    %while3A_262 = arith.subi %select_n3A_257, %while3A_260 : i32
    %while3A_263 = arith.addi %while3A_260, %while3A_262 : i32
    %while3A_264 = arith.constant 1 : i32
    %while3A_265 = arith.divsi %while3A_262, %while3A_264 : i32
    %while3A_266 = arith.muli %while3A_265, %while3A_264 : i32
    %while3A_267 = arith.addi %while3A_260, %while3A_266 : i32
    %while3A_268 = arith.constant 1 : i32
    %while3A_269 = scf.for %while3A_1104 = %while3A_260 to %while3A_267 step %while3A_268 iter_args(%while3A_1105 = %while3A_261) -> (i32)  : i32 {
      %mul3A_1106 = arith.constant 16 : i32
      %mul3A_1107 = arith.muli %while3A_1104, %mul3A_1106 : i32
      %add3A_1108 = arith.addi %scan3A_201, %mul3A_1107 : i32
      %iota3A = tpu.iota {dimensions = array<i32: 0>} : vector<16xi32>
      %add3A_1109 = vector.broadcast %add3A_1108 : i32 to vector<16xi32>
      %add3A_1110 = arith.addi %add3A_1109, %iota3A : vector<16xi32>
      %mul3A_1111 = arith.constant 128 : i32
      %mul3A_1112 = arith.muli %select_n3A_228, %mul3A_1111 : i32
      %lt3A = vector.broadcast %mul3A_1112 : i32 to vector<16xi32>
      %lt3A_1113 = arith.cmpi slt, %add3A_1110, %lt3A : vector<16xi32>
      %shift_right_arithmetic3A = arith.constant 7 : i32
      %shift_right_arithmetic3A_1114 = vector.broadcast %shift_right_arithmetic3A : i32 to vector<16xi32>
      %shift_right_arithmetic3A_1115 = arith.shrsi %add3A_1110, %shift_right_arithmetic3A_1114 : vector<16xi32>
      %and3A_1116 = arith.constant 127 : i32
      %and3A_1117 = vector.broadcast %and3A_1116 : i32 to vector<16xi32>
      %and3A_1118 = arith.andi %add3A_1110, %and3A_1117 : vector<16xi32>
      %iota3A_1119 = tpu.iota {dimensions = array<i32: 0>} : vector<16xi32>
      %mul3A_1120 = arith.constant 64 : i32
      %mul3A_1121 = vector.broadcast %mul3A_1120 : i32 to vector<16xi32>
      %mul3A_1122 = arith.muli %iota3A_1119, %mul3A_1121 : vector<16xi32>
      %add3A_1123 = vector.broadcast %mul3A_0 : i32 to vector<16xi32>
      %add3A_1124 = arith.addi %add3A_1123, %mul3A_1122 : vector<16xi32>
      %scatter3A = arith.constant 0 : i32
      %scatter3A_1125 = arith.constant 0 : i32
      %scatter3A_1126 = tpu.memref_slice %arg7[%while3A_258, %scatter3A, %scatter3A_1125] : memref<8x8x128xi32, #tpu.memory_space<vmem>> -> memref<1x8x128xi32, #tpu.memory_space<vmem>>
      %scatter3A_1127 = tpu.memref_squeeze %scatter3A_1126 : memref<1x8x128xi32, #tpu.memory_space<vmem>> -> memref<8x128xi32, #tpu.memory_space<vmem>>
      tpu.vector_store_idx %scatter3A_1127[%shift_right_arithmetic3A_1115, %and3A_1118], %add3A_1124 masked %lt3A_1113 : memref<8x128xi32, #tpu.memory_space<vmem>>[vector<16xi32>, vector<16xi32>], vector<16xi32>, vector<16xi1>
      %shift_right_arithmetic3A_1128 = arith.constant 7 : i32
      %shift_right_arithmetic3A_1129 = vector.broadcast %shift_right_arithmetic3A_1128 : i32 to vector<16xi32>
      %shift_right_arithmetic3A_1130 = arith.shrsi %add3A_1110, %shift_right_arithmetic3A_1129 : vector<16xi32>
      %and3A_1131 = arith.constant 127 : i32
      %and3A_1132 = vector.broadcast %and3A_1131 : i32 to vector<16xi32>
      %and3A_1133 = arith.andi %add3A_1110, %and3A_1132 : vector<16xi32>
      %iota3A_1134 = tpu.iota {dimensions = array<i32: 0>} : vector<16xi32>
      %and3A_1135 = arith.constant 7 : i32
      %and3A_1136 = vector.broadcast %and3A_1135 : i32 to vector<16xi32>
      %and3A_1137 = arith.andi %iota3A_1134, %and3A_1136 : vector<16xi32>
      %add3A_1138 = arith.constant 4096 : i32
      %add3A_1139 = vector.broadcast %add3A_1138 : i32 to vector<16xi32>
      %add3A_1140 = arith.addi %add3A_1139, %and3A_1137 : vector<16xi32>
      %scatter3A_1141 = arith.constant 0 : i32
      %scatter3A_1142 = arith.constant 0 : i32
      %scatter3A_1143 = tpu.memref_slice %arg8[%while3A_259, %scatter3A_1141, %scatter3A_1142] : memref<8x8x128xi32, #tpu.memory_space<vmem>> -> memref<1x8x128xi32, #tpu.memory_space<vmem>>
      %scatter3A_1144 = tpu.memref_squeeze %scatter3A_1143 : memref<1x8x128xi32, #tpu.memory_space<vmem>> -> memref<8x128xi32, #tpu.memory_space<vmem>>
      tpu.vector_store_idx %scatter3A_1144[%shift_right_arithmetic3A_1130, %and3A_1133], %add3A_1140 masked %lt3A_1113 : memref<8x128xi32, #tpu.memory_space<vmem>>[vector<16xi32>, vector<16xi32>], vector<16xi32>, vector<16xi1>
      %while3A_1145 = arith.constant 0 : i32
      scf.yield %while3A_1145 : i32
    }
    %while3A_270 = arith.constant 1 : i32
    %while3A_271 = scf.for %while3A_1104 = %while3A_267 to %while3A_263 step %while3A_270 iter_args(%while3A_1105 = %while3A_269) -> (i32)  : i32 {
      %mul3A_1106 = arith.constant 16 : i32
      %mul3A_1107 = arith.muli %while3A_1104, %mul3A_1106 : i32
      %add3A_1108 = arith.addi %scan3A_201, %mul3A_1107 : i32
      %iota3A = tpu.iota {dimensions = array<i32: 0>} : vector<16xi32>
      %add3A_1109 = vector.broadcast %add3A_1108 : i32 to vector<16xi32>
      %add3A_1110 = arith.addi %add3A_1109, %iota3A : vector<16xi32>
      %mul3A_1111 = arith.constant 128 : i32
      %mul3A_1112 = arith.muli %select_n3A_228, %mul3A_1111 : i32
      %lt3A = vector.broadcast %mul3A_1112 : i32 to vector<16xi32>
      %lt3A_1113 = arith.cmpi slt, %add3A_1110, %lt3A : vector<16xi32>
      %shift_right_arithmetic3A = arith.constant 7 : i32
      %shift_right_arithmetic3A_1114 = vector.broadcast %shift_right_arithmetic3A : i32 to vector<16xi32>
      %shift_right_arithmetic3A_1115 = arith.shrsi %add3A_1110, %shift_right_arithmetic3A_1114 : vector<16xi32>
      %and3A_1116 = arith.constant 127 : i32
      %and3A_1117 = vector.broadcast %and3A_1116 : i32 to vector<16xi32>
      %and3A_1118 = arith.andi %add3A_1110, %and3A_1117 : vector<16xi32>
      %iota3A_1119 = tpu.iota {dimensions = array<i32: 0>} : vector<16xi32>
      %mul3A_1120 = arith.constant 64 : i32
      %mul3A_1121 = vector.broadcast %mul3A_1120 : i32 to vector<16xi32>
      %mul3A_1122 = arith.muli %iota3A_1119, %mul3A_1121 : vector<16xi32>
      %add3A_1123 = vector.broadcast %mul3A_0 : i32 to vector<16xi32>
      %add3A_1124 = arith.addi %add3A_1123, %mul3A_1122 : vector<16xi32>
      %scatter3A = arith.constant 0 : i32
      %scatter3A_1125 = arith.constant 0 : i32
      %scatter3A_1126 = tpu.memref_slice %arg7[%while3A_258, %scatter3A, %scatter3A_1125] : memref<8x8x128xi32, #tpu.memory_space<vmem>> -> memref<1x8x128xi32, #tpu.memory_space<vmem>>
      %scatter3A_1127 = tpu.memref_squeeze %scatter3A_1126 : memref<1x8x128xi32, #tpu.memory_space<vmem>> -> memref<8x128xi32, #tpu.memory_space<vmem>>
      tpu.vector_store_idx %scatter3A_1127[%shift_right_arithmetic3A_1115, %and3A_1118], %add3A_1124 masked %lt3A_1113 : memref<8x128xi32, #tpu.memory_space<vmem>>[vector<16xi32>, vector<16xi32>], vector<16xi32>, vector<16xi1>
      %shift_right_arithmetic3A_1128 = arith.constant 7 : i32
      %shift_right_arithmetic3A_1129 = vector.broadcast %shift_right_arithmetic3A_1128 : i32 to vector<16xi32>
      %shift_right_arithmetic3A_1130 = arith.shrsi %add3A_1110, %shift_right_arithmetic3A_1129 : vector<16xi32>
      %and3A_1131 = arith.constant 127 : i32
      %and3A_1132 = vector.broadcast %and3A_1131 : i32 to vector<16xi32>
      %and3A_1133 = arith.andi %add3A_1110, %and3A_1132 : vector<16xi32>
      %iota3A_1134 = tpu.iota {dimensions = array<i32: 0>} : vector<16xi32>
      %and3A_1135 = arith.constant 7 : i32
      %and3A_1136 = vector.broadcast %and3A_1135 : i32 to vector<16xi32>
      %and3A_1137 = arith.andi %iota3A_1134, %and3A_1136 : vector<16xi32>
      %add3A_1138 = arith.constant 4096 : i32
      %add3A_1139 = vector.broadcast %add3A_1138 : i32 to vector<16xi32>
      %add3A_1140 = arith.addi %add3A_1139, %and3A_1137 : vector<16xi32>
      %scatter3A_1141 = arith.constant 0 : i32
      %scatter3A_1142 = arith.constant 0 : i32
      %scatter3A_1143 = tpu.memref_slice %arg8[%while3A_259, %scatter3A_1141, %scatter3A_1142] : memref<8x8x128xi32, #tpu.memory_space<vmem>> -> memref<1x8x128xi32, #tpu.memory_space<vmem>>
      %scatter3A_1144 = tpu.memref_squeeze %scatter3A_1143 : memref<1x8x128xi32, #tpu.memory_space<vmem>> -> memref<8x128xi32, #tpu.memory_space<vmem>>
      tpu.vector_store_idx %scatter3A_1144[%shift_right_arithmetic3A_1130, %and3A_1133], %add3A_1140 masked %lt3A_1113 : memref<8x128xi32, #tpu.memory_space<vmem>>[vector<16xi32>, vector<16xi32>], vector<16xi32>, vector<16xi1>
      %while3A_1145 = arith.constant 0 : i32
      scf.yield %while3A_1145 : i32
    }
    %dma_wait3A = arith.constant 0 : i32
    %dma_wait3A_272 = tpu.memref_slice %arg11[%mul3A_8, %dma_wait3A] : memref<4104x128xf32, #tpu.memory_space<vmem_shared>> -> memref<256x128xf32, #tpu.memory_space<vmem_shared>>
    %dma_wait3A_273 = arith.constant 0 : i32
    %dma_wait3A_274 = tpu.memref_slice %arg2[%add3A_6, %dma_wait3A_273] : memref<65536x128xf32, #tpu.memory_space<hbm>> -> memref<256x128xf32, #tpu.memory_space<hbm>>
    tpu.wait_dma2 semaphore(%arg13 : memref<!tpu.dma_semaphore, #tpu.memory_space<semaphore_mem>>) src(%dma_wait3A_274 : memref<256x128xf32, #tpu.memory_space<hbm>>) dst(%dma_wait3A_272 : memref<256x128xf32, #tpu.memory_space<vmem_shared>>)
    %barrier3A = arith.constant 0 : index
    tpu.barrier barrier_id(%barrier3A)
    %gt3A_275 = arith.constant 0 : i32
    %gt3A_276 = arith.cmpi sgt, %select_n3A, %gt3A_275 : i32
    %convert_element_type3A_277 = arith.extui %gt3A_276 : i1 to i32
    %cond3A_278 = arith.constant 0 : i32
    %cond3A_279 = arith.cmpi ne, %convert_element_type3A_277, %cond3A_278 : i32
    scf.if %cond3A_279 {
      %dma_wait3A_1104 = arith.constant 0 : i32
      %dma_wait3A_1105 = arith.constant 0 : i32
      %dma_wait3A_1106 = arith.constant 0 : i32
      %dma_wait3A_1107 = arith.constant 0 : i32
      %dma_wait3A_1108 = tpu.memref_slice %arg7[%dma_wait3A_1104, %dma_wait3A_1106, %dma_wait3A_1107] : memref<8x8x128xi32, #tpu.memory_space<vmem>> -> memref<1x8x128xi32, #tpu.memory_space<vmem>>
      %dma_wait3A_1109 = tpu.memref_squeeze %dma_wait3A_1108 : memref<1x8x128xi32, #tpu.memory_space<vmem>> -> memref<8x128xi32, #tpu.memory_space<vmem>>
      %dma_wait3A_1110 = arith.constant 0 : i32
      %dma_wait3A_1111 = tpu.memref_slice %dma_wait3A_1109[%dma_wait3A_1105, %dma_wait3A_1110] : memref<8x128xi32, #tpu.memory_space<vmem>> -> memref<1x128xi32, #tpu.memory_space<vmem>>
      %dma_wait3A_1112 = tpu.memref_squeeze %dma_wait3A_1111 : memref<1x128xi32, #tpu.memory_space<vmem>> -> memref<128xi32, #tpu.memory_space<vmem>>
      %dma_wait3A_1113 = arith.constant 0 : i32
      %dma_wait3A_1114 = arith.constant 0 : i32
      %dma_wait3A_1115 = tpu.memref_slice %arg3[%dma_wait3A_1113, %dma_wait3A_1114] : memref<16384x128xf32, #tpu.memory_space<hbm>> -> memref<16384x128xf32, #tpu.memory_space<hbm>>
      tpu.wait_indirect_dma semaphore(%arg17 : memref<!tpu.dma_semaphore, #tpu.memory_space<semaphore_mem>>) src(%dma_wait3A_1115 : memref<16384x128xf32, #tpu.memory_space<hbm>>) dst(%arg9 : memref<128x128xf32, #tpu.memory_space<vmem>>)
      %run_scoped3A = arith.constant 0 : i32
      %run_scoped3A_1116 = arith.constant 0 : i32
      "tpu.region"() ({
        %run_scoped3A_1117 = tpu.sem_alloc : memref<!tpu.dma_semaphore, #tpu.memory_space<semaphore_mem>>
        %dma_start3A_1118 = arith.constant 0 : i32
        %dma_start3A_1119 = arith.constant 0 : i32
        %dma_start3A_1120 = tpu.memref_slice %arg8[%run_scoped3A, %dma_start3A_1118, %dma_start3A_1119] : memref<8x8x128xi32, #tpu.memory_space<vmem>> -> memref<1x8x128xi32, #tpu.memory_space<vmem>>
        %dma_start3A_1121 = tpu.memref_squeeze %dma_start3A_1120 : memref<1x8x128xi32, #tpu.memory_space<vmem>> -> memref<8x128xi32, #tpu.memory_space<vmem>>
        %dma_start3A_1122 = arith.constant 0 : i32
        %dma_start3A_1123 = tpu.memref_slice %dma_start3A_1121[%run_scoped3A_1116, %dma_start3A_1122] : memref<8x128xi32, #tpu.memory_space<vmem>> -> memref<1x128xi32, #tpu.memory_space<vmem>>
        %dma_start3A_1124 = tpu.memref_squeeze %dma_start3A_1123 : memref<1x128xi32, #tpu.memory_space<vmem>> -> memref<128xi32, #tpu.memory_space<vmem>>
        %dma_start3A_1125 = arith.constant 0 : i32
        %dma_start3A_1126 = arith.constant 0 : i32
        %dma_start3A_1127 = tpu.memref_slice %arg11[%dma_start3A_1125, %dma_start3A_1126] : memref<4104x128xf32, #tpu.memory_space<vmem_shared>> -> memref<4104x128xf32, #tpu.memory_space<vmem_shared>>
        tpu.enqueue_indirect_dma source(%arg9 : memref<128x128xf32, #tpu.memory_space<vmem>>) target(%dma_start3A_1127 : memref<4104x128xf32, #tpu.memory_space<vmem_shared>>) offsets(%dma_start3A_1124 : memref<128xi32, #tpu.memory_space<vmem>>) semaphore(%run_scoped3A_1117 : memref<!tpu.dma_semaphore, #tpu.memory_space<semaphore_mem>>) {add = true}
        %dma_wait3A_1128 = arith.constant 0 : i32
        %dma_wait3A_1129 = arith.constant 0 : i32
        %dma_wait3A_1130 = tpu.memref_slice %arg8[%run_scoped3A, %dma_wait3A_1128, %dma_wait3A_1129] : memref<8x8x128xi32, #tpu.memory_space<vmem>> -> memref<1x8x128xi32, #tpu.memory_space<vmem>>
        %dma_wait3A_1131 = tpu.memref_squeeze %dma_wait3A_1130 : memref<1x8x128xi32, #tpu.memory_space<vmem>> -> memref<8x128xi32, #tpu.memory_space<vmem>>
        %dma_wait3A_1132 = arith.constant 0 : i32
        %dma_wait3A_1133 = tpu.memref_slice %dma_wait3A_1131[%run_scoped3A_1116, %dma_wait3A_1132] : memref<8x128xi32, #tpu.memory_space<vmem>> -> memref<1x128xi32, #tpu.memory_space<vmem>>
        %dma_wait3A_1134 = tpu.memref_squeeze %dma_wait3A_1133 : memref<1x128xi32, #tpu.memory_space<vmem>> -> memref<128xi32, #tpu.memory_space<vmem>>
        %dma_wait3A_1135 = arith.constant 0 : i32
        %dma_wait3A_1136 = arith.constant 0 : i32
        %dma_wait3A_1137 = tpu.memref_slice %arg11[%dma_wait3A_1135, %dma_wait3A_1136] : memref<4104x128xf32, #tpu.memory_space<vmem_shared>> -> memref<4104x128xf32, #tpu.memory_space<vmem_shared>>
        tpu.wait_indirect_dma semaphore(%run_scoped3A_1117 : memref<!tpu.dma_semaphore, #tpu.memory_space<semaphore_mem>>) src(%arg9 : memref<128x128xf32, #tpu.memory_space<vmem>>) dst(%dma_wait3A_1137 : memref<4104x128xf32, #tpu.memory_space<vmem_shared>>)
        tpu.yield
      }) : () -> ()
    } else {
    }
    %while3A_280 = arith.constant 1 : i32
    %while3A_281 = arith.constant 0 : i32
    %while3A_282 = arith.subi %select_n3A, %while3A_280 : i32
    %while3A_283 = arith.addi %while3A_280, %while3A_282 : i32
    %while3A_284 = arith.constant 1 : i32
    %while3A_285 = arith.divsi %while3A_282, %while3A_284 : i32
    %while3A_286 = arith.muli %while3A_285, %while3A_284 : i32
    %while3A_287 = arith.addi %while3A_280, %while3A_286 : i32
    %while3A_288 = arith.constant 1 : i32
    %while3A_289 = scf.for %while3A_1104 = %while3A_280 to %while3A_287 step %while3A_288 iter_args(%while3A_1105 = %while3A_281) -> (i32)  : i32 {
      %dma_start3A_1106 = arith.constant 0 : i32
      %dma_start3A_1107 = arith.constant 0 : i32
      %dma_start3A_1108 = arith.constant 0 : i32
      %dma_start3A_1109 = tpu.memref_slice %arg7[%dma_start3A_1106, %dma_start3A_1107, %dma_start3A_1108] : memref<8x8x128xi32, #tpu.memory_space<vmem>> -> memref<1x8x128xi32, #tpu.memory_space<vmem>>
      %dma_start3A_1110 = tpu.memref_squeeze %dma_start3A_1109 : memref<1x8x128xi32, #tpu.memory_space<vmem>> -> memref<8x128xi32, #tpu.memory_space<vmem>>
      %dma_start3A_1111 = arith.constant 0 : i32
      %dma_start3A_1112 = tpu.memref_slice %dma_start3A_1110[%while3A_1104, %dma_start3A_1111] : memref<8x128xi32, #tpu.memory_space<vmem>> -> memref<1x128xi32, #tpu.memory_space<vmem>>
      %dma_start3A_1113 = tpu.memref_squeeze %dma_start3A_1112 : memref<1x128xi32, #tpu.memory_space<vmem>> -> memref<128xi32, #tpu.memory_space<vmem>>
      %dma_start3A_1114 = arith.constant 0 : i32
      %dma_start3A_1115 = arith.constant 0 : i32
      %dma_start3A_1116 = tpu.memref_slice %arg3[%dma_start3A_1114, %dma_start3A_1115] : memref<16384x128xf32, #tpu.memory_space<hbm>> -> memref<16384x128xf32, #tpu.memory_space<hbm>>
      tpu.enqueue_indirect_dma source(%dma_start3A_1116 : memref<16384x128xf32, #tpu.memory_space<hbm>>) target(%arg9 : memref<128x128xf32, #tpu.memory_space<vmem>>) offsets(%dma_start3A_1113 : memref<128xi32, #tpu.memory_space<vmem>>) semaphore(%arg19 : memref<!tpu.dma_semaphore, #tpu.memory_space<semaphore_mem>>)
      %dma_wait3A_1117 = arith.constant 0 : i32
      %dma_wait3A_1118 = arith.constant 0 : i32
      %dma_wait3A_1119 = arith.constant 0 : i32
      %dma_wait3A_1120 = tpu.memref_slice %arg7[%dma_wait3A_1117, %dma_wait3A_1118, %dma_wait3A_1119] : memref<8x8x128xi32, #tpu.memory_space<vmem>> -> memref<1x8x128xi32, #tpu.memory_space<vmem>>
      %dma_wait3A_1121 = tpu.memref_squeeze %dma_wait3A_1120 : memref<1x8x128xi32, #tpu.memory_space<vmem>> -> memref<8x128xi32, #tpu.memory_space<vmem>>
      %dma_wait3A_1122 = arith.constant 0 : i32
      %dma_wait3A_1123 = tpu.memref_slice %dma_wait3A_1121[%while3A_1104, %dma_wait3A_1122] : memref<8x128xi32, #tpu.memory_space<vmem>> -> memref<1x128xi32, #tpu.memory_space<vmem>>
      %dma_wait3A_1124 = tpu.memref_squeeze %dma_wait3A_1123 : memref<1x128xi32, #tpu.memory_space<vmem>> -> memref<128xi32, #tpu.memory_space<vmem>>
      %dma_wait3A_1125 = arith.constant 0 : i32
      %dma_wait3A_1126 = arith.constant 0 : i32
      %dma_wait3A_1127 = tpu.memref_slice %arg3[%dma_wait3A_1125, %dma_wait3A_1126] : memref<16384x128xf32, #tpu.memory_space<hbm>> -> memref<16384x128xf32, #tpu.memory_space<hbm>>
      tpu.wait_indirect_dma semaphore(%arg19 : memref<!tpu.dma_semaphore, #tpu.memory_space<semaphore_mem>>) src(%dma_wait3A_1127 : memref<16384x128xf32, #tpu.memory_space<hbm>>) dst(%arg9 : memref<128x128xf32, #tpu.memory_space<vmem>>)
      %run_scoped3A = arith.constant 0 : i32
      "tpu.region"() ({
        %run_scoped3A_1129 = tpu.sem_alloc : memref<!tpu.dma_semaphore, #tpu.memory_space<semaphore_mem>>
        %dma_start3A_1130 = arith.constant 0 : i32
        %dma_start3A_1131 = arith.constant 0 : i32
        %dma_start3A_1132 = tpu.memref_slice %arg8[%run_scoped3A, %dma_start3A_1130, %dma_start3A_1131] : memref<8x8x128xi32, #tpu.memory_space<vmem>> -> memref<1x8x128xi32, #tpu.memory_space<vmem>>
        %dma_start3A_1133 = tpu.memref_squeeze %dma_start3A_1132 : memref<1x8x128xi32, #tpu.memory_space<vmem>> -> memref<8x128xi32, #tpu.memory_space<vmem>>
        %dma_start3A_1134 = arith.constant 0 : i32
        %dma_start3A_1135 = tpu.memref_slice %dma_start3A_1133[%while3A_1104, %dma_start3A_1134] : memref<8x128xi32, #tpu.memory_space<vmem>> -> memref<1x128xi32, #tpu.memory_space<vmem>>
        %dma_start3A_1136 = tpu.memref_squeeze %dma_start3A_1135 : memref<1x128xi32, #tpu.memory_space<vmem>> -> memref<128xi32, #tpu.memory_space<vmem>>
        %dma_start3A_1137 = arith.constant 0 : i32
        %dma_start3A_1138 = arith.constant 0 : i32
        %dma_start3A_1139 = tpu.memref_slice %arg11[%dma_start3A_1137, %dma_start3A_1138] : memref<4104x128xf32, #tpu.memory_space<vmem_shared>> -> memref<4104x128xf32, #tpu.memory_space<vmem_shared>>
        tpu.enqueue_indirect_dma source(%arg9 : memref<128x128xf32, #tpu.memory_space<vmem>>) target(%dma_start3A_1139 : memref<4104x128xf32, #tpu.memory_space<vmem_shared>>) offsets(%dma_start3A_1136 : memref<128xi32, #tpu.memory_space<vmem>>) semaphore(%run_scoped3A_1129 : memref<!tpu.dma_semaphore, #tpu.memory_space<semaphore_mem>>) {add = true}
        %dma_wait3A_1140 = arith.constant 0 : i32
        %dma_wait3A_1141 = arith.constant 0 : i32
        %dma_wait3A_1142 = tpu.memref_slice %arg8[%run_scoped3A, %dma_wait3A_1140, %dma_wait3A_1141] : memref<8x8x128xi32, #tpu.memory_space<vmem>> -> memref<1x8x128xi32, #tpu.memory_space<vmem>>
        %dma_wait3A_1143 = tpu.memref_squeeze %dma_wait3A_1142 : memref<1x8x128xi32, #tpu.memory_space<vmem>> -> memref<8x128xi32, #tpu.memory_space<vmem>>
        %dma_wait3A_1144 = arith.constant 0 : i32
        %dma_wait3A_1145 = tpu.memref_slice %dma_wait3A_1143[%while3A_1104, %dma_wait3A_1144] : memref<8x128xi32, #tpu.memory_space<vmem>> -> memref<1x128xi32, #tpu.memory_space<vmem>>
        %dma_wait3A_1146 = tpu.memref_squeeze %dma_wait3A_1145 : memref<1x128xi32, #tpu.memory_space<vmem>> -> memref<128xi32, #tpu.memory_space<vmem>>
        %dma_wait3A_1147 = arith.constant 0 : i32
        %dma_wait3A_1148 = arith.constant 0 : i32
        %dma_wait3A_1149 = tpu.memref_slice %arg11[%dma_wait3A_1147, %dma_wait3A_1148] : memref<4104x128xf32, #tpu.memory_space<vmem_shared>> -> memref<4104x128xf32, #tpu.memory_space<vmem_shared>>
        tpu.wait_indirect_dma semaphore(%run_scoped3A_1129 : memref<!tpu.dma_semaphore, #tpu.memory_space<semaphore_mem>>) src(%arg9 : memref<128x128xf32, #tpu.memory_space<vmem>>) dst(%dma_wait3A_1149 : memref<4104x128xf32, #tpu.memory_space<vmem_shared>>)
        tpu.yield
      }) : () -> ()
      %while3A_1128 = arith.constant 0 : i32
      scf.yield %while3A_1128 : i32
    }
    %while3A_290 = arith.constant 1 : i32
    %while3A_291 = scf.for %while3A_1104 = %while3A_287 to %while3A_283 step %while3A_290 iter_args(%while3A_1105 = %while3A_289) -> (i32)  : i32 {
      %dma_start3A_1106 = arith.constant 0 : i32
      %dma_start3A_1107 = arith.constant 0 : i32
      %dma_start3A_1108 = arith.constant 0 : i32
      %dma_start3A_1109 = tpu.memref_slice %arg7[%dma_start3A_1106, %dma_start3A_1107, %dma_start3A_1108] : memref<8x8x128xi32, #tpu.memory_space<vmem>> -> memref<1x8x128xi32, #tpu.memory_space<vmem>>
      %dma_start3A_1110 = tpu.memref_squeeze %dma_start3A_1109 : memref<1x8x128xi32, #tpu.memory_space<vmem>> -> memref<8x128xi32, #tpu.memory_space<vmem>>
      %dma_start3A_1111 = arith.constant 0 : i32
      %dma_start3A_1112 = tpu.memref_slice %dma_start3A_1110[%while3A_1104, %dma_start3A_1111] : memref<8x128xi32, #tpu.memory_space<vmem>> -> memref<1x128xi32, #tpu.memory_space<vmem>>
      %dma_start3A_1113 = tpu.memref_squeeze %dma_start3A_1112 : memref<1x128xi32, #tpu.memory_space<vmem>> -> memref<128xi32, #tpu.memory_space<vmem>>
      %dma_start3A_1114 = arith.constant 0 : i32
      %dma_start3A_1115 = arith.constant 0 : i32
      %dma_start3A_1116 = tpu.memref_slice %arg3[%dma_start3A_1114, %dma_start3A_1115] : memref<16384x128xf32, #tpu.memory_space<hbm>> -> memref<16384x128xf32, #tpu.memory_space<hbm>>
      tpu.enqueue_indirect_dma source(%dma_start3A_1116 : memref<16384x128xf32, #tpu.memory_space<hbm>>) target(%arg9 : memref<128x128xf32, #tpu.memory_space<vmem>>) offsets(%dma_start3A_1113 : memref<128xi32, #tpu.memory_space<vmem>>) semaphore(%arg19 : memref<!tpu.dma_semaphore, #tpu.memory_space<semaphore_mem>>)
      %dma_wait3A_1117 = arith.constant 0 : i32
      %dma_wait3A_1118 = arith.constant 0 : i32
      %dma_wait3A_1119 = arith.constant 0 : i32
      %dma_wait3A_1120 = tpu.memref_slice %arg7[%dma_wait3A_1117, %dma_wait3A_1118, %dma_wait3A_1119] : memref<8x8x128xi32, #tpu.memory_space<vmem>> -> memref<1x8x128xi32, #tpu.memory_space<vmem>>
      %dma_wait3A_1121 = tpu.memref_squeeze %dma_wait3A_1120 : memref<1x8x128xi32, #tpu.memory_space<vmem>> -> memref<8x128xi32, #tpu.memory_space<vmem>>
      %dma_wait3A_1122 = arith.constant 0 : i32
      %dma_wait3A_1123 = tpu.memref_slice %dma_wait3A_1121[%while3A_1104, %dma_wait3A_1122] : memref<8x128xi32, #tpu.memory_space<vmem>> -> memref<1x128xi32, #tpu.memory_space<vmem>>
      %dma_wait3A_1124 = tpu.memref_squeeze %dma_wait3A_1123 : memref<1x128xi32, #tpu.memory_space<vmem>> -> memref<128xi32, #tpu.memory_space<vmem>>
      %dma_wait3A_1125 = arith.constant 0 : i32
      %dma_wait3A_1126 = arith.constant 0 : i32
      %dma_wait3A_1127 = tpu.memref_slice %arg3[%dma_wait3A_1125, %dma_wait3A_1126] : memref<16384x128xf32, #tpu.memory_space<hbm>> -> memref<16384x128xf32, #tpu.memory_space<hbm>>
      tpu.wait_indirect_dma semaphore(%arg19 : memref<!tpu.dma_semaphore, #tpu.memory_space<semaphore_mem>>) src(%dma_wait3A_1127 : memref<16384x128xf32, #tpu.memory_space<hbm>>) dst(%arg9 : memref<128x128xf32, #tpu.memory_space<vmem>>)
      %run_scoped3A = arith.constant 0 : i32
      "tpu.region"() ({
        %run_scoped3A_1129 = tpu.sem_alloc : memref<!tpu.dma_semaphore, #tpu.memory_space<semaphore_mem>>
        %dma_start3A_1130 = arith.constant 0 : i32
        %dma_start3A_1131 = arith.constant 0 : i32
        %dma_start3A_1132 = tpu.memref_slice %arg8[%run_scoped3A, %dma_start3A_1130, %dma_start3A_1131] : memref<8x8x128xi32, #tpu.memory_space<vmem>> -> memref<1x8x128xi32, #tpu.memory_space<vmem>>
        %dma_start3A_1133 = tpu.memref_squeeze %dma_start3A_1132 : memref<1x8x128xi32, #tpu.memory_space<vmem>> -> memref<8x128xi32, #tpu.memory_space<vmem>>
        %dma_start3A_1134 = arith.constant 0 : i32
        %dma_start3A_1135 = tpu.memref_slice %dma_start3A_1133[%while3A_1104, %dma_start3A_1134] : memref<8x128xi32, #tpu.memory_space<vmem>> -> memref<1x128xi32, #tpu.memory_space<vmem>>
        %dma_start3A_1136 = tpu.memref_squeeze %dma_start3A_1135 : memref<1x128xi32, #tpu.memory_space<vmem>> -> memref<128xi32, #tpu.memory_space<vmem>>
        %dma_start3A_1137 = arith.constant 0 : i32
        %dma_start3A_1138 = arith.constant 0 : i32
        %dma_start3A_1139 = tpu.memref_slice %arg11[%dma_start3A_1137, %dma_start3A_1138] : memref<4104x128xf32, #tpu.memory_space<vmem_shared>> -> memref<4104x128xf32, #tpu.memory_space<vmem_shared>>
        tpu.enqueue_indirect_dma source(%arg9 : memref<128x128xf32, #tpu.memory_space<vmem>>) target(%dma_start3A_1139 : memref<4104x128xf32, #tpu.memory_space<vmem_shared>>) offsets(%dma_start3A_1136 : memref<128xi32, #tpu.memory_space<vmem>>) semaphore(%run_scoped3A_1129 : memref<!tpu.dma_semaphore, #tpu.memory_space<semaphore_mem>>) {add = true}
        %dma_wait3A_1140 = arith.constant 0 : i32
        %dma_wait3A_1141 = arith.constant 0 : i32
        %dma_wait3A_1142 = tpu.memref_slice %arg8[%run_scoped3A, %dma_wait3A_1140, %dma_wait3A_1141] : memref<8x8x128xi32, #tpu.memory_space<vmem>> -> memref<1x8x128xi32, #tpu.memory_space<vmem>>
        %dma_wait3A_1143 = tpu.memref_squeeze %dma_wait3A_1142 : memref<1x8x128xi32, #tpu.memory_space<vmem>> -> memref<8x128xi32, #tpu.memory_space<vmem>>
        %dma_wait3A_1144 = arith.constant 0 : i32
        %dma_wait3A_1145 = tpu.memref_slice %dma_wait3A_1143[%while3A_1104, %dma_wait3A_1144] : memref<8x128xi32, #tpu.memory_space<vmem>> -> memref<1x128xi32, #tpu.memory_space<vmem>>
        %dma_wait3A_1146 = tpu.memref_squeeze %dma_wait3A_1145 : memref<1x128xi32, #tpu.memory_space<vmem>> -> memref<128xi32, #tpu.memory_space<vmem>>
        %dma_wait3A_1147 = arith.constant 0 : i32
        %dma_wait3A_1148 = arith.constant 0 : i32
        %dma_wait3A_1149 = tpu.memref_slice %arg11[%dma_wait3A_1147, %dma_wait3A_1148] : memref<4104x128xf32, #tpu.memory_space<vmem_shared>> -> memref<4104x128xf32, #tpu.memory_space<vmem_shared>>
        tpu.wait_indirect_dma semaphore(%run_scoped3A_1129 : memref<!tpu.dma_semaphore, #tpu.memory_space<semaphore_mem>>) src(%arg9 : memref<128x128xf32, #tpu.memory_space<vmem>>) dst(%dma_wait3A_1149 : memref<4104x128xf32, #tpu.memory_space<vmem_shared>>)
        tpu.yield
      }) : () -> ()
      %while3A_1128 = arith.constant 0 : i32
      scf.yield %while3A_1128 : i32
    }
    %barrier3A_292 = arith.constant 0 : index
    tpu.barrier barrier_id(%barrier3A_292)
    %mul3A_293 = arith.constant 256 : i32
    %mul3A_294 = arith.muli %arg1, %mul3A_293 : i32
    %mul3A_295 = arith.constant 256 : i32
    %mul3A_296 = arith.muli %arg1, %mul3A_295 : i32
    %add3A_297 = arith.addi %add3A_184, %mul3A_296 : i32
    %dma_start3A_298 = arith.constant 0 : i32
    %dma_start3A_299 = tpu.memref_slice %arg5[%add3A_297, %dma_start3A_298] : memref<65536x128xf32, #tpu.memory_space<hbm>> -> memref<256x128xf32, #tpu.memory_space<hbm>>
    %dma_start3A_300 = arith.constant 0 : i32
    %dma_start3A_301 = tpu.memref_slice %arg11[%mul3A_294, %dma_start3A_300] : memref<4104x128xf32, #tpu.memory_space<vmem_shared>> -> memref<256x128xf32, #tpu.memory_space<vmem_shared>>
    tpu.enqueue_dma source(%dma_start3A_301 : memref<256x128xf32, #tpu.memory_space<vmem_shared>>) target(%dma_start3A_299 : memref<256x128xf32, #tpu.memory_space<hbm>>) target_semaphore(%arg15 : memref<!tpu.dma_semaphore, #tpu.memory_space<semaphore_mem>>)
    %mul3A_302 = arith.constant 32768 : i32
    %mul3A_303 = arith.muli %arg0, %mul3A_302 : i32
    %add3A_304 = arith.constant 4096 : i32
    %add3A_305 = arith.addi %mul3A_303, %add3A_304 : i32
    %gt3A_306 = arith.constant 0 : i32
    %gt3A_307 = arith.cmpi sgt, %select_n3A_228, %gt3A_306 : i32
    %convert_element_type3A_308 = arith.extui %gt3A_307 : i1 to i32
    %cond3A_309 = arith.constant 0 : i32
    %cond3A_310 = arith.cmpi ne, %convert_element_type3A_308, %cond3A_309 : i32
    scf.if %cond3A_310 {
      %dma_start3A_1104 = arith.constant 2 : i32
      %dma_start3A_1105 = arith.constant 0 : i32
      %dma_start3A_1106 = arith.constant 0 : i32
      %dma_start3A_1107 = arith.constant 0 : i32
      %dma_start3A_1108 = tpu.memref_slice %arg7[%dma_start3A_1104, %dma_start3A_1106, %dma_start3A_1107] : memref<8x8x128xi32, #tpu.memory_space<vmem>> -> memref<1x8x128xi32, #tpu.memory_space<vmem>>
      %dma_start3A_1109 = tpu.memref_squeeze %dma_start3A_1108 : memref<1x8x128xi32, #tpu.memory_space<vmem>> -> memref<8x128xi32, #tpu.memory_space<vmem>>
      %dma_start3A_1110 = arith.constant 0 : i32
      %dma_start3A_1111 = tpu.memref_slice %dma_start3A_1109[%dma_start3A_1105, %dma_start3A_1110] : memref<8x128xi32, #tpu.memory_space<vmem>> -> memref<1x128xi32, #tpu.memory_space<vmem>>
      %dma_start3A_1112 = tpu.memref_squeeze %dma_start3A_1111 : memref<1x128xi32, #tpu.memory_space<vmem>> -> memref<128xi32, #tpu.memory_space<vmem>>
      %dma_start3A_1113 = arith.constant 0 : i32
      %dma_start3A_1114 = arith.constant 0 : i32
      %dma_start3A_1115 = tpu.memref_slice %arg3[%dma_start3A_1113, %dma_start3A_1114] : memref<16384x128xf32, #tpu.memory_space<hbm>> -> memref<16384x128xf32, #tpu.memory_space<hbm>>
      tpu.enqueue_indirect_dma source(%dma_start3A_1115 : memref<16384x128xf32, #tpu.memory_space<hbm>>) target(%arg9 : memref<128x128xf32, #tpu.memory_space<vmem>>) offsets(%dma_start3A_1112 : memref<128xi32, #tpu.memory_space<vmem>>) semaphore(%arg17 : memref<!tpu.dma_semaphore, #tpu.memory_space<semaphore_mem>>)
    } else {
    }
    %mul3A_311 = arith.constant 32768 : i32
    %mul3A_312 = arith.muli %arg0, %mul3A_311 : i32
    %add3A_313 = arith.constant 12288 : i32
    %add3A_314 = arith.addi %mul3A_312, %add3A_313 : i32
    %scan3A_315 = arith.constant 3 : i32
    %scan3A_316 = arith.constant 3 : i32
    %scan3A_317 = arith.constant 0 : i32
    %scan3A_318 = arith.constant 0 : i32
    %scan3A_319 = arith.constant 64 : i32
    %scan3A_320 = arith.addi %scan3A_318, %scan3A_319 : i32
    %scan3A_321 = arith.constant 1 : i32
    %scan3A_322 = scf.for %scan3A_1104 = %scan3A_318 to %scan3A_320 step %scan3A_321 iter_args(%scan3A_1105 = %scan3A_317) -> (i32)  : i32 {
      %mul3A_1106 = arith.constant 16 : i32
      %mul3A_1107 = arith.muli %scan3A_1104, %mul3A_1106 : i32
      %get3A = arith.index_cast %mul3A_1107 : i32 to index
      %get3A_1108 = tpu.vector_load %arg6[%get3A] {strides = array<i32>} : memref<1024xi32, #tpu.memory_space<vmem>>, vector<16xi32>,
      %sub3A_1109 = vector.broadcast %add3A_314 : i32 to vector<16xi32>
      %sub3A_1110 = arith.subi %get3A_1108, %sub3A_1109 : vector<16xi32>
      %ge3A = arith.constant 0 : i32
      %ge3A_1111 = vector.broadcast %ge3A : i32 to vector<16xi32>
      %ge3A_1112 = arith.cmpi sge, %sub3A_1110, %ge3A_1111 : vector<16xi32>
      %lt3A = arith.constant 4096 : i32
      %lt3A_1113 = vector.broadcast %lt3A : i32 to vector<16xi32>
      %lt3A_1114 = arith.cmpi slt, %sub3A_1110, %lt3A_1113 : vector<16xi32>
      %and3A_1115 = arith.andi %ge3A_1112, %lt3A_1114 : vector<16xi1>
      %mul3A_1116 = arith.constant 16 : i32
      %mul3A_1117 = arith.muli %scan3A_1104, %mul3A_1116 : i32
      %add3A_1118 = arith.addi %mul3A_0, %mul3A_1117 : i32
      %iota3A = tpu.iota {dimensions = array<i32: 0>} : vector<16xi32>
      %add3A_1119 = vector.broadcast %add3A_1118 : i32 to vector<16xi32>
      %add3A_1120 = arith.addi %add3A_1119, %iota3A : vector<16xi32>
      %jit3A_1121 = arith.constant 1 : i32
      %jit3A_1122 = arith.constant 0 : i32
      %broadcast_in_dim3A = vector.broadcast %jit3A_1121 : i32 to vector<16xi32>
      %broadcast_in_dim3A_1123 = vector.broadcast %jit3A_1122 : i32 to vector<16xi32>
      %select_n3A_1124 = arith.select %and3A_1115, %broadcast_in_dim3A, %broadcast_in_dim3A_1123 : vector<16xi1>, vector<16xi32>
      %broadcast_in_dim3A_1125 = arith.constant true
      %broadcast_in_dim3A_1126 = vector.broadcast %broadcast_in_dim3A_1125 : i1 to vector<16xi1>
      %masked_cumsum3A = tpu.scan <sum>, %select_n3A_1124 masked %broadcast_in_dim3A_1126 : vector<16xi32>, vector<16xi1> -> vector<16xi32>
      %add3A_1127 = vector.broadcast %scan3A_1105 : i32 to vector<16xi32>
      %add3A_1128 = arith.addi %add3A_1127, %masked_cumsum3A : vector<16xi32>
      %sub3A_1129 = arith.constant 1 : i32
      %sub3A_1130 = vector.broadcast %sub3A_1129 : i32 to vector<16xi32>
      %sub3A_1131 = arith.subi %add3A_1128, %sub3A_1130 : vector<16xi32>
      %shift_right_arithmetic3A = arith.constant 7 : i32
      %shift_right_arithmetic3A_1132 = vector.broadcast %shift_right_arithmetic3A : i32 to vector<16xi32>
      %shift_right_arithmetic3A_1133 = arith.shrsi %sub3A_1131, %shift_right_arithmetic3A_1132 : vector<16xi32>
      %and3A_1134 = arith.constant 127 : i32
      %and3A_1135 = vector.broadcast %and3A_1134 : i32 to vector<16xi32>
      %and3A_1136 = arith.andi %sub3A_1131, %and3A_1135 : vector<16xi32>
      %scatter3A = arith.constant 0 : i32
      %scatter3A_1137 = arith.constant 0 : i32
      %scatter3A_1138 = tpu.memref_slice %arg7[%scan3A_315, %scatter3A, %scatter3A_1137] : memref<8x8x128xi32, #tpu.memory_space<vmem>> -> memref<1x8x128xi32, #tpu.memory_space<vmem>>
      %scatter3A_1139 = tpu.memref_squeeze %scatter3A_1138 : memref<1x8x128xi32, #tpu.memory_space<vmem>> -> memref<8x128xi32, #tpu.memory_space<vmem>>
      tpu.vector_store_idx %scatter3A_1139[%shift_right_arithmetic3A_1133, %and3A_1136], %add3A_1120 masked %and3A_1115 : memref<8x128xi32, #tpu.memory_space<vmem>>[vector<16xi32>, vector<16xi32>], vector<16xi32>, vector<16xi1>
      %shift_right_arithmetic3A_1140 = arith.constant 7 : i32
      %shift_right_arithmetic3A_1141 = vector.broadcast %shift_right_arithmetic3A_1140 : i32 to vector<16xi32>
      %shift_right_arithmetic3A_1142 = arith.shrsi %sub3A_1131, %shift_right_arithmetic3A_1141 : vector<16xi32>
      %and3A_1143 = arith.constant 127 : i32
      %and3A_1144 = vector.broadcast %and3A_1143 : i32 to vector<16xi32>
      %and3A_1145 = arith.andi %sub3A_1131, %and3A_1144 : vector<16xi32>
      %scatter3A_1146 = arith.constant 0 : i32
      %scatter3A_1147 = arith.constant 0 : i32
      %scatter3A_1148 = tpu.memref_slice %arg8[%scan3A_316, %scatter3A_1146, %scatter3A_1147] : memref<8x8x128xi32, #tpu.memory_space<vmem>> -> memref<1x8x128xi32, #tpu.memory_space<vmem>>
      %scatter3A_1149 = tpu.memref_squeeze %scatter3A_1148 : memref<1x8x128xi32, #tpu.memory_space<vmem>> -> memref<8x128xi32, #tpu.memory_space<vmem>>
      tpu.vector_store_idx %scatter3A_1149[%shift_right_arithmetic3A_1142, %and3A_1145], %sub3A_1110 masked %and3A_1115 : memref<8x128xi32, #tpu.memory_space<vmem>>[vector<16xi32>, vector<16xi32>], vector<16xi32>, vector<16xi1>
      %reduce_sum3A = arith.constant true
      %reduce_sum3A_1150 = vector.broadcast %reduce_sum3A : i1 to vector<16xi1>
      %reduce_sum3A_1151 = tpu.scan <sum>, %select_n3A_1124 masked %reduce_sum3A_1150 : vector<16xi32>, vector<16xi1> -> vector<16xi32>
      %reduce_sum3A_1152 = vector.extract %reduce_sum3A_1151[15] : i32 from vector<16xi32>
      %add3A_1153 = arith.addi %scan3A_1105, %reduce_sum3A_1152 : i32
      scf.yield %add3A_1153 : i32
    }
    %scan3A_323 = arith.constant 64 : i32
    %add3A_324 = arith.constant 127 : i32
    %add3A_325 = arith.addi %scan3A_322, %add3A_324 : i32
    %jit3A_326 = arith.constant 128 : i32
    %div3A_327 = arith.divsi %add3A_325, %jit3A_326 : i32
    %sign3A_328 = arith.constant 0 : i32
    %sign3A_329 = arith.cmpi sgt, %add3A_325, %sign3A_328 : i32
    %sign3A_330 = arith.extui %sign3A_329 : i1 to i32
    %sign3A_331 = arith.constant 0 : i32
    %sign3A_332 = arith.cmpi slt, %add3A_325, %sign3A_331 : i32
    %sign3A_333 = arith.extui %sign3A_332 : i1 to i32
    %sign3A_334 = arith.subi %sign3A_330, %sign3A_333 : i32
    %sign3A_335 = arith.constant 0 : i32
    %sign3A_336 = arith.cmpi sgt, %jit3A_326, %sign3A_335 : i32
    %sign3A_337 = arith.extui %sign3A_336 : i1 to i32
    %sign3A_338 = arith.constant 0 : i32
    %sign3A_339 = arith.cmpi slt, %jit3A_326, %sign3A_338 : i32
    %sign3A_340 = arith.extui %sign3A_339 : i1 to i32
    %sign3A_341 = arith.subi %sign3A_337, %sign3A_340 : i32
    %ne3A_342 = arith.cmpi ne, %sign3A_334, %sign3A_341 : i32
    %rem3A_343 = arith.remsi %add3A_325, %jit3A_326 : i32
    %ne3A_344 = arith.constant 0 : i32
    %ne3A_345 = arith.cmpi ne, %rem3A_343, %ne3A_344 : i32
    %and3A_346 = arith.andi %ne3A_342, %ne3A_345 : i1
    %sub3A_347 = arith.constant 1 : i32
    %sub3A_348 = arith.subi %div3A_327, %sub3A_347 : i32
    %select_n3A_349 = arith.select %and3A_346, %sub3A_348, %div3A_327 : i32
    %mul3A_350 = arith.constant 128 : i32
    %mul3A_351 = arith.muli %select_n3A_349, %mul3A_350 : i32
    %sub3A_352 = arith.subi %mul3A_351, %scan3A_322 : i32
    %add3A_353 = arith.constant 15 : i32
    %add3A_354 = arith.addi %sub3A_352, %add3A_353 : i32
    %jit3A_355 = arith.constant 16 : i32
    %div3A_356 = arith.divsi %add3A_354, %jit3A_355 : i32
    %sign3A_357 = arith.constant 0 : i32
    %sign3A_358 = arith.cmpi sgt, %add3A_354, %sign3A_357 : i32
    %sign3A_359 = arith.extui %sign3A_358 : i1 to i32
    %sign3A_360 = arith.constant 0 : i32
    %sign3A_361 = arith.cmpi slt, %add3A_354, %sign3A_360 : i32
    %sign3A_362 = arith.extui %sign3A_361 : i1 to i32
    %sign3A_363 = arith.subi %sign3A_359, %sign3A_362 : i32
    %sign3A_364 = arith.constant 0 : i32
    %sign3A_365 = arith.cmpi sgt, %jit3A_355, %sign3A_364 : i32
    %sign3A_366 = arith.extui %sign3A_365 : i1 to i32
    %sign3A_367 = arith.constant 0 : i32
    %sign3A_368 = arith.cmpi slt, %jit3A_355, %sign3A_367 : i32
    %sign3A_369 = arith.extui %sign3A_368 : i1 to i32
    %sign3A_370 = arith.subi %sign3A_366, %sign3A_369 : i32
    %ne3A_371 = arith.cmpi ne, %sign3A_363, %sign3A_370 : i32
    %rem3A_372 = arith.remsi %add3A_354, %jit3A_355 : i32
    %ne3A_373 = arith.constant 0 : i32
    %ne3A_374 = arith.cmpi ne, %rem3A_372, %ne3A_373 : i32
    %and3A_375 = arith.andi %ne3A_371, %ne3A_374 : i1
    %sub3A_376 = arith.constant 1 : i32
    %sub3A_377 = arith.subi %div3A_356, %sub3A_376 : i32
    %select_n3A_378 = arith.select %and3A_375, %sub3A_377, %div3A_356 : i32
    %while3A_379 = arith.constant 3 : i32
    %while3A_380 = arith.constant 3 : i32
    %while3A_381 = arith.constant 0 : i32
    %while3A_382 = arith.constant 0 : i32
    %while3A_383 = arith.subi %select_n3A_378, %while3A_381 : i32
    %while3A_384 = arith.addi %while3A_381, %while3A_383 : i32
    %while3A_385 = arith.constant 1 : i32
    %while3A_386 = arith.divsi %while3A_383, %while3A_385 : i32
    %while3A_387 = arith.muli %while3A_386, %while3A_385 : i32
    %while3A_388 = arith.addi %while3A_381, %while3A_387 : i32
    %while3A_389 = arith.constant 1 : i32
    %while3A_390 = scf.for %while3A_1104 = %while3A_381 to %while3A_388 step %while3A_389 iter_args(%while3A_1105 = %while3A_382) -> (i32)  : i32 {
      %mul3A_1106 = arith.constant 16 : i32
      %mul3A_1107 = arith.muli %while3A_1104, %mul3A_1106 : i32
      %add3A_1108 = arith.addi %scan3A_322, %mul3A_1107 : i32
      %iota3A = tpu.iota {dimensions = array<i32: 0>} : vector<16xi32>
      %add3A_1109 = vector.broadcast %add3A_1108 : i32 to vector<16xi32>
      %add3A_1110 = arith.addi %add3A_1109, %iota3A : vector<16xi32>
      %mul3A_1111 = arith.constant 128 : i32
      %mul3A_1112 = arith.muli %select_n3A_349, %mul3A_1111 : i32
      %lt3A = vector.broadcast %mul3A_1112 : i32 to vector<16xi32>
      %lt3A_1113 = arith.cmpi slt, %add3A_1110, %lt3A : vector<16xi32>
      %shift_right_arithmetic3A = arith.constant 7 : i32
      %shift_right_arithmetic3A_1114 = vector.broadcast %shift_right_arithmetic3A : i32 to vector<16xi32>
      %shift_right_arithmetic3A_1115 = arith.shrsi %add3A_1110, %shift_right_arithmetic3A_1114 : vector<16xi32>
      %and3A_1116 = arith.constant 127 : i32
      %and3A_1117 = vector.broadcast %and3A_1116 : i32 to vector<16xi32>
      %and3A_1118 = arith.andi %add3A_1110, %and3A_1117 : vector<16xi32>
      %iota3A_1119 = tpu.iota {dimensions = array<i32: 0>} : vector<16xi32>
      %mul3A_1120 = arith.constant 64 : i32
      %mul3A_1121 = vector.broadcast %mul3A_1120 : i32 to vector<16xi32>
      %mul3A_1122 = arith.muli %iota3A_1119, %mul3A_1121 : vector<16xi32>
      %add3A_1123 = vector.broadcast %mul3A_0 : i32 to vector<16xi32>
      %add3A_1124 = arith.addi %add3A_1123, %mul3A_1122 : vector<16xi32>
      %scatter3A = arith.constant 0 : i32
      %scatter3A_1125 = arith.constant 0 : i32
      %scatter3A_1126 = tpu.memref_slice %arg7[%while3A_379, %scatter3A, %scatter3A_1125] : memref<8x8x128xi32, #tpu.memory_space<vmem>> -> memref<1x8x128xi32, #tpu.memory_space<vmem>>
      %scatter3A_1127 = tpu.memref_squeeze %scatter3A_1126 : memref<1x8x128xi32, #tpu.memory_space<vmem>> -> memref<8x128xi32, #tpu.memory_space<vmem>>
      tpu.vector_store_idx %scatter3A_1127[%shift_right_arithmetic3A_1115, %and3A_1118], %add3A_1124 masked %lt3A_1113 : memref<8x128xi32, #tpu.memory_space<vmem>>[vector<16xi32>, vector<16xi32>], vector<16xi32>, vector<16xi1>
      %shift_right_arithmetic3A_1128 = arith.constant 7 : i32
      %shift_right_arithmetic3A_1129 = vector.broadcast %shift_right_arithmetic3A_1128 : i32 to vector<16xi32>
      %shift_right_arithmetic3A_1130 = arith.shrsi %add3A_1110, %shift_right_arithmetic3A_1129 : vector<16xi32>
      %and3A_1131 = arith.constant 127 : i32
      %and3A_1132 = vector.broadcast %and3A_1131 : i32 to vector<16xi32>
      %and3A_1133 = arith.andi %add3A_1110, %and3A_1132 : vector<16xi32>
      %iota3A_1134 = tpu.iota {dimensions = array<i32: 0>} : vector<16xi32>
      %and3A_1135 = arith.constant 7 : i32
      %and3A_1136 = vector.broadcast %and3A_1135 : i32 to vector<16xi32>
      %and3A_1137 = arith.andi %iota3A_1134, %and3A_1136 : vector<16xi32>
      %add3A_1138 = arith.constant 4096 : i32
      %add3A_1139 = vector.broadcast %add3A_1138 : i32 to vector<16xi32>
      %add3A_1140 = arith.addi %add3A_1139, %and3A_1137 : vector<16xi32>
      %scatter3A_1141 = arith.constant 0 : i32
      %scatter3A_1142 = arith.constant 0 : i32
      %scatter3A_1143 = tpu.memref_slice %arg8[%while3A_380, %scatter3A_1141, %scatter3A_1142] : memref<8x8x128xi32, #tpu.memory_space<vmem>> -> memref<1x8x128xi32, #tpu.memory_space<vmem>>
      %scatter3A_1144 = tpu.memref_squeeze %scatter3A_1143 : memref<1x8x128xi32, #tpu.memory_space<vmem>> -> memref<8x128xi32, #tpu.memory_space<vmem>>
      tpu.vector_store_idx %scatter3A_1144[%shift_right_arithmetic3A_1130, %and3A_1133], %add3A_1140 masked %lt3A_1113 : memref<8x128xi32, #tpu.memory_space<vmem>>[vector<16xi32>, vector<16xi32>], vector<16xi32>, vector<16xi1>
      %while3A_1145 = arith.constant 0 : i32
      scf.yield %while3A_1145 : i32
    }
    %while3A_391 = arith.constant 1 : i32
    %while3A_392 = scf.for %while3A_1104 = %while3A_388 to %while3A_384 step %while3A_391 iter_args(%while3A_1105 = %while3A_390) -> (i32)  : i32 {
      %mul3A_1106 = arith.constant 16 : i32
      %mul3A_1107 = arith.muli %while3A_1104, %mul3A_1106 : i32
      %add3A_1108 = arith.addi %scan3A_322, %mul3A_1107 : i32
      %iota3A = tpu.iota {dimensions = array<i32: 0>} : vector<16xi32>
      %add3A_1109 = vector.broadcast %add3A_1108 : i32 to vector<16xi32>
      %add3A_1110 = arith.addi %add3A_1109, %iota3A : vector<16xi32>
      %mul3A_1111 = arith.constant 128 : i32
      %mul3A_1112 = arith.muli %select_n3A_349, %mul3A_1111 : i32
      %lt3A = vector.broadcast %mul3A_1112 : i32 to vector<16xi32>
      %lt3A_1113 = arith.cmpi slt, %add3A_1110, %lt3A : vector<16xi32>
      %shift_right_arithmetic3A = arith.constant 7 : i32
      %shift_right_arithmetic3A_1114 = vector.broadcast %shift_right_arithmetic3A : i32 to vector<16xi32>
      %shift_right_arithmetic3A_1115 = arith.shrsi %add3A_1110, %shift_right_arithmetic3A_1114 : vector<16xi32>
      %and3A_1116 = arith.constant 127 : i32
      %and3A_1117 = vector.broadcast %and3A_1116 : i32 to vector<16xi32>
      %and3A_1118 = arith.andi %add3A_1110, %and3A_1117 : vector<16xi32>
      %iota3A_1119 = tpu.iota {dimensions = array<i32: 0>} : vector<16xi32>
      %mul3A_1120 = arith.constant 64 : i32
      %mul3A_1121 = vector.broadcast %mul3A_1120 : i32 to vector<16xi32>
      %mul3A_1122 = arith.muli %iota3A_1119, %mul3A_1121 : vector<16xi32>
      %add3A_1123 = vector.broadcast %mul3A_0 : i32 to vector<16xi32>
      %add3A_1124 = arith.addi %add3A_1123, %mul3A_1122 : vector<16xi32>
      %scatter3A = arith.constant 0 : i32
      %scatter3A_1125 = arith.constant 0 : i32
      %scatter3A_1126 = tpu.memref_slice %arg7[%while3A_379, %scatter3A, %scatter3A_1125] : memref<8x8x128xi32, #tpu.memory_space<vmem>> -> memref<1x8x128xi32, #tpu.memory_space<vmem>>
      %scatter3A_1127 = tpu.memref_squeeze %scatter3A_1126 : memref<1x8x128xi32, #tpu.memory_space<vmem>> -> memref<8x128xi32, #tpu.memory_space<vmem>>
      tpu.vector_store_idx %scatter3A_1127[%shift_right_arithmetic3A_1115, %and3A_1118], %add3A_1124 masked %lt3A_1113 : memref<8x128xi32, #tpu.memory_space<vmem>>[vector<16xi32>, vector<16xi32>], vector<16xi32>, vector<16xi1>
      %shift_right_arithmetic3A_1128 = arith.constant 7 : i32
      %shift_right_arithmetic3A_1129 = vector.broadcast %shift_right_arithmetic3A_1128 : i32 to vector<16xi32>
      %shift_right_arithmetic3A_1130 = arith.shrsi %add3A_1110, %shift_right_arithmetic3A_1129 : vector<16xi32>
      %and3A_1131 = arith.constant 127 : i32
      %and3A_1132 = vector.broadcast %and3A_1131 : i32 to vector<16xi32>
      %and3A_1133 = arith.andi %add3A_1110, %and3A_1132 : vector<16xi32>
      %iota3A_1134 = tpu.iota {dimensions = array<i32: 0>} : vector<16xi32>
      %and3A_1135 = arith.constant 7 : i32
      %and3A_1136 = vector.broadcast %and3A_1135 : i32 to vector<16xi32>
      %and3A_1137 = arith.andi %iota3A_1134, %and3A_1136 : vector<16xi32>
      %add3A_1138 = arith.constant 4096 : i32
      %add3A_1139 = vector.broadcast %add3A_1138 : i32 to vector<16xi32>
      %add3A_1140 = arith.addi %add3A_1139, %and3A_1137 : vector<16xi32>
      %scatter3A_1141 = arith.constant 0 : i32
      %scatter3A_1142 = arith.constant 0 : i32
      %scatter3A_1143 = tpu.memref_slice %arg8[%while3A_380, %scatter3A_1141, %scatter3A_1142] : memref<8x8x128xi32, #tpu.memory_space<vmem>> -> memref<1x8x128xi32, #tpu.memory_space<vmem>>
      %scatter3A_1144 = tpu.memref_squeeze %scatter3A_1143 : memref<1x8x128xi32, #tpu.memory_space<vmem>> -> memref<8x128xi32, #tpu.memory_space<vmem>>
      tpu.vector_store_idx %scatter3A_1144[%shift_right_arithmetic3A_1130, %and3A_1133], %add3A_1140 masked %lt3A_1113 : memref<8x128xi32, #tpu.memory_space<vmem>>[vector<16xi32>, vector<16xi32>], vector<16xi32>, vector<16xi1>
      %while3A_1145 = arith.constant 0 : i32
      scf.yield %while3A_1145 : i32
    }
    %dma_wait3A_393 = arith.constant 0 : i32
    %dma_wait3A_394 = tpu.memref_slice %arg12[%mul3A_20, %dma_wait3A_393] : memref<4104x128xf32, #tpu.memory_space<vmem_shared>> -> memref<256x128xf32, #tpu.memory_space<vmem_shared>>
    %dma_wait3A_395 = arith.constant 0 : i32
    %dma_wait3A_396 = tpu.memref_slice %arg2[%add3A_18, %dma_wait3A_395] : memref<65536x128xf32, #tpu.memory_space<hbm>> -> memref<256x128xf32, #tpu.memory_space<hbm>>
    tpu.wait_dma2 semaphore(%arg14 : memref<!tpu.dma_semaphore, #tpu.memory_space<semaphore_mem>>) src(%dma_wait3A_396 : memref<256x128xf32, #tpu.memory_space<hbm>>) dst(%dma_wait3A_394 : memref<256x128xf32, #tpu.memory_space<vmem_shared>>)
    %barrier3A_397 = arith.constant 0 : index
    tpu.barrier barrier_id(%barrier3A_397)
    %gt3A_398 = arith.constant 0 : i32
    %gt3A_399 = arith.cmpi sgt, %select_n3A_135, %gt3A_398 : i32
    %convert_element_type3A_400 = arith.extui %gt3A_399 : i1 to i32
    %cond3A_401 = arith.constant 0 : i32
    %cond3A_402 = arith.cmpi ne, %convert_element_type3A_400, %cond3A_401 : i32
    scf.if %cond3A_402 {
      %dma_wait3A_1104 = arith.constant 1 : i32
      %dma_wait3A_1105 = arith.constant 0 : i32
      %dma_wait3A_1106 = arith.constant 0 : i32
      %dma_wait3A_1107 = arith.constant 0 : i32
      %dma_wait3A_1108 = tpu.memref_slice %arg7[%dma_wait3A_1104, %dma_wait3A_1106, %dma_wait3A_1107] : memref<8x8x128xi32, #tpu.memory_space<vmem>> -> memref<1x8x128xi32, #tpu.memory_space<vmem>>
      %dma_wait3A_1109 = tpu.memref_squeeze %dma_wait3A_1108 : memref<1x8x128xi32, #tpu.memory_space<vmem>> -> memref<8x128xi32, #tpu.memory_space<vmem>>
      %dma_wait3A_1110 = arith.constant 0 : i32
      %dma_wait3A_1111 = tpu.memref_slice %dma_wait3A_1109[%dma_wait3A_1105, %dma_wait3A_1110] : memref<8x128xi32, #tpu.memory_space<vmem>> -> memref<1x128xi32, #tpu.memory_space<vmem>>
      %dma_wait3A_1112 = tpu.memref_squeeze %dma_wait3A_1111 : memref<1x128xi32, #tpu.memory_space<vmem>> -> memref<128xi32, #tpu.memory_space<vmem>>
      %dma_wait3A_1113 = arith.constant 0 : i32
      %dma_wait3A_1114 = arith.constant 0 : i32
      %dma_wait3A_1115 = tpu.memref_slice %arg3[%dma_wait3A_1113, %dma_wait3A_1114] : memref<16384x128xf32, #tpu.memory_space<hbm>> -> memref<16384x128xf32, #tpu.memory_space<hbm>>
      tpu.wait_indirect_dma semaphore(%arg18 : memref<!tpu.dma_semaphore, #tpu.memory_space<semaphore_mem>>) src(%dma_wait3A_1115 : memref<16384x128xf32, #tpu.memory_space<hbm>>) dst(%arg10 : memref<128x128xf32, #tpu.memory_space<vmem>>)
      %run_scoped3A = arith.constant 1 : i32
      %run_scoped3A_1116 = arith.constant 0 : i32
      "tpu.region"() ({
        %run_scoped3A_1117 = tpu.sem_alloc : memref<!tpu.dma_semaphore, #tpu.memory_space<semaphore_mem>>
        %dma_start3A_1118 = arith.constant 0 : i32
        %dma_start3A_1119 = arith.constant 0 : i32
        %dma_start3A_1120 = tpu.memref_slice %arg8[%run_scoped3A, %dma_start3A_1118, %dma_start3A_1119] : memref<8x8x128xi32, #tpu.memory_space<vmem>> -> memref<1x8x128xi32, #tpu.memory_space<vmem>>
        %dma_start3A_1121 = tpu.memref_squeeze %dma_start3A_1120 : memref<1x8x128xi32, #tpu.memory_space<vmem>> -> memref<8x128xi32, #tpu.memory_space<vmem>>
        %dma_start3A_1122 = arith.constant 0 : i32
        %dma_start3A_1123 = tpu.memref_slice %dma_start3A_1121[%run_scoped3A_1116, %dma_start3A_1122] : memref<8x128xi32, #tpu.memory_space<vmem>> -> memref<1x128xi32, #tpu.memory_space<vmem>>
        %dma_start3A_1124 = tpu.memref_squeeze %dma_start3A_1123 : memref<1x128xi32, #tpu.memory_space<vmem>> -> memref<128xi32, #tpu.memory_space<vmem>>
        %dma_start3A_1125 = arith.constant 0 : i32
        %dma_start3A_1126 = arith.constant 0 : i32
        %dma_start3A_1127 = tpu.memref_slice %arg12[%dma_start3A_1125, %dma_start3A_1126] : memref<4104x128xf32, #tpu.memory_space<vmem_shared>> -> memref<4104x128xf32, #tpu.memory_space<vmem_shared>>
        tpu.enqueue_indirect_dma source(%arg10 : memref<128x128xf32, #tpu.memory_space<vmem>>) target(%dma_start3A_1127 : memref<4104x128xf32, #tpu.memory_space<vmem_shared>>) offsets(%dma_start3A_1124 : memref<128xi32, #tpu.memory_space<vmem>>) semaphore(%run_scoped3A_1117 : memref<!tpu.dma_semaphore, #tpu.memory_space<semaphore_mem>>) {add = true}
        %dma_wait3A_1128 = arith.constant 0 : i32
        %dma_wait3A_1129 = arith.constant 0 : i32
        %dma_wait3A_1130 = tpu.memref_slice %arg8[%run_scoped3A, %dma_wait3A_1128, %dma_wait3A_1129] : memref<8x8x128xi32, #tpu.memory_space<vmem>> -> memref<1x8x128xi32, #tpu.memory_space<vmem>>
        %dma_wait3A_1131 = tpu.memref_squeeze %dma_wait3A_1130 : memref<1x8x128xi32, #tpu.memory_space<vmem>> -> memref<8x128xi32, #tpu.memory_space<vmem>>
        %dma_wait3A_1132 = arith.constant 0 : i32
        %dma_wait3A_1133 = tpu.memref_slice %dma_wait3A_1131[%run_scoped3A_1116, %dma_wait3A_1132] : memref<8x128xi32, #tpu.memory_space<vmem>> -> memref<1x128xi32, #tpu.memory_space<vmem>>
        %dma_wait3A_1134 = tpu.memref_squeeze %dma_wait3A_1133 : memref<1x128xi32, #tpu.memory_space<vmem>> -> memref<128xi32, #tpu.memory_space<vmem>>
        %dma_wait3A_1135 = arith.constant 0 : i32
        %dma_wait3A_1136 = arith.constant 0 : i32
        %dma_wait3A_1137 = tpu.memref_slice %arg12[%dma_wait3A_1135, %dma_wait3A_1136] : memref<4104x128xf32, #tpu.memory_space<vmem_shared>> -> memref<4104x128xf32, #tpu.memory_space<vmem_shared>>
        tpu.wait_indirect_dma semaphore(%run_scoped3A_1117 : memref<!tpu.dma_semaphore, #tpu.memory_space<semaphore_mem>>) src(%arg10 : memref<128x128xf32, #tpu.memory_space<vmem>>) dst(%dma_wait3A_1137 : memref<4104x128xf32, #tpu.memory_space<vmem_shared>>)
        tpu.yield
      }) : () -> ()
    } else {
    }
    %while3A_403 = arith.constant 1 : i32
    %while3A_404 = arith.constant 0 : i32
    %while3A_405 = arith.subi %select_n3A_135, %while3A_403 : i32
    %while3A_406 = arith.addi %while3A_403, %while3A_405 : i32
    %while3A_407 = arith.constant 1 : i32
    %while3A_408 = arith.divsi %while3A_405, %while3A_407 : i32
    %while3A_409 = arith.muli %while3A_408, %while3A_407 : i32
    %while3A_410 = arith.addi %while3A_403, %while3A_409 : i32
    %while3A_411 = arith.constant 1 : i32
    %while3A_412 = scf.for %while3A_1104 = %while3A_403 to %while3A_410 step %while3A_411 iter_args(%while3A_1105 = %while3A_404) -> (i32)  : i32 {
      %dma_start3A_1106 = arith.constant 1 : i32
      %dma_start3A_1107 = arith.constant 0 : i32
      %dma_start3A_1108 = arith.constant 0 : i32
      %dma_start3A_1109 = tpu.memref_slice %arg7[%dma_start3A_1106, %dma_start3A_1107, %dma_start3A_1108] : memref<8x8x128xi32, #tpu.memory_space<vmem>> -> memref<1x8x128xi32, #tpu.memory_space<vmem>>
      %dma_start3A_1110 = tpu.memref_squeeze %dma_start3A_1109 : memref<1x8x128xi32, #tpu.memory_space<vmem>> -> memref<8x128xi32, #tpu.memory_space<vmem>>
      %dma_start3A_1111 = arith.constant 0 : i32
      %dma_start3A_1112 = tpu.memref_slice %dma_start3A_1110[%while3A_1104, %dma_start3A_1111] : memref<8x128xi32, #tpu.memory_space<vmem>> -> memref<1x128xi32, #tpu.memory_space<vmem>>
      %dma_start3A_1113 = tpu.memref_squeeze %dma_start3A_1112 : memref<1x128xi32, #tpu.memory_space<vmem>> -> memref<128xi32, #tpu.memory_space<vmem>>
      %dma_start3A_1114 = arith.constant 0 : i32
      %dma_start3A_1115 = arith.constant 0 : i32
      %dma_start3A_1116 = tpu.memref_slice %arg3[%dma_start3A_1114, %dma_start3A_1115] : memref<16384x128xf32, #tpu.memory_space<hbm>> -> memref<16384x128xf32, #tpu.memory_space<hbm>>
      tpu.enqueue_indirect_dma source(%dma_start3A_1116 : memref<16384x128xf32, #tpu.memory_space<hbm>>) target(%arg10 : memref<128x128xf32, #tpu.memory_space<vmem>>) offsets(%dma_start3A_1113 : memref<128xi32, #tpu.memory_space<vmem>>) semaphore(%arg19 : memref<!tpu.dma_semaphore, #tpu.memory_space<semaphore_mem>>)
      %dma_wait3A_1117 = arith.constant 1 : i32
      %dma_wait3A_1118 = arith.constant 0 : i32
      %dma_wait3A_1119 = arith.constant 0 : i32
      %dma_wait3A_1120 = tpu.memref_slice %arg7[%dma_wait3A_1117, %dma_wait3A_1118, %dma_wait3A_1119] : memref<8x8x128xi32, #tpu.memory_space<vmem>> -> memref<1x8x128xi32, #tpu.memory_space<vmem>>
      %dma_wait3A_1121 = tpu.memref_squeeze %dma_wait3A_1120 : memref<1x8x128xi32, #tpu.memory_space<vmem>> -> memref<8x128xi32, #tpu.memory_space<vmem>>
      %dma_wait3A_1122 = arith.constant 0 : i32
      %dma_wait3A_1123 = tpu.memref_slice %dma_wait3A_1121[%while3A_1104, %dma_wait3A_1122] : memref<8x128xi32, #tpu.memory_space<vmem>> -> memref<1x128xi32, #tpu.memory_space<vmem>>
      %dma_wait3A_1124 = tpu.memref_squeeze %dma_wait3A_1123 : memref<1x128xi32, #tpu.memory_space<vmem>> -> memref<128xi32, #tpu.memory_space<vmem>>
      %dma_wait3A_1125 = arith.constant 0 : i32
      %dma_wait3A_1126 = arith.constant 0 : i32
      %dma_wait3A_1127 = tpu.memref_slice %arg3[%dma_wait3A_1125, %dma_wait3A_1126] : memref<16384x128xf32, #tpu.memory_space<hbm>> -> memref<16384x128xf32, #tpu.memory_space<hbm>>
      tpu.wait_indirect_dma semaphore(%arg19 : memref<!tpu.dma_semaphore, #tpu.memory_space<semaphore_mem>>) src(%dma_wait3A_1127 : memref<16384x128xf32, #tpu.memory_space<hbm>>) dst(%arg10 : memref<128x128xf32, #tpu.memory_space<vmem>>)
      %run_scoped3A = arith.constant 1 : i32
      "tpu.region"() ({
        %run_scoped3A_1129 = tpu.sem_alloc : memref<!tpu.dma_semaphore, #tpu.memory_space<semaphore_mem>>
        %dma_start3A_1130 = arith.constant 0 : i32
        %dma_start3A_1131 = arith.constant 0 : i32
        %dma_start3A_1132 = tpu.memref_slice %arg8[%run_scoped3A, %dma_start3A_1130, %dma_start3A_1131] : memref<8x8x128xi32, #tpu.memory_space<vmem>> -> memref<1x8x128xi32, #tpu.memory_space<vmem>>
        %dma_start3A_1133 = tpu.memref_squeeze %dma_start3A_1132 : memref<1x8x128xi32, #tpu.memory_space<vmem>> -> memref<8x128xi32, #tpu.memory_space<vmem>>
        %dma_start3A_1134 = arith.constant 0 : i32
        %dma_start3A_1135 = tpu.memref_slice %dma_start3A_1133[%while3A_1104, %dma_start3A_1134] : memref<8x128xi32, #tpu.memory_space<vmem>> -> memref<1x128xi32, #tpu.memory_space<vmem>>
        %dma_start3A_1136 = tpu.memref_squeeze %dma_start3A_1135 : memref<1x128xi32, #tpu.memory_space<vmem>> -> memref<128xi32, #tpu.memory_space<vmem>>
        %dma_start3A_1137 = arith.constant 0 : i32
        %dma_start3A_1138 = arith.constant 0 : i32
        %dma_start3A_1139 = tpu.memref_slice %arg12[%dma_start3A_1137, %dma_start3A_1138] : memref<4104x128xf32, #tpu.memory_space<vmem_shared>> -> memref<4104x128xf32, #tpu.memory_space<vmem_shared>>
        tpu.enqueue_indirect_dma source(%arg10 : memref<128x128xf32, #tpu.memory_space<vmem>>) target(%dma_start3A_1139 : memref<4104x128xf32, #tpu.memory_space<vmem_shared>>) offsets(%dma_start3A_1136 : memref<128xi32, #tpu.memory_space<vmem>>) semaphore(%run_scoped3A_1129 : memref<!tpu.dma_semaphore, #tpu.memory_space<semaphore_mem>>) {add = true}
        %dma_wait3A_1140 = arith.constant 0 : i32
        %dma_wait3A_1141 = arith.constant 0 : i32
        %dma_wait3A_1142 = tpu.memref_slice %arg8[%run_scoped3A, %dma_wait3A_1140, %dma_wait3A_1141] : memref<8x8x128xi32, #tpu.memory_space<vmem>> -> memref<1x8x128xi32, #tpu.memory_space<vmem>>
        %dma_wait3A_1143 = tpu.memref_squeeze %dma_wait3A_1142 : memref<1x8x128xi32, #tpu.memory_space<vmem>> -> memref<8x128xi32, #tpu.memory_space<vmem>>
        %dma_wait3A_1144 = arith.constant 0 : i32
        %dma_wait3A_1145 = tpu.memref_slice %dma_wait3A_1143[%while3A_1104, %dma_wait3A_1144] : memref<8x128xi32, #tpu.memory_space<vmem>> -> memref<1x128xi32, #tpu.memory_space<vmem>>
        %dma_wait3A_1146 = tpu.memref_squeeze %dma_wait3A_1145 : memref<1x128xi32, #tpu.memory_space<vmem>> -> memref<128xi32, #tpu.memory_space<vmem>>
        %dma_wait3A_1147 = arith.constant 0 : i32
        %dma_wait3A_1148 = arith.constant 0 : i32
        %dma_wait3A_1149 = tpu.memref_slice %arg12[%dma_wait3A_1147, %dma_wait3A_1148] : memref<4104x128xf32, #tpu.memory_space<vmem_shared>> -> memref<4104x128xf32, #tpu.memory_space<vmem_shared>>
        tpu.wait_indirect_dma semaphore(%run_scoped3A_1129 : memref<!tpu.dma_semaphore, #tpu.memory_space<semaphore_mem>>) src(%arg10 : memref<128x128xf32, #tpu.memory_space<vmem>>) dst(%dma_wait3A_1149 : memref<4104x128xf32, #tpu.memory_space<vmem_shared>>)
        tpu.yield
      }) : () -> ()
      %while3A_1128 = arith.constant 0 : i32
      scf.yield %while3A_1128 : i32
    }
    %while3A_413 = arith.constant 1 : i32
    %while3A_414 = scf.for %while3A_1104 = %while3A_410 to %while3A_406 step %while3A_413 iter_args(%while3A_1105 = %while3A_412) -> (i32)  : i32 {
      %dma_start3A_1106 = arith.constant 1 : i32
      %dma_start3A_1107 = arith.constant 0 : i32
      %dma_start3A_1108 = arith.constant 0 : i32
      %dma_start3A_1109 = tpu.memref_slice %arg7[%dma_start3A_1106, %dma_start3A_1107, %dma_start3A_1108] : memref<8x8x128xi32, #tpu.memory_space<vmem>> -> memref<1x8x128xi32, #tpu.memory_space<vmem>>
      %dma_start3A_1110 = tpu.memref_squeeze %dma_start3A_1109 : memref<1x8x128xi32, #tpu.memory_space<vmem>> -> memref<8x128xi32, #tpu.memory_space<vmem>>
      %dma_start3A_1111 = arith.constant 0 : i32
      %dma_start3A_1112 = tpu.memref_slice %dma_start3A_1110[%while3A_1104, %dma_start3A_1111] : memref<8x128xi32, #tpu.memory_space<vmem>> -> memref<1x128xi32, #tpu.memory_space<vmem>>
      %dma_start3A_1113 = tpu.memref_squeeze %dma_start3A_1112 : memref<1x128xi32, #tpu.memory_space<vmem>> -> memref<128xi32, #tpu.memory_space<vmem>>
      %dma_start3A_1114 = arith.constant 0 : i32
      %dma_start3A_1115 = arith.constant 0 : i32
      %dma_start3A_1116 = tpu.memref_slice %arg3[%dma_start3A_1114, %dma_start3A_1115] : memref<16384x128xf32, #tpu.memory_space<hbm>> -> memref<16384x128xf32, #tpu.memory_space<hbm>>
      tpu.enqueue_indirect_dma source(%dma_start3A_1116 : memref<16384x128xf32, #tpu.memory_space<hbm>>) target(%arg10 : memref<128x128xf32, #tpu.memory_space<vmem>>) offsets(%dma_start3A_1113 : memref<128xi32, #tpu.memory_space<vmem>>) semaphore(%arg19 : memref<!tpu.dma_semaphore, #tpu.memory_space<semaphore_mem>>)
      %dma_wait3A_1117 = arith.constant 1 : i32
      %dma_wait3A_1118 = arith.constant 0 : i32
      %dma_wait3A_1119 = arith.constant 0 : i32
      %dma_wait3A_1120 = tpu.memref_slice %arg7[%dma_wait3A_1117, %dma_wait3A_1118, %dma_wait3A_1119] : memref<8x8x128xi32, #tpu.memory_space<vmem>> -> memref<1x8x128xi32, #tpu.memory_space<vmem>>
      %dma_wait3A_1121 = tpu.memref_squeeze %dma_wait3A_1120 : memref<1x8x128xi32, #tpu.memory_space<vmem>> -> memref<8x128xi32, #tpu.memory_space<vmem>>
      %dma_wait3A_1122 = arith.constant 0 : i32
      %dma_wait3A_1123 = tpu.memref_slice %dma_wait3A_1121[%while3A_1104, %dma_wait3A_1122] : memref<8x128xi32, #tpu.memory_space<vmem>> -> memref<1x128xi32, #tpu.memory_space<vmem>>
      %dma_wait3A_1124 = tpu.memref_squeeze %dma_wait3A_1123 : memref<1x128xi32, #tpu.memory_space<vmem>> -> memref<128xi32, #tpu.memory_space<vmem>>
      %dma_wait3A_1125 = arith.constant 0 : i32
      %dma_wait3A_1126 = arith.constant 0 : i32
      %dma_wait3A_1127 = tpu.memref_slice %arg3[%dma_wait3A_1125, %dma_wait3A_1126] : memref<16384x128xf32, #tpu.memory_space<hbm>> -> memref<16384x128xf32, #tpu.memory_space<hbm>>
      tpu.wait_indirect_dma semaphore(%arg19 : memref<!tpu.dma_semaphore, #tpu.memory_space<semaphore_mem>>) src(%dma_wait3A_1127 : memref<16384x128xf32, #tpu.memory_space<hbm>>) dst(%arg10 : memref<128x128xf32, #tpu.memory_space<vmem>>)
      %run_scoped3A = arith.constant 1 : i32
      "tpu.region"() ({
        %run_scoped3A_1129 = tpu.sem_alloc : memref<!tpu.dma_semaphore, #tpu.memory_space<semaphore_mem>>
        %dma_start3A_1130 = arith.constant 0 : i32
        %dma_start3A_1131 = arith.constant 0 : i32
        %dma_start3A_1132 = tpu.memref_slice %arg8[%run_scoped3A, %dma_start3A_1130, %dma_start3A_1131] : memref<8x8x128xi32, #tpu.memory_space<vmem>> -> memref<1x8x128xi32, #tpu.memory_space<vmem>>
        %dma_start3A_1133 = tpu.memref_squeeze %dma_start3A_1132 : memref<1x8x128xi32, #tpu.memory_space<vmem>> -> memref<8x128xi32, #tpu.memory_space<vmem>>
        %dma_start3A_1134 = arith.constant 0 : i32
        %dma_start3A_1135 = tpu.memref_slice %dma_start3A_1133[%while3A_1104, %dma_start3A_1134] : memref<8x128xi32, #tpu.memory_space<vmem>> -> memref<1x128xi32, #tpu.memory_space<vmem>>
        %dma_start3A_1136 = tpu.memref_squeeze %dma_start3A_1135 : memref<1x128xi32, #tpu.memory_space<vmem>> -> memref<128xi32, #tpu.memory_space<vmem>>
        %dma_start3A_1137 = arith.constant 0 : i32
        %dma_start3A_1138 = arith.constant 0 : i32
        %dma_start3A_1139 = tpu.memref_slice %arg12[%dma_start3A_1137, %dma_start3A_1138] : memref<4104x128xf32, #tpu.memory_space<vmem_shared>> -> memref<4104x128xf32, #tpu.memory_space<vmem_shared>>
        tpu.enqueue_indirect_dma source(%arg10 : memref<128x128xf32, #tpu.memory_space<vmem>>) target(%dma_start3A_1139 : memref<4104x128xf32, #tpu.memory_space<vmem_shared>>) offsets(%dma_start3A_1136 : memref<128xi32, #tpu.memory_space<vmem>>) semaphore(%run_scoped3A_1129 : memref<!tpu.dma_semaphore, #tpu.memory_space<semaphore_mem>>) {add = true}
        %dma_wait3A_1140 = arith.constant 0 : i32
        %dma_wait3A_1141 = arith.constant 0 : i32
        %dma_wait3A_1142 = tpu.memref_slice %arg8[%run_scoped3A, %dma_wait3A_1140, %dma_wait3A_1141] : memref<8x8x128xi32, #tpu.memory_space<vmem>> -> memref<1x8x128xi32, #tpu.memory_space<vmem>>
        %dma_wait3A_1143 = tpu.memref_squeeze %dma_wait3A_1142 : memref<1x8x128xi32, #tpu.memory_space<vmem>> -> memref<8x128xi32, #tpu.memory_space<vmem>>
        %dma_wait3A_1144 = arith.constant 0 : i32
        %dma_wait3A_1145 = tpu.memref_slice %dma_wait3A_1143[%while3A_1104, %dma_wait3A_1144] : memref<8x128xi32, #tpu.memory_space<vmem>> -> memref<1x128xi32, #tpu.memory_space<vmem>>
        %dma_wait3A_1146 = tpu.memref_squeeze %dma_wait3A_1145 : memref<1x128xi32, #tpu.memory_space<vmem>> -> memref<128xi32, #tpu.memory_space<vmem>>
        %dma_wait3A_1147 = arith.constant 0 : i32
        %dma_wait3A_1148 = arith.constant 0 : i32
        %dma_wait3A_1149 = tpu.memref_slice %arg12[%dma_wait3A_1147, %dma_wait3A_1148] : memref<4104x128xf32, #tpu.memory_space<vmem_shared>> -> memref<4104x128xf32, #tpu.memory_space<vmem_shared>>
        tpu.wait_indirect_dma semaphore(%run_scoped3A_1129 : memref<!tpu.dma_semaphore, #tpu.memory_space<semaphore_mem>>) src(%arg10 : memref<128x128xf32, #tpu.memory_space<vmem>>) dst(%dma_wait3A_1149 : memref<4104x128xf32, #tpu.memory_space<vmem_shared>>)
        tpu.yield
      }) : () -> ()
      %while3A_1128 = arith.constant 0 : i32
      scf.yield %while3A_1128 : i32
    }
    %barrier3A_415 = arith.constant 0 : index
    tpu.barrier barrier_id(%barrier3A_415)
    %dma_wait3A_416 = arith.constant 0 : i32
    %dma_wait3A_417 = tpu.memref_slice %arg5[%add3A_297, %dma_wait3A_416] : memref<65536x128xf32, #tpu.memory_space<hbm>> -> memref<256x128xf32, #tpu.memory_space<hbm>>
    %dma_wait3A_418 = arith.constant 0 : i32
    %dma_wait3A_419 = tpu.memref_slice %arg11[%mul3A_294, %dma_wait3A_418] : memref<4104x128xf32, #tpu.memory_space<vmem_shared>> -> memref<256x128xf32, #tpu.memory_space<vmem_shared>>
    tpu.wait_dma2 semaphore(%arg15 : memref<!tpu.dma_semaphore, #tpu.memory_space<semaphore_mem>>) src(%dma_wait3A_419 : memref<256x128xf32, #tpu.memory_space<vmem_shared>>) dst(%dma_wait3A_417 : memref<256x128xf32, #tpu.memory_space<hbm>>)
    %mul3A_420 = arith.constant 32768 : i32
    %mul3A_421 = arith.muli %arg0, %mul3A_420 : i32
    %add3A_422 = arith.constant 8192 : i32
    %add3A_423 = arith.addi %mul3A_421, %add3A_422 : i32
    %mul3A_424 = arith.constant 256 : i32
    %mul3A_425 = arith.muli %arg1, %mul3A_424 : i32
    %add3A_426 = arith.addi %add3A_423, %mul3A_425 : i32
    %mul3A_427 = arith.constant 256 : i32
    %mul3A_428 = arith.muli %arg1, %mul3A_427 : i32
    %dma_start3A_429 = arith.constant 0 : i32
    %dma_start3A_430 = tpu.memref_slice %arg11[%mul3A_428, %dma_start3A_429] : memref<4104x128xf32, #tpu.memory_space<vmem_shared>> -> memref<256x128xf32, #tpu.memory_space<vmem_shared>>
    %dma_start3A_431 = arith.constant 0 : i32
    %dma_start3A_432 = tpu.memref_slice %arg2[%add3A_426, %dma_start3A_431] : memref<65536x128xf32, #tpu.memory_space<hbm>> -> memref<256x128xf32, #tpu.memory_space<hbm>>
    tpu.enqueue_dma source(%dma_start3A_432 : memref<256x128xf32, #tpu.memory_space<hbm>>) target(%dma_start3A_430 : memref<256x128xf32, #tpu.memory_space<vmem_shared>>) target_semaphore(%arg13 : memref<!tpu.dma_semaphore, #tpu.memory_space<semaphore_mem>>)
    %mul3A_433 = arith.constant 256 : i32
    %mul3A_434 = arith.muli %arg1, %mul3A_433 : i32
    %mul3A_435 = arith.constant 256 : i32
    %mul3A_436 = arith.muli %arg1, %mul3A_435 : i32
    %add3A_437 = arith.addi %add3A_305, %mul3A_436 : i32
    %dma_start3A_438 = arith.constant 0 : i32
    %dma_start3A_439 = tpu.memref_slice %arg5[%add3A_437, %dma_start3A_438] : memref<65536x128xf32, #tpu.memory_space<hbm>> -> memref<256x128xf32, #tpu.memory_space<hbm>>
    %dma_start3A_440 = arith.constant 0 : i32
    %dma_start3A_441 = tpu.memref_slice %arg12[%mul3A_434, %dma_start3A_440] : memref<4104x128xf32, #tpu.memory_space<vmem_shared>> -> memref<256x128xf32, #tpu.memory_space<vmem_shared>>
    tpu.enqueue_dma source(%dma_start3A_441 : memref<256x128xf32, #tpu.memory_space<vmem_shared>>) target(%dma_start3A_439 : memref<256x128xf32, #tpu.memory_space<hbm>>) target_semaphore(%arg16 : memref<!tpu.dma_semaphore, #tpu.memory_space<semaphore_mem>>)
    %mul3A_442 = arith.constant 32768 : i32
    %mul3A_443 = arith.muli %arg0, %mul3A_442 : i32
    %add3A_444 = arith.constant 8192 : i32
    %add3A_445 = arith.addi %mul3A_443, %add3A_444 : i32
    %gt3A_446 = arith.constant 0 : i32
    %gt3A_447 = arith.cmpi sgt, %select_n3A_349, %gt3A_446 : i32
    %convert_element_type3A_448 = arith.extui %gt3A_447 : i1 to i32
    %cond3A_449 = arith.constant 0 : i32
    %cond3A_450 = arith.cmpi ne, %convert_element_type3A_448, %cond3A_449 : i32
    scf.if %cond3A_450 {
      %dma_start3A_1104 = arith.constant 3 : i32
      %dma_start3A_1105 = arith.constant 0 : i32
      %dma_start3A_1106 = arith.constant 0 : i32
      %dma_start3A_1107 = arith.constant 0 : i32
      %dma_start3A_1108 = tpu.memref_slice %arg7[%dma_start3A_1104, %dma_start3A_1106, %dma_start3A_1107] : memref<8x8x128xi32, #tpu.memory_space<vmem>> -> memref<1x8x128xi32, #tpu.memory_space<vmem>>
      %dma_start3A_1109 = tpu.memref_squeeze %dma_start3A_1108 : memref<1x8x128xi32, #tpu.memory_space<vmem>> -> memref<8x128xi32, #tpu.memory_space<vmem>>
      %dma_start3A_1110 = arith.constant 0 : i32
      %dma_start3A_1111 = tpu.memref_slice %dma_start3A_1109[%dma_start3A_1105, %dma_start3A_1110] : memref<8x128xi32, #tpu.memory_space<vmem>> -> memref<1x128xi32, #tpu.memory_space<vmem>>
      %dma_start3A_1112 = tpu.memref_squeeze %dma_start3A_1111 : memref<1x128xi32, #tpu.memory_space<vmem>> -> memref<128xi32, #tpu.memory_space<vmem>>
      %dma_start3A_1113 = arith.constant 0 : i32
      %dma_start3A_1114 = arith.constant 0 : i32
      %dma_start3A_1115 = tpu.memref_slice %arg3[%dma_start3A_1113, %dma_start3A_1114] : memref<16384x128xf32, #tpu.memory_space<hbm>> -> memref<16384x128xf32, #tpu.memory_space<hbm>>
      tpu.enqueue_indirect_dma source(%dma_start3A_1115 : memref<16384x128xf32, #tpu.memory_space<hbm>>) target(%arg10 : memref<128x128xf32, #tpu.memory_space<vmem>>) offsets(%dma_start3A_1112 : memref<128xi32, #tpu.memory_space<vmem>>) semaphore(%arg18 : memref<!tpu.dma_semaphore, #tpu.memory_space<semaphore_mem>>)
    } else {
    }
    %mul3A_451 = arith.constant 32768 : i32
    %mul3A_452 = arith.muli %arg0, %mul3A_451 : i32
    %add3A_453 = arith.constant 16384 : i32
    %add3A_454 = arith.addi %mul3A_452, %add3A_453 : i32
    %scan3A_455 = arith.constant 4 : i32
    %scan3A_456 = arith.constant 4 : i32
    %scan3A_457 = arith.constant 0 : i32
    %scan3A_458 = arith.constant 0 : i32
    %scan3A_459 = arith.constant 64 : i32
    %scan3A_460 = arith.addi %scan3A_458, %scan3A_459 : i32
    %scan3A_461 = arith.constant 1 : i32
    %scan3A_462 = scf.for %scan3A_1104 = %scan3A_458 to %scan3A_460 step %scan3A_461 iter_args(%scan3A_1105 = %scan3A_457) -> (i32)  : i32 {
      %mul3A_1106 = arith.constant 16 : i32
      %mul3A_1107 = arith.muli %scan3A_1104, %mul3A_1106 : i32
      %get3A = arith.index_cast %mul3A_1107 : i32 to index
      %get3A_1108 = tpu.vector_load %arg6[%get3A] {strides = array<i32>} : memref<1024xi32, #tpu.memory_space<vmem>>, vector<16xi32>,
      %sub3A_1109 = vector.broadcast %add3A_454 : i32 to vector<16xi32>
      %sub3A_1110 = arith.subi %get3A_1108, %sub3A_1109 : vector<16xi32>
      %ge3A = arith.constant 0 : i32
      %ge3A_1111 = vector.broadcast %ge3A : i32 to vector<16xi32>
      %ge3A_1112 = arith.cmpi sge, %sub3A_1110, %ge3A_1111 : vector<16xi32>
      %lt3A = arith.constant 4096 : i32
      %lt3A_1113 = vector.broadcast %lt3A : i32 to vector<16xi32>
      %lt3A_1114 = arith.cmpi slt, %sub3A_1110, %lt3A_1113 : vector<16xi32>
      %and3A_1115 = arith.andi %ge3A_1112, %lt3A_1114 : vector<16xi1>
      %mul3A_1116 = arith.constant 16 : i32
      %mul3A_1117 = arith.muli %scan3A_1104, %mul3A_1116 : i32
      %add3A_1118 = arith.addi %mul3A_0, %mul3A_1117 : i32
      %iota3A = tpu.iota {dimensions = array<i32: 0>} : vector<16xi32>
      %add3A_1119 = vector.broadcast %add3A_1118 : i32 to vector<16xi32>
      %add3A_1120 = arith.addi %add3A_1119, %iota3A : vector<16xi32>
      %jit3A_1121 = arith.constant 1 : i32
      %jit3A_1122 = arith.constant 0 : i32
      %broadcast_in_dim3A = vector.broadcast %jit3A_1121 : i32 to vector<16xi32>
      %broadcast_in_dim3A_1123 = vector.broadcast %jit3A_1122 : i32 to vector<16xi32>
      %select_n3A_1124 = arith.select %and3A_1115, %broadcast_in_dim3A, %broadcast_in_dim3A_1123 : vector<16xi1>, vector<16xi32>
      %broadcast_in_dim3A_1125 = arith.constant true
      %broadcast_in_dim3A_1126 = vector.broadcast %broadcast_in_dim3A_1125 : i1 to vector<16xi1>
      %masked_cumsum3A = tpu.scan <sum>, %select_n3A_1124 masked %broadcast_in_dim3A_1126 : vector<16xi32>, vector<16xi1> -> vector<16xi32>
      %add3A_1127 = vector.broadcast %scan3A_1105 : i32 to vector<16xi32>
      %add3A_1128 = arith.addi %add3A_1127, %masked_cumsum3A : vector<16xi32>
      %sub3A_1129 = arith.constant 1 : i32
      %sub3A_1130 = vector.broadcast %sub3A_1129 : i32 to vector<16xi32>
      %sub3A_1131 = arith.subi %add3A_1128, %sub3A_1130 : vector<16xi32>
      %shift_right_arithmetic3A = arith.constant 7 : i32
      %shift_right_arithmetic3A_1132 = vector.broadcast %shift_right_arithmetic3A : i32 to vector<16xi32>
      %shift_right_arithmetic3A_1133 = arith.shrsi %sub3A_1131, %shift_right_arithmetic3A_1132 : vector<16xi32>
      %and3A_1134 = arith.constant 127 : i32
      %and3A_1135 = vector.broadcast %and3A_1134 : i32 to vector<16xi32>
      %and3A_1136 = arith.andi %sub3A_1131, %and3A_1135 : vector<16xi32>
      %scatter3A = arith.constant 0 : i32
      %scatter3A_1137 = arith.constant 0 : i32
      %scatter3A_1138 = tpu.memref_slice %arg7[%scan3A_455, %scatter3A, %scatter3A_1137] : memref<8x8x128xi32, #tpu.memory_space<vmem>> -> memref<1x8x128xi32, #tpu.memory_space<vmem>>
      %scatter3A_1139 = tpu.memref_squeeze %scatter3A_1138 : memref<1x8x128xi32, #tpu.memory_space<vmem>> -> memref<8x128xi32, #tpu.memory_space<vmem>>
      tpu.vector_store_idx %scatter3A_1139[%shift_right_arithmetic3A_1133, %and3A_1136], %add3A_1120 masked %and3A_1115 : memref<8x128xi32, #tpu.memory_space<vmem>>[vector<16xi32>, vector<16xi32>], vector<16xi32>, vector<16xi1>
      %shift_right_arithmetic3A_1140 = arith.constant 7 : i32
      %shift_right_arithmetic3A_1141 = vector.broadcast %shift_right_arithmetic3A_1140 : i32 to vector<16xi32>
      %shift_right_arithmetic3A_1142 = arith.shrsi %sub3A_1131, %shift_right_arithmetic3A_1141 : vector<16xi32>
      %and3A_1143 = arith.constant 127 : i32
      %and3A_1144 = vector.broadcast %and3A_1143 : i32 to vector<16xi32>
      %and3A_1145 = arith.andi %sub3A_1131, %and3A_1144 : vector<16xi32>
      %scatter3A_1146 = arith.constant 0 : i32
      %scatter3A_1147 = arith.constant 0 : i32
      %scatter3A_1148 = tpu.memref_slice %arg8[%scan3A_456, %scatter3A_1146, %scatter3A_1147] : memref<8x8x128xi32, #tpu.memory_space<vmem>> -> memref<1x8x128xi32, #tpu.memory_space<vmem>>
      %scatter3A_1149 = tpu.memref_squeeze %scatter3A_1148 : memref<1x8x128xi32, #tpu.memory_space<vmem>> -> memref<8x128xi32, #tpu.memory_space<vmem>>
      tpu.vector_store_idx %scatter3A_1149[%shift_right_arithmetic3A_1142, %and3A_1145], %sub3A_1110 masked %and3A_1115 : memref<8x128xi32, #tpu.memory_space<vmem>>[vector<16xi32>, vector<16xi32>], vector<16xi32>, vector<16xi1>
      %reduce_sum3A = arith.constant true
      %reduce_sum3A_1150 = vector.broadcast %reduce_sum3A : i1 to vector<16xi1>
      %reduce_sum3A_1151 = tpu.scan <sum>, %select_n3A_1124 masked %reduce_sum3A_1150 : vector<16xi32>, vector<16xi1> -> vector<16xi32>
      %reduce_sum3A_1152 = vector.extract %reduce_sum3A_1151[15] : i32 from vector<16xi32>
      %add3A_1153 = arith.addi %scan3A_1105, %reduce_sum3A_1152 : i32
      scf.yield %add3A_1153 : i32
    }
    %scan3A_463 = arith.constant 64 : i32
    %add3A_464 = arith.constant 127 : i32
    %add3A_465 = arith.addi %scan3A_462, %add3A_464 : i32
    %jit3A_466 = arith.constant 128 : i32
    %div3A_467 = arith.divsi %add3A_465, %jit3A_466 : i32
    %sign3A_468 = arith.constant 0 : i32
    %sign3A_469 = arith.cmpi sgt, %add3A_465, %sign3A_468 : i32
    %sign3A_470 = arith.extui %sign3A_469 : i1 to i32
    %sign3A_471 = arith.constant 0 : i32
    %sign3A_472 = arith.cmpi slt, %add3A_465, %sign3A_471 : i32
    %sign3A_473 = arith.extui %sign3A_472 : i1 to i32
    %sign3A_474 = arith.subi %sign3A_470, %sign3A_473 : i32
    %sign3A_475 = arith.constant 0 : i32
    %sign3A_476 = arith.cmpi sgt, %jit3A_466, %sign3A_475 : i32
    %sign3A_477 = arith.extui %sign3A_476 : i1 to i32
    %sign3A_478 = arith.constant 0 : i32
    %sign3A_479 = arith.cmpi slt, %jit3A_466, %sign3A_478 : i32
    %sign3A_480 = arith.extui %sign3A_479 : i1 to i32
    %sign3A_481 = arith.subi %sign3A_477, %sign3A_480 : i32
    %ne3A_482 = arith.cmpi ne, %sign3A_474, %sign3A_481 : i32
    %rem3A_483 = arith.remsi %add3A_465, %jit3A_466 : i32
    %ne3A_484 = arith.constant 0 : i32
    %ne3A_485 = arith.cmpi ne, %rem3A_483, %ne3A_484 : i32
    %and3A_486 = arith.andi %ne3A_482, %ne3A_485 : i1
    %sub3A_487 = arith.constant 1 : i32
    %sub3A_488 = arith.subi %div3A_467, %sub3A_487 : i32
    %select_n3A_489 = arith.select %and3A_486, %sub3A_488, %div3A_467 : i32
    %mul3A_490 = arith.constant 128 : i32
    %mul3A_491 = arith.muli %select_n3A_489, %mul3A_490 : i32
    %sub3A_492 = arith.subi %mul3A_491, %scan3A_462 : i32
    %add3A_493 = arith.constant 15 : i32
    %add3A_494 = arith.addi %sub3A_492, %add3A_493 : i32
    %jit3A_495 = arith.constant 16 : i32
    %div3A_496 = arith.divsi %add3A_494, %jit3A_495 : i32
    %sign3A_497 = arith.constant 0 : i32
    %sign3A_498 = arith.cmpi sgt, %add3A_494, %sign3A_497 : i32
    %sign3A_499 = arith.extui %sign3A_498 : i1 to i32
    %sign3A_500 = arith.constant 0 : i32
    %sign3A_501 = arith.cmpi slt, %add3A_494, %sign3A_500 : i32
    %sign3A_502 = arith.extui %sign3A_501 : i1 to i32
    %sign3A_503 = arith.subi %sign3A_499, %sign3A_502 : i32
    %sign3A_504 = arith.constant 0 : i32
    %sign3A_505 = arith.cmpi sgt, %jit3A_495, %sign3A_504 : i32
    %sign3A_506 = arith.extui %sign3A_505 : i1 to i32
    %sign3A_507 = arith.constant 0 : i32
    %sign3A_508 = arith.cmpi slt, %jit3A_495, %sign3A_507 : i32
    %sign3A_509 = arith.extui %sign3A_508 : i1 to i32
    %sign3A_510 = arith.subi %sign3A_506, %sign3A_509 : i32
    %ne3A_511 = arith.cmpi ne, %sign3A_503, %sign3A_510 : i32
    %rem3A_512 = arith.remsi %add3A_494, %jit3A_495 : i32
    %ne3A_513 = arith.constant 0 : i32
    %ne3A_514 = arith.cmpi ne, %rem3A_512, %ne3A_513 : i32
    %and3A_515 = arith.andi %ne3A_511, %ne3A_514 : i1
    %sub3A_516 = arith.constant 1 : i32
    %sub3A_517 = arith.subi %div3A_496, %sub3A_516 : i32
    %select_n3A_518 = arith.select %and3A_515, %sub3A_517, %div3A_496 : i32
    %while3A_519 = arith.constant 4 : i32
    %while3A_520 = arith.constant 4 : i32
    %while3A_521 = arith.constant 0 : i32
    %while3A_522 = arith.constant 0 : i32
    %while3A_523 = arith.subi %select_n3A_518, %while3A_521 : i32
    %while3A_524 = arith.addi %while3A_521, %while3A_523 : i32
    %while3A_525 = arith.constant 1 : i32
    %while3A_526 = arith.divsi %while3A_523, %while3A_525 : i32
    %while3A_527 = arith.muli %while3A_526, %while3A_525 : i32
    %while3A_528 = arith.addi %while3A_521, %while3A_527 : i32
    %while3A_529 = arith.constant 1 : i32
    %while3A_530 = scf.for %while3A_1104 = %while3A_521 to %while3A_528 step %while3A_529 iter_args(%while3A_1105 = %while3A_522) -> (i32)  : i32 {
      %mul3A_1106 = arith.constant 16 : i32
      %mul3A_1107 = arith.muli %while3A_1104, %mul3A_1106 : i32
      %add3A_1108 = arith.addi %scan3A_462, %mul3A_1107 : i32
      %iota3A = tpu.iota {dimensions = array<i32: 0>} : vector<16xi32>
      %add3A_1109 = vector.broadcast %add3A_1108 : i32 to vector<16xi32>
      %add3A_1110 = arith.addi %add3A_1109, %iota3A : vector<16xi32>
      %mul3A_1111 = arith.constant 128 : i32
      %mul3A_1112 = arith.muli %select_n3A_489, %mul3A_1111 : i32
      %lt3A = vector.broadcast %mul3A_1112 : i32 to vector<16xi32>
      %lt3A_1113 = arith.cmpi slt, %add3A_1110, %lt3A : vector<16xi32>
      %shift_right_arithmetic3A = arith.constant 7 : i32
      %shift_right_arithmetic3A_1114 = vector.broadcast %shift_right_arithmetic3A : i32 to vector<16xi32>
      %shift_right_arithmetic3A_1115 = arith.shrsi %add3A_1110, %shift_right_arithmetic3A_1114 : vector<16xi32>
      %and3A_1116 = arith.constant 127 : i32
      %and3A_1117 = vector.broadcast %and3A_1116 : i32 to vector<16xi32>
      %and3A_1118 = arith.andi %add3A_1110, %and3A_1117 : vector<16xi32>
      %iota3A_1119 = tpu.iota {dimensions = array<i32: 0>} : vector<16xi32>
      %mul3A_1120 = arith.constant 64 : i32
      %mul3A_1121 = vector.broadcast %mul3A_1120 : i32 to vector<16xi32>
      %mul3A_1122 = arith.muli %iota3A_1119, %mul3A_1121 : vector<16xi32>
      %add3A_1123 = vector.broadcast %mul3A_0 : i32 to vector<16xi32>
      %add3A_1124 = arith.addi %add3A_1123, %mul3A_1122 : vector<16xi32>
      %scatter3A = arith.constant 0 : i32
      %scatter3A_1125 = arith.constant 0 : i32
      %scatter3A_1126 = tpu.memref_slice %arg7[%while3A_519, %scatter3A, %scatter3A_1125] : memref<8x8x128xi32, #tpu.memory_space<vmem>> -> memref<1x8x128xi32, #tpu.memory_space<vmem>>
      %scatter3A_1127 = tpu.memref_squeeze %scatter3A_1126 : memref<1x8x128xi32, #tpu.memory_space<vmem>> -> memref<8x128xi32, #tpu.memory_space<vmem>>
      tpu.vector_store_idx %scatter3A_1127[%shift_right_arithmetic3A_1115, %and3A_1118], %add3A_1124 masked %lt3A_1113 : memref<8x128xi32, #tpu.memory_space<vmem>>[vector<16xi32>, vector<16xi32>], vector<16xi32>, vector<16xi1>
      %shift_right_arithmetic3A_1128 = arith.constant 7 : i32
      %shift_right_arithmetic3A_1129 = vector.broadcast %shift_right_arithmetic3A_1128 : i32 to vector<16xi32>
      %shift_right_arithmetic3A_1130 = arith.shrsi %add3A_1110, %shift_right_arithmetic3A_1129 : vector<16xi32>
      %and3A_1131 = arith.constant 127 : i32
      %and3A_1132 = vector.broadcast %and3A_1131 : i32 to vector<16xi32>
      %and3A_1133 = arith.andi %add3A_1110, %and3A_1132 : vector<16xi32>
      %iota3A_1134 = tpu.iota {dimensions = array<i32: 0>} : vector<16xi32>
      %and3A_1135 = arith.constant 7 : i32
      %and3A_1136 = vector.broadcast %and3A_1135 : i32 to vector<16xi32>
      %and3A_1137 = arith.andi %iota3A_1134, %and3A_1136 : vector<16xi32>
      %add3A_1138 = arith.constant 4096 : i32
      %add3A_1139 = vector.broadcast %add3A_1138 : i32 to vector<16xi32>
      %add3A_1140 = arith.addi %add3A_1139, %and3A_1137 : vector<16xi32>
      %scatter3A_1141 = arith.constant 0 : i32
      %scatter3A_1142 = arith.constant 0 : i32
      %scatter3A_1143 = tpu.memref_slice %arg8[%while3A_520, %scatter3A_1141, %scatter3A_1142] : memref<8x8x128xi32, #tpu.memory_space<vmem>> -> memref<1x8x128xi32, #tpu.memory_space<vmem>>
      %scatter3A_1144 = tpu.memref_squeeze %scatter3A_1143 : memref<1x8x128xi32, #tpu.memory_space<vmem>> -> memref<8x128xi32, #tpu.memory_space<vmem>>
      tpu.vector_store_idx %scatter3A_1144[%shift_right_arithmetic3A_1130, %and3A_1133], %add3A_1140 masked %lt3A_1113 : memref<8x128xi32, #tpu.memory_space<vmem>>[vector<16xi32>, vector<16xi32>], vector<16xi32>, vector<16xi1>
      %while3A_1145 = arith.constant 0 : i32
      scf.yield %while3A_1145 : i32
    }
    %while3A_531 = arith.constant 1 : i32
    %while3A_532 = scf.for %while3A_1104 = %while3A_528 to %while3A_524 step %while3A_531 iter_args(%while3A_1105 = %while3A_530) -> (i32)  : i32 {
      %mul3A_1106 = arith.constant 16 : i32
      %mul3A_1107 = arith.muli %while3A_1104, %mul3A_1106 : i32
      %add3A_1108 = arith.addi %scan3A_462, %mul3A_1107 : i32
      %iota3A = tpu.iota {dimensions = array<i32: 0>} : vector<16xi32>
      %add3A_1109 = vector.broadcast %add3A_1108 : i32 to vector<16xi32>
      %add3A_1110 = arith.addi %add3A_1109, %iota3A : vector<16xi32>
      %mul3A_1111 = arith.constant 128 : i32
      %mul3A_1112 = arith.muli %select_n3A_489, %mul3A_1111 : i32
      %lt3A = vector.broadcast %mul3A_1112 : i32 to vector<16xi32>
      %lt3A_1113 = arith.cmpi slt, %add3A_1110, %lt3A : vector<16xi32>
      %shift_right_arithmetic3A = arith.constant 7 : i32
      %shift_right_arithmetic3A_1114 = vector.broadcast %shift_right_arithmetic3A : i32 to vector<16xi32>
      %shift_right_arithmetic3A_1115 = arith.shrsi %add3A_1110, %shift_right_arithmetic3A_1114 : vector<16xi32>
      %and3A_1116 = arith.constant 127 : i32
      %and3A_1117 = vector.broadcast %and3A_1116 : i32 to vector<16xi32>
      %and3A_1118 = arith.andi %add3A_1110, %and3A_1117 : vector<16xi32>
      %iota3A_1119 = tpu.iota {dimensions = array<i32: 0>} : vector<16xi32>
      %mul3A_1120 = arith.constant 64 : i32
      %mul3A_1121 = vector.broadcast %mul3A_1120 : i32 to vector<16xi32>
      %mul3A_1122 = arith.muli %iota3A_1119, %mul3A_1121 : vector<16xi32>
      %add3A_1123 = vector.broadcast %mul3A_0 : i32 to vector<16xi32>
      %add3A_1124 = arith.addi %add3A_1123, %mul3A_1122 : vector<16xi32>
      %scatter3A = arith.constant 0 : i32
      %scatter3A_1125 = arith.constant 0 : i32
      %scatter3A_1126 = tpu.memref_slice %arg7[%while3A_519, %scatter3A, %scatter3A_1125] : memref<8x8x128xi32, #tpu.memory_space<vmem>> -> memref<1x8x128xi32, #tpu.memory_space<vmem>>
      %scatter3A_1127 = tpu.memref_squeeze %scatter3A_1126 : memref<1x8x128xi32, #tpu.memory_space<vmem>> -> memref<8x128xi32, #tpu.memory_space<vmem>>
      tpu.vector_store_idx %scatter3A_1127[%shift_right_arithmetic3A_1115, %and3A_1118], %add3A_1124 masked %lt3A_1113 : memref<8x128xi32, #tpu.memory_space<vmem>>[vector<16xi32>, vector<16xi32>], vector<16xi32>, vector<16xi1>
      %shift_right_arithmetic3A_1128 = arith.constant 7 : i32
      %shift_right_arithmetic3A_1129 = vector.broadcast %shift_right_arithmetic3A_1128 : i32 to vector<16xi32>
      %shift_right_arithmetic3A_1130 = arith.shrsi %add3A_1110, %shift_right_arithmetic3A_1129 : vector<16xi32>
      %and3A_1131 = arith.constant 127 : i32
      %and3A_1132 = vector.broadcast %and3A_1131 : i32 to vector<16xi32>
      %and3A_1133 = arith.andi %add3A_1110, %and3A_1132 : vector<16xi32>
      %iota3A_1134 = tpu.iota {dimensions = array<i32: 0>} : vector<16xi32>
      %and3A_1135 = arith.constant 7 : i32
      %and3A_1136 = vector.broadcast %and3A_1135 : i32 to vector<16xi32>
      %and3A_1137 = arith.andi %iota3A_1134, %and3A_1136 : vector<16xi32>
      %add3A_1138 = arith.constant 4096 : i32
      %add3A_1139 = vector.broadcast %add3A_1138 : i32 to vector<16xi32>
      %add3A_1140 = arith.addi %add3A_1139, %and3A_1137 : vector<16xi32>
      %scatter3A_1141 = arith.constant 0 : i32
      %scatter3A_1142 = arith.constant 0 : i32
      %scatter3A_1143 = tpu.memref_slice %arg8[%while3A_520, %scatter3A_1141, %scatter3A_1142] : memref<8x8x128xi32, #tpu.memory_space<vmem>> -> memref<1x8x128xi32, #tpu.memory_space<vmem>>
      %scatter3A_1144 = tpu.memref_squeeze %scatter3A_1143 : memref<1x8x128xi32, #tpu.memory_space<vmem>> -> memref<8x128xi32, #tpu.memory_space<vmem>>
      tpu.vector_store_idx %scatter3A_1144[%shift_right_arithmetic3A_1130, %and3A_1133], %add3A_1140 masked %lt3A_1113 : memref<8x128xi32, #tpu.memory_space<vmem>>[vector<16xi32>, vector<16xi32>], vector<16xi32>, vector<16xi1>
      %while3A_1145 = arith.constant 0 : i32
      scf.yield %while3A_1145 : i32
    }
    %dma_wait3A_533 = arith.constant 0 : i32
    %dma_wait3A_534 = tpu.memref_slice %arg11[%mul3A_428, %dma_wait3A_533] : memref<4104x128xf32, #tpu.memory_space<vmem_shared>> -> memref<256x128xf32, #tpu.memory_space<vmem_shared>>
    %dma_wait3A_535 = arith.constant 0 : i32
    %dma_wait3A_536 = tpu.memref_slice %arg2[%add3A_426, %dma_wait3A_535] : memref<65536x128xf32, #tpu.memory_space<hbm>> -> memref<256x128xf32, #tpu.memory_space<hbm>>
    tpu.wait_dma2 semaphore(%arg13 : memref<!tpu.dma_semaphore, #tpu.memory_space<semaphore_mem>>) src(%dma_wait3A_536 : memref<256x128xf32, #tpu.memory_space<hbm>>) dst(%dma_wait3A_534 : memref<256x128xf32, #tpu.memory_space<vmem_shared>>)
    %barrier3A_537 = arith.constant 0 : index
    tpu.barrier barrier_id(%barrier3A_537)
    %gt3A_538 = arith.constant 0 : i32
    %gt3A_539 = arith.cmpi sgt, %select_n3A_228, %gt3A_538 : i32
    %convert_element_type3A_540 = arith.extui %gt3A_539 : i1 to i32
    %cond3A_541 = arith.constant 0 : i32
    %cond3A_542 = arith.cmpi ne, %convert_element_type3A_540, %cond3A_541 : i32
    scf.if %cond3A_542 {
      %dma_wait3A_1104 = arith.constant 2 : i32
      %dma_wait3A_1105 = arith.constant 0 : i32
      %dma_wait3A_1106 = arith.constant 0 : i32
      %dma_wait3A_1107 = arith.constant 0 : i32
      %dma_wait3A_1108 = tpu.memref_slice %arg7[%dma_wait3A_1104, %dma_wait3A_1106, %dma_wait3A_1107] : memref<8x8x128xi32, #tpu.memory_space<vmem>> -> memref<1x8x128xi32, #tpu.memory_space<vmem>>
      %dma_wait3A_1109 = tpu.memref_squeeze %dma_wait3A_1108 : memref<1x8x128xi32, #tpu.memory_space<vmem>> -> memref<8x128xi32, #tpu.memory_space<vmem>>
      %dma_wait3A_1110 = arith.constant 0 : i32
      %dma_wait3A_1111 = tpu.memref_slice %dma_wait3A_1109[%dma_wait3A_1105, %dma_wait3A_1110] : memref<8x128xi32, #tpu.memory_space<vmem>> -> memref<1x128xi32, #tpu.memory_space<vmem>>
      %dma_wait3A_1112 = tpu.memref_squeeze %dma_wait3A_1111 : memref<1x128xi32, #tpu.memory_space<vmem>> -> memref<128xi32, #tpu.memory_space<vmem>>
      %dma_wait3A_1113 = arith.constant 0 : i32
      %dma_wait3A_1114 = arith.constant 0 : i32
      %dma_wait3A_1115 = tpu.memref_slice %arg3[%dma_wait3A_1113, %dma_wait3A_1114] : memref<16384x128xf32, #tpu.memory_space<hbm>> -> memref<16384x128xf32, #tpu.memory_space<hbm>>
      tpu.wait_indirect_dma semaphore(%arg17 : memref<!tpu.dma_semaphore, #tpu.memory_space<semaphore_mem>>) src(%dma_wait3A_1115 : memref<16384x128xf32, #tpu.memory_space<hbm>>) dst(%arg9 : memref<128x128xf32, #tpu.memory_space<vmem>>)
      %run_scoped3A = arith.constant 2 : i32
      %run_scoped3A_1116 = arith.constant 0 : i32
      "tpu.region"() ({
        %run_scoped3A_1117 = tpu.sem_alloc : memref<!tpu.dma_semaphore, #tpu.memory_space<semaphore_mem>>
        %dma_start3A_1118 = arith.constant 0 : i32
        %dma_start3A_1119 = arith.constant 0 : i32
        %dma_start3A_1120 = tpu.memref_slice %arg8[%run_scoped3A, %dma_start3A_1118, %dma_start3A_1119] : memref<8x8x128xi32, #tpu.memory_space<vmem>> -> memref<1x8x128xi32, #tpu.memory_space<vmem>>
        %dma_start3A_1121 = tpu.memref_squeeze %dma_start3A_1120 : memref<1x8x128xi32, #tpu.memory_space<vmem>> -> memref<8x128xi32, #tpu.memory_space<vmem>>
        %dma_start3A_1122 = arith.constant 0 : i32
        %dma_start3A_1123 = tpu.memref_slice %dma_start3A_1121[%run_scoped3A_1116, %dma_start3A_1122] : memref<8x128xi32, #tpu.memory_space<vmem>> -> memref<1x128xi32, #tpu.memory_space<vmem>>
        %dma_start3A_1124 = tpu.memref_squeeze %dma_start3A_1123 : memref<1x128xi32, #tpu.memory_space<vmem>> -> memref<128xi32, #tpu.memory_space<vmem>>
        %dma_start3A_1125 = arith.constant 0 : i32
        %dma_start3A_1126 = arith.constant 0 : i32
        %dma_start3A_1127 = tpu.memref_slice %arg11[%dma_start3A_1125, %dma_start3A_1126] : memref<4104x128xf32, #tpu.memory_space<vmem_shared>> -> memref<4104x128xf32, #tpu.memory_space<vmem_shared>>
        tpu.enqueue_indirect_dma source(%arg9 : memref<128x128xf32, #tpu.memory_space<vmem>>) target(%dma_start3A_1127 : memref<4104x128xf32, #tpu.memory_space<vmem_shared>>) offsets(%dma_start3A_1124 : memref<128xi32, #tpu.memory_space<vmem>>) semaphore(%run_scoped3A_1117 : memref<!tpu.dma_semaphore, #tpu.memory_space<semaphore_mem>>) {add = true}
        %dma_wait3A_1128 = arith.constant 0 : i32
        %dma_wait3A_1129 = arith.constant 0 : i32
        %dma_wait3A_1130 = tpu.memref_slice %arg8[%run_scoped3A, %dma_wait3A_1128, %dma_wait3A_1129] : memref<8x8x128xi32, #tpu.memory_space<vmem>> -> memref<1x8x128xi32, #tpu.memory_space<vmem>>
        %dma_wait3A_1131 = tpu.memref_squeeze %dma_wait3A_1130 : memref<1x8x128xi32, #tpu.memory_space<vmem>> -> memref<8x128xi32, #tpu.memory_space<vmem>>
        %dma_wait3A_1132 = arith.constant 0 : i32
        %dma_wait3A_1133 = tpu.memref_slice %dma_wait3A_1131[%run_scoped3A_1116, %dma_wait3A_1132] : memref<8x128xi32, #tpu.memory_space<vmem>> -> memref<1x128xi32, #tpu.memory_space<vmem>>
        %dma_wait3A_1134 = tpu.memref_squeeze %dma_wait3A_1133 : memref<1x128xi32, #tpu.memory_space<vmem>> -> memref<128xi32, #tpu.memory_space<vmem>>
        %dma_wait3A_1135 = arith.constant 0 : i32
        %dma_wait3A_1136 = arith.constant 0 : i32
        %dma_wait3A_1137 = tpu.memref_slice %arg11[%dma_wait3A_1135, %dma_wait3A_1136] : memref<4104x128xf32, #tpu.memory_space<vmem_shared>> -> memref<4104x128xf32, #tpu.memory_space<vmem_shared>>
        tpu.wait_indirect_dma semaphore(%run_scoped3A_1117 : memref<!tpu.dma_semaphore, #tpu.memory_space<semaphore_mem>>) src(%arg9 : memref<128x128xf32, #tpu.memory_space<vmem>>) dst(%dma_wait3A_1137 : memref<4104x128xf32, #tpu.memory_space<vmem_shared>>)
        tpu.yield
      }) : () -> ()
    } else {
    }
    %while3A_543 = arith.constant 1 : i32
    %while3A_544 = arith.constant 0 : i32
    %while3A_545 = arith.subi %select_n3A_228, %while3A_543 : i32
    %while3A_546 = arith.addi %while3A_543, %while3A_545 : i32
    %while3A_547 = arith.constant 1 : i32
    %while3A_548 = arith.divsi %while3A_545, %while3A_547 : i32
    %while3A_549 = arith.muli %while3A_548, %while3A_547 : i32
    %while3A_550 = arith.addi %while3A_543, %while3A_549 : i32
    %while3A_551 = arith.constant 1 : i32
    %while3A_552 = scf.for %while3A_1104 = %while3A_543 to %while3A_550 step %while3A_551 iter_args(%while3A_1105 = %while3A_544) -> (i32)  : i32 {
      %dma_start3A_1106 = arith.constant 2 : i32
      %dma_start3A_1107 = arith.constant 0 : i32
      %dma_start3A_1108 = arith.constant 0 : i32
      %dma_start3A_1109 = tpu.memref_slice %arg7[%dma_start3A_1106, %dma_start3A_1107, %dma_start3A_1108] : memref<8x8x128xi32, #tpu.memory_space<vmem>> -> memref<1x8x128xi32, #tpu.memory_space<vmem>>
      %dma_start3A_1110 = tpu.memref_squeeze %dma_start3A_1109 : memref<1x8x128xi32, #tpu.memory_space<vmem>> -> memref<8x128xi32, #tpu.memory_space<vmem>>
      %dma_start3A_1111 = arith.constant 0 : i32
      %dma_start3A_1112 = tpu.memref_slice %dma_start3A_1110[%while3A_1104, %dma_start3A_1111] : memref<8x128xi32, #tpu.memory_space<vmem>> -> memref<1x128xi32, #tpu.memory_space<vmem>>
      %dma_start3A_1113 = tpu.memref_squeeze %dma_start3A_1112 : memref<1x128xi32, #tpu.memory_space<vmem>> -> memref<128xi32, #tpu.memory_space<vmem>>
      %dma_start3A_1114 = arith.constant 0 : i32
      %dma_start3A_1115 = arith.constant 0 : i32
      %dma_start3A_1116 = tpu.memref_slice %arg3[%dma_start3A_1114, %dma_start3A_1115] : memref<16384x128xf32, #tpu.memory_space<hbm>> -> memref<16384x128xf32, #tpu.memory_space<hbm>>
      tpu.enqueue_indirect_dma source(%dma_start3A_1116 : memref<16384x128xf32, #tpu.memory_space<hbm>>) target(%arg9 : memref<128x128xf32, #tpu.memory_space<vmem>>) offsets(%dma_start3A_1113 : memref<128xi32, #tpu.memory_space<vmem>>) semaphore(%arg19 : memref<!tpu.dma_semaphore, #tpu.memory_space<semaphore_mem>>)
      %dma_wait3A_1117 = arith.constant 2 : i32
      %dma_wait3A_1118 = arith.constant 0 : i32
      %dma_wait3A_1119 = arith.constant 0 : i32
      %dma_wait3A_1120 = tpu.memref_slice %arg7[%dma_wait3A_1117, %dma_wait3A_1118, %dma_wait3A_1119] : memref<8x8x128xi32, #tpu.memory_space<vmem>> -> memref<1x8x128xi32, #tpu.memory_space<vmem>>
      %dma_wait3A_1121 = tpu.memref_squeeze %dma_wait3A_1120 : memref<1x8x128xi32, #tpu.memory_space<vmem>> -> memref<8x128xi32, #tpu.memory_space<vmem>>
      %dma_wait3A_1122 = arith.constant 0 : i32
      %dma_wait3A_1123 = tpu.memref_slice %dma_wait3A_1121[%while3A_1104, %dma_wait3A_1122] : memref<8x128xi32, #tpu.memory_space<vmem>> -> memref<1x128xi32, #tpu.memory_space<vmem>>
      %dma_wait3A_1124 = tpu.memref_squeeze %dma_wait3A_1123 : memref<1x128xi32, #tpu.memory_space<vmem>> -> memref<128xi32, #tpu.memory_space<vmem>>
      %dma_wait3A_1125 = arith.constant 0 : i32
      %dma_wait3A_1126 = arith.constant 0 : i32
      %dma_wait3A_1127 = tpu.memref_slice %arg3[%dma_wait3A_1125, %dma_wait3A_1126] : memref<16384x128xf32, #tpu.memory_space<hbm>> -> memref<16384x128xf32, #tpu.memory_space<hbm>>
      tpu.wait_indirect_dma semaphore(%arg19 : memref<!tpu.dma_semaphore, #tpu.memory_space<semaphore_mem>>) src(%dma_wait3A_1127 : memref<16384x128xf32, #tpu.memory_space<hbm>>) dst(%arg9 : memref<128x128xf32, #tpu.memory_space<vmem>>)
      %run_scoped3A = arith.constant 2 : i32
      "tpu.region"() ({
        %run_scoped3A_1129 = tpu.sem_alloc : memref<!tpu.dma_semaphore, #tpu.memory_space<semaphore_mem>>
        %dma_start3A_1130 = arith.constant 0 : i32
        %dma_start3A_1131 = arith.constant 0 : i32
        %dma_start3A_1132 = tpu.memref_slice %arg8[%run_scoped3A, %dma_start3A_1130, %dma_start3A_1131] : memref<8x8x128xi32, #tpu.memory_space<vmem>> -> memref<1x8x128xi32, #tpu.memory_space<vmem>>
        %dma_start3A_1133 = tpu.memref_squeeze %dma_start3A_1132 : memref<1x8x128xi32, #tpu.memory_space<vmem>> -> memref<8x128xi32, #tpu.memory_space<vmem>>
        %dma_start3A_1134 = arith.constant 0 : i32
        %dma_start3A_1135 = tpu.memref_slice %dma_start3A_1133[%while3A_1104, %dma_start3A_1134] : memref<8x128xi32, #tpu.memory_space<vmem>> -> memref<1x128xi32, #tpu.memory_space<vmem>>
        %dma_start3A_1136 = tpu.memref_squeeze %dma_start3A_1135 : memref<1x128xi32, #tpu.memory_space<vmem>> -> memref<128xi32, #tpu.memory_space<vmem>>
        %dma_start3A_1137 = arith.constant 0 : i32
        %dma_start3A_1138 = arith.constant 0 : i32
        %dma_start3A_1139 = tpu.memref_slice %arg11[%dma_start3A_1137, %dma_start3A_1138] : memref<4104x128xf32, #tpu.memory_space<vmem_shared>> -> memref<4104x128xf32, #tpu.memory_space<vmem_shared>>
        tpu.enqueue_indirect_dma source(%arg9 : memref<128x128xf32, #tpu.memory_space<vmem>>) target(%dma_start3A_1139 : memref<4104x128xf32, #tpu.memory_space<vmem_shared>>) offsets(%dma_start3A_1136 : memref<128xi32, #tpu.memory_space<vmem>>) semaphore(%run_scoped3A_1129 : memref<!tpu.dma_semaphore, #tpu.memory_space<semaphore_mem>>) {add = true}
        %dma_wait3A_1140 = arith.constant 0 : i32
        %dma_wait3A_1141 = arith.constant 0 : i32
        %dma_wait3A_1142 = tpu.memref_slice %arg8[%run_scoped3A, %dma_wait3A_1140, %dma_wait3A_1141] : memref<8x8x128xi32, #tpu.memory_space<vmem>> -> memref<1x8x128xi32, #tpu.memory_space<vmem>>
        %dma_wait3A_1143 = tpu.memref_squeeze %dma_wait3A_1142 : memref<1x8x128xi32, #tpu.memory_space<vmem>> -> memref<8x128xi32, #tpu.memory_space<vmem>>
        %dma_wait3A_1144 = arith.constant 0 : i32
        %dma_wait3A_1145 = tpu.memref_slice %dma_wait3A_1143[%while3A_1104, %dma_wait3A_1144] : memref<8x128xi32, #tpu.memory_space<vmem>> -> memref<1x128xi32, #tpu.memory_space<vmem>>
        %dma_wait3A_1146 = tpu.memref_squeeze %dma_wait3A_1145 : memref<1x128xi32, #tpu.memory_space<vmem>> -> memref<128xi32, #tpu.memory_space<vmem>>
        %dma_wait3A_1147 = arith.constant 0 : i32
        %dma_wait3A_1148 = arith.constant 0 : i32
        %dma_wait3A_1149 = tpu.memref_slice %arg11[%dma_wait3A_1147, %dma_wait3A_1148] : memref<4104x128xf32, #tpu.memory_space<vmem_shared>> -> memref<4104x128xf32, #tpu.memory_space<vmem_shared>>
        tpu.wait_indirect_dma semaphore(%run_scoped3A_1129 : memref<!tpu.dma_semaphore, #tpu.memory_space<semaphore_mem>>) src(%arg9 : memref<128x128xf32, #tpu.memory_space<vmem>>) dst(%dma_wait3A_1149 : memref<4104x128xf32, #tpu.memory_space<vmem_shared>>)
        tpu.yield
      }) : () -> ()
      %while3A_1128 = arith.constant 0 : i32
      scf.yield %while3A_1128 : i32
    }
    %while3A_553 = arith.constant 1 : i32
    %while3A_554 = scf.for %while3A_1104 = %while3A_550 to %while3A_546 step %while3A_553 iter_args(%while3A_1105 = %while3A_552) -> (i32)  : i32 {
      %dma_start3A_1106 = arith.constant 2 : i32
      %dma_start3A_1107 = arith.constant 0 : i32
      %dma_start3A_1108 = arith.constant 0 : i32
      %dma_start3A_1109 = tpu.memref_slice %arg7[%dma_start3A_1106, %dma_start3A_1107, %dma_start3A_1108] : memref<8x8x128xi32, #tpu.memory_space<vmem>> -> memref<1x8x128xi32, #tpu.memory_space<vmem>>
      %dma_start3A_1110 = tpu.memref_squeeze %dma_start3A_1109 : memref<1x8x128xi32, #tpu.memory_space<vmem>> -> memref<8x128xi32, #tpu.memory_space<vmem>>
      %dma_start3A_1111 = arith.constant 0 : i32
      %dma_start3A_1112 = tpu.memref_slice %dma_start3A_1110[%while3A_1104, %dma_start3A_1111] : memref<8x128xi32, #tpu.memory_space<vmem>> -> memref<1x128xi32, #tpu.memory_space<vmem>>
      %dma_start3A_1113 = tpu.memref_squeeze %dma_start3A_1112 : memref<1x128xi32, #tpu.memory_space<vmem>> -> memref<128xi32, #tpu.memory_space<vmem>>
      %dma_start3A_1114 = arith.constant 0 : i32
      %dma_start3A_1115 = arith.constant 0 : i32
      %dma_start3A_1116 = tpu.memref_slice %arg3[%dma_start3A_1114, %dma_start3A_1115] : memref<16384x128xf32, #tpu.memory_space<hbm>> -> memref<16384x128xf32, #tpu.memory_space<hbm>>
      tpu.enqueue_indirect_dma source(%dma_start3A_1116 : memref<16384x128xf32, #tpu.memory_space<hbm>>) target(%arg9 : memref<128x128xf32, #tpu.memory_space<vmem>>) offsets(%dma_start3A_1113 : memref<128xi32, #tpu.memory_space<vmem>>) semaphore(%arg19 : memref<!tpu.dma_semaphore, #tpu.memory_space<semaphore_mem>>)
      %dma_wait3A_1117 = arith.constant 2 : i32
      %dma_wait3A_1118 = arith.constant 0 : i32
      %dma_wait3A_1119 = arith.constant 0 : i32
      %dma_wait3A_1120 = tpu.memref_slice %arg7[%dma_wait3A_1117, %dma_wait3A_1118, %dma_wait3A_1119] : memref<8x8x128xi32, #tpu.memory_space<vmem>> -> memref<1x8x128xi32, #tpu.memory_space<vmem>>
      %dma_wait3A_1121 = tpu.memref_squeeze %dma_wait3A_1120 : memref<1x8x128xi32, #tpu.memory_space<vmem>> -> memref<8x128xi32, #tpu.memory_space<vmem>>
      %dma_wait3A_1122 = arith.constant 0 : i32
      %dma_wait3A_1123 = tpu.memref_slice %dma_wait3A_1121[%while3A_1104, %dma_wait3A_1122] : memref<8x128xi32, #tpu.memory_space<vmem>> -> memref<1x128xi32, #tpu.memory_space<vmem>>
      %dma_wait3A_1124 = tpu.memref_squeeze %dma_wait3A_1123 : memref<1x128xi32, #tpu.memory_space<vmem>> -> memref<128xi32, #tpu.memory_space<vmem>>
      %dma_wait3A_1125 = arith.constant 0 : i32
      %dma_wait3A_1126 = arith.constant 0 : i32
      %dma_wait3A_1127 = tpu.memref_slice %arg3[%dma_wait3A_1125, %dma_wait3A_1126] : memref<16384x128xf32, #tpu.memory_space<hbm>> -> memref<16384x128xf32, #tpu.memory_space<hbm>>
      tpu.wait_indirect_dma semaphore(%arg19 : memref<!tpu.dma_semaphore, #tpu.memory_space<semaphore_mem>>) src(%dma_wait3A_1127 : memref<16384x128xf32, #tpu.memory_space<hbm>>) dst(%arg9 : memref<128x128xf32, #tpu.memory_space<vmem>>)
      %run_scoped3A = arith.constant 2 : i32
      "tpu.region"() ({
        %run_scoped3A_1129 = tpu.sem_alloc : memref<!tpu.dma_semaphore, #tpu.memory_space<semaphore_mem>>
        %dma_start3A_1130 = arith.constant 0 : i32
        %dma_start3A_1131 = arith.constant 0 : i32
        %dma_start3A_1132 = tpu.memref_slice %arg8[%run_scoped3A, %dma_start3A_1130, %dma_start3A_1131] : memref<8x8x128xi32, #tpu.memory_space<vmem>> -> memref<1x8x128xi32, #tpu.memory_space<vmem>>
        %dma_start3A_1133 = tpu.memref_squeeze %dma_start3A_1132 : memref<1x8x128xi32, #tpu.memory_space<vmem>> -> memref<8x128xi32, #tpu.memory_space<vmem>>
        %dma_start3A_1134 = arith.constant 0 : i32
        %dma_start3A_1135 = tpu.memref_slice %dma_start3A_1133[%while3A_1104, %dma_start3A_1134] : memref<8x128xi32, #tpu.memory_space<vmem>> -> memref<1x128xi32, #tpu.memory_space<vmem>>
        %dma_start3A_1136 = tpu.memref_squeeze %dma_start3A_1135 : memref<1x128xi32, #tpu.memory_space<vmem>> -> memref<128xi32, #tpu.memory_space<vmem>>
        %dma_start3A_1137 = arith.constant 0 : i32
        %dma_start3A_1138 = arith.constant 0 : i32
        %dma_start3A_1139 = tpu.memref_slice %arg11[%dma_start3A_1137, %dma_start3A_1138] : memref<4104x128xf32, #tpu.memory_space<vmem_shared>> -> memref<4104x128xf32, #tpu.memory_space<vmem_shared>>
        tpu.enqueue_indirect_dma source(%arg9 : memref<128x128xf32, #tpu.memory_space<vmem>>) target(%dma_start3A_1139 : memref<4104x128xf32, #tpu.memory_space<vmem_shared>>) offsets(%dma_start3A_1136 : memref<128xi32, #tpu.memory_space<vmem>>) semaphore(%run_scoped3A_1129 : memref<!tpu.dma_semaphore, #tpu.memory_space<semaphore_mem>>) {add = true}
        %dma_wait3A_1140 = arith.constant 0 : i32
        %dma_wait3A_1141 = arith.constant 0 : i32
        %dma_wait3A_1142 = tpu.memref_slice %arg8[%run_scoped3A, %dma_wait3A_1140, %dma_wait3A_1141] : memref<8x8x128xi32, #tpu.memory_space<vmem>> -> memref<1x8x128xi32, #tpu.memory_space<vmem>>
        %dma_wait3A_1143 = tpu.memref_squeeze %dma_wait3A_1142 : memref<1x8x128xi32, #tpu.memory_space<vmem>> -> memref<8x128xi32, #tpu.memory_space<vmem>>
        %dma_wait3A_1144 = arith.constant 0 : i32
        %dma_wait3A_1145 = tpu.memref_slice %dma_wait3A_1143[%while3A_1104, %dma_wait3A_1144] : memref<8x128xi32, #tpu.memory_space<vmem>> -> memref<1x128xi32, #tpu.memory_space<vmem>>
        %dma_wait3A_1146 = tpu.memref_squeeze %dma_wait3A_1145 : memref<1x128xi32, #tpu.memory_space<vmem>> -> memref<128xi32, #tpu.memory_space<vmem>>
        %dma_wait3A_1147 = arith.constant 0 : i32
        %dma_wait3A_1148 = arith.constant 0 : i32
        %dma_wait3A_1149 = tpu.memref_slice %arg11[%dma_wait3A_1147, %dma_wait3A_1148] : memref<4104x128xf32, #tpu.memory_space<vmem_shared>> -> memref<4104x128xf32, #tpu.memory_space<vmem_shared>>
        tpu.wait_indirect_dma semaphore(%run_scoped3A_1129 : memref<!tpu.dma_semaphore, #tpu.memory_space<semaphore_mem>>) src(%arg9 : memref<128x128xf32, #tpu.memory_space<vmem>>) dst(%dma_wait3A_1149 : memref<4104x128xf32, #tpu.memory_space<vmem_shared>>)
        tpu.yield
      }) : () -> ()
      %while3A_1128 = arith.constant 0 : i32
      scf.yield %while3A_1128 : i32
    }
    %barrier3A_555 = arith.constant 0 : index
    tpu.barrier barrier_id(%barrier3A_555)
    %dma_wait3A_556 = arith.constant 0 : i32
    %dma_wait3A_557 = tpu.memref_slice %arg5[%add3A_437, %dma_wait3A_556] : memref<65536x128xf32, #tpu.memory_space<hbm>> -> memref<256x128xf32, #tpu.memory_space<hbm>>
    %dma_wait3A_558 = arith.constant 0 : i32
    %dma_wait3A_559 = tpu.memref_slice %arg12[%mul3A_434, %dma_wait3A_558] : memref<4104x128xf32, #tpu.memory_space<vmem_shared>> -> memref<256x128xf32, #tpu.memory_space<vmem_shared>>
    tpu.wait_dma2 semaphore(%arg16 : memref<!tpu.dma_semaphore, #tpu.memory_space<semaphore_mem>>) src(%dma_wait3A_559 : memref<256x128xf32, #tpu.memory_space<vmem_shared>>) dst(%dma_wait3A_557 : memref<256x128xf32, #tpu.memory_space<hbm>>)
    %mul3A_560 = arith.constant 32768 : i32
    %mul3A_561 = arith.muli %arg0, %mul3A_560 : i32
    %add3A_562 = arith.constant 12288 : i32
    %add3A_563 = arith.addi %mul3A_561, %add3A_562 : i32
    %mul3A_564 = arith.constant 256 : i32
    %mul3A_565 = arith.muli %arg1, %mul3A_564 : i32
    %add3A_566 = arith.addi %add3A_563, %mul3A_565 : i32
    %mul3A_567 = arith.constant 256 : i32
    %mul3A_568 = arith.muli %arg1, %mul3A_567 : i32
    %dma_start3A_569 = arith.constant 0 : i32
    %dma_start3A_570 = tpu.memref_slice %arg12[%mul3A_568, %dma_start3A_569] : memref<4104x128xf32, #tpu.memory_space<vmem_shared>> -> memref<256x128xf32, #tpu.memory_space<vmem_shared>>
    %dma_start3A_571 = arith.constant 0 : i32
    %dma_start3A_572 = tpu.memref_slice %arg2[%add3A_566, %dma_start3A_571] : memref<65536x128xf32, #tpu.memory_space<hbm>> -> memref<256x128xf32, #tpu.memory_space<hbm>>
    tpu.enqueue_dma source(%dma_start3A_572 : memref<256x128xf32, #tpu.memory_space<hbm>>) target(%dma_start3A_570 : memref<256x128xf32, #tpu.memory_space<vmem_shared>>) target_semaphore(%arg14 : memref<!tpu.dma_semaphore, #tpu.memory_space<semaphore_mem>>)
    %mul3A_573 = arith.constant 256 : i32
    %mul3A_574 = arith.muli %arg1, %mul3A_573 : i32
    %mul3A_575 = arith.constant 256 : i32
    %mul3A_576 = arith.muli %arg1, %mul3A_575 : i32
    %add3A_577 = arith.addi %add3A_445, %mul3A_576 : i32
    %dma_start3A_578 = arith.constant 0 : i32
    %dma_start3A_579 = tpu.memref_slice %arg5[%add3A_577, %dma_start3A_578] : memref<65536x128xf32, #tpu.memory_space<hbm>> -> memref<256x128xf32, #tpu.memory_space<hbm>>
    %dma_start3A_580 = arith.constant 0 : i32
    %dma_start3A_581 = tpu.memref_slice %arg11[%mul3A_574, %dma_start3A_580] : memref<4104x128xf32, #tpu.memory_space<vmem_shared>> -> memref<256x128xf32, #tpu.memory_space<vmem_shared>>
    tpu.enqueue_dma source(%dma_start3A_581 : memref<256x128xf32, #tpu.memory_space<vmem_shared>>) target(%dma_start3A_579 : memref<256x128xf32, #tpu.memory_space<hbm>>) target_semaphore(%arg15 : memref<!tpu.dma_semaphore, #tpu.memory_space<semaphore_mem>>)
    %mul3A_582 = arith.constant 32768 : i32
    %mul3A_583 = arith.muli %arg0, %mul3A_582 : i32
    %add3A_584 = arith.constant 12288 : i32
    %add3A_585 = arith.addi %mul3A_583, %add3A_584 : i32
    %gt3A_586 = arith.constant 0 : i32
    %gt3A_587 = arith.cmpi sgt, %select_n3A_489, %gt3A_586 : i32
    %convert_element_type3A_588 = arith.extui %gt3A_587 : i1 to i32
    %cond3A_589 = arith.constant 0 : i32
    %cond3A_590 = arith.cmpi ne, %convert_element_type3A_588, %cond3A_589 : i32
    scf.if %cond3A_590 {
      %dma_start3A_1104 = arith.constant 4 : i32
      %dma_start3A_1105 = arith.constant 0 : i32
      %dma_start3A_1106 = arith.constant 0 : i32
      %dma_start3A_1107 = arith.constant 0 : i32
      %dma_start3A_1108 = tpu.memref_slice %arg7[%dma_start3A_1104, %dma_start3A_1106, %dma_start3A_1107] : memref<8x8x128xi32, #tpu.memory_space<vmem>> -> memref<1x8x128xi32, #tpu.memory_space<vmem>>
      %dma_start3A_1109 = tpu.memref_squeeze %dma_start3A_1108 : memref<1x8x128xi32, #tpu.memory_space<vmem>> -> memref<8x128xi32, #tpu.memory_space<vmem>>
      %dma_start3A_1110 = arith.constant 0 : i32
      %dma_start3A_1111 = tpu.memref_slice %dma_start3A_1109[%dma_start3A_1105, %dma_start3A_1110] : memref<8x128xi32, #tpu.memory_space<vmem>> -> memref<1x128xi32, #tpu.memory_space<vmem>>
      %dma_start3A_1112 = tpu.memref_squeeze %dma_start3A_1111 : memref<1x128xi32, #tpu.memory_space<vmem>> -> memref<128xi32, #tpu.memory_space<vmem>>
      %dma_start3A_1113 = arith.constant 0 : i32
      %dma_start3A_1114 = arith.constant 0 : i32
      %dma_start3A_1115 = tpu.memref_slice %arg3[%dma_start3A_1113, %dma_start3A_1114] : memref<16384x128xf32, #tpu.memory_space<hbm>> -> memref<16384x128xf32, #tpu.memory_space<hbm>>
      tpu.enqueue_indirect_dma source(%dma_start3A_1115 : memref<16384x128xf32, #tpu.memory_space<hbm>>) target(%arg9 : memref<128x128xf32, #tpu.memory_space<vmem>>) offsets(%dma_start3A_1112 : memref<128xi32, #tpu.memory_space<vmem>>) semaphore(%arg17 : memref<!tpu.dma_semaphore, #tpu.memory_space<semaphore_mem>>)
    } else {
    }
    %mul3A_591 = arith.constant 32768 : i32
    %mul3A_592 = arith.muli %arg0, %mul3A_591 : i32
    %add3A_593 = arith.constant 20480 : i32
    %add3A_594 = arith.addi %mul3A_592, %add3A_593 : i32
    %scan3A_595 = arith.constant 5 : i32
    %scan3A_596 = arith.constant 5 : i32
    %scan3A_597 = arith.constant 0 : i32
    %scan3A_598 = arith.constant 0 : i32
    %scan3A_599 = arith.constant 64 : i32
    %scan3A_600 = arith.addi %scan3A_598, %scan3A_599 : i32
    %scan3A_601 = arith.constant 1 : i32
    %scan3A_602 = scf.for %scan3A_1104 = %scan3A_598 to %scan3A_600 step %scan3A_601 iter_args(%scan3A_1105 = %scan3A_597) -> (i32)  : i32 {
      %mul3A_1106 = arith.constant 16 : i32
      %mul3A_1107 = arith.muli %scan3A_1104, %mul3A_1106 : i32
      %get3A = arith.index_cast %mul3A_1107 : i32 to index
      %get3A_1108 = tpu.vector_load %arg6[%get3A] {strides = array<i32>} : memref<1024xi32, #tpu.memory_space<vmem>>, vector<16xi32>,
      %sub3A_1109 = vector.broadcast %add3A_594 : i32 to vector<16xi32>
      %sub3A_1110 = arith.subi %get3A_1108, %sub3A_1109 : vector<16xi32>
      %ge3A = arith.constant 0 : i32
      %ge3A_1111 = vector.broadcast %ge3A : i32 to vector<16xi32>
      %ge3A_1112 = arith.cmpi sge, %sub3A_1110, %ge3A_1111 : vector<16xi32>
      %lt3A = arith.constant 4096 : i32
      %lt3A_1113 = vector.broadcast %lt3A : i32 to vector<16xi32>
      %lt3A_1114 = arith.cmpi slt, %sub3A_1110, %lt3A_1113 : vector<16xi32>
      %and3A_1115 = arith.andi %ge3A_1112, %lt3A_1114 : vector<16xi1>
      %mul3A_1116 = arith.constant 16 : i32
      %mul3A_1117 = arith.muli %scan3A_1104, %mul3A_1116 : i32
      %add3A_1118 = arith.addi %mul3A_0, %mul3A_1117 : i32
      %iota3A = tpu.iota {dimensions = array<i32: 0>} : vector<16xi32>
      %add3A_1119 = vector.broadcast %add3A_1118 : i32 to vector<16xi32>
      %add3A_1120 = arith.addi %add3A_1119, %iota3A : vector<16xi32>
      %jit3A_1121 = arith.constant 1 : i32
      %jit3A_1122 = arith.constant 0 : i32
      %broadcast_in_dim3A = vector.broadcast %jit3A_1121 : i32 to vector<16xi32>
      %broadcast_in_dim3A_1123 = vector.broadcast %jit3A_1122 : i32 to vector<16xi32>
      %select_n3A_1124 = arith.select %and3A_1115, %broadcast_in_dim3A, %broadcast_in_dim3A_1123 : vector<16xi1>, vector<16xi32>
      %broadcast_in_dim3A_1125 = arith.constant true
      %broadcast_in_dim3A_1126 = vector.broadcast %broadcast_in_dim3A_1125 : i1 to vector<16xi1>
      %masked_cumsum3A = tpu.scan <sum>, %select_n3A_1124 masked %broadcast_in_dim3A_1126 : vector<16xi32>, vector<16xi1> -> vector<16xi32>
      %add3A_1127 = vector.broadcast %scan3A_1105 : i32 to vector<16xi32>
      %add3A_1128 = arith.addi %add3A_1127, %masked_cumsum3A : vector<16xi32>
      %sub3A_1129 = arith.constant 1 : i32
      %sub3A_1130 = vector.broadcast %sub3A_1129 : i32 to vector<16xi32>
      %sub3A_1131 = arith.subi %add3A_1128, %sub3A_1130 : vector<16xi32>
      %shift_right_arithmetic3A = arith.constant 7 : i32
      %shift_right_arithmetic3A_1132 = vector.broadcast %shift_right_arithmetic3A : i32 to vector<16xi32>
      %shift_right_arithmetic3A_1133 = arith.shrsi %sub3A_1131, %shift_right_arithmetic3A_1132 : vector<16xi32>
      %and3A_1134 = arith.constant 127 : i32
      %and3A_1135 = vector.broadcast %and3A_1134 : i32 to vector<16xi32>
      %and3A_1136 = arith.andi %sub3A_1131, %and3A_1135 : vector<16xi32>
      %scatter3A = arith.constant 0 : i32
      %scatter3A_1137 = arith.constant 0 : i32
      %scatter3A_1138 = tpu.memref_slice %arg7[%scan3A_595, %scatter3A, %scatter3A_1137] : memref<8x8x128xi32, #tpu.memory_space<vmem>> -> memref<1x8x128xi32, #tpu.memory_space<vmem>>
      %scatter3A_1139 = tpu.memref_squeeze %scatter3A_1138 : memref<1x8x128xi32, #tpu.memory_space<vmem>> -> memref<8x128xi32, #tpu.memory_space<vmem>>
      tpu.vector_store_idx %scatter3A_1139[%shift_right_arithmetic3A_1133, %and3A_1136], %add3A_1120 masked %and3A_1115 : memref<8x128xi32, #tpu.memory_space<vmem>>[vector<16xi32>, vector<16xi32>], vector<16xi32>, vector<16xi1>
      %shift_right_arithmetic3A_1140 = arith.constant 7 : i32
      %shift_right_arithmetic3A_1141 = vector.broadcast %shift_right_arithmetic3A_1140 : i32 to vector<16xi32>
      %shift_right_arithmetic3A_1142 = arith.shrsi %sub3A_1131, %shift_right_arithmetic3A_1141 : vector<16xi32>
      %and3A_1143 = arith.constant 127 : i32
      %and3A_1144 = vector.broadcast %and3A_1143 : i32 to vector<16xi32>
      %and3A_1145 = arith.andi %sub3A_1131, %and3A_1144 : vector<16xi32>
      %scatter3A_1146 = arith.constant 0 : i32
      %scatter3A_1147 = arith.constant 0 : i32
      %scatter3A_1148 = tpu.memref_slice %arg8[%scan3A_596, %scatter3A_1146, %scatter3A_1147] : memref<8x8x128xi32, #tpu.memory_space<vmem>> -> memref<1x8x128xi32, #tpu.memory_space<vmem>>
      %scatter3A_1149 = tpu.memref_squeeze %scatter3A_1148 : memref<1x8x128xi32, #tpu.memory_space<vmem>> -> memref<8x128xi32, #tpu.memory_space<vmem>>
      tpu.vector_store_idx %scatter3A_1149[%shift_right_arithmetic3A_1142, %and3A_1145], %sub3A_1110 masked %and3A_1115 : memref<8x128xi32, #tpu.memory_space<vmem>>[vector<16xi32>, vector<16xi32>], vector<16xi32>, vector<16xi1>
      %reduce_sum3A = arith.constant true
      %reduce_sum3A_1150 = vector.broadcast %reduce_sum3A : i1 to vector<16xi1>
      %reduce_sum3A_1151 = tpu.scan <sum>, %select_n3A_1124 masked %reduce_sum3A_1150 : vector<16xi32>, vector<16xi1> -> vector<16xi32>
      %reduce_sum3A_1152 = vector.extract %reduce_sum3A_1151[15] : i32 from vector<16xi32>
      %add3A_1153 = arith.addi %scan3A_1105, %reduce_sum3A_1152 : i32
      scf.yield %add3A_1153 : i32
    }
    %scan3A_603 = arith.constant 64 : i32
    %add3A_604 = arith.constant 127 : i32
    %add3A_605 = arith.addi %scan3A_602, %add3A_604 : i32
    %jit3A_606 = arith.constant 128 : i32
    %div3A_607 = arith.divsi %add3A_605, %jit3A_606 : i32
    %sign3A_608 = arith.constant 0 : i32
    %sign3A_609 = arith.cmpi sgt, %add3A_605, %sign3A_608 : i32
    %sign3A_610 = arith.extui %sign3A_609 : i1 to i32
    %sign3A_611 = arith.constant 0 : i32
    %sign3A_612 = arith.cmpi slt, %add3A_605, %sign3A_611 : i32
    %sign3A_613 = arith.extui %sign3A_612 : i1 to i32
    %sign3A_614 = arith.subi %sign3A_610, %sign3A_613 : i32
    %sign3A_615 = arith.constant 0 : i32
    %sign3A_616 = arith.cmpi sgt, %jit3A_606, %sign3A_615 : i32
    %sign3A_617 = arith.extui %sign3A_616 : i1 to i32
    %sign3A_618 = arith.constant 0 : i32
    %sign3A_619 = arith.cmpi slt, %jit3A_606, %sign3A_618 : i32
    %sign3A_620 = arith.extui %sign3A_619 : i1 to i32
    %sign3A_621 = arith.subi %sign3A_617, %sign3A_620 : i32
    %ne3A_622 = arith.cmpi ne, %sign3A_614, %sign3A_621 : i32
    %rem3A_623 = arith.remsi %add3A_605, %jit3A_606 : i32
    %ne3A_624 = arith.constant 0 : i32
    %ne3A_625 = arith.cmpi ne, %rem3A_623, %ne3A_624 : i32
    %and3A_626 = arith.andi %ne3A_622, %ne3A_625 : i1
    %sub3A_627 = arith.constant 1 : i32
    %sub3A_628 = arith.subi %div3A_607, %sub3A_627 : i32
    %select_n3A_629 = arith.select %and3A_626, %sub3A_628, %div3A_607 : i32
    %mul3A_630 = arith.constant 128 : i32
    %mul3A_631 = arith.muli %select_n3A_629, %mul3A_630 : i32
    %sub3A_632 = arith.subi %mul3A_631, %scan3A_602 : i32
    %add3A_633 = arith.constant 15 : i32
    %add3A_634 = arith.addi %sub3A_632, %add3A_633 : i32
    %jit3A_635 = arith.constant 16 : i32
    %div3A_636 = arith.divsi %add3A_634, %jit3A_635 : i32
    %sign3A_637 = arith.constant 0 : i32
    %sign3A_638 = arith.cmpi sgt, %add3A_634, %sign3A_637 : i32
    %sign3A_639 = arith.extui %sign3A_638 : i1 to i32
    %sign3A_640 = arith.constant 0 : i32
    %sign3A_641 = arith.cmpi slt, %add3A_634, %sign3A_640 : i32
    %sign3A_642 = arith.extui %sign3A_641 : i1 to i32
    %sign3A_643 = arith.subi %sign3A_639, %sign3A_642 : i32
    %sign3A_644 = arith.constant 0 : i32
    %sign3A_645 = arith.cmpi sgt, %jit3A_635, %sign3A_644 : i32
    %sign3A_646 = arith.extui %sign3A_645 : i1 to i32
    %sign3A_647 = arith.constant 0 : i32
    %sign3A_648 = arith.cmpi slt, %jit3A_635, %sign3A_647 : i32
    %sign3A_649 = arith.extui %sign3A_648 : i1 to i32
    %sign3A_650 = arith.subi %sign3A_646, %sign3A_649 : i32
    %ne3A_651 = arith.cmpi ne, %sign3A_643, %sign3A_650 : i32
    %rem3A_652 = arith.remsi %add3A_634, %jit3A_635 : i32
    %ne3A_653 = arith.constant 0 : i32
    %ne3A_654 = arith.cmpi ne, %rem3A_652, %ne3A_653 : i32
    %and3A_655 = arith.andi %ne3A_651, %ne3A_654 : i1
    %sub3A_656 = arith.constant 1 : i32
    %sub3A_657 = arith.subi %div3A_636, %sub3A_656 : i32
    %select_n3A_658 = arith.select %and3A_655, %sub3A_657, %div3A_636 : i32
    %while3A_659 = arith.constant 5 : i32
    %while3A_660 = arith.constant 5 : i32
    %while3A_661 = arith.constant 0 : i32
    %while3A_662 = arith.constant 0 : i32
    %while3A_663 = arith.subi %select_n3A_658, %while3A_661 : i32
    %while3A_664 = arith.addi %while3A_661, %while3A_663 : i32
    %while3A_665 = arith.constant 1 : i32
    %while3A_666 = arith.divsi %while3A_663, %while3A_665 : i32
    %while3A_667 = arith.muli %while3A_666, %while3A_665 : i32
    %while3A_668 = arith.addi %while3A_661, %while3A_667 : i32
    %while3A_669 = arith.constant 1 : i32
    %while3A_670 = scf.for %while3A_1104 = %while3A_661 to %while3A_668 step %while3A_669 iter_args(%while3A_1105 = %while3A_662) -> (i32)  : i32 {
      %mul3A_1106 = arith.constant 16 : i32
      %mul3A_1107 = arith.muli %while3A_1104, %mul3A_1106 : i32
      %add3A_1108 = arith.addi %scan3A_602, %mul3A_1107 : i32
      %iota3A = tpu.iota {dimensions = array<i32: 0>} : vector<16xi32>
      %add3A_1109 = vector.broadcast %add3A_1108 : i32 to vector<16xi32>
      %add3A_1110 = arith.addi %add3A_1109, %iota3A : vector<16xi32>
      %mul3A_1111 = arith.constant 128 : i32
      %mul3A_1112 = arith.muli %select_n3A_629, %mul3A_1111 : i32
      %lt3A = vector.broadcast %mul3A_1112 : i32 to vector<16xi32>
      %lt3A_1113 = arith.cmpi slt, %add3A_1110, %lt3A : vector<16xi32>
      %shift_right_arithmetic3A = arith.constant 7 : i32
      %shift_right_arithmetic3A_1114 = vector.broadcast %shift_right_arithmetic3A : i32 to vector<16xi32>
      %shift_right_arithmetic3A_1115 = arith.shrsi %add3A_1110, %shift_right_arithmetic3A_1114 : vector<16xi32>
      %and3A_1116 = arith.constant 127 : i32
      %and3A_1117 = vector.broadcast %and3A_1116 : i32 to vector<16xi32>
      %and3A_1118 = arith.andi %add3A_1110, %and3A_1117 : vector<16xi32>
      %iota3A_1119 = tpu.iota {dimensions = array<i32: 0>} : vector<16xi32>
      %mul3A_1120 = arith.constant 64 : i32
      %mul3A_1121 = vector.broadcast %mul3A_1120 : i32 to vector<16xi32>
      %mul3A_1122 = arith.muli %iota3A_1119, %mul3A_1121 : vector<16xi32>
      %add3A_1123 = vector.broadcast %mul3A_0 : i32 to vector<16xi32>
      %add3A_1124 = arith.addi %add3A_1123, %mul3A_1122 : vector<16xi32>
      %scatter3A = arith.constant 0 : i32
      %scatter3A_1125 = arith.constant 0 : i32
      %scatter3A_1126 = tpu.memref_slice %arg7[%while3A_659, %scatter3A, %scatter3A_1125] : memref<8x8x128xi32, #tpu.memory_space<vmem>> -> memref<1x8x128xi32, #tpu.memory_space<vmem>>
      %scatter3A_1127 = tpu.memref_squeeze %scatter3A_1126 : memref<1x8x128xi32, #tpu.memory_space<vmem>> -> memref<8x128xi32, #tpu.memory_space<vmem>>
      tpu.vector_store_idx %scatter3A_1127[%shift_right_arithmetic3A_1115, %and3A_1118], %add3A_1124 masked %lt3A_1113 : memref<8x128xi32, #tpu.memory_space<vmem>>[vector<16xi32>, vector<16xi32>], vector<16xi32>, vector<16xi1>
      %shift_right_arithmetic3A_1128 = arith.constant 7 : i32
      %shift_right_arithmetic3A_1129 = vector.broadcast %shift_right_arithmetic3A_1128 : i32 to vector<16xi32>
      %shift_right_arithmetic3A_1130 = arith.shrsi %add3A_1110, %shift_right_arithmetic3A_1129 : vector<16xi32>
      %and3A_1131 = arith.constant 127 : i32
      %and3A_1132 = vector.broadcast %and3A_1131 : i32 to vector<16xi32>
      %and3A_1133 = arith.andi %add3A_1110, %and3A_1132 : vector<16xi32>
      %iota3A_1134 = tpu.iota {dimensions = array<i32: 0>} : vector<16xi32>
      %and3A_1135 = arith.constant 7 : i32
      %and3A_1136 = vector.broadcast %and3A_1135 : i32 to vector<16xi32>
      %and3A_1137 = arith.andi %iota3A_1134, %and3A_1136 : vector<16xi32>
      %add3A_1138 = arith.constant 4096 : i32
      %add3A_1139 = vector.broadcast %add3A_1138 : i32 to vector<16xi32>
      %add3A_1140 = arith.addi %add3A_1139, %and3A_1137 : vector<16xi32>
      %scatter3A_1141 = arith.constant 0 : i32
      %scatter3A_1142 = arith.constant 0 : i32
      %scatter3A_1143 = tpu.memref_slice %arg8[%while3A_660, %scatter3A_1141, %scatter3A_1142] : memref<8x8x128xi32, #tpu.memory_space<vmem>> -> memref<1x8x128xi32, #tpu.memory_space<vmem>>
      %scatter3A_1144 = tpu.memref_squeeze %scatter3A_1143 : memref<1x8x128xi32, #tpu.memory_space<vmem>> -> memref<8x128xi32, #tpu.memory_space<vmem>>
      tpu.vector_store_idx %scatter3A_1144[%shift_right_arithmetic3A_1130, %and3A_1133], %add3A_1140 masked %lt3A_1113 : memref<8x128xi32, #tpu.memory_space<vmem>>[vector<16xi32>, vector<16xi32>], vector<16xi32>, vector<16xi1>
      %while3A_1145 = arith.constant 0 : i32
      scf.yield %while3A_1145 : i32
    }
    %while3A_671 = arith.constant 1 : i32
    %while3A_672 = scf.for %while3A_1104 = %while3A_668 to %while3A_664 step %while3A_671 iter_args(%while3A_1105 = %while3A_670) -> (i32)  : i32 {
      %mul3A_1106 = arith.constant 16 : i32
      %mul3A_1107 = arith.muli %while3A_1104, %mul3A_1106 : i32
      %add3A_1108 = arith.addi %scan3A_602, %mul3A_1107 : i32
      %iota3A = tpu.iota {dimensions = array<i32: 0>} : vector<16xi32>
      %add3A_1109 = vector.broadcast %add3A_1108 : i32 to vector<16xi32>
      %add3A_1110 = arith.addi %add3A_1109, %iota3A : vector<16xi32>
      %mul3A_1111 = arith.constant 128 : i32
      %mul3A_1112 = arith.muli %select_n3A_629, %mul3A_1111 : i32
      %lt3A = vector.broadcast %mul3A_1112 : i32 to vector<16xi32>
      %lt3A_1113 = arith.cmpi slt, %add3A_1110, %lt3A : vector<16xi32>
      %shift_right_arithmetic3A = arith.constant 7 : i32
      %shift_right_arithmetic3A_1114 = vector.broadcast %shift_right_arithmetic3A : i32 to vector<16xi32>
      %shift_right_arithmetic3A_1115 = arith.shrsi %add3A_1110, %shift_right_arithmetic3A_1114 : vector<16xi32>
      %and3A_1116 = arith.constant 127 : i32
      %and3A_1117 = vector.broadcast %and3A_1116 : i32 to vector<16xi32>
      %and3A_1118 = arith.andi %add3A_1110, %and3A_1117 : vector<16xi32>
      %iota3A_1119 = tpu.iota {dimensions = array<i32: 0>} : vector<16xi32>
      %mul3A_1120 = arith.constant 64 : i32
      %mul3A_1121 = vector.broadcast %mul3A_1120 : i32 to vector<16xi32>
      %mul3A_1122 = arith.muli %iota3A_1119, %mul3A_1121 : vector<16xi32>
      %add3A_1123 = vector.broadcast %mul3A_0 : i32 to vector<16xi32>
      %add3A_1124 = arith.addi %add3A_1123, %mul3A_1122 : vector<16xi32>
      %scatter3A = arith.constant 0 : i32
      %scatter3A_1125 = arith.constant 0 : i32
      %scatter3A_1126 = tpu.memref_slice %arg7[%while3A_659, %scatter3A, %scatter3A_1125] : memref<8x8x128xi32, #tpu.memory_space<vmem>> -> memref<1x8x128xi32, #tpu.memory_space<vmem>>
      %scatter3A_1127 = tpu.memref_squeeze %scatter3A_1126 : memref<1x8x128xi32, #tpu.memory_space<vmem>> -> memref<8x128xi32, #tpu.memory_space<vmem>>
      tpu.vector_store_idx %scatter3A_1127[%shift_right_arithmetic3A_1115, %and3A_1118], %add3A_1124 masked %lt3A_1113 : memref<8x128xi32, #tpu.memory_space<vmem>>[vector<16xi32>, vector<16xi32>], vector<16xi32>, vector<16xi1>
      %shift_right_arithmetic3A_1128 = arith.constant 7 : i32
      %shift_right_arithmetic3A_1129 = vector.broadcast %shift_right_arithmetic3A_1128 : i32 to vector<16xi32>
      %shift_right_arithmetic3A_1130 = arith.shrsi %add3A_1110, %shift_right_arithmetic3A_1129 : vector<16xi32>
      %and3A_1131 = arith.constant 127 : i32
      %and3A_1132 = vector.broadcast %and3A_1131 : i32 to vector<16xi32>
      %and3A_1133 = arith.andi %add3A_1110, %and3A_1132 : vector<16xi32>
      %iota3A_1134 = tpu.iota {dimensions = array<i32: 0>} : vector<16xi32>
      %and3A_1135 = arith.constant 7 : i32
      %and3A_1136 = vector.broadcast %and3A_1135 : i32 to vector<16xi32>
      %and3A_1137 = arith.andi %iota3A_1134, %and3A_1136 : vector<16xi32>
      %add3A_1138 = arith.constant 4096 : i32
      %add3A_1139 = vector.broadcast %add3A_1138 : i32 to vector<16xi32>
      %add3A_1140 = arith.addi %add3A_1139, %and3A_1137 : vector<16xi32>
      %scatter3A_1141 = arith.constant 0 : i32
      %scatter3A_1142 = arith.constant 0 : i32
      %scatter3A_1143 = tpu.memref_slice %arg8[%while3A_660, %scatter3A_1141, %scatter3A_1142] : memref<8x8x128xi32, #tpu.memory_space<vmem>> -> memref<1x8x128xi32, #tpu.memory_space<vmem>>
      %scatter3A_1144 = tpu.memref_squeeze %scatter3A_1143 : memref<1x8x128xi32, #tpu.memory_space<vmem>> -> memref<8x128xi32, #tpu.memory_space<vmem>>
      tpu.vector_store_idx %scatter3A_1144[%shift_right_arithmetic3A_1130, %and3A_1133], %add3A_1140 masked %lt3A_1113 : memref<8x128xi32, #tpu.memory_space<vmem>>[vector<16xi32>, vector<16xi32>], vector<16xi32>, vector<16xi1>
      %while3A_1145 = arith.constant 0 : i32
      scf.yield %while3A_1145 : i32
    }
    %dma_wait3A_673 = arith.constant 0 : i32
    %dma_wait3A_674 = tpu.memref_slice %arg12[%mul3A_568, %dma_wait3A_673] : memref<4104x128xf32, #tpu.memory_space<vmem_shared>> -> memref<256x128xf32, #tpu.memory_space<vmem_shared>>
    %dma_wait3A_675 = arith.constant 0 : i32
    %dma_wait3A_676 = tpu.memref_slice %arg2[%add3A_566, %dma_wait3A_675] : memref<65536x128xf32, #tpu.memory_space<hbm>> -> memref<256x128xf32, #tpu.memory_space<hbm>>
    tpu.wait_dma2 semaphore(%arg14 : memref<!tpu.dma_semaphore, #tpu.memory_space<semaphore_mem>>) src(%dma_wait3A_676 : memref<256x128xf32, #tpu.memory_space<hbm>>) dst(%dma_wait3A_674 : memref<256x128xf32, #tpu.memory_space<vmem_shared>>)
    %barrier3A_677 = arith.constant 0 : index
    tpu.barrier barrier_id(%barrier3A_677)
    %gt3A_678 = arith.constant 0 : i32
    %gt3A_679 = arith.cmpi sgt, %select_n3A_349, %gt3A_678 : i32
    %convert_element_type3A_680 = arith.extui %gt3A_679 : i1 to i32
    %cond3A_681 = arith.constant 0 : i32
    %cond3A_682 = arith.cmpi ne, %convert_element_type3A_680, %cond3A_681 : i32
    scf.if %cond3A_682 {
      %dma_wait3A_1104 = arith.constant 3 : i32
      %dma_wait3A_1105 = arith.constant 0 : i32
      %dma_wait3A_1106 = arith.constant 0 : i32
      %dma_wait3A_1107 = arith.constant 0 : i32
      %dma_wait3A_1108 = tpu.memref_slice %arg7[%dma_wait3A_1104, %dma_wait3A_1106, %dma_wait3A_1107] : memref<8x8x128xi32, #tpu.memory_space<vmem>> -> memref<1x8x128xi32, #tpu.memory_space<vmem>>
      %dma_wait3A_1109 = tpu.memref_squeeze %dma_wait3A_1108 : memref<1x8x128xi32, #tpu.memory_space<vmem>> -> memref<8x128xi32, #tpu.memory_space<vmem>>
      %dma_wait3A_1110 = arith.constant 0 : i32
      %dma_wait3A_1111 = tpu.memref_slice %dma_wait3A_1109[%dma_wait3A_1105, %dma_wait3A_1110] : memref<8x128xi32, #tpu.memory_space<vmem>> -> memref<1x128xi32, #tpu.memory_space<vmem>>
      %dma_wait3A_1112 = tpu.memref_squeeze %dma_wait3A_1111 : memref<1x128xi32, #tpu.memory_space<vmem>> -> memref<128xi32, #tpu.memory_space<vmem>>
      %dma_wait3A_1113 = arith.constant 0 : i32
      %dma_wait3A_1114 = arith.constant 0 : i32
      %dma_wait3A_1115 = tpu.memref_slice %arg3[%dma_wait3A_1113, %dma_wait3A_1114] : memref<16384x128xf32, #tpu.memory_space<hbm>> -> memref<16384x128xf32, #tpu.memory_space<hbm>>
      tpu.wait_indirect_dma semaphore(%arg18 : memref<!tpu.dma_semaphore, #tpu.memory_space<semaphore_mem>>) src(%dma_wait3A_1115 : memref<16384x128xf32, #tpu.memory_space<hbm>>) dst(%arg10 : memref<128x128xf32, #tpu.memory_space<vmem>>)
      %run_scoped3A = arith.constant 3 : i32
      %run_scoped3A_1116 = arith.constant 0 : i32
      "tpu.region"() ({
        %run_scoped3A_1117 = tpu.sem_alloc : memref<!tpu.dma_semaphore, #tpu.memory_space<semaphore_mem>>
        %dma_start3A_1118 = arith.constant 0 : i32
        %dma_start3A_1119 = arith.constant 0 : i32
        %dma_start3A_1120 = tpu.memref_slice %arg8[%run_scoped3A, %dma_start3A_1118, %dma_start3A_1119] : memref<8x8x128xi32, #tpu.memory_space<vmem>> -> memref<1x8x128xi32, #tpu.memory_space<vmem>>
        %dma_start3A_1121 = tpu.memref_squeeze %dma_start3A_1120 : memref<1x8x128xi32, #tpu.memory_space<vmem>> -> memref<8x128xi32, #tpu.memory_space<vmem>>
        %dma_start3A_1122 = arith.constant 0 : i32
        %dma_start3A_1123 = tpu.memref_slice %dma_start3A_1121[%run_scoped3A_1116, %dma_start3A_1122] : memref<8x128xi32, #tpu.memory_space<vmem>> -> memref<1x128xi32, #tpu.memory_space<vmem>>
        %dma_start3A_1124 = tpu.memref_squeeze %dma_start3A_1123 : memref<1x128xi32, #tpu.memory_space<vmem>> -> memref<128xi32, #tpu.memory_space<vmem>>
        %dma_start3A_1125 = arith.constant 0 : i32
        %dma_start3A_1126 = arith.constant 0 : i32
        %dma_start3A_1127 = tpu.memref_slice %arg12[%dma_start3A_1125, %dma_start3A_1126] : memref<4104x128xf32, #tpu.memory_space<vmem_shared>> -> memref<4104x128xf32, #tpu.memory_space<vmem_shared>>
        tpu.enqueue_indirect_dma source(%arg10 : memref<128x128xf32, #tpu.memory_space<vmem>>) target(%dma_start3A_1127 : memref<4104x128xf32, #tpu.memory_space<vmem_shared>>) offsets(%dma_start3A_1124 : memref<128xi32, #tpu.memory_space<vmem>>) semaphore(%run_scoped3A_1117 : memref<!tpu.dma_semaphore, #tpu.memory_space<semaphore_mem>>) {add = true}
        %dma_wait3A_1128 = arith.constant 0 : i32
        %dma_wait3A_1129 = arith.constant 0 : i32
        %dma_wait3A_1130 = tpu.memref_slice %arg8[%run_scoped3A, %dma_wait3A_1128, %dma_wait3A_1129] : memref<8x8x128xi32, #tpu.memory_space<vmem>> -> memref<1x8x128xi32, #tpu.memory_space<vmem>>
        %dma_wait3A_1131 = tpu.memref_squeeze %dma_wait3A_1130 : memref<1x8x128xi32, #tpu.memory_space<vmem>> -> memref<8x128xi32, #tpu.memory_space<vmem>>
        %dma_wait3A_1132 = arith.constant 0 : i32
        %dma_wait3A_1133 = tpu.memref_slice %dma_wait3A_1131[%run_scoped3A_1116, %dma_wait3A_1132] : memref<8x128xi32, #tpu.memory_space<vmem>> -> memref<1x128xi32, #tpu.memory_space<vmem>>
        %dma_wait3A_1134 = tpu.memref_squeeze %dma_wait3A_1133 : memref<1x128xi32, #tpu.memory_space<vmem>> -> memref<128xi32, #tpu.memory_space<vmem>>
        %dma_wait3A_1135 = arith.constant 0 : i32
        %dma_wait3A_1136 = arith.constant 0 : i32
        %dma_wait3A_1137 = tpu.memref_slice %arg12[%dma_wait3A_1135, %dma_wait3A_1136] : memref<4104x128xf32, #tpu.memory_space<vmem_shared>> -> memref<4104x128xf32, #tpu.memory_space<vmem_shared>>
        tpu.wait_indirect_dma semaphore(%run_scoped3A_1117 : memref<!tpu.dma_semaphore, #tpu.memory_space<semaphore_mem>>) src(%arg10 : memref<128x128xf32, #tpu.memory_space<vmem>>) dst(%dma_wait3A_1137 : memref<4104x128xf32, #tpu.memory_space<vmem_shared>>)
        tpu.yield
      }) : () -> ()
    } else {
    }
    %while3A_683 = arith.constant 1 : i32
    %while3A_684 = arith.constant 0 : i32
    %while3A_685 = arith.subi %select_n3A_349, %while3A_683 : i32
    %while3A_686 = arith.addi %while3A_683, %while3A_685 : i32
    %while3A_687 = arith.constant 1 : i32
    %while3A_688 = arith.divsi %while3A_685, %while3A_687 : i32
    %while3A_689 = arith.muli %while3A_688, %while3A_687 : i32
    %while3A_690 = arith.addi %while3A_683, %while3A_689 : i32
    %while3A_691 = arith.constant 1 : i32
    %while3A_692 = scf.for %while3A_1104 = %while3A_683 to %while3A_690 step %while3A_691 iter_args(%while3A_1105 = %while3A_684) -> (i32)  : i32 {
      %dma_start3A_1106 = arith.constant 3 : i32
      %dma_start3A_1107 = arith.constant 0 : i32
      %dma_start3A_1108 = arith.constant 0 : i32
      %dma_start3A_1109 = tpu.memref_slice %arg7[%dma_start3A_1106, %dma_start3A_1107, %dma_start3A_1108] : memref<8x8x128xi32, #tpu.memory_space<vmem>> -> memref<1x8x128xi32, #tpu.memory_space<vmem>>
      %dma_start3A_1110 = tpu.memref_squeeze %dma_start3A_1109 : memref<1x8x128xi32, #tpu.memory_space<vmem>> -> memref<8x128xi32, #tpu.memory_space<vmem>>
      %dma_start3A_1111 = arith.constant 0 : i32
      %dma_start3A_1112 = tpu.memref_slice %dma_start3A_1110[%while3A_1104, %dma_start3A_1111] : memref<8x128xi32, #tpu.memory_space<vmem>> -> memref<1x128xi32, #tpu.memory_space<vmem>>
      %dma_start3A_1113 = tpu.memref_squeeze %dma_start3A_1112 : memref<1x128xi32, #tpu.memory_space<vmem>> -> memref<128xi32, #tpu.memory_space<vmem>>
      %dma_start3A_1114 = arith.constant 0 : i32
      %dma_start3A_1115 = arith.constant 0 : i32
      %dma_start3A_1116 = tpu.memref_slice %arg3[%dma_start3A_1114, %dma_start3A_1115] : memref<16384x128xf32, #tpu.memory_space<hbm>> -> memref<16384x128xf32, #tpu.memory_space<hbm>>
      tpu.enqueue_indirect_dma source(%dma_start3A_1116 : memref<16384x128xf32, #tpu.memory_space<hbm>>) target(%arg10 : memref<128x128xf32, #tpu.memory_space<vmem>>) offsets(%dma_start3A_1113 : memref<128xi32, #tpu.memory_space<vmem>>) semaphore(%arg19 : memref<!tpu.dma_semaphore, #tpu.memory_space<semaphore_mem>>)
      %dma_wait3A_1117 = arith.constant 3 : i32
      %dma_wait3A_1118 = arith.constant 0 : i32
      %dma_wait3A_1119 = arith.constant 0 : i32
      %dma_wait3A_1120 = tpu.memref_slice %arg7[%dma_wait3A_1117, %dma_wait3A_1118, %dma_wait3A_1119] : memref<8x8x128xi32, #tpu.memory_space<vmem>> -> memref<1x8x128xi32, #tpu.memory_space<vmem>>
      %dma_wait3A_1121 = tpu.memref_squeeze %dma_wait3A_1120 : memref<1x8x128xi32, #tpu.memory_space<vmem>> -> memref<8x128xi32, #tpu.memory_space<vmem>>
      %dma_wait3A_1122 = arith.constant 0 : i32
      %dma_wait3A_1123 = tpu.memref_slice %dma_wait3A_1121[%while3A_1104, %dma_wait3A_1122] : memref<8x128xi32, #tpu.memory_space<vmem>> -> memref<1x128xi32, #tpu.memory_space<vmem>>
      %dma_wait3A_1124 = tpu.memref_squeeze %dma_wait3A_1123 : memref<1x128xi32, #tpu.memory_space<vmem>> -> memref<128xi32, #tpu.memory_space<vmem>>
      %dma_wait3A_1125 = arith.constant 0 : i32
      %dma_wait3A_1126 = arith.constant 0 : i32
      %dma_wait3A_1127 = tpu.memref_slice %arg3[%dma_wait3A_1125, %dma_wait3A_1126] : memref<16384x128xf32, #tpu.memory_space<hbm>> -> memref<16384x128xf32, #tpu.memory_space<hbm>>
      tpu.wait_indirect_dma semaphore(%arg19 : memref<!tpu.dma_semaphore, #tpu.memory_space<semaphore_mem>>) src(%dma_wait3A_1127 : memref<16384x128xf32, #tpu.memory_space<hbm>>) dst(%arg10 : memref<128x128xf32, #tpu.memory_space<vmem>>)
      %run_scoped3A = arith.constant 3 : i32
      "tpu.region"() ({
        %run_scoped3A_1129 = tpu.sem_alloc : memref<!tpu.dma_semaphore, #tpu.memory_space<semaphore_mem>>
        %dma_start3A_1130 = arith.constant 0 : i32
        %dma_start3A_1131 = arith.constant 0 : i32
        %dma_start3A_1132 = tpu.memref_slice %arg8[%run_scoped3A, %dma_start3A_1130, %dma_start3A_1131] : memref<8x8x128xi32, #tpu.memory_space<vmem>> -> memref<1x8x128xi32, #tpu.memory_space<vmem>>
        %dma_start3A_1133 = tpu.memref_squeeze %dma_start3A_1132 : memref<1x8x128xi32, #tpu.memory_space<vmem>> -> memref<8x128xi32, #tpu.memory_space<vmem>>
        %dma_start3A_1134 = arith.constant 0 : i32
        %dma_start3A_1135 = tpu.memref_slice %dma_start3A_1133[%while3A_1104, %dma_start3A_1134] : memref<8x128xi32, #tpu.memory_space<vmem>> -> memref<1x128xi32, #tpu.memory_space<vmem>>
        %dma_start3A_1136 = tpu.memref_squeeze %dma_start3A_1135 : memref<1x128xi32, #tpu.memory_space<vmem>> -> memref<128xi32, #tpu.memory_space<vmem>>
        %dma_start3A_1137 = arith.constant 0 : i32
        %dma_start3A_1138 = arith.constant 0 : i32
        %dma_start3A_1139 = tpu.memref_slice %arg12[%dma_start3A_1137, %dma_start3A_1138] : memref<4104x128xf32, #tpu.memory_space<vmem_shared>> -> memref<4104x128xf32, #tpu.memory_space<vmem_shared>>
        tpu.enqueue_indirect_dma source(%arg10 : memref<128x128xf32, #tpu.memory_space<vmem>>) target(%dma_start3A_1139 : memref<4104x128xf32, #tpu.memory_space<vmem_shared>>) offsets(%dma_start3A_1136 : memref<128xi32, #tpu.memory_space<vmem>>) semaphore(%run_scoped3A_1129 : memref<!tpu.dma_semaphore, #tpu.memory_space<semaphore_mem>>) {add = true}
        %dma_wait3A_1140 = arith.constant 0 : i32
        %dma_wait3A_1141 = arith.constant 0 : i32
        %dma_wait3A_1142 = tpu.memref_slice %arg8[%run_scoped3A, %dma_wait3A_1140, %dma_wait3A_1141] : memref<8x8x128xi32, #tpu.memory_space<vmem>> -> memref<1x8x128xi32, #tpu.memory_space<vmem>>
        %dma_wait3A_1143 = tpu.memref_squeeze %dma_wait3A_1142 : memref<1x8x128xi32, #tpu.memory_space<vmem>> -> memref<8x128xi32, #tpu.memory_space<vmem>>
        %dma_wait3A_1144 = arith.constant 0 : i32
        %dma_wait3A_1145 = tpu.memref_slice %dma_wait3A_1143[%while3A_1104, %dma_wait3A_1144] : memref<8x128xi32, #tpu.memory_space<vmem>> -> memref<1x128xi32, #tpu.memory_space<vmem>>
        %dma_wait3A_1146 = tpu.memref_squeeze %dma_wait3A_1145 : memref<1x128xi32, #tpu.memory_space<vmem>> -> memref<128xi32, #tpu.memory_space<vmem>>
        %dma_wait3A_1147 = arith.constant 0 : i32
        %dma_wait3A_1148 = arith.constant 0 : i32
        %dma_wait3A_1149 = tpu.memref_slice %arg12[%dma_wait3A_1147, %dma_wait3A_1148] : memref<4104x128xf32, #tpu.memory_space<vmem_shared>> -> memref<4104x128xf32, #tpu.memory_space<vmem_shared>>
        tpu.wait_indirect_dma semaphore(%run_scoped3A_1129 : memref<!tpu.dma_semaphore, #tpu.memory_space<semaphore_mem>>) src(%arg10 : memref<128x128xf32, #tpu.memory_space<vmem>>) dst(%dma_wait3A_1149 : memref<4104x128xf32, #tpu.memory_space<vmem_shared>>)
        tpu.yield
      }) : () -> ()
      %while3A_1128 = arith.constant 0 : i32
      scf.yield %while3A_1128 : i32
    }
    %while3A_693 = arith.constant 1 : i32
    %while3A_694 = scf.for %while3A_1104 = %while3A_690 to %while3A_686 step %while3A_693 iter_args(%while3A_1105 = %while3A_692) -> (i32)  : i32 {
      %dma_start3A_1106 = arith.constant 3 : i32
      %dma_start3A_1107 = arith.constant 0 : i32
      %dma_start3A_1108 = arith.constant 0 : i32
      %dma_start3A_1109 = tpu.memref_slice %arg7[%dma_start3A_1106, %dma_start3A_1107, %dma_start3A_1108] : memref<8x8x128xi32, #tpu.memory_space<vmem>> -> memref<1x8x128xi32, #tpu.memory_space<vmem>>
      %dma_start3A_1110 = tpu.memref_squeeze %dma_start3A_1109 : memref<1x8x128xi32, #tpu.memory_space<vmem>> -> memref<8x128xi32, #tpu.memory_space<vmem>>
      %dma_start3A_1111 = arith.constant 0 : i32
      %dma_start3A_1112 = tpu.memref_slice %dma_start3A_1110[%while3A_1104, %dma_start3A_1111] : memref<8x128xi32, #tpu.memory_space<vmem>> -> memref<1x128xi32, #tpu.memory_space<vmem>>
      %dma_start3A_1113 = tpu.memref_squeeze %dma_start3A_1112 : memref<1x128xi32, #tpu.memory_space<vmem>> -> memref<128xi32, #tpu.memory_space<vmem>>
      %dma_start3A_1114 = arith.constant 0 : i32
      %dma_start3A_1115 = arith.constant 0 : i32
      %dma_start3A_1116 = tpu.memref_slice %arg3[%dma_start3A_1114, %dma_start3A_1115] : memref<16384x128xf32, #tpu.memory_space<hbm>> -> memref<16384x128xf32, #tpu.memory_space<hbm>>
      tpu.enqueue_indirect_dma source(%dma_start3A_1116 : memref<16384x128xf32, #tpu.memory_space<hbm>>) target(%arg10 : memref<128x128xf32, #tpu.memory_space<vmem>>) offsets(%dma_start3A_1113 : memref<128xi32, #tpu.memory_space<vmem>>) semaphore(%arg19 : memref<!tpu.dma_semaphore, #tpu.memory_space<semaphore_mem>>)
      %dma_wait3A_1117 = arith.constant 3 : i32
      %dma_wait3A_1118 = arith.constant 0 : i32
      %dma_wait3A_1119 = arith.constant 0 : i32
      %dma_wait3A_1120 = tpu.memref_slice %arg7[%dma_wait3A_1117, %dma_wait3A_1118, %dma_wait3A_1119] : memref<8x8x128xi32, #tpu.memory_space<vmem>> -> memref<1x8x128xi32, #tpu.memory_space<vmem>>
      %dma_wait3A_1121 = tpu.memref_squeeze %dma_wait3A_1120 : memref<1x8x128xi32, #tpu.memory_space<vmem>> -> memref<8x128xi32, #tpu.memory_space<vmem>>
      %dma_wait3A_1122 = arith.constant 0 : i32
      %dma_wait3A_1123 = tpu.memref_slice %dma_wait3A_1121[%while3A_1104, %dma_wait3A_1122] : memref<8x128xi32, #tpu.memory_space<vmem>> -> memref<1x128xi32, #tpu.memory_space<vmem>>
      %dma_wait3A_1124 = tpu.memref_squeeze %dma_wait3A_1123 : memref<1x128xi32, #tpu.memory_space<vmem>> -> memref<128xi32, #tpu.memory_space<vmem>>
      %dma_wait3A_1125 = arith.constant 0 : i32
      %dma_wait3A_1126 = arith.constant 0 : i32
      %dma_wait3A_1127 = tpu.memref_slice %arg3[%dma_wait3A_1125, %dma_wait3A_1126] : memref<16384x128xf32, #tpu.memory_space<hbm>> -> memref<16384x128xf32, #tpu.memory_space<hbm>>
      tpu.wait_indirect_dma semaphore(%arg19 : memref<!tpu.dma_semaphore, #tpu.memory_space<semaphore_mem>>) src(%dma_wait3A_1127 : memref<16384x128xf32, #tpu.memory_space<hbm>>) dst(%arg10 : memref<128x128xf32, #tpu.memory_space<vmem>>)
      %run_scoped3A = arith.constant 3 : i32
      "tpu.region"() ({
        %run_scoped3A_1129 = tpu.sem_alloc : memref<!tpu.dma_semaphore, #tpu.memory_space<semaphore_mem>>
        %dma_start3A_1130 = arith.constant 0 : i32
        %dma_start3A_1131 = arith.constant 0 : i32
        %dma_start3A_1132 = tpu.memref_slice %arg8[%run_scoped3A, %dma_start3A_1130, %dma_start3A_1131] : memref<8x8x128xi32, #tpu.memory_space<vmem>> -> memref<1x8x128xi32, #tpu.memory_space<vmem>>
        %dma_start3A_1133 = tpu.memref_squeeze %dma_start3A_1132 : memref<1x8x128xi32, #tpu.memory_space<vmem>> -> memref<8x128xi32, #tpu.memory_space<vmem>>
        %dma_start3A_1134 = arith.constant 0 : i32
        %dma_start3A_1135 = tpu.memref_slice %dma_start3A_1133[%while3A_1104, %dma_start3A_1134] : memref<8x128xi32, #tpu.memory_space<vmem>> -> memref<1x128xi32, #tpu.memory_space<vmem>>
        %dma_start3A_1136 = tpu.memref_squeeze %dma_start3A_1135 : memref<1x128xi32, #tpu.memory_space<vmem>> -> memref<128xi32, #tpu.memory_space<vmem>>
        %dma_start3A_1137 = arith.constant 0 : i32
        %dma_start3A_1138 = arith.constant 0 : i32
        %dma_start3A_1139 = tpu.memref_slice %arg12[%dma_start3A_1137, %dma_start3A_1138] : memref<4104x128xf32, #tpu.memory_space<vmem_shared>> -> memref<4104x128xf32, #tpu.memory_space<vmem_shared>>
        tpu.enqueue_indirect_dma source(%arg10 : memref<128x128xf32, #tpu.memory_space<vmem>>) target(%dma_start3A_1139 : memref<4104x128xf32, #tpu.memory_space<vmem_shared>>) offsets(%dma_start3A_1136 : memref<128xi32, #tpu.memory_space<vmem>>) semaphore(%run_scoped3A_1129 : memref<!tpu.dma_semaphore, #tpu.memory_space<semaphore_mem>>) {add = true}
        %dma_wait3A_1140 = arith.constant 0 : i32
        %dma_wait3A_1141 = arith.constant 0 : i32
        %dma_wait3A_1142 = tpu.memref_slice %arg8[%run_scoped3A, %dma_wait3A_1140, %dma_wait3A_1141] : memref<8x8x128xi32, #tpu.memory_space<vmem>> -> memref<1x8x128xi32, #tpu.memory_space<vmem>>
        %dma_wait3A_1143 = tpu.memref_squeeze %dma_wait3A_1142 : memref<1x8x128xi32, #tpu.memory_space<vmem>> -> memref<8x128xi32, #tpu.memory_space<vmem>>
        %dma_wait3A_1144 = arith.constant 0 : i32
        %dma_wait3A_1145 = tpu.memref_slice %dma_wait3A_1143[%while3A_1104, %dma_wait3A_1144] : memref<8x128xi32, #tpu.memory_space<vmem>> -> memref<1x128xi32, #tpu.memory_space<vmem>>
        %dma_wait3A_1146 = tpu.memref_squeeze %dma_wait3A_1145 : memref<1x128xi32, #tpu.memory_space<vmem>> -> memref<128xi32, #tpu.memory_space<vmem>>
        %dma_wait3A_1147 = arith.constant 0 : i32
        %dma_wait3A_1148 = arith.constant 0 : i32
        %dma_wait3A_1149 = tpu.memref_slice %arg12[%dma_wait3A_1147, %dma_wait3A_1148] : memref<4104x128xf32, #tpu.memory_space<vmem_shared>> -> memref<4104x128xf32, #tpu.memory_space<vmem_shared>>
        tpu.wait_indirect_dma semaphore(%run_scoped3A_1129 : memref<!tpu.dma_semaphore, #tpu.memory_space<semaphore_mem>>) src(%arg10 : memref<128x128xf32, #tpu.memory_space<vmem>>) dst(%dma_wait3A_1149 : memref<4104x128xf32, #tpu.memory_space<vmem_shared>>)
        tpu.yield
      }) : () -> ()
      %while3A_1128 = arith.constant 0 : i32
      scf.yield %while3A_1128 : i32
    }
    %barrier3A_695 = arith.constant 0 : index
    tpu.barrier barrier_id(%barrier3A_695)
    %dma_wait3A_696 = arith.constant 0 : i32
    %dma_wait3A_697 = tpu.memref_slice %arg5[%add3A_577, %dma_wait3A_696] : memref<65536x128xf32, #tpu.memory_space<hbm>> -> memref<256x128xf32, #tpu.memory_space<hbm>>
    %dma_wait3A_698 = arith.constant 0 : i32
    %dma_wait3A_699 = tpu.memref_slice %arg11[%mul3A_574, %dma_wait3A_698] : memref<4104x128xf32, #tpu.memory_space<vmem_shared>> -> memref<256x128xf32, #tpu.memory_space<vmem_shared>>
    tpu.wait_dma2 semaphore(%arg15 : memref<!tpu.dma_semaphore, #tpu.memory_space<semaphore_mem>>) src(%dma_wait3A_699 : memref<256x128xf32, #tpu.memory_space<vmem_shared>>) dst(%dma_wait3A_697 : memref<256x128xf32, #tpu.memory_space<hbm>>)
    %mul3A_700 = arith.constant 32768 : i32
    %mul3A_701 = arith.muli %arg0, %mul3A_700 : i32
    %add3A_702 = arith.constant 16384 : i32
    %add3A_703 = arith.addi %mul3A_701, %add3A_702 : i32
    %mul3A_704 = arith.constant 256 : i32
    %mul3A_705 = arith.muli %arg1, %mul3A_704 : i32
    %add3A_706 = arith.addi %add3A_703, %mul3A_705 : i32
    %mul3A_707 = arith.constant 256 : i32
    %mul3A_708 = arith.muli %arg1, %mul3A_707 : i32
    %dma_start3A_709 = arith.constant 0 : i32
    %dma_start3A_710 = tpu.memref_slice %arg11[%mul3A_708, %dma_start3A_709] : memref<4104x128xf32, #tpu.memory_space<vmem_shared>> -> memref<256x128xf32, #tpu.memory_space<vmem_shared>>
    %dma_start3A_711 = arith.constant 0 : i32
    %dma_start3A_712 = tpu.memref_slice %arg2[%add3A_706, %dma_start3A_711] : memref<65536x128xf32, #tpu.memory_space<hbm>> -> memref<256x128xf32, #tpu.memory_space<hbm>>
    tpu.enqueue_dma source(%dma_start3A_712 : memref<256x128xf32, #tpu.memory_space<hbm>>) target(%dma_start3A_710 : memref<256x128xf32, #tpu.memory_space<vmem_shared>>) target_semaphore(%arg13 : memref<!tpu.dma_semaphore, #tpu.memory_space<semaphore_mem>>)
    %mul3A_713 = arith.constant 256 : i32
    %mul3A_714 = arith.muli %arg1, %mul3A_713 : i32
    %mul3A_715 = arith.constant 256 : i32
    %mul3A_716 = arith.muli %arg1, %mul3A_715 : i32
    %add3A_717 = arith.addi %add3A_585, %mul3A_716 : i32
    %dma_start3A_718 = arith.constant 0 : i32
    %dma_start3A_719 = tpu.memref_slice %arg5[%add3A_717, %dma_start3A_718] : memref<65536x128xf32, #tpu.memory_space<hbm>> -> memref<256x128xf32, #tpu.memory_space<hbm>>
    %dma_start3A_720 = arith.constant 0 : i32
    %dma_start3A_721 = tpu.memref_slice %arg12[%mul3A_714, %dma_start3A_720] : memref<4104x128xf32, #tpu.memory_space<vmem_shared>> -> memref<256x128xf32, #tpu.memory_space<vmem_shared>>
    tpu.enqueue_dma source(%dma_start3A_721 : memref<256x128xf32, #tpu.memory_space<vmem_shared>>) target(%dma_start3A_719 : memref<256x128xf32, #tpu.memory_space<hbm>>) target_semaphore(%arg16 : memref<!tpu.dma_semaphore, #tpu.memory_space<semaphore_mem>>)
    %mul3A_722 = arith.constant 32768 : i32
    %mul3A_723 = arith.muli %arg0, %mul3A_722 : i32
    %add3A_724 = arith.constant 16384 : i32
    %add3A_725 = arith.addi %mul3A_723, %add3A_724 : i32
    %gt3A_726 = arith.constant 0 : i32
    %gt3A_727 = arith.cmpi sgt, %select_n3A_629, %gt3A_726 : i32
    %convert_element_type3A_728 = arith.extui %gt3A_727 : i1 to i32
    %cond3A_729 = arith.constant 0 : i32
    %cond3A_730 = arith.cmpi ne, %convert_element_type3A_728, %cond3A_729 : i32
    scf.if %cond3A_730 {
      %dma_start3A_1104 = arith.constant 5 : i32
      %dma_start3A_1105 = arith.constant 0 : i32
      %dma_start3A_1106 = arith.constant 0 : i32
      %dma_start3A_1107 = arith.constant 0 : i32
      %dma_start3A_1108 = tpu.memref_slice %arg7[%dma_start3A_1104, %dma_start3A_1106, %dma_start3A_1107] : memref<8x8x128xi32, #tpu.memory_space<vmem>> -> memref<1x8x128xi32, #tpu.memory_space<vmem>>
      %dma_start3A_1109 = tpu.memref_squeeze %dma_start3A_1108 : memref<1x8x128xi32, #tpu.memory_space<vmem>> -> memref<8x128xi32, #tpu.memory_space<vmem>>
      %dma_start3A_1110 = arith.constant 0 : i32
      %dma_start3A_1111 = tpu.memref_slice %dma_start3A_1109[%dma_start3A_1105, %dma_start3A_1110] : memref<8x128xi32, #tpu.memory_space<vmem>> -> memref<1x128xi32, #tpu.memory_space<vmem>>
      %dma_start3A_1112 = tpu.memref_squeeze %dma_start3A_1111 : memref<1x128xi32, #tpu.memory_space<vmem>> -> memref<128xi32, #tpu.memory_space<vmem>>
      %dma_start3A_1113 = arith.constant 0 : i32
      %dma_start3A_1114 = arith.constant 0 : i32
      %dma_start3A_1115 = tpu.memref_slice %arg3[%dma_start3A_1113, %dma_start3A_1114] : memref<16384x128xf32, #tpu.memory_space<hbm>> -> memref<16384x128xf32, #tpu.memory_space<hbm>>
      tpu.enqueue_indirect_dma source(%dma_start3A_1115 : memref<16384x128xf32, #tpu.memory_space<hbm>>) target(%arg10 : memref<128x128xf32, #tpu.memory_space<vmem>>) offsets(%dma_start3A_1112 : memref<128xi32, #tpu.memory_space<vmem>>) semaphore(%arg18 : memref<!tpu.dma_semaphore, #tpu.memory_space<semaphore_mem>>)
    } else {
    }
    %mul3A_731 = arith.constant 32768 : i32
    %mul3A_732 = arith.muli %arg0, %mul3A_731 : i32
    %add3A_733 = arith.constant 24576 : i32
    %add3A_734 = arith.addi %mul3A_732, %add3A_733 : i32
    %scan3A_735 = arith.constant 6 : i32
    %scan3A_736 = arith.constant 6 : i32
    %scan3A_737 = arith.constant 0 : i32
    %scan3A_738 = arith.constant 0 : i32
    %scan3A_739 = arith.constant 64 : i32
    %scan3A_740 = arith.addi %scan3A_738, %scan3A_739 : i32
    %scan3A_741 = arith.constant 1 : i32
    %scan3A_742 = scf.for %scan3A_1104 = %scan3A_738 to %scan3A_740 step %scan3A_741 iter_args(%scan3A_1105 = %scan3A_737) -> (i32)  : i32 {
      %mul3A_1106 = arith.constant 16 : i32
      %mul3A_1107 = arith.muli %scan3A_1104, %mul3A_1106 : i32
      %get3A = arith.index_cast %mul3A_1107 : i32 to index
      %get3A_1108 = tpu.vector_load %arg6[%get3A] {strides = array<i32>} : memref<1024xi32, #tpu.memory_space<vmem>>, vector<16xi32>,
      %sub3A_1109 = vector.broadcast %add3A_734 : i32 to vector<16xi32>
      %sub3A_1110 = arith.subi %get3A_1108, %sub3A_1109 : vector<16xi32>
      %ge3A = arith.constant 0 : i32
      %ge3A_1111 = vector.broadcast %ge3A : i32 to vector<16xi32>
      %ge3A_1112 = arith.cmpi sge, %sub3A_1110, %ge3A_1111 : vector<16xi32>
      %lt3A = arith.constant 4096 : i32
      %lt3A_1113 = vector.broadcast %lt3A : i32 to vector<16xi32>
      %lt3A_1114 = arith.cmpi slt, %sub3A_1110, %lt3A_1113 : vector<16xi32>
      %and3A_1115 = arith.andi %ge3A_1112, %lt3A_1114 : vector<16xi1>
      %mul3A_1116 = arith.constant 16 : i32
      %mul3A_1117 = arith.muli %scan3A_1104, %mul3A_1116 : i32
      %add3A_1118 = arith.addi %mul3A_0, %mul3A_1117 : i32
      %iota3A = tpu.iota {dimensions = array<i32: 0>} : vector<16xi32>
      %add3A_1119 = vector.broadcast %add3A_1118 : i32 to vector<16xi32>
      %add3A_1120 = arith.addi %add3A_1119, %iota3A : vector<16xi32>
      %jit3A_1121 = arith.constant 1 : i32
      %jit3A_1122 = arith.constant 0 : i32
      %broadcast_in_dim3A = vector.broadcast %jit3A_1121 : i32 to vector<16xi32>
      %broadcast_in_dim3A_1123 = vector.broadcast %jit3A_1122 : i32 to vector<16xi32>
      %select_n3A_1124 = arith.select %and3A_1115, %broadcast_in_dim3A, %broadcast_in_dim3A_1123 : vector<16xi1>, vector<16xi32>
      %broadcast_in_dim3A_1125 = arith.constant true
      %broadcast_in_dim3A_1126 = vector.broadcast %broadcast_in_dim3A_1125 : i1 to vector<16xi1>
      %masked_cumsum3A = tpu.scan <sum>, %select_n3A_1124 masked %broadcast_in_dim3A_1126 : vector<16xi32>, vector<16xi1> -> vector<16xi32>
      %add3A_1127 = vector.broadcast %scan3A_1105 : i32 to vector<16xi32>
      %add3A_1128 = arith.addi %add3A_1127, %masked_cumsum3A : vector<16xi32>
      %sub3A_1129 = arith.constant 1 : i32
      %sub3A_1130 = vector.broadcast %sub3A_1129 : i32 to vector<16xi32>
      %sub3A_1131 = arith.subi %add3A_1128, %sub3A_1130 : vector<16xi32>
      %shift_right_arithmetic3A = arith.constant 7 : i32
      %shift_right_arithmetic3A_1132 = vector.broadcast %shift_right_arithmetic3A : i32 to vector<16xi32>
      %shift_right_arithmetic3A_1133 = arith.shrsi %sub3A_1131, %shift_right_arithmetic3A_1132 : vector<16xi32>
      %and3A_1134 = arith.constant 127 : i32
      %and3A_1135 = vector.broadcast %and3A_1134 : i32 to vector<16xi32>
      %and3A_1136 = arith.andi %sub3A_1131, %and3A_1135 : vector<16xi32>
      %scatter3A = arith.constant 0 : i32
      %scatter3A_1137 = arith.constant 0 : i32
      %scatter3A_1138 = tpu.memref_slice %arg7[%scan3A_735, %scatter3A, %scatter3A_1137] : memref<8x8x128xi32, #tpu.memory_space<vmem>> -> memref<1x8x128xi32, #tpu.memory_space<vmem>>
      %scatter3A_1139 = tpu.memref_squeeze %scatter3A_1138 : memref<1x8x128xi32, #tpu.memory_space<vmem>> -> memref<8x128xi32, #tpu.memory_space<vmem>>
      tpu.vector_store_idx %scatter3A_1139[%shift_right_arithmetic3A_1133, %and3A_1136], %add3A_1120 masked %and3A_1115 : memref<8x128xi32, #tpu.memory_space<vmem>>[vector<16xi32>, vector<16xi32>], vector<16xi32>, vector<16xi1>
      %shift_right_arithmetic3A_1140 = arith.constant 7 : i32
      %shift_right_arithmetic3A_1141 = vector.broadcast %shift_right_arithmetic3A_1140 : i32 to vector<16xi32>
      %shift_right_arithmetic3A_1142 = arith.shrsi %sub3A_1131, %shift_right_arithmetic3A_1141 : vector<16xi32>
      %and3A_1143 = arith.constant 127 : i32
      %and3A_1144 = vector.broadcast %and3A_1143 : i32 to vector<16xi32>
      %and3A_1145 = arith.andi %sub3A_1131, %and3A_1144 : vector<16xi32>
      %scatter3A_1146 = arith.constant 0 : i32
      %scatter3A_1147 = arith.constant 0 : i32
      %scatter3A_1148 = tpu.memref_slice %arg8[%scan3A_736, %scatter3A_1146, %scatter3A_1147] : memref<8x8x128xi32, #tpu.memory_space<vmem>> -> memref<1x8x128xi32, #tpu.memory_space<vmem>>
      %scatter3A_1149 = tpu.memref_squeeze %scatter3A_1148 : memref<1x8x128xi32, #tpu.memory_space<vmem>> -> memref<8x128xi32, #tpu.memory_space<vmem>>
      tpu.vector_store_idx %scatter3A_1149[%shift_right_arithmetic3A_1142, %and3A_1145], %sub3A_1110 masked %and3A_1115 : memref<8x128xi32, #tpu.memory_space<vmem>>[vector<16xi32>, vector<16xi32>], vector<16xi32>, vector<16xi1>
      %reduce_sum3A = arith.constant true
      %reduce_sum3A_1150 = vector.broadcast %reduce_sum3A : i1 to vector<16xi1>
      %reduce_sum3A_1151 = tpu.scan <sum>, %select_n3A_1124 masked %reduce_sum3A_1150 : vector<16xi32>, vector<16xi1> -> vector<16xi32>
      %reduce_sum3A_1152 = vector.extract %reduce_sum3A_1151[15] : i32 from vector<16xi32>
      %add3A_1153 = arith.addi %scan3A_1105, %reduce_sum3A_1152 : i32
      scf.yield %add3A_1153 : i32
    }
    %scan3A_743 = arith.constant 64 : i32
    %add3A_744 = arith.constant 127 : i32
    %add3A_745 = arith.addi %scan3A_742, %add3A_744 : i32
    %jit3A_746 = arith.constant 128 : i32
    %div3A_747 = arith.divsi %add3A_745, %jit3A_746 : i32
    %sign3A_748 = arith.constant 0 : i32
    %sign3A_749 = arith.cmpi sgt, %add3A_745, %sign3A_748 : i32
    %sign3A_750 = arith.extui %sign3A_749 : i1 to i32
    %sign3A_751 = arith.constant 0 : i32
    %sign3A_752 = arith.cmpi slt, %add3A_745, %sign3A_751 : i32
    %sign3A_753 = arith.extui %sign3A_752 : i1 to i32
    %sign3A_754 = arith.subi %sign3A_750, %sign3A_753 : i32
    %sign3A_755 = arith.constant 0 : i32
    %sign3A_756 = arith.cmpi sgt, %jit3A_746, %sign3A_755 : i32
    %sign3A_757 = arith.extui %sign3A_756 : i1 to i32
    %sign3A_758 = arith.constant 0 : i32
    %sign3A_759 = arith.cmpi slt, %jit3A_746, %sign3A_758 : i32
    %sign3A_760 = arith.extui %sign3A_759 : i1 to i32
    %sign3A_761 = arith.subi %sign3A_757, %sign3A_760 : i32
    %ne3A_762 = arith.cmpi ne, %sign3A_754, %sign3A_761 : i32
    %rem3A_763 = arith.remsi %add3A_745, %jit3A_746 : i32
    %ne3A_764 = arith.constant 0 : i32
    %ne3A_765 = arith.cmpi ne, %rem3A_763, %ne3A_764 : i32
    %and3A_766 = arith.andi %ne3A_762, %ne3A_765 : i1
    %sub3A_767 = arith.constant 1 : i32
    %sub3A_768 = arith.subi %div3A_747, %sub3A_767 : i32
    %select_n3A_769 = arith.select %and3A_766, %sub3A_768, %div3A_747 : i32
    %mul3A_770 = arith.constant 128 : i32
    %mul3A_771 = arith.muli %select_n3A_769, %mul3A_770 : i32
    %sub3A_772 = arith.subi %mul3A_771, %scan3A_742 : i32
    %add3A_773 = arith.constant 15 : i32
    %add3A_774 = arith.addi %sub3A_772, %add3A_773 : i32
    %jit3A_775 = arith.constant 16 : i32
    %div3A_776 = arith.divsi %add3A_774, %jit3A_775 : i32
    %sign3A_777 = arith.constant 0 : i32
    %sign3A_778 = arith.cmpi sgt, %add3A_774, %sign3A_777 : i32
    %sign3A_779 = arith.extui %sign3A_778 : i1 to i32
    %sign3A_780 = arith.constant 0 : i32
    %sign3A_781 = arith.cmpi slt, %add3A_774, %sign3A_780 : i32
    %sign3A_782 = arith.extui %sign3A_781 : i1 to i32
    %sign3A_783 = arith.subi %sign3A_779, %sign3A_782 : i32
    %sign3A_784 = arith.constant 0 : i32
    %sign3A_785 = arith.cmpi sgt, %jit3A_775, %sign3A_784 : i32
    %sign3A_786 = arith.extui %sign3A_785 : i1 to i32
    %sign3A_787 = arith.constant 0 : i32
    %sign3A_788 = arith.cmpi slt, %jit3A_775, %sign3A_787 : i32
    %sign3A_789 = arith.extui %sign3A_788 : i1 to i32
    %sign3A_790 = arith.subi %sign3A_786, %sign3A_789 : i32
    %ne3A_791 = arith.cmpi ne, %sign3A_783, %sign3A_790 : i32
    %rem3A_792 = arith.remsi %add3A_774, %jit3A_775 : i32
    %ne3A_793 = arith.constant 0 : i32
    %ne3A_794 = arith.cmpi ne, %rem3A_792, %ne3A_793 : i32
    %and3A_795 = arith.andi %ne3A_791, %ne3A_794 : i1
    %sub3A_796 = arith.constant 1 : i32
    %sub3A_797 = arith.subi %div3A_776, %sub3A_796 : i32
    %select_n3A_798 = arith.select %and3A_795, %sub3A_797, %div3A_776 : i32
    %while3A_799 = arith.constant 6 : i32
    %while3A_800 = arith.constant 6 : i32
    %while3A_801 = arith.constant 0 : i32
    %while3A_802 = arith.constant 0 : i32
    %while3A_803 = arith.subi %select_n3A_798, %while3A_801 : i32
    %while3A_804 = arith.addi %while3A_801, %while3A_803 : i32
    %while3A_805 = arith.constant 1 : i32
    %while3A_806 = arith.divsi %while3A_803, %while3A_805 : i32
    %while3A_807 = arith.muli %while3A_806, %while3A_805 : i32
    %while3A_808 = arith.addi %while3A_801, %while3A_807 : i32
    %while3A_809 = arith.constant 1 : i32
    %while3A_810 = scf.for %while3A_1104 = %while3A_801 to %while3A_808 step %while3A_809 iter_args(%while3A_1105 = %while3A_802) -> (i32)  : i32 {
      %mul3A_1106 = arith.constant 16 : i32
      %mul3A_1107 = arith.muli %while3A_1104, %mul3A_1106 : i32
      %add3A_1108 = arith.addi %scan3A_742, %mul3A_1107 : i32
      %iota3A = tpu.iota {dimensions = array<i32: 0>} : vector<16xi32>
      %add3A_1109 = vector.broadcast %add3A_1108 : i32 to vector<16xi32>
      %add3A_1110 = arith.addi %add3A_1109, %iota3A : vector<16xi32>
      %mul3A_1111 = arith.constant 128 : i32
      %mul3A_1112 = arith.muli %select_n3A_769, %mul3A_1111 : i32
      %lt3A = vector.broadcast %mul3A_1112 : i32 to vector<16xi32>
      %lt3A_1113 = arith.cmpi slt, %add3A_1110, %lt3A : vector<16xi32>
      %shift_right_arithmetic3A = arith.constant 7 : i32
      %shift_right_arithmetic3A_1114 = vector.broadcast %shift_right_arithmetic3A : i32 to vector<16xi32>
      %shift_right_arithmetic3A_1115 = arith.shrsi %add3A_1110, %shift_right_arithmetic3A_1114 : vector<16xi32>
      %and3A_1116 = arith.constant 127 : i32
      %and3A_1117 = vector.broadcast %and3A_1116 : i32 to vector<16xi32>
      %and3A_1118 = arith.andi %add3A_1110, %and3A_1117 : vector<16xi32>
      %iota3A_1119 = tpu.iota {dimensions = array<i32: 0>} : vector<16xi32>
      %mul3A_1120 = arith.constant 64 : i32
      %mul3A_1121 = vector.broadcast %mul3A_1120 : i32 to vector<16xi32>
      %mul3A_1122 = arith.muli %iota3A_1119, %mul3A_1121 : vector<16xi32>
      %add3A_1123 = vector.broadcast %mul3A_0 : i32 to vector<16xi32>
      %add3A_1124 = arith.addi %add3A_1123, %mul3A_1122 : vector<16xi32>
      %scatter3A = arith.constant 0 : i32
      %scatter3A_1125 = arith.constant 0 : i32
      %scatter3A_1126 = tpu.memref_slice %arg7[%while3A_799, %scatter3A, %scatter3A_1125] : memref<8x8x128xi32, #tpu.memory_space<vmem>> -> memref<1x8x128xi32, #tpu.memory_space<vmem>>
      %scatter3A_1127 = tpu.memref_squeeze %scatter3A_1126 : memref<1x8x128xi32, #tpu.memory_space<vmem>> -> memref<8x128xi32, #tpu.memory_space<vmem>>
      tpu.vector_store_idx %scatter3A_1127[%shift_right_arithmetic3A_1115, %and3A_1118], %add3A_1124 masked %lt3A_1113 : memref<8x128xi32, #tpu.memory_space<vmem>>[vector<16xi32>, vector<16xi32>], vector<16xi32>, vector<16xi1>
      %shift_right_arithmetic3A_1128 = arith.constant 7 : i32
      %shift_right_arithmetic3A_1129 = vector.broadcast %shift_right_arithmetic3A_1128 : i32 to vector<16xi32>
      %shift_right_arithmetic3A_1130 = arith.shrsi %add3A_1110, %shift_right_arithmetic3A_1129 : vector<16xi32>
      %and3A_1131 = arith.constant 127 : i32
      %and3A_1132 = vector.broadcast %and3A_1131 : i32 to vector<16xi32>
      %and3A_1133 = arith.andi %add3A_1110, %and3A_1132 : vector<16xi32>
      %iota3A_1134 = tpu.iota {dimensions = array<i32: 0>} : vector<16xi32>
      %and3A_1135 = arith.constant 7 : i32
      %and3A_1136 = vector.broadcast %and3A_1135 : i32 to vector<16xi32>
      %and3A_1137 = arith.andi %iota3A_1134, %and3A_1136 : vector<16xi32>
      %add3A_1138 = arith.constant 4096 : i32
      %add3A_1139 = vector.broadcast %add3A_1138 : i32 to vector<16xi32>
      %add3A_1140 = arith.addi %add3A_1139, %and3A_1137 : vector<16xi32>
      %scatter3A_1141 = arith.constant 0 : i32
      %scatter3A_1142 = arith.constant 0 : i32
      %scatter3A_1143 = tpu.memref_slice %arg8[%while3A_800, %scatter3A_1141, %scatter3A_1142] : memref<8x8x128xi32, #tpu.memory_space<vmem>> -> memref<1x8x128xi32, #tpu.memory_space<vmem>>
      %scatter3A_1144 = tpu.memref_squeeze %scatter3A_1143 : memref<1x8x128xi32, #tpu.memory_space<vmem>> -> memref<8x128xi32, #tpu.memory_space<vmem>>
      tpu.vector_store_idx %scatter3A_1144[%shift_right_arithmetic3A_1130, %and3A_1133], %add3A_1140 masked %lt3A_1113 : memref<8x128xi32, #tpu.memory_space<vmem>>[vector<16xi32>, vector<16xi32>], vector<16xi32>, vector<16xi1>
      %while3A_1145 = arith.constant 0 : i32
      scf.yield %while3A_1145 : i32
    }
    %while3A_811 = arith.constant 1 : i32
    %while3A_812 = scf.for %while3A_1104 = %while3A_808 to %while3A_804 step %while3A_811 iter_args(%while3A_1105 = %while3A_810) -> (i32)  : i32 {
      %mul3A_1106 = arith.constant 16 : i32
      %mul3A_1107 = arith.muli %while3A_1104, %mul3A_1106 : i32
      %add3A_1108 = arith.addi %scan3A_742, %mul3A_1107 : i32
      %iota3A = tpu.iota {dimensions = array<i32: 0>} : vector<16xi32>
      %add3A_1109 = vector.broadcast %add3A_1108 : i32 to vector<16xi32>
      %add3A_1110 = arith.addi %add3A_1109, %iota3A : vector<16xi32>
      %mul3A_1111 = arith.constant 128 : i32
      %mul3A_1112 = arith.muli %select_n3A_769, %mul3A_1111 : i32
      %lt3A = vector.broadcast %mul3A_1112 : i32 to vector<16xi32>
      %lt3A_1113 = arith.cmpi slt, %add3A_1110, %lt3A : vector<16xi32>
      %shift_right_arithmetic3A = arith.constant 7 : i32
      %shift_right_arithmetic3A_1114 = vector.broadcast %shift_right_arithmetic3A : i32 to vector<16xi32>
      %shift_right_arithmetic3A_1115 = arith.shrsi %add3A_1110, %shift_right_arithmetic3A_1114 : vector<16xi32>
      %and3A_1116 = arith.constant 127 : i32
      %and3A_1117 = vector.broadcast %and3A_1116 : i32 to vector<16xi32>
      %and3A_1118 = arith.andi %add3A_1110, %and3A_1117 : vector<16xi32>
      %iota3A_1119 = tpu.iota {dimensions = array<i32: 0>} : vector<16xi32>
      %mul3A_1120 = arith.constant 64 : i32
      %mul3A_1121 = vector.broadcast %mul3A_1120 : i32 to vector<16xi32>
      %mul3A_1122 = arith.muli %iota3A_1119, %mul3A_1121 : vector<16xi32>
      %add3A_1123 = vector.broadcast %mul3A_0 : i32 to vector<16xi32>
      %add3A_1124 = arith.addi %add3A_1123, %mul3A_1122 : vector<16xi32>
      %scatter3A = arith.constant 0 : i32
      %scatter3A_1125 = arith.constant 0 : i32
      %scatter3A_1126 = tpu.memref_slice %arg7[%while3A_799, %scatter3A, %scatter3A_1125] : memref<8x8x128xi32, #tpu.memory_space<vmem>> -> memref<1x8x128xi32, #tpu.memory_space<vmem>>
      %scatter3A_1127 = tpu.memref_squeeze %scatter3A_1126 : memref<1x8x128xi32, #tpu.memory_space<vmem>> -> memref<8x128xi32, #tpu.memory_space<vmem>>
      tpu.vector_store_idx %scatter3A_1127[%shift_right_arithmetic3A_1115, %and3A_1118], %add3A_1124 masked %lt3A_1113 : memref<8x128xi32, #tpu.memory_space<vmem>>[vector<16xi32>, vector<16xi32>], vector<16xi32>, vector<16xi1>
      %shift_right_arithmetic3A_1128 = arith.constant 7 : i32
      %shift_right_arithmetic3A_1129 = vector.broadcast %shift_right_arithmetic3A_1128 : i32 to vector<16xi32>
      %shift_right_arithmetic3A_1130 = arith.shrsi %add3A_1110, %shift_right_arithmetic3A_1129 : vector<16xi32>
      %and3A_1131 = arith.constant 127 : i32
      %and3A_1132 = vector.broadcast %and3A_1131 : i32 to vector<16xi32>
      %and3A_1133 = arith.andi %add3A_1110, %and3A_1132 : vector<16xi32>
      %iota3A_1134 = tpu.iota {dimensions = array<i32: 0>} : vector<16xi32>
      %and3A_1135 = arith.constant 7 : i32
      %and3A_1136 = vector.broadcast %and3A_1135 : i32 to vector<16xi32>
      %and3A_1137 = arith.andi %iota3A_1134, %and3A_1136 : vector<16xi32>
      %add3A_1138 = arith.constant 4096 : i32
      %add3A_1139 = vector.broadcast %add3A_1138 : i32 to vector<16xi32>
      %add3A_1140 = arith.addi %add3A_1139, %and3A_1137 : vector<16xi32>
      %scatter3A_1141 = arith.constant 0 : i32
      %scatter3A_1142 = arith.constant 0 : i32
      %scatter3A_1143 = tpu.memref_slice %arg8[%while3A_800, %scatter3A_1141, %scatter3A_1142] : memref<8x8x128xi32, #tpu.memory_space<vmem>> -> memref<1x8x128xi32, #tpu.memory_space<vmem>>
      %scatter3A_1144 = tpu.memref_squeeze %scatter3A_1143 : memref<1x8x128xi32, #tpu.memory_space<vmem>> -> memref<8x128xi32, #tpu.memory_space<vmem>>
      tpu.vector_store_idx %scatter3A_1144[%shift_right_arithmetic3A_1130, %and3A_1133], %add3A_1140 masked %lt3A_1113 : memref<8x128xi32, #tpu.memory_space<vmem>>[vector<16xi32>, vector<16xi32>], vector<16xi32>, vector<16xi1>
      %while3A_1145 = arith.constant 0 : i32
      scf.yield %while3A_1145 : i32
    }
    %dma_wait3A_813 = arith.constant 0 : i32
    %dma_wait3A_814 = tpu.memref_slice %arg11[%mul3A_708, %dma_wait3A_813] : memref<4104x128xf32, #tpu.memory_space<vmem_shared>> -> memref<256x128xf32, #tpu.memory_space<vmem_shared>>
    %dma_wait3A_815 = arith.constant 0 : i32
    %dma_wait3A_816 = tpu.memref_slice %arg2[%add3A_706, %dma_wait3A_815] : memref<65536x128xf32, #tpu.memory_space<hbm>> -> memref<256x128xf32, #tpu.memory_space<hbm>>
    tpu.wait_dma2 semaphore(%arg13 : memref<!tpu.dma_semaphore, #tpu.memory_space<semaphore_mem>>) src(%dma_wait3A_816 : memref<256x128xf32, #tpu.memory_space<hbm>>) dst(%dma_wait3A_814 : memref<256x128xf32, #tpu.memory_space<vmem_shared>>)
    %barrier3A_817 = arith.constant 0 : index
    tpu.barrier barrier_id(%barrier3A_817)
    %gt3A_818 = arith.constant 0 : i32
    %gt3A_819 = arith.cmpi sgt, %select_n3A_489, %gt3A_818 : i32
    %convert_element_type3A_820 = arith.extui %gt3A_819 : i1 to i32
    %cond3A_821 = arith.constant 0 : i32
    %cond3A_822 = arith.cmpi ne, %convert_element_type3A_820, %cond3A_821 : i32
    scf.if %cond3A_822 {
      %dma_wait3A_1104 = arith.constant 4 : i32
      %dma_wait3A_1105 = arith.constant 0 : i32
      %dma_wait3A_1106 = arith.constant 0 : i32
      %dma_wait3A_1107 = arith.constant 0 : i32
      %dma_wait3A_1108 = tpu.memref_slice %arg7[%dma_wait3A_1104, %dma_wait3A_1106, %dma_wait3A_1107] : memref<8x8x128xi32, #tpu.memory_space<vmem>> -> memref<1x8x128xi32, #tpu.memory_space<vmem>>
      %dma_wait3A_1109 = tpu.memref_squeeze %dma_wait3A_1108 : memref<1x8x128xi32, #tpu.memory_space<vmem>> -> memref<8x128xi32, #tpu.memory_space<vmem>>
      %dma_wait3A_1110 = arith.constant 0 : i32
      %dma_wait3A_1111 = tpu.memref_slice %dma_wait3A_1109[%dma_wait3A_1105, %dma_wait3A_1110] : memref<8x128xi32, #tpu.memory_space<vmem>> -> memref<1x128xi32, #tpu.memory_space<vmem>>
      %dma_wait3A_1112 = tpu.memref_squeeze %dma_wait3A_1111 : memref<1x128xi32, #tpu.memory_space<vmem>> -> memref<128xi32, #tpu.memory_space<vmem>>
      %dma_wait3A_1113 = arith.constant 0 : i32
      %dma_wait3A_1114 = arith.constant 0 : i32
      %dma_wait3A_1115 = tpu.memref_slice %arg3[%dma_wait3A_1113, %dma_wait3A_1114] : memref<16384x128xf32, #tpu.memory_space<hbm>> -> memref<16384x128xf32, #tpu.memory_space<hbm>>
      tpu.wait_indirect_dma semaphore(%arg17 : memref<!tpu.dma_semaphore, #tpu.memory_space<semaphore_mem>>) src(%dma_wait3A_1115 : memref<16384x128xf32, #tpu.memory_space<hbm>>) dst(%arg9 : memref<128x128xf32, #tpu.memory_space<vmem>>)
      %run_scoped3A = arith.constant 4 : i32
      %run_scoped3A_1116 = arith.constant 0 : i32
      "tpu.region"() ({
        %run_scoped3A_1117 = tpu.sem_alloc : memref<!tpu.dma_semaphore, #tpu.memory_space<semaphore_mem>>
        %dma_start3A_1118 = arith.constant 0 : i32
        %dma_start3A_1119 = arith.constant 0 : i32
        %dma_start3A_1120 = tpu.memref_slice %arg8[%run_scoped3A, %dma_start3A_1118, %dma_start3A_1119] : memref<8x8x128xi32, #tpu.memory_space<vmem>> -> memref<1x8x128xi32, #tpu.memory_space<vmem>>
        %dma_start3A_1121 = tpu.memref_squeeze %dma_start3A_1120 : memref<1x8x128xi32, #tpu.memory_space<vmem>> -> memref<8x128xi32, #tpu.memory_space<vmem>>
        %dma_start3A_1122 = arith.constant 0 : i32
        %dma_start3A_1123 = tpu.memref_slice %dma_start3A_1121[%run_scoped3A_1116, %dma_start3A_1122] : memref<8x128xi32, #tpu.memory_space<vmem>> -> memref<1x128xi32, #tpu.memory_space<vmem>>
        %dma_start3A_1124 = tpu.memref_squeeze %dma_start3A_1123 : memref<1x128xi32, #tpu.memory_space<vmem>> -> memref<128xi32, #tpu.memory_space<vmem>>
        %dma_start3A_1125 = arith.constant 0 : i32
        %dma_start3A_1126 = arith.constant 0 : i32
        %dma_start3A_1127 = tpu.memref_slice %arg11[%dma_start3A_1125, %dma_start3A_1126] : memref<4104x128xf32, #tpu.memory_space<vmem_shared>> -> memref<4104x128xf32, #tpu.memory_space<vmem_shared>>
        tpu.enqueue_indirect_dma source(%arg9 : memref<128x128xf32, #tpu.memory_space<vmem>>) target(%dma_start3A_1127 : memref<4104x128xf32, #tpu.memory_space<vmem_shared>>) offsets(%dma_start3A_1124 : memref<128xi32, #tpu.memory_space<vmem>>) semaphore(%run_scoped3A_1117 : memref<!tpu.dma_semaphore, #tpu.memory_space<semaphore_mem>>) {add = true}
        %dma_wait3A_1128 = arith.constant 0 : i32
        %dma_wait3A_1129 = arith.constant 0 : i32
        %dma_wait3A_1130 = tpu.memref_slice %arg8[%run_scoped3A, %dma_wait3A_1128, %dma_wait3A_1129] : memref<8x8x128xi32, #tpu.memory_space<vmem>> -> memref<1x8x128xi32, #tpu.memory_space<vmem>>
        %dma_wait3A_1131 = tpu.memref_squeeze %dma_wait3A_1130 : memref<1x8x128xi32, #tpu.memory_space<vmem>> -> memref<8x128xi32, #tpu.memory_space<vmem>>
        %dma_wait3A_1132 = arith.constant 0 : i32
        %dma_wait3A_1133 = tpu.memref_slice %dma_wait3A_1131[%run_scoped3A_1116, %dma_wait3A_1132] : memref<8x128xi32, #tpu.memory_space<vmem>> -> memref<1x128xi32, #tpu.memory_space<vmem>>
        %dma_wait3A_1134 = tpu.memref_squeeze %dma_wait3A_1133 : memref<1x128xi32, #tpu.memory_space<vmem>> -> memref<128xi32, #tpu.memory_space<vmem>>
        %dma_wait3A_1135 = arith.constant 0 : i32
        %dma_wait3A_1136 = arith.constant 0 : i32
        %dma_wait3A_1137 = tpu.memref_slice %arg11[%dma_wait3A_1135, %dma_wait3A_1136] : memref<4104x128xf32, #tpu.memory_space<vmem_shared>> -> memref<4104x128xf32, #tpu.memory_space<vmem_shared>>
        tpu.wait_indirect_dma semaphore(%run_scoped3A_1117 : memref<!tpu.dma_semaphore, #tpu.memory_space<semaphore_mem>>) src(%arg9 : memref<128x128xf32, #tpu.memory_space<vmem>>) dst(%dma_wait3A_1137 : memref<4104x128xf32, #tpu.memory_space<vmem_shared>>)
        tpu.yield
      }) : () -> ()
    } else {
    }
    %while3A_823 = arith.constant 1 : i32
    %while3A_824 = arith.constant 0 : i32
    %while3A_825 = arith.subi %select_n3A_489, %while3A_823 : i32
    %while3A_826 = arith.addi %while3A_823, %while3A_825 : i32
    %while3A_827 = arith.constant 1 : i32
    %while3A_828 = arith.divsi %while3A_825, %while3A_827 : i32
    %while3A_829 = arith.muli %while3A_828, %while3A_827 : i32
    %while3A_830 = arith.addi %while3A_823, %while3A_829 : i32
    %while3A_831 = arith.constant 1 : i32
    %while3A_832 = scf.for %while3A_1104 = %while3A_823 to %while3A_830 step %while3A_831 iter_args(%while3A_1105 = %while3A_824) -> (i32)  : i32 {
      %dma_start3A_1106 = arith.constant 4 : i32
      %dma_start3A_1107 = arith.constant 0 : i32
      %dma_start3A_1108 = arith.constant 0 : i32
      %dma_start3A_1109 = tpu.memref_slice %arg7[%dma_start3A_1106, %dma_start3A_1107, %dma_start3A_1108] : memref<8x8x128xi32, #tpu.memory_space<vmem>> -> memref<1x8x128xi32, #tpu.memory_space<vmem>>
      %dma_start3A_1110 = tpu.memref_squeeze %dma_start3A_1109 : memref<1x8x128xi32, #tpu.memory_space<vmem>> -> memref<8x128xi32, #tpu.memory_space<vmem>>
      %dma_start3A_1111 = arith.constant 0 : i32
      %dma_start3A_1112 = tpu.memref_slice %dma_start3A_1110[%while3A_1104, %dma_start3A_1111] : memref<8x128xi32, #tpu.memory_space<vmem>> -> memref<1x128xi32, #tpu.memory_space<vmem>>
      %dma_start3A_1113 = tpu.memref_squeeze %dma_start3A_1112 : memref<1x128xi32, #tpu.memory_space<vmem>> -> memref<128xi32, #tpu.memory_space<vmem>>
      %dma_start3A_1114 = arith.constant 0 : i32
      %dma_start3A_1115 = arith.constant 0 : i32
      %dma_start3A_1116 = tpu.memref_slice %arg3[%dma_start3A_1114, %dma_start3A_1115] : memref<16384x128xf32, #tpu.memory_space<hbm>> -> memref<16384x128xf32, #tpu.memory_space<hbm>>
      tpu.enqueue_indirect_dma source(%dma_start3A_1116 : memref<16384x128xf32, #tpu.memory_space<hbm>>) target(%arg9 : memref<128x128xf32, #tpu.memory_space<vmem>>) offsets(%dma_start3A_1113 : memref<128xi32, #tpu.memory_space<vmem>>) semaphore(%arg19 : memref<!tpu.dma_semaphore, #tpu.memory_space<semaphore_mem>>)
      %dma_wait3A_1117 = arith.constant 4 : i32
      %dma_wait3A_1118 = arith.constant 0 : i32
      %dma_wait3A_1119 = arith.constant 0 : i32
      %dma_wait3A_1120 = tpu.memref_slice %arg7[%dma_wait3A_1117, %dma_wait3A_1118, %dma_wait3A_1119] : memref<8x8x128xi32, #tpu.memory_space<vmem>> -> memref<1x8x128xi32, #tpu.memory_space<vmem>>
      %dma_wait3A_1121 = tpu.memref_squeeze %dma_wait3A_1120 : memref<1x8x128xi32, #tpu.memory_space<vmem>> -> memref<8x128xi32, #tpu.memory_space<vmem>>
      %dma_wait3A_1122 = arith.constant 0 : i32
      %dma_wait3A_1123 = tpu.memref_slice %dma_wait3A_1121[%while3A_1104, %dma_wait3A_1122] : memref<8x128xi32, #tpu.memory_space<vmem>> -> memref<1x128xi32, #tpu.memory_space<vmem>>
      %dma_wait3A_1124 = tpu.memref_squeeze %dma_wait3A_1123 : memref<1x128xi32, #tpu.memory_space<vmem>> -> memref<128xi32, #tpu.memory_space<vmem>>
      %dma_wait3A_1125 = arith.constant 0 : i32
      %dma_wait3A_1126 = arith.constant 0 : i32
      %dma_wait3A_1127 = tpu.memref_slice %arg3[%dma_wait3A_1125, %dma_wait3A_1126] : memref<16384x128xf32, #tpu.memory_space<hbm>> -> memref<16384x128xf32, #tpu.memory_space<hbm>>
      tpu.wait_indirect_dma semaphore(%arg19 : memref<!tpu.dma_semaphore, #tpu.memory_space<semaphore_mem>>) src(%dma_wait3A_1127 : memref<16384x128xf32, #tpu.memory_space<hbm>>) dst(%arg9 : memref<128x128xf32, #tpu.memory_space<vmem>>)
      %run_scoped3A = arith.constant 4 : i32
      "tpu.region"() ({
        %run_scoped3A_1129 = tpu.sem_alloc : memref<!tpu.dma_semaphore, #tpu.memory_space<semaphore_mem>>
        %dma_start3A_1130 = arith.constant 0 : i32
        %dma_start3A_1131 = arith.constant 0 : i32
        %dma_start3A_1132 = tpu.memref_slice %arg8[%run_scoped3A, %dma_start3A_1130, %dma_start3A_1131] : memref<8x8x128xi32, #tpu.memory_space<vmem>> -> memref<1x8x128xi32, #tpu.memory_space<vmem>>
        %dma_start3A_1133 = tpu.memref_squeeze %dma_start3A_1132 : memref<1x8x128xi32, #tpu.memory_space<vmem>> -> memref<8x128xi32, #tpu.memory_space<vmem>>
        %dma_start3A_1134 = arith.constant 0 : i32
        %dma_start3A_1135 = tpu.memref_slice %dma_start3A_1133[%while3A_1104, %dma_start3A_1134] : memref<8x128xi32, #tpu.memory_space<vmem>> -> memref<1x128xi32, #tpu.memory_space<vmem>>
        %dma_start3A_1136 = tpu.memref_squeeze %dma_start3A_1135 : memref<1x128xi32, #tpu.memory_space<vmem>> -> memref<128xi32, #tpu.memory_space<vmem>>
        %dma_start3A_1137 = arith.constant 0 : i32
        %dma_start3A_1138 = arith.constant 0 : i32
        %dma_start3A_1139 = tpu.memref_slice %arg11[%dma_start3A_1137, %dma_start3A_1138] : memref<4104x128xf32, #tpu.memory_space<vmem_shared>> -> memref<4104x128xf32, #tpu.memory_space<vmem_shared>>
        tpu.enqueue_indirect_dma source(%arg9 : memref<128x128xf32, #tpu.memory_space<vmem>>) target(%dma_start3A_1139 : memref<4104x128xf32, #tpu.memory_space<vmem_shared>>) offsets(%dma_start3A_1136 : memref<128xi32, #tpu.memory_space<vmem>>) semaphore(%run_scoped3A_1129 : memref<!tpu.dma_semaphore, #tpu.memory_space<semaphore_mem>>) {add = true}
        %dma_wait3A_1140 = arith.constant 0 : i32
        %dma_wait3A_1141 = arith.constant 0 : i32
        %dma_wait3A_1142 = tpu.memref_slice %arg8[%run_scoped3A, %dma_wait3A_1140, %dma_wait3A_1141] : memref<8x8x128xi32, #tpu.memory_space<vmem>> -> memref<1x8x128xi32, #tpu.memory_space<vmem>>
        %dma_wait3A_1143 = tpu.memref_squeeze %dma_wait3A_1142 : memref<1x8x128xi32, #tpu.memory_space<vmem>> -> memref<8x128xi32, #tpu.memory_space<vmem>>
        %dma_wait3A_1144 = arith.constant 0 : i32
        %dma_wait3A_1145 = tpu.memref_slice %dma_wait3A_1143[%while3A_1104, %dma_wait3A_1144] : memref<8x128xi32, #tpu.memory_space<vmem>> -> memref<1x128xi32, #tpu.memory_space<vmem>>
        %dma_wait3A_1146 = tpu.memref_squeeze %dma_wait3A_1145 : memref<1x128xi32, #tpu.memory_space<vmem>> -> memref<128xi32, #tpu.memory_space<vmem>>
        %dma_wait3A_1147 = arith.constant 0 : i32
        %dma_wait3A_1148 = arith.constant 0 : i32
        %dma_wait3A_1149 = tpu.memref_slice %arg11[%dma_wait3A_1147, %dma_wait3A_1148] : memref<4104x128xf32, #tpu.memory_space<vmem_shared>> -> memref<4104x128xf32, #tpu.memory_space<vmem_shared>>
        tpu.wait_indirect_dma semaphore(%run_scoped3A_1129 : memref<!tpu.dma_semaphore, #tpu.memory_space<semaphore_mem>>) src(%arg9 : memref<128x128xf32, #tpu.memory_space<vmem>>) dst(%dma_wait3A_1149 : memref<4104x128xf32, #tpu.memory_space<vmem_shared>>)
        tpu.yield
      }) : () -> ()
      %while3A_1128 = arith.constant 0 : i32
      scf.yield %while3A_1128 : i32
    }
    %while3A_833 = arith.constant 1 : i32
    %while3A_834 = scf.for %while3A_1104 = %while3A_830 to %while3A_826 step %while3A_833 iter_args(%while3A_1105 = %while3A_832) -> (i32)  : i32 {
      %dma_start3A_1106 = arith.constant 4 : i32
      %dma_start3A_1107 = arith.constant 0 : i32
      %dma_start3A_1108 = arith.constant 0 : i32
      %dma_start3A_1109 = tpu.memref_slice %arg7[%dma_start3A_1106, %dma_start3A_1107, %dma_start3A_1108] : memref<8x8x128xi32, #tpu.memory_space<vmem>> -> memref<1x8x128xi32, #tpu.memory_space<vmem>>
      %dma_start3A_1110 = tpu.memref_squeeze %dma_start3A_1109 : memref<1x8x128xi32, #tpu.memory_space<vmem>> -> memref<8x128xi32, #tpu.memory_space<vmem>>
      %dma_start3A_1111 = arith.constant 0 : i32
      %dma_start3A_1112 = tpu.memref_slice %dma_start3A_1110[%while3A_1104, %dma_start3A_1111] : memref<8x128xi32, #tpu.memory_space<vmem>> -> memref<1x128xi32, #tpu.memory_space<vmem>>
      %dma_start3A_1113 = tpu.memref_squeeze %dma_start3A_1112 : memref<1x128xi32, #tpu.memory_space<vmem>> -> memref<128xi32, #tpu.memory_space<vmem>>
      %dma_start3A_1114 = arith.constant 0 : i32
      %dma_start3A_1115 = arith.constant 0 : i32
      %dma_start3A_1116 = tpu.memref_slice %arg3[%dma_start3A_1114, %dma_start3A_1115] : memref<16384x128xf32, #tpu.memory_space<hbm>> -> memref<16384x128xf32, #tpu.memory_space<hbm>>
      tpu.enqueue_indirect_dma source(%dma_start3A_1116 : memref<16384x128xf32, #tpu.memory_space<hbm>>) target(%arg9 : memref<128x128xf32, #tpu.memory_space<vmem>>) offsets(%dma_start3A_1113 : memref<128xi32, #tpu.memory_space<vmem>>) semaphore(%arg19 : memref<!tpu.dma_semaphore, #tpu.memory_space<semaphore_mem>>)
      %dma_wait3A_1117 = arith.constant 4 : i32
      %dma_wait3A_1118 = arith.constant 0 : i32
      %dma_wait3A_1119 = arith.constant 0 : i32
      %dma_wait3A_1120 = tpu.memref_slice %arg7[%dma_wait3A_1117, %dma_wait3A_1118, %dma_wait3A_1119] : memref<8x8x128xi32, #tpu.memory_space<vmem>> -> memref<1x8x128xi32, #tpu.memory_space<vmem>>
      %dma_wait3A_1121 = tpu.memref_squeeze %dma_wait3A_1120 : memref<1x8x128xi32, #tpu.memory_space<vmem>> -> memref<8x128xi32, #tpu.memory_space<vmem>>
      %dma_wait3A_1122 = arith.constant 0 : i32
      %dma_wait3A_1123 = tpu.memref_slice %dma_wait3A_1121[%while3A_1104, %dma_wait3A_1122] : memref<8x128xi32, #tpu.memory_space<vmem>> -> memref<1x128xi32, #tpu.memory_space<vmem>>
      %dma_wait3A_1124 = tpu.memref_squeeze %dma_wait3A_1123 : memref<1x128xi32, #tpu.memory_space<vmem>> -> memref<128xi32, #tpu.memory_space<vmem>>
      %dma_wait3A_1125 = arith.constant 0 : i32
      %dma_wait3A_1126 = arith.constant 0 : i32
      %dma_wait3A_1127 = tpu.memref_slice %arg3[%dma_wait3A_1125, %dma_wait3A_1126] : memref<16384x128xf32, #tpu.memory_space<hbm>> -> memref<16384x128xf32, #tpu.memory_space<hbm>>
      tpu.wait_indirect_dma semaphore(%arg19 : memref<!tpu.dma_semaphore, #tpu.memory_space<semaphore_mem>>) src(%dma_wait3A_1127 : memref<16384x128xf32, #tpu.memory_space<hbm>>) dst(%arg9 : memref<128x128xf32, #tpu.memory_space<vmem>>)
      %run_scoped3A = arith.constant 4 : i32
      "tpu.region"() ({
        %run_scoped3A_1129 = tpu.sem_alloc : memref<!tpu.dma_semaphore, #tpu.memory_space<semaphore_mem>>
        %dma_start3A_1130 = arith.constant 0 : i32
        %dma_start3A_1131 = arith.constant 0 : i32
        %dma_start3A_1132 = tpu.memref_slice %arg8[%run_scoped3A, %dma_start3A_1130, %dma_start3A_1131] : memref<8x8x128xi32, #tpu.memory_space<vmem>> -> memref<1x8x128xi32, #tpu.memory_space<vmem>>
        %dma_start3A_1133 = tpu.memref_squeeze %dma_start3A_1132 : memref<1x8x128xi32, #tpu.memory_space<vmem>> -> memref<8x128xi32, #tpu.memory_space<vmem>>
        %dma_start3A_1134 = arith.constant 0 : i32
        %dma_start3A_1135 = tpu.memref_slice %dma_start3A_1133[%while3A_1104, %dma_start3A_1134] : memref<8x128xi32, #tpu.memory_space<vmem>> -> memref<1x128xi32, #tpu.memory_space<vmem>>
        %dma_start3A_1136 = tpu.memref_squeeze %dma_start3A_1135 : memref<1x128xi32, #tpu.memory_space<vmem>> -> memref<128xi32, #tpu.memory_space<vmem>>
        %dma_start3A_1137 = arith.constant 0 : i32
        %dma_start3A_1138 = arith.constant 0 : i32
        %dma_start3A_1139 = tpu.memref_slice %arg11[%dma_start3A_1137, %dma_start3A_1138] : memref<4104x128xf32, #tpu.memory_space<vmem_shared>> -> memref<4104x128xf32, #tpu.memory_space<vmem_shared>>
        tpu.enqueue_indirect_dma source(%arg9 : memref<128x128xf32, #tpu.memory_space<vmem>>) target(%dma_start3A_1139 : memref<4104x128xf32, #tpu.memory_space<vmem_shared>>) offsets(%dma_start3A_1136 : memref<128xi32, #tpu.memory_space<vmem>>) semaphore(%run_scoped3A_1129 : memref<!tpu.dma_semaphore, #tpu.memory_space<semaphore_mem>>) {add = true}
        %dma_wait3A_1140 = arith.constant 0 : i32
        %dma_wait3A_1141 = arith.constant 0 : i32
        %dma_wait3A_1142 = tpu.memref_slice %arg8[%run_scoped3A, %dma_wait3A_1140, %dma_wait3A_1141] : memref<8x8x128xi32, #tpu.memory_space<vmem>> -> memref<1x8x128xi32, #tpu.memory_space<vmem>>
        %dma_wait3A_1143 = tpu.memref_squeeze %dma_wait3A_1142 : memref<1x8x128xi32, #tpu.memory_space<vmem>> -> memref<8x128xi32, #tpu.memory_space<vmem>>
        %dma_wait3A_1144 = arith.constant 0 : i32
        %dma_wait3A_1145 = tpu.memref_slice %dma_wait3A_1143[%while3A_1104, %dma_wait3A_1144] : memref<8x128xi32, #tpu.memory_space<vmem>> -> memref<1x128xi32, #tpu.memory_space<vmem>>
        %dma_wait3A_1146 = tpu.memref_squeeze %dma_wait3A_1145 : memref<1x128xi32, #tpu.memory_space<vmem>> -> memref<128xi32, #tpu.memory_space<vmem>>
        %dma_wait3A_1147 = arith.constant 0 : i32
        %dma_wait3A_1148 = arith.constant 0 : i32
        %dma_wait3A_1149 = tpu.memref_slice %arg11[%dma_wait3A_1147, %dma_wait3A_1148] : memref<4104x128xf32, #tpu.memory_space<vmem_shared>> -> memref<4104x128xf32, #tpu.memory_space<vmem_shared>>
        tpu.wait_indirect_dma semaphore(%run_scoped3A_1129 : memref<!tpu.dma_semaphore, #tpu.memory_space<semaphore_mem>>) src(%arg9 : memref<128x128xf32, #tpu.memory_space<vmem>>) dst(%dma_wait3A_1149 : memref<4104x128xf32, #tpu.memory_space<vmem_shared>>)
        tpu.yield
      }) : () -> ()
      %while3A_1128 = arith.constant 0 : i32
      scf.yield %while3A_1128 : i32
    }
    %barrier3A_835 = arith.constant 0 : index
    tpu.barrier barrier_id(%barrier3A_835)
    %dma_wait3A_836 = arith.constant 0 : i32
    %dma_wait3A_837 = tpu.memref_slice %arg5[%add3A_717, %dma_wait3A_836] : memref<65536x128xf32, #tpu.memory_space<hbm>> -> memref<256x128xf32, #tpu.memory_space<hbm>>
    %dma_wait3A_838 = arith.constant 0 : i32
    %dma_wait3A_839 = tpu.memref_slice %arg12[%mul3A_714, %dma_wait3A_838] : memref<4104x128xf32, #tpu.memory_space<vmem_shared>> -> memref<256x128xf32, #tpu.memory_space<vmem_shared>>
    tpu.wait_dma2 semaphore(%arg16 : memref<!tpu.dma_semaphore, #tpu.memory_space<semaphore_mem>>) src(%dma_wait3A_839 : memref<256x128xf32, #tpu.memory_space<vmem_shared>>) dst(%dma_wait3A_837 : memref<256x128xf32, #tpu.memory_space<hbm>>)
    %mul3A_840 = arith.constant 32768 : i32
    %mul3A_841 = arith.muli %arg0, %mul3A_840 : i32
    %add3A_842 = arith.constant 20480 : i32
    %add3A_843 = arith.addi %mul3A_841, %add3A_842 : i32
    %mul3A_844 = arith.constant 256 : i32
    %mul3A_845 = arith.muli %arg1, %mul3A_844 : i32
    %add3A_846 = arith.addi %add3A_843, %mul3A_845 : i32
    %mul3A_847 = arith.constant 256 : i32
    %mul3A_848 = arith.muli %arg1, %mul3A_847 : i32
    %dma_start3A_849 = arith.constant 0 : i32
    %dma_start3A_850 = tpu.memref_slice %arg12[%mul3A_848, %dma_start3A_849] : memref<4104x128xf32, #tpu.memory_space<vmem_shared>> -> memref<256x128xf32, #tpu.memory_space<vmem_shared>>
    %dma_start3A_851 = arith.constant 0 : i32
    %dma_start3A_852 = tpu.memref_slice %arg2[%add3A_846, %dma_start3A_851] : memref<65536x128xf32, #tpu.memory_space<hbm>> -> memref<256x128xf32, #tpu.memory_space<hbm>>
    tpu.enqueue_dma source(%dma_start3A_852 : memref<256x128xf32, #tpu.memory_space<hbm>>) target(%dma_start3A_850 : memref<256x128xf32, #tpu.memory_space<vmem_shared>>) target_semaphore(%arg14 : memref<!tpu.dma_semaphore, #tpu.memory_space<semaphore_mem>>)
    %mul3A_853 = arith.constant 256 : i32
    %mul3A_854 = arith.muli %arg1, %mul3A_853 : i32
    %mul3A_855 = arith.constant 256 : i32
    %mul3A_856 = arith.muli %arg1, %mul3A_855 : i32
    %add3A_857 = arith.addi %add3A_725, %mul3A_856 : i32
    %dma_start3A_858 = arith.constant 0 : i32
    %dma_start3A_859 = tpu.memref_slice %arg5[%add3A_857, %dma_start3A_858] : memref<65536x128xf32, #tpu.memory_space<hbm>> -> memref<256x128xf32, #tpu.memory_space<hbm>>
    %dma_start3A_860 = arith.constant 0 : i32
    %dma_start3A_861 = tpu.memref_slice %arg11[%mul3A_854, %dma_start3A_860] : memref<4104x128xf32, #tpu.memory_space<vmem_shared>> -> memref<256x128xf32, #tpu.memory_space<vmem_shared>>
    tpu.enqueue_dma source(%dma_start3A_861 : memref<256x128xf32, #tpu.memory_space<vmem_shared>>) target(%dma_start3A_859 : memref<256x128xf32, #tpu.memory_space<hbm>>) target_semaphore(%arg15 : memref<!tpu.dma_semaphore, #tpu.memory_space<semaphore_mem>>)
    %mul3A_862 = arith.constant 32768 : i32
    %mul3A_863 = arith.muli %arg0, %mul3A_862 : i32
    %add3A_864 = arith.constant 20480 : i32
    %add3A_865 = arith.addi %mul3A_863, %add3A_864 : i32
    %gt3A_866 = arith.constant 0 : i32
    %gt3A_867 = arith.cmpi sgt, %select_n3A_769, %gt3A_866 : i32
    %convert_element_type3A_868 = arith.extui %gt3A_867 : i1 to i32
    %cond3A_869 = arith.constant 0 : i32
    %cond3A_870 = arith.cmpi ne, %convert_element_type3A_868, %cond3A_869 : i32
    scf.if %cond3A_870 {
      %dma_start3A_1104 = arith.constant 6 : i32
      %dma_start3A_1105 = arith.constant 0 : i32
      %dma_start3A_1106 = arith.constant 0 : i32
      %dma_start3A_1107 = arith.constant 0 : i32
      %dma_start3A_1108 = tpu.memref_slice %arg7[%dma_start3A_1104, %dma_start3A_1106, %dma_start3A_1107] : memref<8x8x128xi32, #tpu.memory_space<vmem>> -> memref<1x8x128xi32, #tpu.memory_space<vmem>>
      %dma_start3A_1109 = tpu.memref_squeeze %dma_start3A_1108 : memref<1x8x128xi32, #tpu.memory_space<vmem>> -> memref<8x128xi32, #tpu.memory_space<vmem>>
      %dma_start3A_1110 = arith.constant 0 : i32
      %dma_start3A_1111 = tpu.memref_slice %dma_start3A_1109[%dma_start3A_1105, %dma_start3A_1110] : memref<8x128xi32, #tpu.memory_space<vmem>> -> memref<1x128xi32, #tpu.memory_space<vmem>>
      %dma_start3A_1112 = tpu.memref_squeeze %dma_start3A_1111 : memref<1x128xi32, #tpu.memory_space<vmem>> -> memref<128xi32, #tpu.memory_space<vmem>>
      %dma_start3A_1113 = arith.constant 0 : i32
      %dma_start3A_1114 = arith.constant 0 : i32
      %dma_start3A_1115 = tpu.memref_slice %arg3[%dma_start3A_1113, %dma_start3A_1114] : memref<16384x128xf32, #tpu.memory_space<hbm>> -> memref<16384x128xf32, #tpu.memory_space<hbm>>
      tpu.enqueue_indirect_dma source(%dma_start3A_1115 : memref<16384x128xf32, #tpu.memory_space<hbm>>) target(%arg9 : memref<128x128xf32, #tpu.memory_space<vmem>>) offsets(%dma_start3A_1112 : memref<128xi32, #tpu.memory_space<vmem>>) semaphore(%arg17 : memref<!tpu.dma_semaphore, #tpu.memory_space<semaphore_mem>>)
    } else {
    }
    %mul3A_871 = arith.constant 32768 : i32
    %mul3A_872 = arith.muli %arg0, %mul3A_871 : i32
    %add3A_873 = arith.constant 28672 : i32
    %add3A_874 = arith.addi %mul3A_872, %add3A_873 : i32
    %scan3A_875 = arith.constant 7 : i32
    %scan3A_876 = arith.constant 7 : i32
    %scan3A_877 = arith.constant 0 : i32
    %scan3A_878 = arith.constant 0 : i32
    %scan3A_879 = arith.constant 64 : i32
    %scan3A_880 = arith.addi %scan3A_878, %scan3A_879 : i32
    %scan3A_881 = arith.constant 1 : i32
    %scan3A_882 = scf.for %scan3A_1104 = %scan3A_878 to %scan3A_880 step %scan3A_881 iter_args(%scan3A_1105 = %scan3A_877) -> (i32)  : i32 {
      %mul3A_1106 = arith.constant 16 : i32
      %mul3A_1107 = arith.muli %scan3A_1104, %mul3A_1106 : i32
      %get3A = arith.index_cast %mul3A_1107 : i32 to index
      %get3A_1108 = tpu.vector_load %arg6[%get3A] {strides = array<i32>} : memref<1024xi32, #tpu.memory_space<vmem>>, vector<16xi32>,
      %sub3A_1109 = vector.broadcast %add3A_874 : i32 to vector<16xi32>
      %sub3A_1110 = arith.subi %get3A_1108, %sub3A_1109 : vector<16xi32>
      %ge3A = arith.constant 0 : i32
      %ge3A_1111 = vector.broadcast %ge3A : i32 to vector<16xi32>
      %ge3A_1112 = arith.cmpi sge, %sub3A_1110, %ge3A_1111 : vector<16xi32>
      %lt3A = arith.constant 4096 : i32
      %lt3A_1113 = vector.broadcast %lt3A : i32 to vector<16xi32>
      %lt3A_1114 = arith.cmpi slt, %sub3A_1110, %lt3A_1113 : vector<16xi32>
      %and3A_1115 = arith.andi %ge3A_1112, %lt3A_1114 : vector<16xi1>
      %mul3A_1116 = arith.constant 16 : i32
      %mul3A_1117 = arith.muli %scan3A_1104, %mul3A_1116 : i32
      %add3A_1118 = arith.addi %mul3A_0, %mul3A_1117 : i32
      %iota3A = tpu.iota {dimensions = array<i32: 0>} : vector<16xi32>
      %add3A_1119 = vector.broadcast %add3A_1118 : i32 to vector<16xi32>
      %add3A_1120 = arith.addi %add3A_1119, %iota3A : vector<16xi32>
      %jit3A_1121 = arith.constant 1 : i32
      %jit3A_1122 = arith.constant 0 : i32
      %broadcast_in_dim3A = vector.broadcast %jit3A_1121 : i32 to vector<16xi32>
      %broadcast_in_dim3A_1123 = vector.broadcast %jit3A_1122 : i32 to vector<16xi32>
      %select_n3A_1124 = arith.select %and3A_1115, %broadcast_in_dim3A, %broadcast_in_dim3A_1123 : vector<16xi1>, vector<16xi32>
      %broadcast_in_dim3A_1125 = arith.constant true
      %broadcast_in_dim3A_1126 = vector.broadcast %broadcast_in_dim3A_1125 : i1 to vector<16xi1>
      %masked_cumsum3A = tpu.scan <sum>, %select_n3A_1124 masked %broadcast_in_dim3A_1126 : vector<16xi32>, vector<16xi1> -> vector<16xi32>
      %add3A_1127 = vector.broadcast %scan3A_1105 : i32 to vector<16xi32>
      %add3A_1128 = arith.addi %add3A_1127, %masked_cumsum3A : vector<16xi32>
      %sub3A_1129 = arith.constant 1 : i32
      %sub3A_1130 = vector.broadcast %sub3A_1129 : i32 to vector<16xi32>
      %sub3A_1131 = arith.subi %add3A_1128, %sub3A_1130 : vector<16xi32>
      %shift_right_arithmetic3A = arith.constant 7 : i32
      %shift_right_arithmetic3A_1132 = vector.broadcast %shift_right_arithmetic3A : i32 to vector<16xi32>
      %shift_right_arithmetic3A_1133 = arith.shrsi %sub3A_1131, %shift_right_arithmetic3A_1132 : vector<16xi32>
      %and3A_1134 = arith.constant 127 : i32
      %and3A_1135 = vector.broadcast %and3A_1134 : i32 to vector<16xi32>
      %and3A_1136 = arith.andi %sub3A_1131, %and3A_1135 : vector<16xi32>
      %scatter3A = arith.constant 0 : i32
      %scatter3A_1137 = arith.constant 0 : i32
      %scatter3A_1138 = tpu.memref_slice %arg7[%scan3A_875, %scatter3A, %scatter3A_1137] : memref<8x8x128xi32, #tpu.memory_space<vmem>> -> memref<1x8x128xi32, #tpu.memory_space<vmem>>
      %scatter3A_1139 = tpu.memref_squeeze %scatter3A_1138 : memref<1x8x128xi32, #tpu.memory_space<vmem>> -> memref<8x128xi32, #tpu.memory_space<vmem>>
      tpu.vector_store_idx %scatter3A_1139[%shift_right_arithmetic3A_1133, %and3A_1136], %add3A_1120 masked %and3A_1115 : memref<8x128xi32, #tpu.memory_space<vmem>>[vector<16xi32>, vector<16xi32>], vector<16xi32>, vector<16xi1>
      %shift_right_arithmetic3A_1140 = arith.constant 7 : i32
      %shift_right_arithmetic3A_1141 = vector.broadcast %shift_right_arithmetic3A_1140 : i32 to vector<16xi32>
      %shift_right_arithmetic3A_1142 = arith.shrsi %sub3A_1131, %shift_right_arithmetic3A_1141 : vector<16xi32>
      %and3A_1143 = arith.constant 127 : i32
      %and3A_1144 = vector.broadcast %and3A_1143 : i32 to vector<16xi32>
      %and3A_1145 = arith.andi %sub3A_1131, %and3A_1144 : vector<16xi32>
      %scatter3A_1146 = arith.constant 0 : i32
      %scatter3A_1147 = arith.constant 0 : i32
      %scatter3A_1148 = tpu.memref_slice %arg8[%scan3A_876, %scatter3A_1146, %scatter3A_1147] : memref<8x8x128xi32, #tpu.memory_space<vmem>> -> memref<1x8x128xi32, #tpu.memory_space<vmem>>
      %scatter3A_1149 = tpu.memref_squeeze %scatter3A_1148 : memref<1x8x128xi32, #tpu.memory_space<vmem>> -> memref<8x128xi32, #tpu.memory_space<vmem>>
      tpu.vector_store_idx %scatter3A_1149[%shift_right_arithmetic3A_1142, %and3A_1145], %sub3A_1110 masked %and3A_1115 : memref<8x128xi32, #tpu.memory_space<vmem>>[vector<16xi32>, vector<16xi32>], vector<16xi32>, vector<16xi1>
      %reduce_sum3A = arith.constant true
      %reduce_sum3A_1150 = vector.broadcast %reduce_sum3A : i1 to vector<16xi1>
      %reduce_sum3A_1151 = tpu.scan <sum>, %select_n3A_1124 masked %reduce_sum3A_1150 : vector<16xi32>, vector<16xi1> -> vector<16xi32>
      %reduce_sum3A_1152 = vector.extract %reduce_sum3A_1151[15] : i32 from vector<16xi32>
      %add3A_1153 = arith.addi %scan3A_1105, %reduce_sum3A_1152 : i32
      scf.yield %add3A_1153 : i32
    }
    %scan3A_883 = arith.constant 64 : i32
    %add3A_884 = arith.constant 127 : i32
    %add3A_885 = arith.addi %scan3A_882, %add3A_884 : i32
    %jit3A_886 = arith.constant 128 : i32
    %div3A_887 = arith.divsi %add3A_885, %jit3A_886 : i32
    %sign3A_888 = arith.constant 0 : i32
    %sign3A_889 = arith.cmpi sgt, %add3A_885, %sign3A_888 : i32
    %sign3A_890 = arith.extui %sign3A_889 : i1 to i32
    %sign3A_891 = arith.constant 0 : i32
    %sign3A_892 = arith.cmpi slt, %add3A_885, %sign3A_891 : i32
    %sign3A_893 = arith.extui %sign3A_892 : i1 to i32
    %sign3A_894 = arith.subi %sign3A_890, %sign3A_893 : i32
    %sign3A_895 = arith.constant 0 : i32
    %sign3A_896 = arith.cmpi sgt, %jit3A_886, %sign3A_895 : i32
    %sign3A_897 = arith.extui %sign3A_896 : i1 to i32
    %sign3A_898 = arith.constant 0 : i32
    %sign3A_899 = arith.cmpi slt, %jit3A_886, %sign3A_898 : i32
    %sign3A_900 = arith.extui %sign3A_899 : i1 to i32
    %sign3A_901 = arith.subi %sign3A_897, %sign3A_900 : i32
    %ne3A_902 = arith.cmpi ne, %sign3A_894, %sign3A_901 : i32
    %rem3A_903 = arith.remsi %add3A_885, %jit3A_886 : i32
    %ne3A_904 = arith.constant 0 : i32
    %ne3A_905 = arith.cmpi ne, %rem3A_903, %ne3A_904 : i32
    %and3A_906 = arith.andi %ne3A_902, %ne3A_905 : i1
    %sub3A_907 = arith.constant 1 : i32
    %sub3A_908 = arith.subi %div3A_887, %sub3A_907 : i32
    %select_n3A_909 = arith.select %and3A_906, %sub3A_908, %div3A_887 : i32
    %mul3A_910 = arith.constant 128 : i32
    %mul3A_911 = arith.muli %select_n3A_909, %mul3A_910 : i32
    %sub3A_912 = arith.subi %mul3A_911, %scan3A_882 : i32
    %add3A_913 = arith.constant 15 : i32
    %add3A_914 = arith.addi %sub3A_912, %add3A_913 : i32
    %jit3A_915 = arith.constant 16 : i32
    %div3A_916 = arith.divsi %add3A_914, %jit3A_915 : i32
    %sign3A_917 = arith.constant 0 : i32
    %sign3A_918 = arith.cmpi sgt, %add3A_914, %sign3A_917 : i32
    %sign3A_919 = arith.extui %sign3A_918 : i1 to i32
    %sign3A_920 = arith.constant 0 : i32
    %sign3A_921 = arith.cmpi slt, %add3A_914, %sign3A_920 : i32
    %sign3A_922 = arith.extui %sign3A_921 : i1 to i32
    %sign3A_923 = arith.subi %sign3A_919, %sign3A_922 : i32
    %sign3A_924 = arith.constant 0 : i32
    %sign3A_925 = arith.cmpi sgt, %jit3A_915, %sign3A_924 : i32
    %sign3A_926 = arith.extui %sign3A_925 : i1 to i32
    %sign3A_927 = arith.constant 0 : i32
    %sign3A_928 = arith.cmpi slt, %jit3A_915, %sign3A_927 : i32
    %sign3A_929 = arith.extui %sign3A_928 : i1 to i32
    %sign3A_930 = arith.subi %sign3A_926, %sign3A_929 : i32
    %ne3A_931 = arith.cmpi ne, %sign3A_923, %sign3A_930 : i32
    %rem3A_932 = arith.remsi %add3A_914, %jit3A_915 : i32
    %ne3A_933 = arith.constant 0 : i32
    %ne3A_934 = arith.cmpi ne, %rem3A_932, %ne3A_933 : i32
    %and3A_935 = arith.andi %ne3A_931, %ne3A_934 : i1
    %sub3A_936 = arith.constant 1 : i32
    %sub3A_937 = arith.subi %div3A_916, %sub3A_936 : i32
    %select_n3A_938 = arith.select %and3A_935, %sub3A_937, %div3A_916 : i32
    %while3A_939 = arith.constant 7 : i32
    %while3A_940 = arith.constant 7 : i32
    %while3A_941 = arith.constant 0 : i32
    %while3A_942 = arith.constant 0 : i32
    %while3A_943 = arith.subi %select_n3A_938, %while3A_941 : i32
    %while3A_944 = arith.addi %while3A_941, %while3A_943 : i32
    %while3A_945 = arith.constant 1 : i32
    %while3A_946 = arith.divsi %while3A_943, %while3A_945 : i32
    %while3A_947 = arith.muli %while3A_946, %while3A_945 : i32
    %while3A_948 = arith.addi %while3A_941, %while3A_947 : i32
    %while3A_949 = arith.constant 1 : i32
    %while3A_950 = scf.for %while3A_1104 = %while3A_941 to %while3A_948 step %while3A_949 iter_args(%while3A_1105 = %while3A_942) -> (i32)  : i32 {
      %mul3A_1106 = arith.constant 16 : i32
      %mul3A_1107 = arith.muli %while3A_1104, %mul3A_1106 : i32
      %add3A_1108 = arith.addi %scan3A_882, %mul3A_1107 : i32
      %iota3A = tpu.iota {dimensions = array<i32: 0>} : vector<16xi32>
      %add3A_1109 = vector.broadcast %add3A_1108 : i32 to vector<16xi32>
      %add3A_1110 = arith.addi %add3A_1109, %iota3A : vector<16xi32>
      %mul3A_1111 = arith.constant 128 : i32
      %mul3A_1112 = arith.muli %select_n3A_909, %mul3A_1111 : i32
      %lt3A = vector.broadcast %mul3A_1112 : i32 to vector<16xi32>
      %lt3A_1113 = arith.cmpi slt, %add3A_1110, %lt3A : vector<16xi32>
      %shift_right_arithmetic3A = arith.constant 7 : i32
      %shift_right_arithmetic3A_1114 = vector.broadcast %shift_right_arithmetic3A : i32 to vector<16xi32>
      %shift_right_arithmetic3A_1115 = arith.shrsi %add3A_1110, %shift_right_arithmetic3A_1114 : vector<16xi32>
      %and3A_1116 = arith.constant 127 : i32
      %and3A_1117 = vector.broadcast %and3A_1116 : i32 to vector<16xi32>
      %and3A_1118 = arith.andi %add3A_1110, %and3A_1117 : vector<16xi32>
      %iota3A_1119 = tpu.iota {dimensions = array<i32: 0>} : vector<16xi32>
      %mul3A_1120 = arith.constant 64 : i32
      %mul3A_1121 = vector.broadcast %mul3A_1120 : i32 to vector<16xi32>
      %mul3A_1122 = arith.muli %iota3A_1119, %mul3A_1121 : vector<16xi32>
      %add3A_1123 = vector.broadcast %mul3A_0 : i32 to vector<16xi32>
      %add3A_1124 = arith.addi %add3A_1123, %mul3A_1122 : vector<16xi32>
      %scatter3A = arith.constant 0 : i32
      %scatter3A_1125 = arith.constant 0 : i32
      %scatter3A_1126 = tpu.memref_slice %arg7[%while3A_939, %scatter3A, %scatter3A_1125] : memref<8x8x128xi32, #tpu.memory_space<vmem>> -> memref<1x8x128xi32, #tpu.memory_space<vmem>>
      %scatter3A_1127 = tpu.memref_squeeze %scatter3A_1126 : memref<1x8x128xi32, #tpu.memory_space<vmem>> -> memref<8x128xi32, #tpu.memory_space<vmem>>
      tpu.vector_store_idx %scatter3A_1127[%shift_right_arithmetic3A_1115, %and3A_1118], %add3A_1124 masked %lt3A_1113 : memref<8x128xi32, #tpu.memory_space<vmem>>[vector<16xi32>, vector<16xi32>], vector<16xi32>, vector<16xi1>
      %shift_right_arithmetic3A_1128 = arith.constant 7 : i32
      %shift_right_arithmetic3A_1129 = vector.broadcast %shift_right_arithmetic3A_1128 : i32 to vector<16xi32>
      %shift_right_arithmetic3A_1130 = arith.shrsi %add3A_1110, %shift_right_arithmetic3A_1129 : vector<16xi32>
      %and3A_1131 = arith.constant 127 : i32
      %and3A_1132 = vector.broadcast %and3A_1131 : i32 to vector<16xi32>
      %and3A_1133 = arith.andi %add3A_1110, %and3A_1132 : vector<16xi32>
      %iota3A_1134 = tpu.iota {dimensions = array<i32: 0>} : vector<16xi32>
      %and3A_1135 = arith.constant 7 : i32
      %and3A_1136 = vector.broadcast %and3A_1135 : i32 to vector<16xi32>
      %and3A_1137 = arith.andi %iota3A_1134, %and3A_1136 : vector<16xi32>
      %add3A_1138 = arith.constant 4096 : i32
      %add3A_1139 = vector.broadcast %add3A_1138 : i32 to vector<16xi32>
      %add3A_1140 = arith.addi %add3A_1139, %and3A_1137 : vector<16xi32>
      %scatter3A_1141 = arith.constant 0 : i32
      %scatter3A_1142 = arith.constant 0 : i32
      %scatter3A_1143 = tpu.memref_slice %arg8[%while3A_940, %scatter3A_1141, %scatter3A_1142] : memref<8x8x128xi32, #tpu.memory_space<vmem>> -> memref<1x8x128xi32, #tpu.memory_space<vmem>>
      %scatter3A_1144 = tpu.memref_squeeze %scatter3A_1143 : memref<1x8x128xi32, #tpu.memory_space<vmem>> -> memref<8x128xi32, #tpu.memory_space<vmem>>
      tpu.vector_store_idx %scatter3A_1144[%shift_right_arithmetic3A_1130, %and3A_1133], %add3A_1140 masked %lt3A_1113 : memref<8x128xi32, #tpu.memory_space<vmem>>[vector<16xi32>, vector<16xi32>], vector<16xi32>, vector<16xi1>
      %while3A_1145 = arith.constant 0 : i32
      scf.yield %while3A_1145 : i32
    }
    %while3A_951 = arith.constant 1 : i32
    %while3A_952 = scf.for %while3A_1104 = %while3A_948 to %while3A_944 step %while3A_951 iter_args(%while3A_1105 = %while3A_950) -> (i32)  : i32 {
      %mul3A_1106 = arith.constant 16 : i32
      %mul3A_1107 = arith.muli %while3A_1104, %mul3A_1106 : i32
      %add3A_1108 = arith.addi %scan3A_882, %mul3A_1107 : i32
      %iota3A = tpu.iota {dimensions = array<i32: 0>} : vector<16xi32>
      %add3A_1109 = vector.broadcast %add3A_1108 : i32 to vector<16xi32>
      %add3A_1110 = arith.addi %add3A_1109, %iota3A : vector<16xi32>
      %mul3A_1111 = arith.constant 128 : i32
      %mul3A_1112 = arith.muli %select_n3A_909, %mul3A_1111 : i32
      %lt3A = vector.broadcast %mul3A_1112 : i32 to vector<16xi32>
      %lt3A_1113 = arith.cmpi slt, %add3A_1110, %lt3A : vector<16xi32>
      %shift_right_arithmetic3A = arith.constant 7 : i32
      %shift_right_arithmetic3A_1114 = vector.broadcast %shift_right_arithmetic3A : i32 to vector<16xi32>
      %shift_right_arithmetic3A_1115 = arith.shrsi %add3A_1110, %shift_right_arithmetic3A_1114 : vector<16xi32>
      %and3A_1116 = arith.constant 127 : i32
      %and3A_1117 = vector.broadcast %and3A_1116 : i32 to vector<16xi32>
      %and3A_1118 = arith.andi %add3A_1110, %and3A_1117 : vector<16xi32>
      %iota3A_1119 = tpu.iota {dimensions = array<i32: 0>} : vector<16xi32>
      %mul3A_1120 = arith.constant 64 : i32
      %mul3A_1121 = vector.broadcast %mul3A_1120 : i32 to vector<16xi32>
      %mul3A_1122 = arith.muli %iota3A_1119, %mul3A_1121 : vector<16xi32>
      %add3A_1123 = vector.broadcast %mul3A_0 : i32 to vector<16xi32>
      %add3A_1124 = arith.addi %add3A_1123, %mul3A_1122 : vector<16xi32>
      %scatter3A = arith.constant 0 : i32
      %scatter3A_1125 = arith.constant 0 : i32
      %scatter3A_1126 = tpu.memref_slice %arg7[%while3A_939, %scatter3A, %scatter3A_1125] : memref<8x8x128xi32, #tpu.memory_space<vmem>> -> memref<1x8x128xi32, #tpu.memory_space<vmem>>
      %scatter3A_1127 = tpu.memref_squeeze %scatter3A_1126 : memref<1x8x128xi32, #tpu.memory_space<vmem>> -> memref<8x128xi32, #tpu.memory_space<vmem>>
      tpu.vector_store_idx %scatter3A_1127[%shift_right_arithmetic3A_1115, %and3A_1118], %add3A_1124 masked %lt3A_1113 : memref<8x128xi32, #tpu.memory_space<vmem>>[vector<16xi32>, vector<16xi32>], vector<16xi32>, vector<16xi1>
      %shift_right_arithmetic3A_1128 = arith.constant 7 : i32
      %shift_right_arithmetic3A_1129 = vector.broadcast %shift_right_arithmetic3A_1128 : i32 to vector<16xi32>
      %shift_right_arithmetic3A_1130 = arith.shrsi %add3A_1110, %shift_right_arithmetic3A_1129 : vector<16xi32>
      %and3A_1131 = arith.constant 127 : i32
      %and3A_1132 = vector.broadcast %and3A_1131 : i32 to vector<16xi32>
      %and3A_1133 = arith.andi %add3A_1110, %and3A_1132 : vector<16xi32>
      %iota3A_1134 = tpu.iota {dimensions = array<i32: 0>} : vector<16xi32>
      %and3A_1135 = arith.constant 7 : i32
      %and3A_1136 = vector.broadcast %and3A_1135 : i32 to vector<16xi32>
      %and3A_1137 = arith.andi %iota3A_1134, %and3A_1136 : vector<16xi32>
      %add3A_1138 = arith.constant 4096 : i32
      %add3A_1139 = vector.broadcast %add3A_1138 : i32 to vector<16xi32>
      %add3A_1140 = arith.addi %add3A_1139, %and3A_1137 : vector<16xi32>
      %scatter3A_1141 = arith.constant 0 : i32
      %scatter3A_1142 = arith.constant 0 : i32
      %scatter3A_1143 = tpu.memref_slice %arg8[%while3A_940, %scatter3A_1141, %scatter3A_1142] : memref<8x8x128xi32, #tpu.memory_space<vmem>> -> memref<1x8x128xi32, #tpu.memory_space<vmem>>
      %scatter3A_1144 = tpu.memref_squeeze %scatter3A_1143 : memref<1x8x128xi32, #tpu.memory_space<vmem>> -> memref<8x128xi32, #tpu.memory_space<vmem>>
      tpu.vector_store_idx %scatter3A_1144[%shift_right_arithmetic3A_1130, %and3A_1133], %add3A_1140 masked %lt3A_1113 : memref<8x128xi32, #tpu.memory_space<vmem>>[vector<16xi32>, vector<16xi32>], vector<16xi32>, vector<16xi1>
      %while3A_1145 = arith.constant 0 : i32
      scf.yield %while3A_1145 : i32
    }
    %dma_wait3A_953 = arith.constant 0 : i32
    %dma_wait3A_954 = tpu.memref_slice %arg12[%mul3A_848, %dma_wait3A_953] : memref<4104x128xf32, #tpu.memory_space<vmem_shared>> -> memref<256x128xf32, #tpu.memory_space<vmem_shared>>
    %dma_wait3A_955 = arith.constant 0 : i32
    %dma_wait3A_956 = tpu.memref_slice %arg2[%add3A_846, %dma_wait3A_955] : memref<65536x128xf32, #tpu.memory_space<hbm>> -> memref<256x128xf32, #tpu.memory_space<hbm>>
    tpu.wait_dma2 semaphore(%arg14 : memref<!tpu.dma_semaphore, #tpu.memory_space<semaphore_mem>>) src(%dma_wait3A_956 : memref<256x128xf32, #tpu.memory_space<hbm>>) dst(%dma_wait3A_954 : memref<256x128xf32, #tpu.memory_space<vmem_shared>>)
    %barrier3A_957 = arith.constant 0 : index
    tpu.barrier barrier_id(%barrier3A_957)
    %gt3A_958 = arith.constant 0 : i32
    %gt3A_959 = arith.cmpi sgt, %select_n3A_629, %gt3A_958 : i32
    %convert_element_type3A_960 = arith.extui %gt3A_959 : i1 to i32
    %cond3A_961 = arith.constant 0 : i32
    %cond3A_962 = arith.cmpi ne, %convert_element_type3A_960, %cond3A_961 : i32
    scf.if %cond3A_962 {
      %dma_wait3A_1104 = arith.constant 5 : i32
      %dma_wait3A_1105 = arith.constant 0 : i32
      %dma_wait3A_1106 = arith.constant 0 : i32
      %dma_wait3A_1107 = arith.constant 0 : i32
      %dma_wait3A_1108 = tpu.memref_slice %arg7[%dma_wait3A_1104, %dma_wait3A_1106, %dma_wait3A_1107] : memref<8x8x128xi32, #tpu.memory_space<vmem>> -> memref<1x8x128xi32, #tpu.memory_space<vmem>>
      %dma_wait3A_1109 = tpu.memref_squeeze %dma_wait3A_1108 : memref<1x8x128xi32, #tpu.memory_space<vmem>> -> memref<8x128xi32, #tpu.memory_space<vmem>>
      %dma_wait3A_1110 = arith.constant 0 : i32
      %dma_wait3A_1111 = tpu.memref_slice %dma_wait3A_1109[%dma_wait3A_1105, %dma_wait3A_1110] : memref<8x128xi32, #tpu.memory_space<vmem>> -> memref<1x128xi32, #tpu.memory_space<vmem>>
      %dma_wait3A_1112 = tpu.memref_squeeze %dma_wait3A_1111 : memref<1x128xi32, #tpu.memory_space<vmem>> -> memref<128xi32, #tpu.memory_space<vmem>>
      %dma_wait3A_1113 = arith.constant 0 : i32
      %dma_wait3A_1114 = arith.constant 0 : i32
      %dma_wait3A_1115 = tpu.memref_slice %arg3[%dma_wait3A_1113, %dma_wait3A_1114] : memref<16384x128xf32, #tpu.memory_space<hbm>> -> memref<16384x128xf32, #tpu.memory_space<hbm>>
      tpu.wait_indirect_dma semaphore(%arg18 : memref<!tpu.dma_semaphore, #tpu.memory_space<semaphore_mem>>) src(%dma_wait3A_1115 : memref<16384x128xf32, #tpu.memory_space<hbm>>) dst(%arg10 : memref<128x128xf32, #tpu.memory_space<vmem>>)
      %run_scoped3A = arith.constant 5 : i32
      %run_scoped3A_1116 = arith.constant 0 : i32
      "tpu.region"() ({
        %run_scoped3A_1117 = tpu.sem_alloc : memref<!tpu.dma_semaphore, #tpu.memory_space<semaphore_mem>>
        %dma_start3A_1118 = arith.constant 0 : i32
        %dma_start3A_1119 = arith.constant 0 : i32
        %dma_start3A_1120 = tpu.memref_slice %arg8[%run_scoped3A, %dma_start3A_1118, %dma_start3A_1119] : memref<8x8x128xi32, #tpu.memory_space<vmem>> -> memref<1x8x128xi32, #tpu.memory_space<vmem>>
        %dma_start3A_1121 = tpu.memref_squeeze %dma_start3A_1120 : memref<1x8x128xi32, #tpu.memory_space<vmem>> -> memref<8x128xi32, #tpu.memory_space<vmem>>
        %dma_start3A_1122 = arith.constant 0 : i32
        %dma_start3A_1123 = tpu.memref_slice %dma_start3A_1121[%run_scoped3A_1116, %dma_start3A_1122] : memref<8x128xi32, #tpu.memory_space<vmem>> -> memref<1x128xi32, #tpu.memory_space<vmem>>
        %dma_start3A_1124 = tpu.memref_squeeze %dma_start3A_1123 : memref<1x128xi32, #tpu.memory_space<vmem>> -> memref<128xi32, #tpu.memory_space<vmem>>
        %dma_start3A_1125 = arith.constant 0 : i32
        %dma_start3A_1126 = arith.constant 0 : i32
        %dma_start3A_1127 = tpu.memref_slice %arg12[%dma_start3A_1125, %dma_start3A_1126] : memref<4104x128xf32, #tpu.memory_space<vmem_shared>> -> memref<4104x128xf32, #tpu.memory_space<vmem_shared>>
        tpu.enqueue_indirect_dma source(%arg10 : memref<128x128xf32, #tpu.memory_space<vmem>>) target(%dma_start3A_1127 : memref<4104x128xf32, #tpu.memory_space<vmem_shared>>) offsets(%dma_start3A_1124 : memref<128xi32, #tpu.memory_space<vmem>>) semaphore(%run_scoped3A_1117 : memref<!tpu.dma_semaphore, #tpu.memory_space<semaphore_mem>>) {add = true}
        %dma_wait3A_1128 = arith.constant 0 : i32
        %dma_wait3A_1129 = arith.constant 0 : i32
        %dma_wait3A_1130 = tpu.memref_slice %arg8[%run_scoped3A, %dma_wait3A_1128, %dma_wait3A_1129] : memref<8x8x128xi32, #tpu.memory_space<vmem>> -> memref<1x8x128xi32, #tpu.memory_space<vmem>>
        %dma_wait3A_1131 = tpu.memref_squeeze %dma_wait3A_1130 : memref<1x8x128xi32, #tpu.memory_space<vmem>> -> memref<8x128xi32, #tpu.memory_space<vmem>>
        %dma_wait3A_1132 = arith.constant 0 : i32
        %dma_wait3A_1133 = tpu.memref_slice %dma_wait3A_1131[%run_scoped3A_1116, %dma_wait3A_1132] : memref<8x128xi32, #tpu.memory_space<vmem>> -> memref<1x128xi32, #tpu.memory_space<vmem>>
        %dma_wait3A_1134 = tpu.memref_squeeze %dma_wait3A_1133 : memref<1x128xi32, #tpu.memory_space<vmem>> -> memref<128xi32, #tpu.memory_space<vmem>>
        %dma_wait3A_1135 = arith.constant 0 : i32
        %dma_wait3A_1136 = arith.constant 0 : i32
        %dma_wait3A_1137 = tpu.memref_slice %arg12[%dma_wait3A_1135, %dma_wait3A_1136] : memref<4104x128xf32, #tpu.memory_space<vmem_shared>> -> memref<4104x128xf32, #tpu.memory_space<vmem_shared>>
        tpu.wait_indirect_dma semaphore(%run_scoped3A_1117 : memref<!tpu.dma_semaphore, #tpu.memory_space<semaphore_mem>>) src(%arg10 : memref<128x128xf32, #tpu.memory_space<vmem>>) dst(%dma_wait3A_1137 : memref<4104x128xf32, #tpu.memory_space<vmem_shared>>)
        tpu.yield
      }) : () -> ()
    } else {
    }
    %while3A_963 = arith.constant 1 : i32
    %while3A_964 = arith.constant 0 : i32
    %while3A_965 = arith.subi %select_n3A_629, %while3A_963 : i32
    %while3A_966 = arith.addi %while3A_963, %while3A_965 : i32
    %while3A_967 = arith.constant 1 : i32
    %while3A_968 = arith.divsi %while3A_965, %while3A_967 : i32
    %while3A_969 = arith.muli %while3A_968, %while3A_967 : i32
    %while3A_970 = arith.addi %while3A_963, %while3A_969 : i32
    %while3A_971 = arith.constant 1 : i32
    %while3A_972 = scf.for %while3A_1104 = %while3A_963 to %while3A_970 step %while3A_971 iter_args(%while3A_1105 = %while3A_964) -> (i32)  : i32 {
      %dma_start3A_1106 = arith.constant 5 : i32
      %dma_start3A_1107 = arith.constant 0 : i32
      %dma_start3A_1108 = arith.constant 0 : i32
      %dma_start3A_1109 = tpu.memref_slice %arg7[%dma_start3A_1106, %dma_start3A_1107, %dma_start3A_1108] : memref<8x8x128xi32, #tpu.memory_space<vmem>> -> memref<1x8x128xi32, #tpu.memory_space<vmem>>
      %dma_start3A_1110 = tpu.memref_squeeze %dma_start3A_1109 : memref<1x8x128xi32, #tpu.memory_space<vmem>> -> memref<8x128xi32, #tpu.memory_space<vmem>>
      %dma_start3A_1111 = arith.constant 0 : i32
      %dma_start3A_1112 = tpu.memref_slice %dma_start3A_1110[%while3A_1104, %dma_start3A_1111] : memref<8x128xi32, #tpu.memory_space<vmem>> -> memref<1x128xi32, #tpu.memory_space<vmem>>
      %dma_start3A_1113 = tpu.memref_squeeze %dma_start3A_1112 : memref<1x128xi32, #tpu.memory_space<vmem>> -> memref<128xi32, #tpu.memory_space<vmem>>
      %dma_start3A_1114 = arith.constant 0 : i32
      %dma_start3A_1115 = arith.constant 0 : i32
      %dma_start3A_1116 = tpu.memref_slice %arg3[%dma_start3A_1114, %dma_start3A_1115] : memref<16384x128xf32, #tpu.memory_space<hbm>> -> memref<16384x128xf32, #tpu.memory_space<hbm>>
      tpu.enqueue_indirect_dma source(%dma_start3A_1116 : memref<16384x128xf32, #tpu.memory_space<hbm>>) target(%arg10 : memref<128x128xf32, #tpu.memory_space<vmem>>) offsets(%dma_start3A_1113 : memref<128xi32, #tpu.memory_space<vmem>>) semaphore(%arg19 : memref<!tpu.dma_semaphore, #tpu.memory_space<semaphore_mem>>)
      %dma_wait3A_1117 = arith.constant 5 : i32
      %dma_wait3A_1118 = arith.constant 0 : i32
      %dma_wait3A_1119 = arith.constant 0 : i32
      %dma_wait3A_1120 = tpu.memref_slice %arg7[%dma_wait3A_1117, %dma_wait3A_1118, %dma_wait3A_1119] : memref<8x8x128xi32, #tpu.memory_space<vmem>> -> memref<1x8x128xi32, #tpu.memory_space<vmem>>
      %dma_wait3A_1121 = tpu.memref_squeeze %dma_wait3A_1120 : memref<1x8x128xi32, #tpu.memory_space<vmem>> -> memref<8x128xi32, #tpu.memory_space<vmem>>
      %dma_wait3A_1122 = arith.constant 0 : i32
      %dma_wait3A_1123 = tpu.memref_slice %dma_wait3A_1121[%while3A_1104, %dma_wait3A_1122] : memref<8x128xi32, #tpu.memory_space<vmem>> -> memref<1x128xi32, #tpu.memory_space<vmem>>
      %dma_wait3A_1124 = tpu.memref_squeeze %dma_wait3A_1123 : memref<1x128xi32, #tpu.memory_space<vmem>> -> memref<128xi32, #tpu.memory_space<vmem>>
      %dma_wait3A_1125 = arith.constant 0 : i32
      %dma_wait3A_1126 = arith.constant 0 : i32
      %dma_wait3A_1127 = tpu.memref_slice %arg3[%dma_wait3A_1125, %dma_wait3A_1126] : memref<16384x128xf32, #tpu.memory_space<hbm>> -> memref<16384x128xf32, #tpu.memory_space<hbm>>
      tpu.wait_indirect_dma semaphore(%arg19 : memref<!tpu.dma_semaphore, #tpu.memory_space<semaphore_mem>>) src(%dma_wait3A_1127 : memref<16384x128xf32, #tpu.memory_space<hbm>>) dst(%arg10 : memref<128x128xf32, #tpu.memory_space<vmem>>)
      %run_scoped3A = arith.constant 5 : i32
      "tpu.region"() ({
        %run_scoped3A_1129 = tpu.sem_alloc : memref<!tpu.dma_semaphore, #tpu.memory_space<semaphore_mem>>
        %dma_start3A_1130 = arith.constant 0 : i32
        %dma_start3A_1131 = arith.constant 0 : i32
        %dma_start3A_1132 = tpu.memref_slice %arg8[%run_scoped3A, %dma_start3A_1130, %dma_start3A_1131] : memref<8x8x128xi32, #tpu.memory_space<vmem>> -> memref<1x8x128xi32, #tpu.memory_space<vmem>>
        %dma_start3A_1133 = tpu.memref_squeeze %dma_start3A_1132 : memref<1x8x128xi32, #tpu.memory_space<vmem>> -> memref<8x128xi32, #tpu.memory_space<vmem>>
        %dma_start3A_1134 = arith.constant 0 : i32
        %dma_start3A_1135 = tpu.memref_slice %dma_start3A_1133[%while3A_1104, %dma_start3A_1134] : memref<8x128xi32, #tpu.memory_space<vmem>> -> memref<1x128xi32, #tpu.memory_space<vmem>>
        %dma_start3A_1136 = tpu.memref_squeeze %dma_start3A_1135 : memref<1x128xi32, #tpu.memory_space<vmem>> -> memref<128xi32, #tpu.memory_space<vmem>>
        %dma_start3A_1137 = arith.constant 0 : i32
        %dma_start3A_1138 = arith.constant 0 : i32
        %dma_start3A_1139 = tpu.memref_slice %arg12[%dma_start3A_1137, %dma_start3A_1138] : memref<4104x128xf32, #tpu.memory_space<vmem_shared>> -> memref<4104x128xf32, #tpu.memory_space<vmem_shared>>
        tpu.enqueue_indirect_dma source(%arg10 : memref<128x128xf32, #tpu.memory_space<vmem>>) target(%dma_start3A_1139 : memref<4104x128xf32, #tpu.memory_space<vmem_shared>>) offsets(%dma_start3A_1136 : memref<128xi32, #tpu.memory_space<vmem>>) semaphore(%run_scoped3A_1129 : memref<!tpu.dma_semaphore, #tpu.memory_space<semaphore_mem>>) {add = true}
        %dma_wait3A_1140 = arith.constant 0 : i32
        %dma_wait3A_1141 = arith.constant 0 : i32
        %dma_wait3A_1142 = tpu.memref_slice %arg8[%run_scoped3A, %dma_wait3A_1140, %dma_wait3A_1141] : memref<8x8x128xi32, #tpu.memory_space<vmem>> -> memref<1x8x128xi32, #tpu.memory_space<vmem>>
        %dma_wait3A_1143 = tpu.memref_squeeze %dma_wait3A_1142 : memref<1x8x128xi32, #tpu.memory_space<vmem>> -> memref<8x128xi32, #tpu.memory_space<vmem>>
        %dma_wait3A_1144 = arith.constant 0 : i32
        %dma_wait3A_1145 = tpu.memref_slice %dma_wait3A_1143[%while3A_1104, %dma_wait3A_1144] : memref<8x128xi32, #tpu.memory_space<vmem>> -> memref<1x128xi32, #tpu.memory_space<vmem>>
        %dma_wait3A_1146 = tpu.memref_squeeze %dma_wait3A_1145 : memref<1x128xi32, #tpu.memory_space<vmem>> -> memref<128xi32, #tpu.memory_space<vmem>>
        %dma_wait3A_1147 = arith.constant 0 : i32
        %dma_wait3A_1148 = arith.constant 0 : i32
        %dma_wait3A_1149 = tpu.memref_slice %arg12[%dma_wait3A_1147, %dma_wait3A_1148] : memref<4104x128xf32, #tpu.memory_space<vmem_shared>> -> memref<4104x128xf32, #tpu.memory_space<vmem_shared>>
        tpu.wait_indirect_dma semaphore(%run_scoped3A_1129 : memref<!tpu.dma_semaphore, #tpu.memory_space<semaphore_mem>>) src(%arg10 : memref<128x128xf32, #tpu.memory_space<vmem>>) dst(%dma_wait3A_1149 : memref<4104x128xf32, #tpu.memory_space<vmem_shared>>)
        tpu.yield
      }) : () -> ()
      %while3A_1128 = arith.constant 0 : i32
      scf.yield %while3A_1128 : i32
    }
    %while3A_973 = arith.constant 1 : i32
    %while3A_974 = scf.for %while3A_1104 = %while3A_970 to %while3A_966 step %while3A_973 iter_args(%while3A_1105 = %while3A_972) -> (i32)  : i32 {
      %dma_start3A_1106 = arith.constant 5 : i32
      %dma_start3A_1107 = arith.constant 0 : i32
      %dma_start3A_1108 = arith.constant 0 : i32
      %dma_start3A_1109 = tpu.memref_slice %arg7[%dma_start3A_1106, %dma_start3A_1107, %dma_start3A_1108] : memref<8x8x128xi32, #tpu.memory_space<vmem>> -> memref<1x8x128xi32, #tpu.memory_space<vmem>>
      %dma_start3A_1110 = tpu.memref_squeeze %dma_start3A_1109 : memref<1x8x128xi32, #tpu.memory_space<vmem>> -> memref<8x128xi32, #tpu.memory_space<vmem>>
      %dma_start3A_1111 = arith.constant 0 : i32
      %dma_start3A_1112 = tpu.memref_slice %dma_start3A_1110[%while3A_1104, %dma_start3A_1111] : memref<8x128xi32, #tpu.memory_space<vmem>> -> memref<1x128xi32, #tpu.memory_space<vmem>>
      %dma_start3A_1113 = tpu.memref_squeeze %dma_start3A_1112 : memref<1x128xi32, #tpu.memory_space<vmem>> -> memref<128xi32, #tpu.memory_space<vmem>>
      %dma_start3A_1114 = arith.constant 0 : i32
      %dma_start3A_1115 = arith.constant 0 : i32
      %dma_start3A_1116 = tpu.memref_slice %arg3[%dma_start3A_1114, %dma_start3A_1115] : memref<16384x128xf32, #tpu.memory_space<hbm>> -> memref<16384x128xf32, #tpu.memory_space<hbm>>
      tpu.enqueue_indirect_dma source(%dma_start3A_1116 : memref<16384x128xf32, #tpu.memory_space<hbm>>) target(%arg10 : memref<128x128xf32, #tpu.memory_space<vmem>>) offsets(%dma_start3A_1113 : memref<128xi32, #tpu.memory_space<vmem>>) semaphore(%arg19 : memref<!tpu.dma_semaphore, #tpu.memory_space<semaphore_mem>>)
      %dma_wait3A_1117 = arith.constant 5 : i32
      %dma_wait3A_1118 = arith.constant 0 : i32
      %dma_wait3A_1119 = arith.constant 0 : i32
      %dma_wait3A_1120 = tpu.memref_slice %arg7[%dma_wait3A_1117, %dma_wait3A_1118, %dma_wait3A_1119] : memref<8x8x128xi32, #tpu.memory_space<vmem>> -> memref<1x8x128xi32, #tpu.memory_space<vmem>>
      %dma_wait3A_1121 = tpu.memref_squeeze %dma_wait3A_1120 : memref<1x8x128xi32, #tpu.memory_space<vmem>> -> memref<8x128xi32, #tpu.memory_space<vmem>>
      %dma_wait3A_1122 = arith.constant 0 : i32
      %dma_wait3A_1123 = tpu.memref_slice %dma_wait3A_1121[%while3A_1104, %dma_wait3A_1122] : memref<8x128xi32, #tpu.memory_space<vmem>> -> memref<1x128xi32, #tpu.memory_space<vmem>>
      %dma_wait3A_1124 = tpu.memref_squeeze %dma_wait3A_1123 : memref<1x128xi32, #tpu.memory_space<vmem>> -> memref<128xi32, #tpu.memory_space<vmem>>
      %dma_wait3A_1125 = arith.constant 0 : i32
      %dma_wait3A_1126 = arith.constant 0 : i32
      %dma_wait3A_1127 = tpu.memref_slice %arg3[%dma_wait3A_1125, %dma_wait3A_1126] : memref<16384x128xf32, #tpu.memory_space<hbm>> -> memref<16384x128xf32, #tpu.memory_space<hbm>>
      tpu.wait_indirect_dma semaphore(%arg19 : memref<!tpu.dma_semaphore, #tpu.memory_space<semaphore_mem>>) src(%dma_wait3A_1127 : memref<16384x128xf32, #tpu.memory_space<hbm>>) dst(%arg10 : memref<128x128xf32, #tpu.memory_space<vmem>>)
      %run_scoped3A = arith.constant 5 : i32
      "tpu.region"() ({
        %run_scoped3A_1129 = tpu.sem_alloc : memref<!tpu.dma_semaphore, #tpu.memory_space<semaphore_mem>>
        %dma_start3A_1130 = arith.constant 0 : i32
        %dma_start3A_1131 = arith.constant 0 : i32
        %dma_start3A_1132 = tpu.memref_slice %arg8[%run_scoped3A, %dma_start3A_1130, %dma_start3A_1131] : memref<8x8x128xi32, #tpu.memory_space<vmem>> -> memref<1x8x128xi32, #tpu.memory_space<vmem>>
        %dma_start3A_1133 = tpu.memref_squeeze %dma_start3A_1132 : memref<1x8x128xi32, #tpu.memory_space<vmem>> -> memref<8x128xi32, #tpu.memory_space<vmem>>
        %dma_start3A_1134 = arith.constant 0 : i32
        %dma_start3A_1135 = tpu.memref_slice %dma_start3A_1133[%while3A_1104, %dma_start3A_1134] : memref<8x128xi32, #tpu.memory_space<vmem>> -> memref<1x128xi32, #tpu.memory_space<vmem>>
        %dma_start3A_1136 = tpu.memref_squeeze %dma_start3A_1135 : memref<1x128xi32, #tpu.memory_space<vmem>> -> memref<128xi32, #tpu.memory_space<vmem>>
        %dma_start3A_1137 = arith.constant 0 : i32
        %dma_start3A_1138 = arith.constant 0 : i32
        %dma_start3A_1139 = tpu.memref_slice %arg12[%dma_start3A_1137, %dma_start3A_1138] : memref<4104x128xf32, #tpu.memory_space<vmem_shared>> -> memref<4104x128xf32, #tpu.memory_space<vmem_shared>>
        tpu.enqueue_indirect_dma source(%arg10 : memref<128x128xf32, #tpu.memory_space<vmem>>) target(%dma_start3A_1139 : memref<4104x128xf32, #tpu.memory_space<vmem_shared>>) offsets(%dma_start3A_1136 : memref<128xi32, #tpu.memory_space<vmem>>) semaphore(%run_scoped3A_1129 : memref<!tpu.dma_semaphore, #tpu.memory_space<semaphore_mem>>) {add = true}
        %dma_wait3A_1140 = arith.constant 0 : i32
        %dma_wait3A_1141 = arith.constant 0 : i32
        %dma_wait3A_1142 = tpu.memref_slice %arg8[%run_scoped3A, %dma_wait3A_1140, %dma_wait3A_1141] : memref<8x8x128xi32, #tpu.memory_space<vmem>> -> memref<1x8x128xi32, #tpu.memory_space<vmem>>
        %dma_wait3A_1143 = tpu.memref_squeeze %dma_wait3A_1142 : memref<1x8x128xi32, #tpu.memory_space<vmem>> -> memref<8x128xi32, #tpu.memory_space<vmem>>
        %dma_wait3A_1144 = arith.constant 0 : i32
        %dma_wait3A_1145 = tpu.memref_slice %dma_wait3A_1143[%while3A_1104, %dma_wait3A_1144] : memref<8x128xi32, #tpu.memory_space<vmem>> -> memref<1x128xi32, #tpu.memory_space<vmem>>
        %dma_wait3A_1146 = tpu.memref_squeeze %dma_wait3A_1145 : memref<1x128xi32, #tpu.memory_space<vmem>> -> memref<128xi32, #tpu.memory_space<vmem>>
        %dma_wait3A_1147 = arith.constant 0 : i32
        %dma_wait3A_1148 = arith.constant 0 : i32
        %dma_wait3A_1149 = tpu.memref_slice %arg12[%dma_wait3A_1147, %dma_wait3A_1148] : memref<4104x128xf32, #tpu.memory_space<vmem_shared>> -> memref<4104x128xf32, #tpu.memory_space<vmem_shared>>
        tpu.wait_indirect_dma semaphore(%run_scoped3A_1129 : memref<!tpu.dma_semaphore, #tpu.memory_space<semaphore_mem>>) src(%arg10 : memref<128x128xf32, #tpu.memory_space<vmem>>) dst(%dma_wait3A_1149 : memref<4104x128xf32, #tpu.memory_space<vmem_shared>>)
        tpu.yield
      }) : () -> ()
      %while3A_1128 = arith.constant 0 : i32
      scf.yield %while3A_1128 : i32
    }
    %barrier3A_975 = arith.constant 0 : index
    tpu.barrier barrier_id(%barrier3A_975)
    %dma_wait3A_976 = arith.constant 0 : i32
    %dma_wait3A_977 = tpu.memref_slice %arg5[%add3A_857, %dma_wait3A_976] : memref<65536x128xf32, #tpu.memory_space<hbm>> -> memref<256x128xf32, #tpu.memory_space<hbm>>
    %dma_wait3A_978 = arith.constant 0 : i32
    %dma_wait3A_979 = tpu.memref_slice %arg11[%mul3A_854, %dma_wait3A_978] : memref<4104x128xf32, #tpu.memory_space<vmem_shared>> -> memref<256x128xf32, #tpu.memory_space<vmem_shared>>
    tpu.wait_dma2 semaphore(%arg15 : memref<!tpu.dma_semaphore, #tpu.memory_space<semaphore_mem>>) src(%dma_wait3A_979 : memref<256x128xf32, #tpu.memory_space<vmem_shared>>) dst(%dma_wait3A_977 : memref<256x128xf32, #tpu.memory_space<hbm>>)
    %mul3A_980 = arith.constant 32768 : i32
    %mul3A_981 = arith.muli %arg0, %mul3A_980 : i32
    %add3A_982 = arith.constant 24576 : i32
    %add3A_983 = arith.addi %mul3A_981, %add3A_982 : i32
    %mul3A_984 = arith.constant 256 : i32
    %mul3A_985 = arith.muli %arg1, %mul3A_984 : i32
    %add3A_986 = arith.addi %add3A_983, %mul3A_985 : i32
    %mul3A_987 = arith.constant 256 : i32
    %mul3A_988 = arith.muli %arg1, %mul3A_987 : i32
    %dma_start3A_989 = arith.constant 0 : i32
    %dma_start3A_990 = tpu.memref_slice %arg11[%mul3A_988, %dma_start3A_989] : memref<4104x128xf32, #tpu.memory_space<vmem_shared>> -> memref<256x128xf32, #tpu.memory_space<vmem_shared>>
    %dma_start3A_991 = arith.constant 0 : i32
    %dma_start3A_992 = tpu.memref_slice %arg2[%add3A_986, %dma_start3A_991] : memref<65536x128xf32, #tpu.memory_space<hbm>> -> memref<256x128xf32, #tpu.memory_space<hbm>>
    tpu.enqueue_dma source(%dma_start3A_992 : memref<256x128xf32, #tpu.memory_space<hbm>>) target(%dma_start3A_990 : memref<256x128xf32, #tpu.memory_space<vmem_shared>>) target_semaphore(%arg13 : memref<!tpu.dma_semaphore, #tpu.memory_space<semaphore_mem>>)
    %mul3A_993 = arith.constant 256 : i32
    %mul3A_994 = arith.muli %arg1, %mul3A_993 : i32
    %mul3A_995 = arith.constant 256 : i32
    %mul3A_996 = arith.muli %arg1, %mul3A_995 : i32
    %add3A_997 = arith.addi %add3A_865, %mul3A_996 : i32
    %dma_start3A_998 = arith.constant 0 : i32
    %dma_start3A_999 = tpu.memref_slice %arg5[%add3A_997, %dma_start3A_998] : memref<65536x128xf32, #tpu.memory_space<hbm>> -> memref<256x128xf32, #tpu.memory_space<hbm>>
    %dma_start3A_1000 = arith.constant 0 : i32
    %dma_start3A_1001 = tpu.memref_slice %arg12[%mul3A_994, %dma_start3A_1000] : memref<4104x128xf32, #tpu.memory_space<vmem_shared>> -> memref<256x128xf32, #tpu.memory_space<vmem_shared>>
    tpu.enqueue_dma source(%dma_start3A_1001 : memref<256x128xf32, #tpu.memory_space<vmem_shared>>) target(%dma_start3A_999 : memref<256x128xf32, #tpu.memory_space<hbm>>) target_semaphore(%arg16 : memref<!tpu.dma_semaphore, #tpu.memory_space<semaphore_mem>>)
    %mul3A_1002 = arith.constant 32768 : i32
    %mul3A_1003 = arith.muli %arg0, %mul3A_1002 : i32
    %add3A_1004 = arith.constant 24576 : i32
    %add3A_1005 = arith.addi %mul3A_1003, %add3A_1004 : i32
    %gt3A_1006 = arith.constant 0 : i32
    %gt3A_1007 = arith.cmpi sgt, %select_n3A_909, %gt3A_1006 : i32
    %convert_element_type3A_1008 = arith.extui %gt3A_1007 : i1 to i32
    %cond3A_1009 = arith.constant 0 : i32
    %cond3A_1010 = arith.cmpi ne, %convert_element_type3A_1008, %cond3A_1009 : i32
    scf.if %cond3A_1010 {
      %dma_start3A_1104 = arith.constant 7 : i32
      %dma_start3A_1105 = arith.constant 0 : i32
      %dma_start3A_1106 = arith.constant 0 : i32
      %dma_start3A_1107 = arith.constant 0 : i32
      %dma_start3A_1108 = tpu.memref_slice %arg7[%dma_start3A_1104, %dma_start3A_1106, %dma_start3A_1107] : memref<8x8x128xi32, #tpu.memory_space<vmem>> -> memref<1x8x128xi32, #tpu.memory_space<vmem>>
      %dma_start3A_1109 = tpu.memref_squeeze %dma_start3A_1108 : memref<1x8x128xi32, #tpu.memory_space<vmem>> -> memref<8x128xi32, #tpu.memory_space<vmem>>
      %dma_start3A_1110 = arith.constant 0 : i32
      %dma_start3A_1111 = tpu.memref_slice %dma_start3A_1109[%dma_start3A_1105, %dma_start3A_1110] : memref<8x128xi32, #tpu.memory_space<vmem>> -> memref<1x128xi32, #tpu.memory_space<vmem>>
      %dma_start3A_1112 = tpu.memref_squeeze %dma_start3A_1111 : memref<1x128xi32, #tpu.memory_space<vmem>> -> memref<128xi32, #tpu.memory_space<vmem>>
      %dma_start3A_1113 = arith.constant 0 : i32
      %dma_start3A_1114 = arith.constant 0 : i32
      %dma_start3A_1115 = tpu.memref_slice %arg3[%dma_start3A_1113, %dma_start3A_1114] : memref<16384x128xf32, #tpu.memory_space<hbm>> -> memref<16384x128xf32, #tpu.memory_space<hbm>>
      tpu.enqueue_indirect_dma source(%dma_start3A_1115 : memref<16384x128xf32, #tpu.memory_space<hbm>>) target(%arg10 : memref<128x128xf32, #tpu.memory_space<vmem>>) offsets(%dma_start3A_1112 : memref<128xi32, #tpu.memory_space<vmem>>) semaphore(%arg18 : memref<!tpu.dma_semaphore, #tpu.memory_space<semaphore_mem>>)
    } else {
    }
    %dma_wait3A_1011 = arith.constant 0 : i32
    %dma_wait3A_1012 = tpu.memref_slice %arg11[%mul3A_988, %dma_wait3A_1011] : memref<4104x128xf32, #tpu.memory_space<vmem_shared>> -> memref<256x128xf32, #tpu.memory_space<vmem_shared>>
    %dma_wait3A_1013 = arith.constant 0 : i32
    %dma_wait3A_1014 = tpu.memref_slice %arg2[%add3A_986, %dma_wait3A_1013] : memref<65536x128xf32, #tpu.memory_space<hbm>> -> memref<256x128xf32, #tpu.memory_space<hbm>>
    tpu.wait_dma2 semaphore(%arg13 : memref<!tpu.dma_semaphore, #tpu.memory_space<semaphore_mem>>) src(%dma_wait3A_1014 : memref<256x128xf32, #tpu.memory_space<hbm>>) dst(%dma_wait3A_1012 : memref<256x128xf32, #tpu.memory_space<vmem_shared>>)
    %barrier3A_1015 = arith.constant 0 : index
    tpu.barrier barrier_id(%barrier3A_1015)
    %gt3A_1016 = arith.constant 0 : i32
    %gt3A_1017 = arith.cmpi sgt, %select_n3A_769, %gt3A_1016 : i32
    %convert_element_type3A_1018 = arith.extui %gt3A_1017 : i1 to i32
    %cond3A_1019 = arith.constant 0 : i32
    %cond3A_1020 = arith.cmpi ne, %convert_element_type3A_1018, %cond3A_1019 : i32
    scf.if %cond3A_1020 {
      %dma_wait3A_1104 = arith.constant 6 : i32
      %dma_wait3A_1105 = arith.constant 0 : i32
      %dma_wait3A_1106 = arith.constant 0 : i32
      %dma_wait3A_1107 = arith.constant 0 : i32
      %dma_wait3A_1108 = tpu.memref_slice %arg7[%dma_wait3A_1104, %dma_wait3A_1106, %dma_wait3A_1107] : memref<8x8x128xi32, #tpu.memory_space<vmem>> -> memref<1x8x128xi32, #tpu.memory_space<vmem>>
      %dma_wait3A_1109 = tpu.memref_squeeze %dma_wait3A_1108 : memref<1x8x128xi32, #tpu.memory_space<vmem>> -> memref<8x128xi32, #tpu.memory_space<vmem>>
      %dma_wait3A_1110 = arith.constant 0 : i32
      %dma_wait3A_1111 = tpu.memref_slice %dma_wait3A_1109[%dma_wait3A_1105, %dma_wait3A_1110] : memref<8x128xi32, #tpu.memory_space<vmem>> -> memref<1x128xi32, #tpu.memory_space<vmem>>
      %dma_wait3A_1112 = tpu.memref_squeeze %dma_wait3A_1111 : memref<1x128xi32, #tpu.memory_space<vmem>> -> memref<128xi32, #tpu.memory_space<vmem>>
      %dma_wait3A_1113 = arith.constant 0 : i32
      %dma_wait3A_1114 = arith.constant 0 : i32
      %dma_wait3A_1115 = tpu.memref_slice %arg3[%dma_wait3A_1113, %dma_wait3A_1114] : memref<16384x128xf32, #tpu.memory_space<hbm>> -> memref<16384x128xf32, #tpu.memory_space<hbm>>
      tpu.wait_indirect_dma semaphore(%arg17 : memref<!tpu.dma_semaphore, #tpu.memory_space<semaphore_mem>>) src(%dma_wait3A_1115 : memref<16384x128xf32, #tpu.memory_space<hbm>>) dst(%arg9 : memref<128x128xf32, #tpu.memory_space<vmem>>)
      %run_scoped3A = arith.constant 6 : i32
      %run_scoped3A_1116 = arith.constant 0 : i32
      "tpu.region"() ({
        %run_scoped3A_1117 = tpu.sem_alloc : memref<!tpu.dma_semaphore, #tpu.memory_space<semaphore_mem>>
        %dma_start3A_1118 = arith.constant 0 : i32
        %dma_start3A_1119 = arith.constant 0 : i32
        %dma_start3A_1120 = tpu.memref_slice %arg8[%run_scoped3A, %dma_start3A_1118, %dma_start3A_1119] : memref<8x8x128xi32, #tpu.memory_space<vmem>> -> memref<1x8x128xi32, #tpu.memory_space<vmem>>
        %dma_start3A_1121 = tpu.memref_squeeze %dma_start3A_1120 : memref<1x8x128xi32, #tpu.memory_space<vmem>> -> memref<8x128xi32, #tpu.memory_space<vmem>>
        %dma_start3A_1122 = arith.constant 0 : i32
        %dma_start3A_1123 = tpu.memref_slice %dma_start3A_1121[%run_scoped3A_1116, %dma_start3A_1122] : memref<8x128xi32, #tpu.memory_space<vmem>> -> memref<1x128xi32, #tpu.memory_space<vmem>>
        %dma_start3A_1124 = tpu.memref_squeeze %dma_start3A_1123 : memref<1x128xi32, #tpu.memory_space<vmem>> -> memref<128xi32, #tpu.memory_space<vmem>>
        %dma_start3A_1125 = arith.constant 0 : i32
        %dma_start3A_1126 = arith.constant 0 : i32
        %dma_start3A_1127 = tpu.memref_slice %arg11[%dma_start3A_1125, %dma_start3A_1126] : memref<4104x128xf32, #tpu.memory_space<vmem_shared>> -> memref<4104x128xf32, #tpu.memory_space<vmem_shared>>
        tpu.enqueue_indirect_dma source(%arg9 : memref<128x128xf32, #tpu.memory_space<vmem>>) target(%dma_start3A_1127 : memref<4104x128xf32, #tpu.memory_space<vmem_shared>>) offsets(%dma_start3A_1124 : memref<128xi32, #tpu.memory_space<vmem>>) semaphore(%run_scoped3A_1117 : memref<!tpu.dma_semaphore, #tpu.memory_space<semaphore_mem>>) {add = true}
        %dma_wait3A_1128 = arith.constant 0 : i32
        %dma_wait3A_1129 = arith.constant 0 : i32
        %dma_wait3A_1130 = tpu.memref_slice %arg8[%run_scoped3A, %dma_wait3A_1128, %dma_wait3A_1129] : memref<8x8x128xi32, #tpu.memory_space<vmem>> -> memref<1x8x128xi32, #tpu.memory_space<vmem>>
        %dma_wait3A_1131 = tpu.memref_squeeze %dma_wait3A_1130 : memref<1x8x128xi32, #tpu.memory_space<vmem>> -> memref<8x128xi32, #tpu.memory_space<vmem>>
        %dma_wait3A_1132 = arith.constant 0 : i32
        %dma_wait3A_1133 = tpu.memref_slice %dma_wait3A_1131[%run_scoped3A_1116, %dma_wait3A_1132] : memref<8x128xi32, #tpu.memory_space<vmem>> -> memref<1x128xi32, #tpu.memory_space<vmem>>
        %dma_wait3A_1134 = tpu.memref_squeeze %dma_wait3A_1133 : memref<1x128xi32, #tpu.memory_space<vmem>> -> memref<128xi32, #tpu.memory_space<vmem>>
        %dma_wait3A_1135 = arith.constant 0 : i32
        %dma_wait3A_1136 = arith.constant 0 : i32
        %dma_wait3A_1137 = tpu.memref_slice %arg11[%dma_wait3A_1135, %dma_wait3A_1136] : memref<4104x128xf32, #tpu.memory_space<vmem_shared>> -> memref<4104x128xf32, #tpu.memory_space<vmem_shared>>
        tpu.wait_indirect_dma semaphore(%run_scoped3A_1117 : memref<!tpu.dma_semaphore, #tpu.memory_space<semaphore_mem>>) src(%arg9 : memref<128x128xf32, #tpu.memory_space<vmem>>) dst(%dma_wait3A_1137 : memref<4104x128xf32, #tpu.memory_space<vmem_shared>>)
        tpu.yield
      }) : () -> ()
    } else {
    }
    %while3A_1021 = arith.constant 1 : i32
    %while3A_1022 = arith.constant 0 : i32
    %while3A_1023 = arith.subi %select_n3A_769, %while3A_1021 : i32
    %while3A_1024 = arith.addi %while3A_1021, %while3A_1023 : i32
    %while3A_1025 = arith.constant 1 : i32
    %while3A_1026 = arith.divsi %while3A_1023, %while3A_1025 : i32
    %while3A_1027 = arith.muli %while3A_1026, %while3A_1025 : i32
    %while3A_1028 = arith.addi %while3A_1021, %while3A_1027 : i32
    %while3A_1029 = arith.constant 1 : i32
    %while3A_1030 = scf.for %while3A_1104 = %while3A_1021 to %while3A_1028 step %while3A_1029 iter_args(%while3A_1105 = %while3A_1022) -> (i32)  : i32 {
      %dma_start3A_1106 = arith.constant 6 : i32
      %dma_start3A_1107 = arith.constant 0 : i32
      %dma_start3A_1108 = arith.constant 0 : i32
      %dma_start3A_1109 = tpu.memref_slice %arg7[%dma_start3A_1106, %dma_start3A_1107, %dma_start3A_1108] : memref<8x8x128xi32, #tpu.memory_space<vmem>> -> memref<1x8x128xi32, #tpu.memory_space<vmem>>
      %dma_start3A_1110 = tpu.memref_squeeze %dma_start3A_1109 : memref<1x8x128xi32, #tpu.memory_space<vmem>> -> memref<8x128xi32, #tpu.memory_space<vmem>>
      %dma_start3A_1111 = arith.constant 0 : i32
      %dma_start3A_1112 = tpu.memref_slice %dma_start3A_1110[%while3A_1104, %dma_start3A_1111] : memref<8x128xi32, #tpu.memory_space<vmem>> -> memref<1x128xi32, #tpu.memory_space<vmem>>
      %dma_start3A_1113 = tpu.memref_squeeze %dma_start3A_1112 : memref<1x128xi32, #tpu.memory_space<vmem>> -> memref<128xi32, #tpu.memory_space<vmem>>
      %dma_start3A_1114 = arith.constant 0 : i32
      %dma_start3A_1115 = arith.constant 0 : i32
      %dma_start3A_1116 = tpu.memref_slice %arg3[%dma_start3A_1114, %dma_start3A_1115] : memref<16384x128xf32, #tpu.memory_space<hbm>> -> memref<16384x128xf32, #tpu.memory_space<hbm>>
      tpu.enqueue_indirect_dma source(%dma_start3A_1116 : memref<16384x128xf32, #tpu.memory_space<hbm>>) target(%arg9 : memref<128x128xf32, #tpu.memory_space<vmem>>) offsets(%dma_start3A_1113 : memref<128xi32, #tpu.memory_space<vmem>>) semaphore(%arg19 : memref<!tpu.dma_semaphore, #tpu.memory_space<semaphore_mem>>)
      %dma_wait3A_1117 = arith.constant 6 : i32
      %dma_wait3A_1118 = arith.constant 0 : i32
      %dma_wait3A_1119 = arith.constant 0 : i32
      %dma_wait3A_1120 = tpu.memref_slice %arg7[%dma_wait3A_1117, %dma_wait3A_1118, %dma_wait3A_1119] : memref<8x8x128xi32, #tpu.memory_space<vmem>> -> memref<1x8x128xi32, #tpu.memory_space<vmem>>
      %dma_wait3A_1121 = tpu.memref_squeeze %dma_wait3A_1120 : memref<1x8x128xi32, #tpu.memory_space<vmem>> -> memref<8x128xi32, #tpu.memory_space<vmem>>
      %dma_wait3A_1122 = arith.constant 0 : i32
      %dma_wait3A_1123 = tpu.memref_slice %dma_wait3A_1121[%while3A_1104, %dma_wait3A_1122] : memref<8x128xi32, #tpu.memory_space<vmem>> -> memref<1x128xi32, #tpu.memory_space<vmem>>
      %dma_wait3A_1124 = tpu.memref_squeeze %dma_wait3A_1123 : memref<1x128xi32, #tpu.memory_space<vmem>> -> memref<128xi32, #tpu.memory_space<vmem>>
      %dma_wait3A_1125 = arith.constant 0 : i32
      %dma_wait3A_1126 = arith.constant 0 : i32
      %dma_wait3A_1127 = tpu.memref_slice %arg3[%dma_wait3A_1125, %dma_wait3A_1126] : memref<16384x128xf32, #tpu.memory_space<hbm>> -> memref<16384x128xf32, #tpu.memory_space<hbm>>
      tpu.wait_indirect_dma semaphore(%arg19 : memref<!tpu.dma_semaphore, #tpu.memory_space<semaphore_mem>>) src(%dma_wait3A_1127 : memref<16384x128xf32, #tpu.memory_space<hbm>>) dst(%arg9 : memref<128x128xf32, #tpu.memory_space<vmem>>)
      %run_scoped3A = arith.constant 6 : i32
      "tpu.region"() ({
        %run_scoped3A_1129 = tpu.sem_alloc : memref<!tpu.dma_semaphore, #tpu.memory_space<semaphore_mem>>
        %dma_start3A_1130 = arith.constant 0 : i32
        %dma_start3A_1131 = arith.constant 0 : i32
        %dma_start3A_1132 = tpu.memref_slice %arg8[%run_scoped3A, %dma_start3A_1130, %dma_start3A_1131] : memref<8x8x128xi32, #tpu.memory_space<vmem>> -> memref<1x8x128xi32, #tpu.memory_space<vmem>>
        %dma_start3A_1133 = tpu.memref_squeeze %dma_start3A_1132 : memref<1x8x128xi32, #tpu.memory_space<vmem>> -> memref<8x128xi32, #tpu.memory_space<vmem>>
        %dma_start3A_1134 = arith.constant 0 : i32
        %dma_start3A_1135 = tpu.memref_slice %dma_start3A_1133[%while3A_1104, %dma_start3A_1134] : memref<8x128xi32, #tpu.memory_space<vmem>> -> memref<1x128xi32, #tpu.memory_space<vmem>>
        %dma_start3A_1136 = tpu.memref_squeeze %dma_start3A_1135 : memref<1x128xi32, #tpu.memory_space<vmem>> -> memref<128xi32, #tpu.memory_space<vmem>>
        %dma_start3A_1137 = arith.constant 0 : i32
        %dma_start3A_1138 = arith.constant 0 : i32
        %dma_start3A_1139 = tpu.memref_slice %arg11[%dma_start3A_1137, %dma_start3A_1138] : memref<4104x128xf32, #tpu.memory_space<vmem_shared>> -> memref<4104x128xf32, #tpu.memory_space<vmem_shared>>
        tpu.enqueue_indirect_dma source(%arg9 : memref<128x128xf32, #tpu.memory_space<vmem>>) target(%dma_start3A_1139 : memref<4104x128xf32, #tpu.memory_space<vmem_shared>>) offsets(%dma_start3A_1136 : memref<128xi32, #tpu.memory_space<vmem>>) semaphore(%run_scoped3A_1129 : memref<!tpu.dma_semaphore, #tpu.memory_space<semaphore_mem>>) {add = true}
        %dma_wait3A_1140 = arith.constant 0 : i32
        %dma_wait3A_1141 = arith.constant 0 : i32
        %dma_wait3A_1142 = tpu.memref_slice %arg8[%run_scoped3A, %dma_wait3A_1140, %dma_wait3A_1141] : memref<8x8x128xi32, #tpu.memory_space<vmem>> -> memref<1x8x128xi32, #tpu.memory_space<vmem>>
        %dma_wait3A_1143 = tpu.memref_squeeze %dma_wait3A_1142 : memref<1x8x128xi32, #tpu.memory_space<vmem>> -> memref<8x128xi32, #tpu.memory_space<vmem>>
        %dma_wait3A_1144 = arith.constant 0 : i32
        %dma_wait3A_1145 = tpu.memref_slice %dma_wait3A_1143[%while3A_1104, %dma_wait3A_1144] : memref<8x128xi32, #tpu.memory_space<vmem>> -> memref<1x128xi32, #tpu.memory_space<vmem>>
        %dma_wait3A_1146 = tpu.memref_squeeze %dma_wait3A_1145 : memref<1x128xi32, #tpu.memory_space<vmem>> -> memref<128xi32, #tpu.memory_space<vmem>>
        %dma_wait3A_1147 = arith.constant 0 : i32
        %dma_wait3A_1148 = arith.constant 0 : i32
        %dma_wait3A_1149 = tpu.memref_slice %arg11[%dma_wait3A_1147, %dma_wait3A_1148] : memref<4104x128xf32, #tpu.memory_space<vmem_shared>> -> memref<4104x128xf32, #tpu.memory_space<vmem_shared>>
        tpu.wait_indirect_dma semaphore(%run_scoped3A_1129 : memref<!tpu.dma_semaphore, #tpu.memory_space<semaphore_mem>>) src(%arg9 : memref<128x128xf32, #tpu.memory_space<vmem>>) dst(%dma_wait3A_1149 : memref<4104x128xf32, #tpu.memory_space<vmem_shared>>)
        tpu.yield
      }) : () -> ()
      %while3A_1128 = arith.constant 0 : i32
      scf.yield %while3A_1128 : i32
    }
    %while3A_1031 = arith.constant 1 : i32
    %while3A_1032 = scf.for %while3A_1104 = %while3A_1028 to %while3A_1024 step %while3A_1031 iter_args(%while3A_1105 = %while3A_1030) -> (i32)  : i32 {
      %dma_start3A_1106 = arith.constant 6 : i32
      %dma_start3A_1107 = arith.constant 0 : i32
      %dma_start3A_1108 = arith.constant 0 : i32
      %dma_start3A_1109 = tpu.memref_slice %arg7[%dma_start3A_1106, %dma_start3A_1107, %dma_start3A_1108] : memref<8x8x128xi32, #tpu.memory_space<vmem>> -> memref<1x8x128xi32, #tpu.memory_space<vmem>>
      %dma_start3A_1110 = tpu.memref_squeeze %dma_start3A_1109 : memref<1x8x128xi32, #tpu.memory_space<vmem>> -> memref<8x128xi32, #tpu.memory_space<vmem>>
      %dma_start3A_1111 = arith.constant 0 : i32
      %dma_start3A_1112 = tpu.memref_slice %dma_start3A_1110[%while3A_1104, %dma_start3A_1111] : memref<8x128xi32, #tpu.memory_space<vmem>> -> memref<1x128xi32, #tpu.memory_space<vmem>>
      %dma_start3A_1113 = tpu.memref_squeeze %dma_start3A_1112 : memref<1x128xi32, #tpu.memory_space<vmem>> -> memref<128xi32, #tpu.memory_space<vmem>>
      %dma_start3A_1114 = arith.constant 0 : i32
      %dma_start3A_1115 = arith.constant 0 : i32
      %dma_start3A_1116 = tpu.memref_slice %arg3[%dma_start3A_1114, %dma_start3A_1115] : memref<16384x128xf32, #tpu.memory_space<hbm>> -> memref<16384x128xf32, #tpu.memory_space<hbm>>
      tpu.enqueue_indirect_dma source(%dma_start3A_1116 : memref<16384x128xf32, #tpu.memory_space<hbm>>) target(%arg9 : memref<128x128xf32, #tpu.memory_space<vmem>>) offsets(%dma_start3A_1113 : memref<128xi32, #tpu.memory_space<vmem>>) semaphore(%arg19 : memref<!tpu.dma_semaphore, #tpu.memory_space<semaphore_mem>>)
      %dma_wait3A_1117 = arith.constant 6 : i32
      %dma_wait3A_1118 = arith.constant 0 : i32
      %dma_wait3A_1119 = arith.constant 0 : i32
      %dma_wait3A_1120 = tpu.memref_slice %arg7[%dma_wait3A_1117, %dma_wait3A_1118, %dma_wait3A_1119] : memref<8x8x128xi32, #tpu.memory_space<vmem>> -> memref<1x8x128xi32, #tpu.memory_space<vmem>>
      %dma_wait3A_1121 = tpu.memref_squeeze %dma_wait3A_1120 : memref<1x8x128xi32, #tpu.memory_space<vmem>> -> memref<8x128xi32, #tpu.memory_space<vmem>>
      %dma_wait3A_1122 = arith.constant 0 : i32
      %dma_wait3A_1123 = tpu.memref_slice %dma_wait3A_1121[%while3A_1104, %dma_wait3A_1122] : memref<8x128xi32, #tpu.memory_space<vmem>> -> memref<1x128xi32, #tpu.memory_space<vmem>>
      %dma_wait3A_1124 = tpu.memref_squeeze %dma_wait3A_1123 : memref<1x128xi32, #tpu.memory_space<vmem>> -> memref<128xi32, #tpu.memory_space<vmem>>
      %dma_wait3A_1125 = arith.constant 0 : i32
      %dma_wait3A_1126 = arith.constant 0 : i32
      %dma_wait3A_1127 = tpu.memref_slice %arg3[%dma_wait3A_1125, %dma_wait3A_1126] : memref<16384x128xf32, #tpu.memory_space<hbm>> -> memref<16384x128xf32, #tpu.memory_space<hbm>>
      tpu.wait_indirect_dma semaphore(%arg19 : memref<!tpu.dma_semaphore, #tpu.memory_space<semaphore_mem>>) src(%dma_wait3A_1127 : memref<16384x128xf32, #tpu.memory_space<hbm>>) dst(%arg9 : memref<128x128xf32, #tpu.memory_space<vmem>>)
      %run_scoped3A = arith.constant 6 : i32
      "tpu.region"() ({
        %run_scoped3A_1129 = tpu.sem_alloc : memref<!tpu.dma_semaphore, #tpu.memory_space<semaphore_mem>>
        %dma_start3A_1130 = arith.constant 0 : i32
        %dma_start3A_1131 = arith.constant 0 : i32
        %dma_start3A_1132 = tpu.memref_slice %arg8[%run_scoped3A, %dma_start3A_1130, %dma_start3A_1131] : memref<8x8x128xi32, #tpu.memory_space<vmem>> -> memref<1x8x128xi32, #tpu.memory_space<vmem>>
        %dma_start3A_1133 = tpu.memref_squeeze %dma_start3A_1132 : memref<1x8x128xi32, #tpu.memory_space<vmem>> -> memref<8x128xi32, #tpu.memory_space<vmem>>
        %dma_start3A_1134 = arith.constant 0 : i32
        %dma_start3A_1135 = tpu.memref_slice %dma_start3A_1133[%while3A_1104, %dma_start3A_1134] : memref<8x128xi32, #tpu.memory_space<vmem>> -> memref<1x128xi32, #tpu.memory_space<vmem>>
        %dma_start3A_1136 = tpu.memref_squeeze %dma_start3A_1135 : memref<1x128xi32, #tpu.memory_space<vmem>> -> memref<128xi32, #tpu.memory_space<vmem>>
        %dma_start3A_1137 = arith.constant 0 : i32
        %dma_start3A_1138 = arith.constant 0 : i32
        %dma_start3A_1139 = tpu.memref_slice %arg11[%dma_start3A_1137, %dma_start3A_1138] : memref<4104x128xf32, #tpu.memory_space<vmem_shared>> -> memref<4104x128xf32, #tpu.memory_space<vmem_shared>>
        tpu.enqueue_indirect_dma source(%arg9 : memref<128x128xf32, #tpu.memory_space<vmem>>) target(%dma_start3A_1139 : memref<4104x128xf32, #tpu.memory_space<vmem_shared>>) offsets(%dma_start3A_1136 : memref<128xi32, #tpu.memory_space<vmem>>) semaphore(%run_scoped3A_1129 : memref<!tpu.dma_semaphore, #tpu.memory_space<semaphore_mem>>) {add = true}
        %dma_wait3A_1140 = arith.constant 0 : i32
        %dma_wait3A_1141 = arith.constant 0 : i32
        %dma_wait3A_1142 = tpu.memref_slice %arg8[%run_scoped3A, %dma_wait3A_1140, %dma_wait3A_1141] : memref<8x8x128xi32, #tpu.memory_space<vmem>> -> memref<1x8x128xi32, #tpu.memory_space<vmem>>
        %dma_wait3A_1143 = tpu.memref_squeeze %dma_wait3A_1142 : memref<1x8x128xi32, #tpu.memory_space<vmem>> -> memref<8x128xi32, #tpu.memory_space<vmem>>
        %dma_wait3A_1144 = arith.constant 0 : i32
        %dma_wait3A_1145 = tpu.memref_slice %dma_wait3A_1143[%while3A_1104, %dma_wait3A_1144] : memref<8x128xi32, #tpu.memory_space<vmem>> -> memref<1x128xi32, #tpu.memory_space<vmem>>
        %dma_wait3A_1146 = tpu.memref_squeeze %dma_wait3A_1145 : memref<1x128xi32, #tpu.memory_space<vmem>> -> memref<128xi32, #tpu.memory_space<vmem>>
        %dma_wait3A_1147 = arith.constant 0 : i32
        %dma_wait3A_1148 = arith.constant 0 : i32
        %dma_wait3A_1149 = tpu.memref_slice %arg11[%dma_wait3A_1147, %dma_wait3A_1148] : memref<4104x128xf32, #tpu.memory_space<vmem_shared>> -> memref<4104x128xf32, #tpu.memory_space<vmem_shared>>
        tpu.wait_indirect_dma semaphore(%run_scoped3A_1129 : memref<!tpu.dma_semaphore, #tpu.memory_space<semaphore_mem>>) src(%arg9 : memref<128x128xf32, #tpu.memory_space<vmem>>) dst(%dma_wait3A_1149 : memref<4104x128xf32, #tpu.memory_space<vmem_shared>>)
        tpu.yield
      }) : () -> ()
      %while3A_1128 = arith.constant 0 : i32
      scf.yield %while3A_1128 : i32
    }
    %barrier3A_1033 = arith.constant 0 : index
    tpu.barrier barrier_id(%barrier3A_1033)
    %dma_wait3A_1034 = arith.constant 0 : i32
    %dma_wait3A_1035 = tpu.memref_slice %arg5[%add3A_997, %dma_wait3A_1034] : memref<65536x128xf32, #tpu.memory_space<hbm>> -> memref<256x128xf32, #tpu.memory_space<hbm>>
    %dma_wait3A_1036 = arith.constant 0 : i32
    %dma_wait3A_1037 = tpu.memref_slice %arg12[%mul3A_994, %dma_wait3A_1036] : memref<4104x128xf32, #tpu.memory_space<vmem_shared>> -> memref<256x128xf32, #tpu.memory_space<vmem_shared>>
    tpu.wait_dma2 semaphore(%arg16 : memref<!tpu.dma_semaphore, #tpu.memory_space<semaphore_mem>>) src(%dma_wait3A_1037 : memref<256x128xf32, #tpu.memory_space<vmem_shared>>) dst(%dma_wait3A_1035 : memref<256x128xf32, #tpu.memory_space<hbm>>)
    %mul3A_1038 = arith.constant 32768 : i32
    %mul3A_1039 = arith.muli %arg0, %mul3A_1038 : i32
    %add3A_1040 = arith.constant 28672 : i32
    %add3A_1041 = arith.addi %mul3A_1039, %add3A_1040 : i32
    %mul3A_1042 = arith.constant 256 : i32
    %mul3A_1043 = arith.muli %arg1, %mul3A_1042 : i32
    %add3A_1044 = arith.addi %add3A_1041, %mul3A_1043 : i32
    %mul3A_1045 = arith.constant 256 : i32
    %mul3A_1046 = arith.muli %arg1, %mul3A_1045 : i32
    %dma_start3A_1047 = arith.constant 0 : i32
    %dma_start3A_1048 = tpu.memref_slice %arg12[%mul3A_1046, %dma_start3A_1047] : memref<4104x128xf32, #tpu.memory_space<vmem_shared>> -> memref<256x128xf32, #tpu.memory_space<vmem_shared>>
    %dma_start3A_1049 = arith.constant 0 : i32
    %dma_start3A_1050 = tpu.memref_slice %arg2[%add3A_1044, %dma_start3A_1049] : memref<65536x128xf32, #tpu.memory_space<hbm>> -> memref<256x128xf32, #tpu.memory_space<hbm>>
    tpu.enqueue_dma source(%dma_start3A_1050 : memref<256x128xf32, #tpu.memory_space<hbm>>) target(%dma_start3A_1048 : memref<256x128xf32, #tpu.memory_space<vmem_shared>>) target_semaphore(%arg14 : memref<!tpu.dma_semaphore, #tpu.memory_space<semaphore_mem>>)
    %mul3A_1051 = arith.constant 256 : i32
    %mul3A_1052 = arith.muli %arg1, %mul3A_1051 : i32
    %mul3A_1053 = arith.constant 256 : i32
    %mul3A_1054 = arith.muli %arg1, %mul3A_1053 : i32
    %add3A_1055 = arith.addi %add3A_1005, %mul3A_1054 : i32
    %dma_start3A_1056 = arith.constant 0 : i32
    %dma_start3A_1057 = tpu.memref_slice %arg5[%add3A_1055, %dma_start3A_1056] : memref<65536x128xf32, #tpu.memory_space<hbm>> -> memref<256x128xf32, #tpu.memory_space<hbm>>
    %dma_start3A_1058 = arith.constant 0 : i32
    %dma_start3A_1059 = tpu.memref_slice %arg11[%mul3A_1052, %dma_start3A_1058] : memref<4104x128xf32, #tpu.memory_space<vmem_shared>> -> memref<256x128xf32, #tpu.memory_space<vmem_shared>>
    tpu.enqueue_dma source(%dma_start3A_1059 : memref<256x128xf32, #tpu.memory_space<vmem_shared>>) target(%dma_start3A_1057 : memref<256x128xf32, #tpu.memory_space<hbm>>) target_semaphore(%arg15 : memref<!tpu.dma_semaphore, #tpu.memory_space<semaphore_mem>>)
    %mul3A_1060 = arith.constant 32768 : i32
    %mul3A_1061 = arith.muli %arg0, %mul3A_1060 : i32
    %add3A_1062 = arith.constant 28672 : i32
    %add3A_1063 = arith.addi %mul3A_1061, %add3A_1062 : i32
    %dma_wait3A_1064 = arith.constant 0 : i32
    %dma_wait3A_1065 = tpu.memref_slice %arg12[%mul3A_1046, %dma_wait3A_1064] : memref<4104x128xf32, #tpu.memory_space<vmem_shared>> -> memref<256x128xf32, #tpu.memory_space<vmem_shared>>
    %dma_wait3A_1066 = arith.constant 0 : i32
    %dma_wait3A_1067 = tpu.memref_slice %arg2[%add3A_1044, %dma_wait3A_1066] : memref<65536x128xf32, #tpu.memory_space<hbm>> -> memref<256x128xf32, #tpu.memory_space<hbm>>
    tpu.wait_dma2 semaphore(%arg14 : memref<!tpu.dma_semaphore, #tpu.memory_space<semaphore_mem>>) src(%dma_wait3A_1067 : memref<256x128xf32, #tpu.memory_space<hbm>>) dst(%dma_wait3A_1065 : memref<256x128xf32, #tpu.memory_space<vmem_shared>>)
    %barrier3A_1068 = arith.constant 0 : index
    tpu.barrier barrier_id(%barrier3A_1068)
    %gt3A_1069 = arith.constant 0 : i32
    %gt3A_1070 = arith.cmpi sgt, %select_n3A_909, %gt3A_1069 : i32
    %convert_element_type3A_1071 = arith.extui %gt3A_1070 : i1 to i32
    %cond3A_1072 = arith.constant 0 : i32
    %cond3A_1073 = arith.cmpi ne, %convert_element_type3A_1071, %cond3A_1072 : i32
    scf.if %cond3A_1073 {
      %dma_wait3A_1104 = arith.constant 7 : i32
      %dma_wait3A_1105 = arith.constant 0 : i32
      %dma_wait3A_1106 = arith.constant 0 : i32
      %dma_wait3A_1107 = arith.constant 0 : i32
      %dma_wait3A_1108 = tpu.memref_slice %arg7[%dma_wait3A_1104, %dma_wait3A_1106, %dma_wait3A_1107] : memref<8x8x128xi32, #tpu.memory_space<vmem>> -> memref<1x8x128xi32, #tpu.memory_space<vmem>>
      %dma_wait3A_1109 = tpu.memref_squeeze %dma_wait3A_1108 : memref<1x8x128xi32, #tpu.memory_space<vmem>> -> memref<8x128xi32, #tpu.memory_space<vmem>>
      %dma_wait3A_1110 = arith.constant 0 : i32
      %dma_wait3A_1111 = tpu.memref_slice %dma_wait3A_1109[%dma_wait3A_1105, %dma_wait3A_1110] : memref<8x128xi32, #tpu.memory_space<vmem>> -> memref<1x128xi32, #tpu.memory_space<vmem>>
      %dma_wait3A_1112 = tpu.memref_squeeze %dma_wait3A_1111 : memref<1x128xi32, #tpu.memory_space<vmem>> -> memref<128xi32, #tpu.memory_space<vmem>>
      %dma_wait3A_1113 = arith.constant 0 : i32
      %dma_wait3A_1114 = arith.constant 0 : i32
      %dma_wait3A_1115 = tpu.memref_slice %arg3[%dma_wait3A_1113, %dma_wait3A_1114] : memref<16384x128xf32, #tpu.memory_space<hbm>> -> memref<16384x128xf32, #tpu.memory_space<hbm>>
      tpu.wait_indirect_dma semaphore(%arg18 : memref<!tpu.dma_semaphore, #tpu.memory_space<semaphore_mem>>) src(%dma_wait3A_1115 : memref<16384x128xf32, #tpu.memory_space<hbm>>) dst(%arg10 : memref<128x128xf32, #tpu.memory_space<vmem>>)
      %run_scoped3A = arith.constant 7 : i32
      %run_scoped3A_1116 = arith.constant 0 : i32
      "tpu.region"() ({
        %run_scoped3A_1117 = tpu.sem_alloc : memref<!tpu.dma_semaphore, #tpu.memory_space<semaphore_mem>>
        %dma_start3A_1118 = arith.constant 0 : i32
        %dma_start3A_1119 = arith.constant 0 : i32
        %dma_start3A_1120 = tpu.memref_slice %arg8[%run_scoped3A, %dma_start3A_1118, %dma_start3A_1119] : memref<8x8x128xi32, #tpu.memory_space<vmem>> -> memref<1x8x128xi32, #tpu.memory_space<vmem>>
        %dma_start3A_1121 = tpu.memref_squeeze %dma_start3A_1120 : memref<1x8x128xi32, #tpu.memory_space<vmem>> -> memref<8x128xi32, #tpu.memory_space<vmem>>
        %dma_start3A_1122 = arith.constant 0 : i32
        %dma_start3A_1123 = tpu.memref_slice %dma_start3A_1121[%run_scoped3A_1116, %dma_start3A_1122] : memref<8x128xi32, #tpu.memory_space<vmem>> -> memref<1x128xi32, #tpu.memory_space<vmem>>
        %dma_start3A_1124 = tpu.memref_squeeze %dma_start3A_1123 : memref<1x128xi32, #tpu.memory_space<vmem>> -> memref<128xi32, #tpu.memory_space<vmem>>
        %dma_start3A_1125 = arith.constant 0 : i32
        %dma_start3A_1126 = arith.constant 0 : i32
        %dma_start3A_1127 = tpu.memref_slice %arg12[%dma_start3A_1125, %dma_start3A_1126] : memref<4104x128xf32, #tpu.memory_space<vmem_shared>> -> memref<4104x128xf32, #tpu.memory_space<vmem_shared>>
        tpu.enqueue_indirect_dma source(%arg10 : memref<128x128xf32, #tpu.memory_space<vmem>>) target(%dma_start3A_1127 : memref<4104x128xf32, #tpu.memory_space<vmem_shared>>) offsets(%dma_start3A_1124 : memref<128xi32, #tpu.memory_space<vmem>>) semaphore(%run_scoped3A_1117 : memref<!tpu.dma_semaphore, #tpu.memory_space<semaphore_mem>>) {add = true}
        %dma_wait3A_1128 = arith.constant 0 : i32
        %dma_wait3A_1129 = arith.constant 0 : i32
        %dma_wait3A_1130 = tpu.memref_slice %arg8[%run_scoped3A, %dma_wait3A_1128, %dma_wait3A_1129] : memref<8x8x128xi32, #tpu.memory_space<vmem>> -> memref<1x8x128xi32, #tpu.memory_space<vmem>>
        %dma_wait3A_1131 = tpu.memref_squeeze %dma_wait3A_1130 : memref<1x8x128xi32, #tpu.memory_space<vmem>> -> memref<8x128xi32, #tpu.memory_space<vmem>>
        %dma_wait3A_1132 = arith.constant 0 : i32
        %dma_wait3A_1133 = tpu.memref_slice %dma_wait3A_1131[%run_scoped3A_1116, %dma_wait3A_1132] : memref<8x128xi32, #tpu.memory_space<vmem>> -> memref<1x128xi32, #tpu.memory_space<vmem>>
        %dma_wait3A_1134 = tpu.memref_squeeze %dma_wait3A_1133 : memref<1x128xi32, #tpu.memory_space<vmem>> -> memref<128xi32, #tpu.memory_space<vmem>>
        %dma_wait3A_1135 = arith.constant 0 : i32
        %dma_wait3A_1136 = arith.constant 0 : i32
        %dma_wait3A_1137 = tpu.memref_slice %arg12[%dma_wait3A_1135, %dma_wait3A_1136] : memref<4104x128xf32, #tpu.memory_space<vmem_shared>> -> memref<4104x128xf32, #tpu.memory_space<vmem_shared>>
        tpu.wait_indirect_dma semaphore(%run_scoped3A_1117 : memref<!tpu.dma_semaphore, #tpu.memory_space<semaphore_mem>>) src(%arg10 : memref<128x128xf32, #tpu.memory_space<vmem>>) dst(%dma_wait3A_1137 : memref<4104x128xf32, #tpu.memory_space<vmem_shared>>)
        tpu.yield
      }) : () -> ()
    } else {
    }
    %while3A_1074 = arith.constant 1 : i32
    %while3A_1075 = arith.constant 0 : i32
    %while3A_1076 = arith.subi %select_n3A_909, %while3A_1074 : i32
    %while3A_1077 = arith.addi %while3A_1074, %while3A_1076 : i32
    %while3A_1078 = arith.constant 1 : i32
    %while3A_1079 = arith.divsi %while3A_1076, %while3A_1078 : i32
    %while3A_1080 = arith.muli %while3A_1079, %while3A_1078 : i32
    %while3A_1081 = arith.addi %while3A_1074, %while3A_1080 : i32
    %while3A_1082 = arith.constant 1 : i32
    %while3A_1083 = scf.for %while3A_1104 = %while3A_1074 to %while3A_1081 step %while3A_1082 iter_args(%while3A_1105 = %while3A_1075) -> (i32)  : i32 {
      %dma_start3A_1106 = arith.constant 7 : i32
      %dma_start3A_1107 = arith.constant 0 : i32
      %dma_start3A_1108 = arith.constant 0 : i32
      %dma_start3A_1109 = tpu.memref_slice %arg7[%dma_start3A_1106, %dma_start3A_1107, %dma_start3A_1108] : memref<8x8x128xi32, #tpu.memory_space<vmem>> -> memref<1x8x128xi32, #tpu.memory_space<vmem>>
      %dma_start3A_1110 = tpu.memref_squeeze %dma_start3A_1109 : memref<1x8x128xi32, #tpu.memory_space<vmem>> -> memref<8x128xi32, #tpu.memory_space<vmem>>
      %dma_start3A_1111 = arith.constant 0 : i32
      %dma_start3A_1112 = tpu.memref_slice %dma_start3A_1110[%while3A_1104, %dma_start3A_1111] : memref<8x128xi32, #tpu.memory_space<vmem>> -> memref<1x128xi32, #tpu.memory_space<vmem>>
      %dma_start3A_1113 = tpu.memref_squeeze %dma_start3A_1112 : memref<1x128xi32, #tpu.memory_space<vmem>> -> memref<128xi32, #tpu.memory_space<vmem>>
      %dma_start3A_1114 = arith.constant 0 : i32
      %dma_start3A_1115 = arith.constant 0 : i32
      %dma_start3A_1116 = tpu.memref_slice %arg3[%dma_start3A_1114, %dma_start3A_1115] : memref<16384x128xf32, #tpu.memory_space<hbm>> -> memref<16384x128xf32, #tpu.memory_space<hbm>>
      tpu.enqueue_indirect_dma source(%dma_start3A_1116 : memref<16384x128xf32, #tpu.memory_space<hbm>>) target(%arg10 : memref<128x128xf32, #tpu.memory_space<vmem>>) offsets(%dma_start3A_1113 : memref<128xi32, #tpu.memory_space<vmem>>) semaphore(%arg19 : memref<!tpu.dma_semaphore, #tpu.memory_space<semaphore_mem>>)
      %dma_wait3A_1117 = arith.constant 7 : i32
      %dma_wait3A_1118 = arith.constant 0 : i32
      %dma_wait3A_1119 = arith.constant 0 : i32
      %dma_wait3A_1120 = tpu.memref_slice %arg7[%dma_wait3A_1117, %dma_wait3A_1118, %dma_wait3A_1119] : memref<8x8x128xi32, #tpu.memory_space<vmem>> -> memref<1x8x128xi32, #tpu.memory_space<vmem>>
      %dma_wait3A_1121 = tpu.memref_squeeze %dma_wait3A_1120 : memref<1x8x128xi32, #tpu.memory_space<vmem>> -> memref<8x128xi32, #tpu.memory_space<vmem>>
      %dma_wait3A_1122 = arith.constant 0 : i32
      %dma_wait3A_1123 = tpu.memref_slice %dma_wait3A_1121[%while3A_1104, %dma_wait3A_1122] : memref<8x128xi32, #tpu.memory_space<vmem>> -> memref<1x128xi32, #tpu.memory_space<vmem>>
      %dma_wait3A_1124 = tpu.memref_squeeze %dma_wait3A_1123 : memref<1x128xi32, #tpu.memory_space<vmem>> -> memref<128xi32, #tpu.memory_space<vmem>>
      %dma_wait3A_1125 = arith.constant 0 : i32
      %dma_wait3A_1126 = arith.constant 0 : i32
      %dma_wait3A_1127 = tpu.memref_slice %arg3[%dma_wait3A_1125, %dma_wait3A_1126] : memref<16384x128xf32, #tpu.memory_space<hbm>> -> memref<16384x128xf32, #tpu.memory_space<hbm>>
      tpu.wait_indirect_dma semaphore(%arg19 : memref<!tpu.dma_semaphore, #tpu.memory_space<semaphore_mem>>) src(%dma_wait3A_1127 : memref<16384x128xf32, #tpu.memory_space<hbm>>) dst(%arg10 : memref<128x128xf32, #tpu.memory_space<vmem>>)
      %run_scoped3A = arith.constant 7 : i32
      "tpu.region"() ({
        %run_scoped3A_1129 = tpu.sem_alloc : memref<!tpu.dma_semaphore, #tpu.memory_space<semaphore_mem>>
        %dma_start3A_1130 = arith.constant 0 : i32
        %dma_start3A_1131 = arith.constant 0 : i32
        %dma_start3A_1132 = tpu.memref_slice %arg8[%run_scoped3A, %dma_start3A_1130, %dma_start3A_1131] : memref<8x8x128xi32, #tpu.memory_space<vmem>> -> memref<1x8x128xi32, #tpu.memory_space<vmem>>
        %dma_start3A_1133 = tpu.memref_squeeze %dma_start3A_1132 : memref<1x8x128xi32, #tpu.memory_space<vmem>> -> memref<8x128xi32, #tpu.memory_space<vmem>>
        %dma_start3A_1134 = arith.constant 0 : i32
        %dma_start3A_1135 = tpu.memref_slice %dma_start3A_1133[%while3A_1104, %dma_start3A_1134] : memref<8x128xi32, #tpu.memory_space<vmem>> -> memref<1x128xi32, #tpu.memory_space<vmem>>
        %dma_start3A_1136 = tpu.memref_squeeze %dma_start3A_1135 : memref<1x128xi32, #tpu.memory_space<vmem>> -> memref<128xi32, #tpu.memory_space<vmem>>
        %dma_start3A_1137 = arith.constant 0 : i32
        %dma_start3A_1138 = arith.constant 0 : i32
        %dma_start3A_1139 = tpu.memref_slice %arg12[%dma_start3A_1137, %dma_start3A_1138] : memref<4104x128xf32, #tpu.memory_space<vmem_shared>> -> memref<4104x128xf32, #tpu.memory_space<vmem_shared>>
        tpu.enqueue_indirect_dma source(%arg10 : memref<128x128xf32, #tpu.memory_space<vmem>>) target(%dma_start3A_1139 : memref<4104x128xf32, #tpu.memory_space<vmem_shared>>) offsets(%dma_start3A_1136 : memref<128xi32, #tpu.memory_space<vmem>>) semaphore(%run_scoped3A_1129 : memref<!tpu.dma_semaphore, #tpu.memory_space<semaphore_mem>>) {add = true}
        %dma_wait3A_1140 = arith.constant 0 : i32
        %dma_wait3A_1141 = arith.constant 0 : i32
        %dma_wait3A_1142 = tpu.memref_slice %arg8[%run_scoped3A, %dma_wait3A_1140, %dma_wait3A_1141] : memref<8x8x128xi32, #tpu.memory_space<vmem>> -> memref<1x8x128xi32, #tpu.memory_space<vmem>>
        %dma_wait3A_1143 = tpu.memref_squeeze %dma_wait3A_1142 : memref<1x8x128xi32, #tpu.memory_space<vmem>> -> memref<8x128xi32, #tpu.memory_space<vmem>>
        %dma_wait3A_1144 = arith.constant 0 : i32
        %dma_wait3A_1145 = tpu.memref_slice %dma_wait3A_1143[%while3A_1104, %dma_wait3A_1144] : memref<8x128xi32, #tpu.memory_space<vmem>> -> memref<1x128xi32, #tpu.memory_space<vmem>>
        %dma_wait3A_1146 = tpu.memref_squeeze %dma_wait3A_1145 : memref<1x128xi32, #tpu.memory_space<vmem>> -> memref<128xi32, #tpu.memory_space<vmem>>
        %dma_wait3A_1147 = arith.constant 0 : i32
        %dma_wait3A_1148 = arith.constant 0 : i32
        %dma_wait3A_1149 = tpu.memref_slice %arg12[%dma_wait3A_1147, %dma_wait3A_1148] : memref<4104x128xf32, #tpu.memory_space<vmem_shared>> -> memref<4104x128xf32, #tpu.memory_space<vmem_shared>>
        tpu.wait_indirect_dma semaphore(%run_scoped3A_1129 : memref<!tpu.dma_semaphore, #tpu.memory_space<semaphore_mem>>) src(%arg10 : memref<128x128xf32, #tpu.memory_space<vmem>>) dst(%dma_wait3A_1149 : memref<4104x128xf32, #tpu.memory_space<vmem_shared>>)
        tpu.yield
      }) : () -> ()
      %while3A_1128 = arith.constant 0 : i32
      scf.yield %while3A_1128 : i32
    }
    %while3A_1084 = arith.constant 1 : i32
    %while3A_1085 = scf.for %while3A_1104 = %while3A_1081 to %while3A_1077 step %while3A_1084 iter_args(%while3A_1105 = %while3A_1083) -> (i32)  : i32 {
      %dma_start3A_1106 = arith.constant 7 : i32
      %dma_start3A_1107 = arith.constant 0 : i32
      %dma_start3A_1108 = arith.constant 0 : i32
      %dma_start3A_1109 = tpu.memref_slice %arg7[%dma_start3A_1106, %dma_start3A_1107, %dma_start3A_1108] : memref<8x8x128xi32, #tpu.memory_space<vmem>> -> memref<1x8x128xi32, #tpu.memory_space<vmem>>
      %dma_start3A_1110 = tpu.memref_squeeze %dma_start3A_1109 : memref<1x8x128xi32, #tpu.memory_space<vmem>> -> memref<8x128xi32, #tpu.memory_space<vmem>>
      %dma_start3A_1111 = arith.constant 0 : i32
      %dma_start3A_1112 = tpu.memref_slice %dma_start3A_1110[%while3A_1104, %dma_start3A_1111] : memref<8x128xi32, #tpu.memory_space<vmem>> -> memref<1x128xi32, #tpu.memory_space<vmem>>
      %dma_start3A_1113 = tpu.memref_squeeze %dma_start3A_1112 : memref<1x128xi32, #tpu.memory_space<vmem>> -> memref<128xi32, #tpu.memory_space<vmem>>
      %dma_start3A_1114 = arith.constant 0 : i32
      %dma_start3A_1115 = arith.constant 0 : i32
      %dma_start3A_1116 = tpu.memref_slice %arg3[%dma_start3A_1114, %dma_start3A_1115] : memref<16384x128xf32, #tpu.memory_space<hbm>> -> memref<16384x128xf32, #tpu.memory_space<hbm>>
      tpu.enqueue_indirect_dma source(%dma_start3A_1116 : memref<16384x128xf32, #tpu.memory_space<hbm>>) target(%arg10 : memref<128x128xf32, #tpu.memory_space<vmem>>) offsets(%dma_start3A_1113 : memref<128xi32, #tpu.memory_space<vmem>>) semaphore(%arg19 : memref<!tpu.dma_semaphore, #tpu.memory_space<semaphore_mem>>)
      %dma_wait3A_1117 = arith.constant 7 : i32
      %dma_wait3A_1118 = arith.constant 0 : i32
      %dma_wait3A_1119 = arith.constant 0 : i32
      %dma_wait3A_1120 = tpu.memref_slice %arg7[%dma_wait3A_1117, %dma_wait3A_1118, %dma_wait3A_1119] : memref<8x8x128xi32, #tpu.memory_space<vmem>> -> memref<1x8x128xi32, #tpu.memory_space<vmem>>
      %dma_wait3A_1121 = tpu.memref_squeeze %dma_wait3A_1120 : memref<1x8x128xi32, #tpu.memory_space<vmem>> -> memref<8x128xi32, #tpu.memory_space<vmem>>
      %dma_wait3A_1122 = arith.constant 0 : i32
      %dma_wait3A_1123 = tpu.memref_slice %dma_wait3A_1121[%while3A_1104, %dma_wait3A_1122] : memref<8x128xi32, #tpu.memory_space<vmem>> -> memref<1x128xi32, #tpu.memory_space<vmem>>
      %dma_wait3A_1124 = tpu.memref_squeeze %dma_wait3A_1123 : memref<1x128xi32, #tpu.memory_space<vmem>> -> memref<128xi32, #tpu.memory_space<vmem>>
      %dma_wait3A_1125 = arith.constant 0 : i32
      %dma_wait3A_1126 = arith.constant 0 : i32
      %dma_wait3A_1127 = tpu.memref_slice %arg3[%dma_wait3A_1125, %dma_wait3A_1126] : memref<16384x128xf32, #tpu.memory_space<hbm>> -> memref<16384x128xf32, #tpu.memory_space<hbm>>
      tpu.wait_indirect_dma semaphore(%arg19 : memref<!tpu.dma_semaphore, #tpu.memory_space<semaphore_mem>>) src(%dma_wait3A_1127 : memref<16384x128xf32, #tpu.memory_space<hbm>>) dst(%arg10 : memref<128x128xf32, #tpu.memory_space<vmem>>)
      %run_scoped3A = arith.constant 7 : i32
      "tpu.region"() ({
        %run_scoped3A_1129 = tpu.sem_alloc : memref<!tpu.dma_semaphore, #tpu.memory_space<semaphore_mem>>
        %dma_start3A_1130 = arith.constant 0 : i32
        %dma_start3A_1131 = arith.constant 0 : i32
        %dma_start3A_1132 = tpu.memref_slice %arg8[%run_scoped3A, %dma_start3A_1130, %dma_start3A_1131] : memref<8x8x128xi32, #tpu.memory_space<vmem>> -> memref<1x8x128xi32, #tpu.memory_space<vmem>>
        %dma_start3A_1133 = tpu.memref_squeeze %dma_start3A_1132 : memref<1x8x128xi32, #tpu.memory_space<vmem>> -> memref<8x128xi32, #tpu.memory_space<vmem>>
        %dma_start3A_1134 = arith.constant 0 : i32
        %dma_start3A_1135 = tpu.memref_slice %dma_start3A_1133[%while3A_1104, %dma_start3A_1134] : memref<8x128xi32, #tpu.memory_space<vmem>> -> memref<1x128xi32, #tpu.memory_space<vmem>>
        %dma_start3A_1136 = tpu.memref_squeeze %dma_start3A_1135 : memref<1x128xi32, #tpu.memory_space<vmem>> -> memref<128xi32, #tpu.memory_space<vmem>>
        %dma_start3A_1137 = arith.constant 0 : i32
        %dma_start3A_1138 = arith.constant 0 : i32
        %dma_start3A_1139 = tpu.memref_slice %arg12[%dma_start3A_1137, %dma_start3A_1138] : memref<4104x128xf32, #tpu.memory_space<vmem_shared>> -> memref<4104x128xf32, #tpu.memory_space<vmem_shared>>
        tpu.enqueue_indirect_dma source(%arg10 : memref<128x128xf32, #tpu.memory_space<vmem>>) target(%dma_start3A_1139 : memref<4104x128xf32, #tpu.memory_space<vmem_shared>>) offsets(%dma_start3A_1136 : memref<128xi32, #tpu.memory_space<vmem>>) semaphore(%run_scoped3A_1129 : memref<!tpu.dma_semaphore, #tpu.memory_space<semaphore_mem>>) {add = true}
        %dma_wait3A_1140 = arith.constant 0 : i32
        %dma_wait3A_1141 = arith.constant 0 : i32
        %dma_wait3A_1142 = tpu.memref_slice %arg8[%run_scoped3A, %dma_wait3A_1140, %dma_wait3A_1141] : memref<8x8x128xi32, #tpu.memory_space<vmem>> -> memref<1x8x128xi32, #tpu.memory_space<vmem>>
        %dma_wait3A_1143 = tpu.memref_squeeze %dma_wait3A_1142 : memref<1x8x128xi32, #tpu.memory_space<vmem>> -> memref<8x128xi32, #tpu.memory_space<vmem>>
        %dma_wait3A_1144 = arith.constant 0 : i32
        %dma_wait3A_1145 = tpu.memref_slice %dma_wait3A_1143[%while3A_1104, %dma_wait3A_1144] : memref<8x128xi32, #tpu.memory_space<vmem>> -> memref<1x128xi32, #tpu.memory_space<vmem>>
        %dma_wait3A_1146 = tpu.memref_squeeze %dma_wait3A_1145 : memref<1x128xi32, #tpu.memory_space<vmem>> -> memref<128xi32, #tpu.memory_space<vmem>>
        %dma_wait3A_1147 = arith.constant 0 : i32
        %dma_wait3A_1148 = arith.constant 0 : i32
        %dma_wait3A_1149 = tpu.memref_slice %arg12[%dma_wait3A_1147, %dma_wait3A_1148] : memref<4104x128xf32, #tpu.memory_space<vmem_shared>> -> memref<4104x128xf32, #tpu.memory_space<vmem_shared>>
        tpu.wait_indirect_dma semaphore(%run_scoped3A_1129 : memref<!tpu.dma_semaphore, #tpu.memory_space<semaphore_mem>>) src(%arg10 : memref<128x128xf32, #tpu.memory_space<vmem>>) dst(%dma_wait3A_1149 : memref<4104x128xf32, #tpu.memory_space<vmem_shared>>)
        tpu.yield
      }) : () -> ()
      %while3A_1128 = arith.constant 0 : i32
      scf.yield %while3A_1128 : i32
    }
    %barrier3A_1086 = arith.constant 0 : index
    tpu.barrier barrier_id(%barrier3A_1086)
    %mul3A_1087 = arith.constant 256 : i32
    %mul3A_1088 = arith.muli %arg1, %mul3A_1087 : i32
    %mul3A_1089 = arith.constant 256 : i32
    %mul3A_1090 = arith.muli %arg1, %mul3A_1089 : i32
    %add3A_1091 = arith.addi %add3A_1063, %mul3A_1090 : i32
    %dma_start3A_1092 = arith.constant 0 : i32
    %dma_start3A_1093 = tpu.memref_slice %arg5[%add3A_1091, %dma_start3A_1092] : memref<65536x128xf32, #tpu.memory_space<hbm>> -> memref<256x128xf32, #tpu.memory_space<hbm>>
    %dma_start3A_1094 = arith.constant 0 : i32
    %dma_start3A_1095 = tpu.memref_slice %arg12[%mul3A_1088, %dma_start3A_1094] : memref<4104x128xf32, #tpu.memory_space<vmem_shared>> -> memref<256x128xf32, #tpu.memory_space<vmem_shared>>
    tpu.enqueue_dma source(%dma_start3A_1095 : memref<256x128xf32, #tpu.memory_space<vmem_shared>>) target(%dma_start3A_1093 : memref<256x128xf32, #tpu.memory_space<hbm>>) target_semaphore(%arg16 : memref<!tpu.dma_semaphore, #tpu.memory_space<semaphore_mem>>)
    %dma_wait3A_1096 = arith.constant 0 : i32
    %dma_wait3A_1097 = tpu.memref_slice %arg5[%add3A_1055, %dma_wait3A_1096] : memref<65536x128xf32, #tpu.memory_space<hbm>> -> memref<256x128xf32, #tpu.memory_space<hbm>>
    %dma_wait3A_1098 = arith.constant 0 : i32
    %dma_wait3A_1099 = tpu.memref_slice %arg11[%mul3A_1052, %dma_wait3A_1098] : memref<4104x128xf32, #tpu.memory_space<vmem_shared>> -> memref<256x128xf32, #tpu.memory_space<vmem_shared>>
    tpu.wait_dma2 semaphore(%arg15 : memref<!tpu.dma_semaphore, #tpu.memory_space<semaphore_mem>>) src(%dma_wait3A_1099 : memref<256x128xf32, #tpu.memory_space<vmem_shared>>) dst(%dma_wait3A_1097 : memref<256x128xf32, #tpu.memory_space<hbm>>)
    %dma_wait3A_1100 = arith.constant 0 : i32
    %dma_wait3A_1101 = tpu.memref_slice %arg5[%add3A_1091, %dma_wait3A_1100] : memref<65536x128xf32, #tpu.memory_space<hbm>> -> memref<256x128xf32, #tpu.memory_space<hbm>>
    %dma_wait3A_1102 = arith.constant 0 : i32
    %dma_wait3A_1103 = tpu.memref_slice %arg12[%mul3A_1088, %dma_wait3A_1102] : memref<4104x128xf32, #tpu.memory_space<vmem_shared>> -> memref<256x128xf32, #tpu.memory_space<vmem_shared>>
    tpu.wait_dma2 semaphore(%arg16 : memref<!tpu.dma_semaphore, #tpu.memory_space<semaphore_mem>>) src(%dma_wait3A_1103 : memref<256x128xf32, #tpu.memory_space<vmem_shared>>) dst(%dma_wait3A_1101 : memref<256x128xf32, #tpu.memory_space<hbm>>)
    return
  }
}

#map = affine_map<(d0, d1) -> (0, 0)>
#map1 = affine_map<(d0, d1) -> (0)>
module attributes {stable_mosaic.version = 14 : i64} {
  func.func @_gather_body(%arg0: i32, %arg1: i32, %arg2: memref<65536x128xf32, #tpu.memory_space<hbm>>, %arg3: memref<16384xi32, #tpu.memory_space<hbm>>, %arg4: memref<16384x128xf32, #tpu.memory_space<hbm>>, %arg5: memref<512xi32, #tpu.memory_space<vmem>>, %arg6: memref<128x128xf32, #tpu.memory_space<vmem>>, %arg7: memref<128x128xf32, #tpu.memory_space<vmem>>, %arg8: memref<!tpu.dma_semaphore, #tpu.memory_space<semaphore_mem>>, %arg9: memref<!tpu.dma_semaphore, #tpu.memory_space<semaphore_mem>>) attributes {dimension_semantics = [#tpu.dimension_semantics<core_parallel>, #tpu.dimension_semantics<subcore_parallel>], iteration_bounds = array<i64: 2, 16>, scalar_prefetch = 0 : i64, scratch_operands = 5 : i64, tpu.core_type = #tpu.core_type<sc_vector_subcore>, window_params = [{transform_indices = #map}, {transform_indices = #map1}, {transform_indices = #map}]} {
    %mul3A = arith.constant 2 : i32
    %mul3A_0 = arith.muli %arg1, %mul3A : i32
    %add3A = arith.addi %mul3A_0, %arg0 : i32
    %mul3A_1 = arith.constant 512 : i32
    %mul3A_2 = arith.muli %add3A, %mul3A_1 : i32
    "tpu.region"() ({
      %run_scoped3A = tpu.sem_alloc : memref<!tpu.dma_semaphore, #tpu.memory_space<semaphore_mem>>
      %dma_start3A_49 = tpu.memref_slice %arg3[%mul3A_2] : memref<16384xi32, #tpu.memory_space<hbm>> -> memref<512xi32, #tpu.memory_space<hbm>>
      %dma_start3A_50 = tpu.memref_slice %arg3[%mul3A_2] : memref<16384xi32, #tpu.memory_space<hbm>> -> memref<512xi32, #tpu.memory_space<hbm>>
      tpu.enqueue_dma source(%dma_start3A_50 : memref<512xi32, #tpu.memory_space<hbm>>) target(%arg5 : memref<512xi32, #tpu.memory_space<vmem>>) target_semaphore(%run_scoped3A : memref<!tpu.dma_semaphore, #tpu.memory_space<semaphore_mem>>)
      %dma_wait3A_51 = tpu.memref_slice %arg3[%mul3A_2] : memref<16384xi32, #tpu.memory_space<hbm>> -> memref<512xi32, #tpu.memory_space<hbm>>
      %dma_wait3A_52 = tpu.memref_slice %arg3[%mul3A_2] : memref<16384xi32, #tpu.memory_space<hbm>> -> memref<512xi32, #tpu.memory_space<hbm>>
      tpu.wait_dma2 semaphore(%run_scoped3A : memref<!tpu.dma_semaphore, #tpu.memory_space<semaphore_mem>>) src(%dma_wait3A_52 : memref<512xi32, #tpu.memory_space<hbm>>) dst(%arg5 : memref<512xi32, #tpu.memory_space<vmem>>)
      tpu.yield
    }) : () -> ()
    %dma_start3A = arith.constant 0 : i32
    %dma_start3A_3 = tpu.memref_slice %arg5[%dma_start3A] : memref<512xi32, #tpu.memory_space<vmem>> -> memref<128xi32, #tpu.memory_space<vmem>>
    %dma_start3A_4 = arith.constant 0 : i32
    %dma_start3A_5 = arith.constant 0 : i32
    %dma_start3A_6 = tpu.memref_slice %arg2[%dma_start3A_4, %dma_start3A_5] : memref<65536x128xf32, #tpu.memory_space<hbm>> -> memref<65536x128xf32, #tpu.memory_space<hbm>>
    tpu.enqueue_indirect_dma source(%dma_start3A_6 : memref<65536x128xf32, #tpu.memory_space<hbm>>) target(%arg6 : memref<128x128xf32, #tpu.memory_space<vmem>>) offsets(%dma_start3A_3 : memref<128xi32, #tpu.memory_space<vmem>>) semaphore(%arg8 : memref<!tpu.dma_semaphore, #tpu.memory_space<semaphore_mem>>)
    %dma_start3A_7 = arith.constant 128 : i32
    %dma_start3A_8 = tpu.memref_slice %arg5[%dma_start3A_7] : memref<512xi32, #tpu.memory_space<vmem>> -> memref<128xi32, #tpu.memory_space<vmem>>
    %dma_start3A_9 = arith.constant 0 : i32
    %dma_start3A_10 = arith.constant 0 : i32
    %dma_start3A_11 = tpu.memref_slice %arg2[%dma_start3A_9, %dma_start3A_10] : memref<65536x128xf32, #tpu.memory_space<hbm>> -> memref<65536x128xf32, #tpu.memory_space<hbm>>
    tpu.enqueue_indirect_dma source(%dma_start3A_11 : memref<65536x128xf32, #tpu.memory_space<hbm>>) target(%arg7 : memref<128x128xf32, #tpu.memory_space<vmem>>) offsets(%dma_start3A_8 : memref<128xi32, #tpu.memory_space<vmem>>) semaphore(%arg9 : memref<!tpu.dma_semaphore, #tpu.memory_space<semaphore_mem>>)
    %dma_wait3A = arith.constant 0 : i32
    %dma_wait3A_12 = tpu.memref_slice %arg5[%dma_wait3A] : memref<512xi32, #tpu.memory_space<vmem>> -> memref<128xi32, #tpu.memory_space<vmem>>
    %dma_wait3A_13 = arith.constant 0 : i32
    %dma_wait3A_14 = arith.constant 0 : i32
    %dma_wait3A_15 = tpu.memref_slice %arg2[%dma_wait3A_13, %dma_wait3A_14] : memref<65536x128xf32, #tpu.memory_space<hbm>> -> memref<65536x128xf32, #tpu.memory_space<hbm>>
    tpu.wait_indirect_dma semaphore(%arg8 : memref<!tpu.dma_semaphore, #tpu.memory_space<semaphore_mem>>) src(%dma_wait3A_15 : memref<65536x128xf32, #tpu.memory_space<hbm>>) dst(%arg6 : memref<128x128xf32, #tpu.memory_space<vmem>>)
    %add3A_16 = arith.constant 0 : i32
    %add3A_17 = arith.addi %mul3A_2, %add3A_16 : i32
    "tpu.region"() ({
      %run_scoped3A = tpu.sem_alloc : memref<!tpu.dma_semaphore, #tpu.memory_space<semaphore_mem>>
      %dma_start3A_49 = arith.constant 0 : i32
      %dma_start3A_50 = tpu.memref_slice %arg4[%add3A_17, %dma_start3A_49] : memref<16384x128xf32, #tpu.memory_space<hbm>> -> memref<128x128xf32, #tpu.memory_space<hbm>>
      %dma_start3A_51 = arith.constant 0 : i32
      %dma_start3A_52 = tpu.memref_slice %arg4[%add3A_17, %dma_start3A_51] : memref<16384x128xf32, #tpu.memory_space<hbm>> -> memref<128x128xf32, #tpu.memory_space<hbm>>
      tpu.enqueue_dma source(%arg6 : memref<128x128xf32, #tpu.memory_space<vmem>>) target(%dma_start3A_52 : memref<128x128xf32, #tpu.memory_space<hbm>>) target_semaphore(%run_scoped3A : memref<!tpu.dma_semaphore, #tpu.memory_space<semaphore_mem>>)
      %dma_wait3A_53 = arith.constant 0 : i32
      %dma_wait3A_54 = tpu.memref_slice %arg4[%add3A_17, %dma_wait3A_53] : memref<16384x128xf32, #tpu.memory_space<hbm>> -> memref<128x128xf32, #tpu.memory_space<hbm>>
      %dma_wait3A_55 = arith.constant 0 : i32
      %dma_wait3A_56 = tpu.memref_slice %arg4[%add3A_17, %dma_wait3A_55] : memref<16384x128xf32, #tpu.memory_space<hbm>> -> memref<128x128xf32, #tpu.memory_space<hbm>>
      tpu.wait_dma2 semaphore(%run_scoped3A : memref<!tpu.dma_semaphore, #tpu.memory_space<semaphore_mem>>) src(%arg6 : memref<128x128xf32, #tpu.memory_space<vmem>>) dst(%dma_wait3A_56 : memref<128x128xf32, #tpu.memory_space<hbm>>)
      tpu.yield
    }) : () -> ()
    %dma_start3A_18 = arith.constant 256 : i32
    %dma_start3A_19 = tpu.memref_slice %arg5[%dma_start3A_18] : memref<512xi32, #tpu.memory_space<vmem>> -> memref<128xi32, #tpu.memory_space<vmem>>
    %dma_start3A_20 = arith.constant 0 : i32
    %dma_start3A_21 = arith.constant 0 : i32
    %dma_start3A_22 = tpu.memref_slice %arg2[%dma_start3A_20, %dma_start3A_21] : memref<65536x128xf32, #tpu.memory_space<hbm>> -> memref<65536x128xf32, #tpu.memory_space<hbm>>
    tpu.enqueue_indirect_dma source(%dma_start3A_22 : memref<65536x128xf32, #tpu.memory_space<hbm>>) target(%arg6 : memref<128x128xf32, #tpu.memory_space<vmem>>) offsets(%dma_start3A_19 : memref<128xi32, #tpu.memory_space<vmem>>) semaphore(%arg8 : memref<!tpu.dma_semaphore, #tpu.memory_space<semaphore_mem>>)
    %dma_wait3A_23 = arith.constant 128 : i32
    %dma_wait3A_24 = tpu.memref_slice %arg5[%dma_wait3A_23] : memref<512xi32, #tpu.memory_space<vmem>> -> memref<128xi32, #tpu.memory_space<vmem>>
    %dma_wait3A_25 = arith.constant 0 : i32
    %dma_wait3A_26 = arith.constant 0 : i32
    %dma_wait3A_27 = tpu.memref_slice %arg2[%dma_wait3A_25, %dma_wait3A_26] : memref<65536x128xf32, #tpu.memory_space<hbm>> -> memref<65536x128xf32, #tpu.memory_space<hbm>>
    tpu.wait_indirect_dma semaphore(%arg9 : memref<!tpu.dma_semaphore, #tpu.memory_space<semaphore_mem>>) src(%dma_wait3A_27 : memref<65536x128xf32, #tpu.memory_space<hbm>>) dst(%arg7 : memref<128x128xf32, #tpu.memory_space<vmem>>)
    %add3A_28 = arith.constant 128 : i32
    %add3A_29 = arith.addi %mul3A_2, %add3A_28 : i32
    "tpu.region"() ({
      %run_scoped3A = tpu.sem_alloc : memref<!tpu.dma_semaphore, #tpu.memory_space<semaphore_mem>>
      %dma_start3A_49 = arith.constant 0 : i32
      %dma_start3A_50 = tpu.memref_slice %arg4[%add3A_29, %dma_start3A_49] : memref<16384x128xf32, #tpu.memory_space<hbm>> -> memref<128x128xf32, #tpu.memory_space<hbm>>
      %dma_start3A_51 = arith.constant 0 : i32
      %dma_start3A_52 = tpu.memref_slice %arg4[%add3A_29, %dma_start3A_51] : memref<16384x128xf32, #tpu.memory_space<hbm>> -> memref<128x128xf32, #tpu.memory_space<hbm>>
      tpu.enqueue_dma source(%arg7 : memref<128x128xf32, #tpu.memory_space<vmem>>) target(%dma_start3A_52 : memref<128x128xf32, #tpu.memory_space<hbm>>) target_semaphore(%run_scoped3A : memref<!tpu.dma_semaphore, #tpu.memory_space<semaphore_mem>>)
      %dma_wait3A_53 = arith.constant 0 : i32
      %dma_wait3A_54 = tpu.memref_slice %arg4[%add3A_29, %dma_wait3A_53] : memref<16384x128xf32, #tpu.memory_space<hbm>> -> memref<128x128xf32, #tpu.memory_space<hbm>>
      %dma_wait3A_55 = arith.constant 0 : i32
      %dma_wait3A_56 = tpu.memref_slice %arg4[%add3A_29, %dma_wait3A_55] : memref<16384x128xf32, #tpu.memory_space<hbm>> -> memref<128x128xf32, #tpu.memory_space<hbm>>
      tpu.wait_dma2 semaphore(%run_scoped3A : memref<!tpu.dma_semaphore, #tpu.memory_space<semaphore_mem>>) src(%arg7 : memref<128x128xf32, #tpu.memory_space<vmem>>) dst(%dma_wait3A_56 : memref<128x128xf32, #tpu.memory_space<hbm>>)
      tpu.yield
    }) : () -> ()
    %dma_start3A_30 = arith.constant 384 : i32
    %dma_start3A_31 = tpu.memref_slice %arg5[%dma_start3A_30] : memref<512xi32, #tpu.memory_space<vmem>> -> memref<128xi32, #tpu.memory_space<vmem>>
    %dma_start3A_32 = arith.constant 0 : i32
    %dma_start3A_33 = arith.constant 0 : i32
    %dma_start3A_34 = tpu.memref_slice %arg2[%dma_start3A_32, %dma_start3A_33] : memref<65536x128xf32, #tpu.memory_space<hbm>> -> memref<65536x128xf32, #tpu.memory_space<hbm>>
    tpu.enqueue_indirect_dma source(%dma_start3A_34 : memref<65536x128xf32, #tpu.memory_space<hbm>>) target(%arg7 : memref<128x128xf32, #tpu.memory_space<vmem>>) offsets(%dma_start3A_31 : memref<128xi32, #tpu.memory_space<vmem>>) semaphore(%arg9 : memref<!tpu.dma_semaphore, #tpu.memory_space<semaphore_mem>>)
    %dma_wait3A_35 = arith.constant 256 : i32
    %dma_wait3A_36 = tpu.memref_slice %arg5[%dma_wait3A_35] : memref<512xi32, #tpu.memory_space<vmem>> -> memref<128xi32, #tpu.memory_space<vmem>>
    %dma_wait3A_37 = arith.constant 0 : i32
    %dma_wait3A_38 = arith.constant 0 : i32
    %dma_wait3A_39 = tpu.memref_slice %arg2[%dma_wait3A_37, %dma_wait3A_38] : memref<65536x128xf32, #tpu.memory_space<hbm>> -> memref<65536x128xf32, #tpu.memory_space<hbm>>
    tpu.wait_indirect_dma semaphore(%arg8 : memref<!tpu.dma_semaphore, #tpu.memory_space<semaphore_mem>>) src(%dma_wait3A_39 : memref<65536x128xf32, #tpu.memory_space<hbm>>) dst(%arg6 : memref<128x128xf32, #tpu.memory_space<vmem>>)
    %add3A_40 = arith.constant 256 : i32
    %add3A_41 = arith.addi %mul3A_2, %add3A_40 : i32
    "tpu.region"() ({
      %run_scoped3A = tpu.sem_alloc : memref<!tpu.dma_semaphore, #tpu.memory_space<semaphore_mem>>
      %dma_start3A_49 = arith.constant 0 : i32
      %dma_start3A_50 = tpu.memref_slice %arg4[%add3A_41, %dma_start3A_49] : memref<16384x128xf32, #tpu.memory_space<hbm>> -> memref<128x128xf32, #tpu.memory_space<hbm>>
      %dma_start3A_51 = arith.constant 0 : i32
      %dma_start3A_52 = tpu.memref_slice %arg4[%add3A_41, %dma_start3A_51] : memref<16384x128xf32, #tpu.memory_space<hbm>> -> memref<128x128xf32, #tpu.memory_space<hbm>>
      tpu.enqueue_dma source(%arg6 : memref<128x128xf32, #tpu.memory_space<vmem>>) target(%dma_start3A_52 : memref<128x128xf32, #tpu.memory_space<hbm>>) target_semaphore(%run_scoped3A : memref<!tpu.dma_semaphore, #tpu.memory_space<semaphore_mem>>)
      %dma_wait3A_53 = arith.constant 0 : i32
      %dma_wait3A_54 = tpu.memref_slice %arg4[%add3A_41, %dma_wait3A_53] : memref<16384x128xf32, #tpu.memory_space<hbm>> -> memref<128x128xf32, #tpu.memory_space<hbm>>
      %dma_wait3A_55 = arith.constant 0 : i32
      %dma_wait3A_56 = tpu.memref_slice %arg4[%add3A_41, %dma_wait3A_55] : memref<16384x128xf32, #tpu.memory_space<hbm>> -> memref<128x128xf32, #tpu.memory_space<hbm>>
      tpu.wait_dma2 semaphore(%run_scoped3A : memref<!tpu.dma_semaphore, #tpu.memory_space<semaphore_mem>>) src(%arg6 : memref<128x128xf32, #tpu.memory_space<vmem>>) dst(%dma_wait3A_56 : memref<128x128xf32, #tpu.memory_space<hbm>>)
      tpu.yield
    }) : () -> ()
    %dma_wait3A_42 = arith.constant 384 : i32
    %dma_wait3A_43 = tpu.memref_slice %arg5[%dma_wait3A_42] : memref<512xi32, #tpu.memory_space<vmem>> -> memref<128xi32, #tpu.memory_space<vmem>>
    %dma_wait3A_44 = arith.constant 0 : i32
    %dma_wait3A_45 = arith.constant 0 : i32
    %dma_wait3A_46 = tpu.memref_slice %arg2[%dma_wait3A_44, %dma_wait3A_45] : memref<65536x128xf32, #tpu.memory_space<hbm>> -> memref<65536x128xf32, #tpu.memory_space<hbm>>
    tpu.wait_indirect_dma semaphore(%arg9 : memref<!tpu.dma_semaphore, #tpu.memory_space<semaphore_mem>>) src(%dma_wait3A_46 : memref<65536x128xf32, #tpu.memory_space<hbm>>) dst(%arg7 : memref<128x128xf32, #tpu.memory_space<vmem>>)
    %add3A_47 = arith.constant 384 : i32
    %add3A_48 = arith.addi %mul3A_2, %add3A_47 : i32
    "tpu.region"() ({
      %run_scoped3A = tpu.sem_alloc : memref<!tpu.dma_semaphore, #tpu.memory_space<semaphore_mem>>
      %dma_start3A_49 = arith.constant 0 : i32
      %dma_start3A_50 = tpu.memref_slice %arg4[%add3A_48, %dma_start3A_49] : memref<16384x128xf32, #tpu.memory_space<hbm>> -> memref<128x128xf32, #tpu.memory_space<hbm>>
      %dma_start3A_51 = arith.constant 0 : i32
      %dma_start3A_52 = tpu.memref_slice %arg4[%add3A_48, %dma_start3A_51] : memref<16384x128xf32, #tpu.memory_space<hbm>> -> memref<128x128xf32, #tpu.memory_space<hbm>>
      tpu.enqueue_dma source(%arg7 : memref<128x128xf32, #tpu.memory_space<vmem>>) target(%dma_start3A_52 : memref<128x128xf32, #tpu.memory_space<hbm>>) target_semaphore(%run_scoped3A : memref<!tpu.dma_semaphore, #tpu.memory_space<semaphore_mem>>)
      %dma_wait3A_53 = arith.constant 0 : i32
      %dma_wait3A_54 = tpu.memref_slice %arg4[%add3A_48, %dma_wait3A_53] : memref<16384x128xf32, #tpu.memory_space<hbm>> -> memref<128x128xf32, #tpu.memory_space<hbm>>
      %dma_wait3A_55 = arith.constant 0 : i32
      %dma_wait3A_56 = tpu.memref_slice %arg4[%add3A_48, %dma_wait3A_55] : memref<16384x128xf32, #tpu.memory_space<hbm>> -> memref<128x128xf32, #tpu.memory_space<hbm>>
      tpu.wait_dma2 semaphore(%run_scoped3A : memref<!tpu.dma_semaphore, #tpu.memory_space<semaphore_mem>>) src(%arg7 : memref<128x128xf32, #tpu.memory_space<vmem>>) dst(%dma_wait3A_56 : memref<128x128xf32, #tpu.memory_space<hbm>>)
      tpu.yield
    }) : () -> ()
    return
  }
}

module attributes {stable_mosaic.version = 14 : i64} {
  func.func @_mm_body(%arg0: i32, %arg1: memref<1024x128xf32, #tpu.memory_space<vmem>>, %arg2: memref<128x128xf32, #tpu.memory_space<vmem>>, %arg3: memref<1024x128xf32, #tpu.memory_space<vmem>>) attributes {dimension_semantics = [#tpu.dimension_semantics<arbitrary>], iteration_bounds = array<i64: 16>, scalar_prefetch = 0 : i64, scratch_operands = 0 : i64, tpu.core_type = #tpu.core_type<tc>, window_params = [{transform_indices = @transform_0, window_bounds = array<i64: 1024, 128>}, {pipeline_mode = #tpu.pipeline_mode<synchronous>, transform_indices = @transform_1, window_bounds = array<i64: 128, 128>}, {transform_indices = @transform_2, window_bounds = array<i64: 1024, 128>}]} {
    %get3A = arith.constant 0 : index
    %get3A_0 = arith.constant 0 : index
    %get3A_1 = vector.load %arg1[%get3A, %get3A_0] : memref<1024x128xf32, #tpu.memory_space<vmem>>, vector<1024x128xf32>
    %get3A_2 = arith.constant 0 : index
    %get3A_3 = arith.constant 0 : index
    %get3A_4 = vector.load %arg2[%get3A_2, %get3A_3] : memref<128x128xf32, #tpu.memory_space<vmem>>, vector<128x128xf32>
    %dot_general3A = arith.constant dense<0.000000e+00> : vector<1024x128xf32>
    %dot_general3A_5 = tpu.matmul %get3A_1, %get3A_4, %dot_general3A {dimension_numbers = #tpu.dot_dimension_numbers<[1], [0], [0], [1], [0, 0, 1, 1], [], []>, transpose_lhs_hint = false} : vector<1024x128xf32>, vector<128x128xf32>, vector<1024x128xf32> -> vector<1024x128xf32>
    %tanh3A = math.tanh %dot_general3A_5 : vector<1024x128xf32>
    %swap3A = arith.constant 0 : index
    %swap3A_6 = arith.constant 0 : index
    %swap3A_7 = vector.load %arg3[%swap3A, %swap3A_6] : memref<1024x128xf32, #tpu.memory_space<vmem>>, vector<1024x128xf32>
    tpu.vector_store %arg3[%swap3A, %swap3A_6], %tanh3A {strides = array<i32>} : memref<1024x128xf32, #tpu.memory_space<vmem>>, vector<1024x128xf32>,
    return
  }
  func.func @transform_0(%arg0: i32) -> (i32, i32) {
    %c0_i32 = arith.constant 0 : i32
    %c0_i32_0 = arith.constant 0 : i32
    return %arg0, %c0_i32 : i32, i32
  }
  func.func @transform_1(%arg0: i32) -> (i32, i32) {
    %c0_i32 = arith.constant 0 : i32
    %c0_i32_0 = arith.constant 0 : i32
    %c0_i32_1 = arith.constant 0 : i32
    return %c0_i32, %c0_i32_0 : i32, i32
  }
  func.func @transform_2(%arg0: i32) -> (i32, i32) {
    %c0_i32 = arith.constant 0 : i32
    %c0_i32_0 = arith.constant 0 : i32
    return %arg0, %c0_i32 : i32, i32
  }
}

</mosaic_0001>

<sc_bundles>
// kernel: kernel.5.cloned.1.call-start
scs
__scs_entry_jumppad:
0x0: {  	(pc) =	sbr.rel $0x88, $3  }
0x1: {  	(tag) =	ssettag $0x0;
	lr =	simm.s32 $0x1  }
0x2: {  	[smem:$0x3F9D] =	sst lr;
	_ =	strace $0xD0000000  }
0x3: {  	_ = 	snop  }
0x4: {  	_ = 	snop  }
0x5: {  	_ = 	snop  }
0x6: {  	_ = 	snop  }
0x7: {  	_ = 	snop  }
__scs_overlays_trampoline_lowered:
0x8: {  	[smem:$0x3FAC] =	sst s0  }
0x9: {  	[smem:$0x3FAD] =	sst s1  }
0xa: {  	[smem:$0x3FAE] =	sst s2  }
0xb: {  	[smem:$0x3FAF] =	sst s3  }
0xc: {  	[smem:$0x3FB0] =	sst s4  }
0xd: {  	[smem:$0x3FB1] =	sst s5  }
0xe: {  	[smem:$0x3FB2] =	sst s6  }
0xf: {  	[smem:$0x3FB3] =	sst s7  }
0x10: {  	[smem:$0x3FB4] =	sst s8  }
0x11: {  	[smem:$0x3FB5] =	sst s9;
	s0 =	simm.s32 @!p0 $0x0  }
0x12: {  	s1 =	sld [smem:$0x3F9B];
	s0 =	simm.s32 @p0 $0x1  }
0x13: {  	[smem:$0x3FB6] =	sst s0;
	s0 =	simm.s32 @!p1 $0x0  }
0x14: {  	s2 =	sld [smem:$0x3F9A];
	s0 =	simm.s32 @p1 $0x1  }
0x15: {  	[smem:$0x3FB7] =	sst s0;
	s0 =	simm.s32 @!p2 $0x0  }
0x16: {  	s3 =	sld [smem:$0x3FDB];
	s0 =	simm.s32 @p2 $0x1  }
0x17: {  	s4 =	simm.s32 $0x1BF5;
	[smem:$0x3FB9] =	sst s0  }
0x18: {  	s0 =	sld [smem:$0x3F9C];
	_ =	swait.ge [sflag:s4], $0x0  }
0x19: {  	s7 =	sld [smem:$0x3F9D]  }
0x1a: {  	s8 =	sadd.s32 $0xFFFFE003, lr  }
0x1b: {  	s9 =	sadd.s32 $0xFFFFFEF7, lr;
	s5 =	simm.s32 $0xFFFFFFFF;
	p2 =	slt.u32 s8, $0xFFFFF086  }
0x1c: {  	p1 =	slt.u32 s9, $0xF7A;
	s5 =	simm.s32 @!p2 $0x0  }
0x1d: {  	s5 =	simm.s32 @p1 $0x1;
	p0 =	seq.s32 s7, s2  }
0x1e: {  	s7 =	smul.u32 @!p0 $0xF7A, s2;
	p2 =	seq.s32 @!p0 s5, $0x0  }
0x1f: {  	s9 =	smul.u32 $0xF7A, s1;
	s8 =	simm.s32 @!p0 $0x1BF5;
	p2 =	por !p2, p0  }
0x20: {  	[sflag:s8] =	ssyncset.s32 @!p0 $0xFFFFF086;
	s6 =	sadd.s32 @!p0 s3, s7;
	s7 =	simm.s32 @!p0 $0x108  }
0x21: {  	s3 =	sadd.s32 s3, s9;
	s6 =	sadd.s32 @!p0 $0x88, s6;
	s7 =	simm.s32 @p2 $0x1082  }
0x22: {  	[simem:s7], [sflag:s8] =	dma.local @!p0 [hbm:s6], $0xF7A  }
0x23: {  	s9 =	sor.u32 $0xD0000000, s2;
	s6 =	simm.s32 $0x108;
	_ =	swait.ge @!p0 [sflag:s8], $0x0  }
0x24: {  	s3 =	sadd.s32 $0x88, s3;
	s6 =	simm.s32 @!p1 $0x1082;
	[sflag:s4] =	ssyncset.s32 $0xFFFFF086  }
0x25: {  	[simem:s6], [sflag:s4] =	dma.local [hbm:s3], $0xF7A  }
0x26: {  	[smem:$0x3F9D] =	sst s1;
	(tag) =	ssettag s2;
	_ =	strace s9  }
0x27: {  	s1 =	sld [smem:$0x3FAD]  }
0x28: {  	s2 =	sld [smem:$0x3FAE]  }
0x29: {  	s4 =	sld [smem:$0x3FB0]  }
0x2a: {  	p0 =	seq.s32 s5, $0x0;
	s5 =	sld [smem:$0x3FB1]  }
0x2b: {  	s6 =	sld [smem:$0x3FB2]  }
0x2c: {  	s7 =	sld [smem:$0x3FB3]  }
0x2d: {  	s3 =	simm.s32 $0x108;
	s8 =	sld [smem:$0x3FB4]  }
0x2e: {  	s3 =	simm.s32 @!p0 $0x1082;
	s9 =	sld [smem:$0x3FB5]  }
0x2f: {  	lr =	sadd.s32 s0, s3;
	s0 =	sld [smem:$0x3FAC]  }
0x30: {  	s3 =	sld [smem:$0x3FAF]  }
0x31: {  	[smem:$0x3FB8] =	sst s10  }
0x32: {  	s10 =	sld [smem:$0x3FB6];
	_ =	sdelay $0x3  }
0x33: {  	p0 =	seq.s32 s10, $0x1;
	s10 =	sld [smem:$0x3FB8];
	_ =	sdelay $0x3  }
0x34: {  	[smem:$0x3FB8] =	sst s10  }
0x35: {  	s10 =	sld [smem:$0x3FB7];
	_ =	sdelay $0x3  }
0x36: {  	p1 =	seq.s32 s10, $0x1;
	s10 =	sld [smem:$0x3FB8];
	_ =	sdelay $0x3  }
0x37: {  	[smem:$0x3FB8] =	sst s10  }
0x38: {  	s10 =	sld [smem:$0x3FB9]  }
0x39: {  	_ = 	snop;
	(pc) =	sbr.ind lr, $3  }
0x3a: {  	_ = 	snop  }
0x3b: {  	_ = 	snop  }
0x3c: {  	p2 =	seq.s32 s10, $0x1;
	s10 =	sld [smem:$0x3FB8]  }
0x3d: {  	_ =	shalt  }
0x3e: {  	_ =	shalt  }
0x3f: {  	_ =	shalt  }
0x40: {  	_ =	shalt  }
0x41: {  	_ =	shalt  }
0x42: {  	_ =	shalt  }
0x43: {  	_ =	shalt  }
0x44: {  	_ =	shalt  }
0x45: {  	_ =	shalt  }
0x46: {  	_ =	shalt  }
0x47: {  	_ =	shalt  }
0x48: {  	_ =	shalt  }
0x49: {  	_ =	shalt  }
0x4a: {  	_ =	shalt  }
0x4b: {  	_ =	shalt  }
0x4c: {  	_ =	shalt  }
0x4d: {  	_ =	shalt  }
0x4e: {  	_ =	shalt  }
0x4f: {  	_ =	shalt  }
0x50: {  	_ =	shalt  }
0x51: {  	_ =	shalt  }
0x52: {  	_ =	shalt  }
0x53: {  	_ =	shalt  }
0x54: {  	_ =	shalt  }
0x55: {  	_ =	shalt  }
0x56: {  	_ =	shalt  }
0x57: {  	_ =	shalt  }
0x58: {  	_ =	shalt  }
0x59: {  	_ =	shalt  }
0x5a: {  	_ =	shalt  }
0x5b: {  	_ =	shalt  }
0x5c: {  	_ =	shalt  }
0x5d: {  	_ =	shalt  }
0x5e: {  	_ =	shalt  }
0x5f: {  	_ =	shalt  }
0x60: {  	_ =	shalt  }
0x61: {  	_ =	shalt  }
0x62: {  	_ =	shalt  }
0x63: {  	_ =	shalt  }
0x64: {  	_ =	shalt  }
0x65: {  	_ =	shalt  }
0x66: {  	_ =	shalt  }
0x67: {  	_ =	shalt  }
0x68: {  	_ =	shalt  }
0x69: {  	_ =	shalt  }
0x6a: {  	_ =	shalt  }
0x6b: {  	_ =	shalt  }
0x6c: {  	_ =	shalt  }
0x6d: {  	_ =	shalt  }
0x6e: {  	_ =	shalt  }
0x6f: {  	_ =	shalt  }
0x70: {  	_ =	shalt  }
0x71: {  	_ =	shalt  }
0x72: {  	_ =	shalt  }
0x73: {  	_ =	shalt  }
0x74: {  	_ =	shalt  }
0x75: {  	_ =	shalt  }
0x76: {  	_ =	shalt  }
0x77: {  	_ =	shalt  }
0x78: {  	_ =	shalt  }
0x79: {  	_ =	shalt  }
0x7a: {  	_ =	shalt  }
0x7b: {  	_ =	shalt  }
0x7c: {  	_ =	shalt  }
0x7d: {  	_ =	shalt  }
0x7e: {  	_ =	shalt  }
0x7f: {  	_ =	shalt  }
0x80: {  	_ =	shalt  }
0x81: {  	_ =	shalt  }
0x82: {  	_ =	shalt  }
0x83: {  	_ =	shalt  }
0x84: {  	_ =	shalt  }
0x85: {  	_ =	shalt  }
0x86: {  	_ =	shalt  }
0x87: {  	_ =	shalt  }
.Lfunc_end0:
.L_simem_size_0:
called_computation_lowered:
.L_overlay_start_0:
0x88: {  	s2 =	sld [smem:$0x3FD9]  }
0x89: {  	s3 =	sld [smem:$0x3FFE];
	_ =	sdelay $0x1  }
0x8a: {  	s1 =	srdreg.scid  }
0x8b: {  	s0 =	sand.u32 $0x1, s1  }
0x8c: {  	s15 =	sshll.u32 s0, $0xA;
	s2 =	sadd.s32 s3, s2  }
0x8d: {  	s2 =	sadd.s32 s2, s15  }
0x8e: {  	[smem:$0x3FC4] =	sst s2  }
0x8f: {  	_ = 	snop  }
0x90: {  	s2 =	sld [smem:$0x3FD0];
	_ =	sdelay $0x1  }
0x91: {  	s16 =	sld [smem:$0x3FC9]  }
0x92: {  	s5 =	simm.s32 $0xA;
	s6 =	simm.s32 $0x10;
	s4 =	sld [smem:$0x3FC7]  }
0x93: {  	[smem:s6], [sflag:s5] =	dma.local [hbm:s2], $0x1  }
0x94: {  	_ =	swait.eq [sflag:s5], $0x1  }
0x95: {  	[sflag:s5] =	ssyncset.done $0x0  }
0x96: {  	s17 =	sld [smem:$0x10];
	[sflag:s5] =	ssyncadd.s32 $0xFFFFFFFF  }
0x97: {  	s18 =	sld [smem:$0x11];
	(tm) =	ssettm $0x1  }
0x98: {  	s19 =	sld [smem:$0x3FFB];
	_ =	sdelay $0x3  }
0x99: {  	_ =	strace s19  }
0x9a: {  	s6 =	sld [smem:$0x3FFC];
	_ =	sdelay $0x3  }
0x9b: {  	_ =	strace s6  }
0x9c: {  	s6 =	sld [smem:$0x3FFD];
	_ =	sdelay $0x3  }
0x9d: {  	_ =	strace s6  }
0x9e: {  	_ =	strace $0x8FFFFFFF  }
0x9f: {  	s20 =	sld [smem:$0x3FDB];
	_ =	sdelay $0x1  }
0xa0: {  	s7 =	simm.s32 $_scs_section_size  }
0xa1: {  	s8 =	simm.s32 $_size__tile_overlayer_lowered;
	s9 =	simm.s32 $_tile_overlayer_lowered  }
0xa2: {  	s23 =	simm.s32 $0x1BFF;
	s22 =	sshll.u32 s9, $0x1;
	s6 =	sadd.s32 s7, s20  }
0xa3: {  	s10 =	simm.s32 $0x0;
	s21 =	sshll.u32 s8, $0x1;
	s8 =	sadd.s32 s22, s6  }
0xa4: {  	[timem:s10], [sflag:s23] =	dma.local [hbm:s8], s21  }
0xa5: {  	_ =	swait.ge [sflag:s23], s21  }
0xa6: {  	s7 =	ssub.s32 $0x0, s21;
	[sflag:s23] =	ssyncset.done $0x0  }
0xa7: {  	[sflag:s23] =	ssyncadd.s32 s7;
	_ =	sdelay $0x1  }
0xa8: {  	s24 =	simm.s32 $0x1B8B  }
0xa9: {  	_ =	swait.ge [sflag:s24], $0x1  }
0xaa: {  	[sflag:s24] =	ssyncset.done $0x0  }
0xab: {  	s25 =	simm.s32 $0x1B8E;
	[sflag:s24] =	ssyncadd.s32 $0xFFFFFFFF  }
0xac: {  	s26 =	simm.s32 $execute0_lowered;
	[smem:$0x3FD2] =	sst s25  }
0xad: {  	s7 =	sshll.u32 s26, $0x1;
	_ =	strace $0x80000046;
	[dreg:$0x1] =	wrdreg $0xFFFFFFFF  }
0xae: {  	s28 =	simm.s32 $_size_execute0_lowered;
	s6 =	sadd.s32 s6, s7;
	[dreg:$0x0] =	wrdreg $0x0  }
0xaf: {  	s7 =	sshll.u32 s28, $0x1;
	[dreg:$0x2] =	wrdreg s6  }
0xb0: {  	[dreg:$0x3] =	wrdreg s7  }
0xb1: {  	[dreg:$0x4] =	wrdreg $0xC0  }
0xb2: {  	_ =	task [dreg:s10], $0x5FFFF  }
0xb3: {  	[dreg:$0x1] =	wrdreg $0xFFFFFFFF  }
0xb4: {  	[dreg:$0x0] =	wrdreg $0x60  }
0xb5: {  	[dreg:$0x2] =	wrdreg s16  }
0xb6: {  	[dreg:$0x3] =	wrdreg s18  }
0xb7: {  	[dreg:$0x4] =	wrdreg s4  }
0xb8: {  	[dreg:$0x5] =	wrdreg s17  }
0xb9: {  	[dreg:$0x6] =	wrdreg $0xC4000  }
0xba: {  	[dreg:$0x7] =	wrdreg $0x144400  }
0xbb: {  	[dreg:$0x8] =	wrdreg $0x9  }
0xbc: {  	_ =	task.clear_ibuf [dreg:s10], $0x9FFFF;
	_ =	strace $0x90000046  }
0xbd: {  	s29 =	simm.s32 $0x9;
	_ =	strace $0x80000048  }
0xbe: {  	_ =	swait.ge [sflag:s29], $0x1  }
0xbf: {  	[sflag:s29] =	ssyncadd.s32 $0xFFFFFFFF  }
0xc0: {  	_ =	strace $0x90000048  }
0xc1: {  	_ =	sfence  }
0xc2: {  	s30 =	sld [smem:$0x0];
	_ =	sdelay $0x2  }
0xc3: {  	s31 =	sshll.u32 s1, $0xD;
	s1 =	sshrl.u32 s1, $0x2  }
0xc4: {  	s3 =	sand.u32 $0x4000, s31;
	s1 =	sadd.s32 s1, s30  }
0xc5: {  	s0 =	sor.u32 s3, s0;
	s1 =	sshll.u32 s1, $0x11  }
0xc6: {  	s0 =	sor.u32 s1, s0  }
0xc7: {  	s0 =	sadd.s32 $0x8F2B, s0  }
0xc8: {  	[sflag:s0] =	ssyncadd.remote.s32 $0x1  }
0xc9: {  	_ =	sfence.sel $0xFFFF  }
0xca: {  	[dreg:$0x0] =	wrdreg $0xFFFFFFFF;
	(pc) =	sbr.abs _section_cstart, $3  }
0xcb: {  	[dreg:$0x1] =	wrdreg $0xFFFFFFFF  }
0xcc: {  	_ =	task.clear_ibuf [dreg:s10], $0x2FFFF;
	_ =	strace $0x9FFFFFFF  }
0xcd: {  	(tm) =	ssettm $0x7FFFFFFF  }
tec
execute0_lowered:
.L_overlay_start_1:
0x0: {  	(tag) =	ssettag $0x1  }
0x1: {  	s0 =	rddreg [dreg:$0x0]  }
0x2: {  	s2 =	rddreg [dreg:$0x2]  }
0x3: {  	s1 =	srdreg.scid;
	s3 =	rddreg [dreg:$0x3];
	s5 =	simm.s32 $0x0  }
0x4: {  	s11 =	stileid.u32;
	s28 =	simm.s32 $0x8;
	s29 =	simm.s32 $0x400  }
0x5: {  	s30 =	simm.s32 $0x2400;
	s1 =	sand.u32 $0x1, s1;
	[smem:$0x7FF] =	sst s5  }
0x6: {  	s18 =	sshll.u32 s11, $0x7;
	s6 =	sshll.u32 s11, $0x8;
	s4 =	ssub.s32 $0x2, s1  }
0x7: {  	s5 =	sshll.u32 s1, $0xF;
	s1 =	sadd.s32 s2, s18;
	s17 =	sshrl.u32 s4, $0x1  }
0x8: {  	s7 =	sor.u32 $0x1000, s5;
	[dreg:$0x7] =	wrdreg s1;
	s19 =	sor.u32 s6, s5  }
0x9: {  	s9 =	sor.u32 $0x2000, s5;
	s10 =	sor.u32 $0x3000, s5;
	s12 =	sor.u32 $0x4000, s5  }
0xa: {  	s14 =	sor.u32 $0x5000, s5;
	s4 =	ssub.s32 s4, s17;
	s20 =	sor.u32 s6, s7  }
0xb: {  	s1 =	sshll.u32 s19, $0x4;
	s22 =	sor.u32 s6, s9;
	s24 =	sor.u32 s6, s10  }
0xc: {  	s26 =	sor.u32 s6, s12;
	s19 =	sor.u32 $0x6000, s5;
	v1 =	vmov s7;
	s7 =	simm.s32 $0x1400  }
0xd: {  	v2 =	vmov s9;
	v3 =	vmov s10;
	s10 =	simm.s32 $0x1800;
	v5 =	vmov s12;
	s12 =	simm.s32 $0x1C00;
	s9 =	simm.s32 $0x0  }
0xe: {  	s2 =	sshll.u32 s20, $0x4;
	s8 =	sadd.s32 s0, s1;
	s1 =	sadd.s32 s3, s1  }
0xf: {  	s23 =	sshll.u32 s22, $0x4;
	s25 =	sshll.u32 s24, $0x4;
	[dreg:$0x8] =	wrdreg s8  }
0x10: {  	s31 =	sshll.u32 s26, $0x4;
	s21 =	sadd.s32 s0, s2;
	[dreg:$0xa] =	wrdreg s1  }
0x11: {  	s15 =	sor.u32 s6, s19;
	s8 =	sadd.s32 s0, s23;
	[dreg:$0x9] =	wrdreg s21  }
0x12: {  	s20 =	sor.u32 $0x7000, s5;
	s2 =	sadd.s32 s3, s2;
	[dreg:$0xb] =	wrdreg s8  }
0x13: {  	s24 =	sshll.u32 s11, $0xF;
	s13 =	sadd.s32 s0, s25;
	[dreg:$0xc] =	wrdreg s2  }
0x14: {  	s26 =	smax.u32 s4, $0x1;
	s1 =	sadd.s32 s3, s23;
	[dreg:$0xd] =	wrdreg s13  }
0x15: {  	s4 =	simm.s32 $0x3000;
	[dreg:$0xe] =	wrdreg s1;
	s8 =	sadd.s32 s0, s31  }
0x16: {  	v7 =	vmov s19;
	s19 =	simm.s32 $0x4000;
	s2 =	sadd.s32 s3, s25;
	[dreg:$0xf] =	wrdreg s8  }
0x17: {  	s16 =	sshll.u32 s15, $0x4;
	s1 =	sadd.s32 s3, s31;
	[dreg:$0x10] =	wrdreg s2  }
0x18: {  	s18 =	sor.u32 s6, s20;
	s13 =	sor.u32 s6, s14;
	[dreg:$0x11] =	wrdreg s1  }
0x19: {  	s21 =	sadd.s32 s0, s16;
	s2 =	sshll.u32 s13, $0x4;
	s13 =	rddreg [dreg:$0x1]  }
0x1a: {  	s15 =	simm.s32 $0x2000;
	s22 =	sadd.s32 s3, s16;
	[dreg:$0x14] =	wrdreg s21  }
0x1b: {  	v8 =	vmov s20;
	s20 =	simm.s32 $0x80;
	[dreg:$0x16] =	wrdreg s22;
	s17 =	sadd.s32 s0, s2  }
0x1c: {  	s31 =	sshll.u32 s11, $0xA;
	s2 =	sadd.s32 s3, s2;
	[dreg:$0x12] =	wrdreg s17  }
0x1d: {  	s16 =	simm.s32 $0x800;
	s11 =	simm.s32 $0x3800;
	[dreg:$0x13] =	wrdreg s2  }
0x1e: {  	v6 =	vmov s14;
	s14 =	simm.s32 $0x3C00;
	s17 =	rddreg [dreg:$0x4];
	s2 =	sshll.u32 s18, $0x4  }
0x1f: {  	s1 =	simm.s32 $0xC00;
	s18 =	rddreg [dreg:$0x5];
	s0 =	sadd.s32 s0, s2  }
0x20: {  	s8 =	simm.s32 $0x3400;
	s23 =	sadd.s32 s3, s2;
	[dreg:$0x15] =	wrdreg s0  }
.Ltmp0:
0x21: {  	s25 =	sadd.s32 s24, s17;
	[dreg:$0x17] =	wrdreg s23;
	(pc) =	sbr.rel .LBB2_1-.Ltmp0, $4  }
0x22: {  	v4 =	vlaneseq.u32;
	s0 =	sadd.s32 s24, s18;
	_ =	strace $0x80000047;
	[dreg:$0x18] =	wrdreg s25  }
0x23: {  	v9 =	vmul.u32 $0x40, v4;
	s21 =	simm.s32 $0x8400;
	s22 =	simm.s32 $0x7;
	[dreg:$0x19] =	wrdreg s0  }
0x24: {  	v10 =	vimm.s32 $0x0;
	v11 =	vand.u32 $0x7, v4;
	s2 =	simm.s32 $0x2C00;
	s3 =	simm.s32 $0x1000;
	[dreg:$0x1a] =	wrdreg s26  }
0x25: {  	v11 =	vor.u32 $0x1000, v11;
	v0 =	vmov s5;
	v9 =	vor.u32 s31, v9;
	s23 =	simm.s32 $0x4400;
	s0 =	simm.s32 $0x2800;
	[dreg:$0x1b] =	wrdreg s31  }
.LBB2_80:
0x26: {  	[sflag:s28] =	ssyncadd.s32 $0xFFFFC000;
	s9 =	rddreg [dreg:$0x1c]  }
.LBB2_81:
0x27: {  	[bflag:$0x0] =	sbarrier.arrive $0xFFFF  }
0x28: {  	s24 =	sld [smem:$0x7EE]  }
0x29: {  	s5 =	rddreg [dreg:$0x17]  }
0x2a: {  	s25 =	simm.s32 $0x3;
	s6 =	rddreg [dreg:$0x1d]  }
0x2b: {  	[hbm:s5], [sflag:s24] =	dma.local [spmem:s6], $0x1000  }
0x2c: {  	_ =	swait.ge [sflag:s25], $0x1000  }
0x2d: {  	[sflag:s25] =	ssyncset.done $0x0  }
0x2e: {  	s26 =	simm.s32 $0x4;
	[sflag:s25] =	ssyncadd.s32 $0xFFFFF000  }
0x2f: {  	_ =	swait.ge [sflag:s26], $0x1000  }
0x30: {  	s9 =	sadd.s32 $0x1, s9;
	s31 =	rddreg [dreg:$0x1a]  }
0x31: {  	p0 =	sne.s32 s9, s31  }
.Ltmp1:
0x32: {  	_ = 	snop;
	(pc) =	sbr.rel @!p0 .LBB2_82-.Ltmp1, $3  }
0x33: {  	_ =	sdelay $0x1  }
0x34: {  	[sflag:s26] =	ssyncset.done $0x0  }
0x35: {  	[sflag:s26] =	ssyncadd.s32 $0xFFFFF000  }
.LBB2_1:
0x36: {  	[dreg:$0x1c] =	wrdreg s9  }
0x37: {  	s6 =	simm.s32 $0x0;
	s5 =	rddreg [dreg:$0x7]  }
0x38: {  	[tilespmem:s6], [sflag:$0x8] =	stream.linear.gather [hbm4b:s5+s6], $0x400, $0x38;
	[tilespmem:$0x1C480] =	vst v63  }
0x39: {  	s31 =	stileid.u32;
	_ =	swait.ge [sflag:s28], $0x400  }
0x3a: {  	s25 =	sshll.u32 s31, $0x6;
	s9 =	rddreg [dreg:$0x18]  }
0x3b: {  	s24 =	sor.u32 $0x1C01, s25;
	s31 =	rddreg [dreg:$0x8]  }
0x3c: {  	[sflag:s28] =	ssyncset.done $0x0;
	[smem:$0x7FC] =	sst s24;
	s26 =	sshrl.u32 s9, $0x3  }
0x3d: {  	[sflag:s28] =	ssyncadd.s32 $0xFFFFFC00;
	[dreg:$0x1e] =	wrdreg s26  }
0x3e: {  	[spmem:s26], [sflag:s24] =	dma.local [hbm:s31], $0x1000  }
0x3f: {  	s9 =	sor.u32 $0x1C02, s25;
	[smem:$0x7FD] =	sst s25  }
0x40: {  	[dreg:$0x1f] =	wrdreg s9  }
0x41: {  	s5 =	rddreg [dreg:$0x19]  }
0x42: {  	s26 =	rddreg [dreg:$0x9];
	s25 =	sshrl.u32 s5, $0x3  }
0x43: {  	s31 =	simm.s32 $0x0;
	[dreg:$0x1d] =	wrdreg s25  }
0x44: {  	[spmem:s25], [sflag:s9] =	dma.local [hbm:s26], $0x1000  }
0x45: {  	v12 =	vld [tilespmem:s31+$0x0];
	_ =	sdelay $0x4  }
0x46: {  	v13 =	vsub.s32 v12, v0  }
0x47: {  	vm0 =	vlt.u32 v13, $0x1000  }
0x48: {  	v12 =	vsel vm0, $0x1, v10  }
0x49: {  	(xrf0) =	vadd.scan.msk.s32 $0xffff, v12;
	_ =	sdelay $0x2  }
0x4a: {  	v12 =	vmov s6  }
0x4b: {  	v12 =	vadd.s32 $0xFFFFFFFF, v12  }
0x4c: {  	v12 =	vbroadcast v12, $0x0  }
0x4d: {  	v14, _, _ =	vpop (xrf0)  }
0x4e: {  	v15 =	vadd.s32 v14, v12;
	(v2sf) =	vpush v14, $0xF;
	_ =	sdelay $0x2  }
0x4f: {  	s5 =	rddreg [dreg:$0x1b]  }
0x50: {  	v12 =	vor.u32 s5, v4  }
0x51: {  	[tilespmem:v15+s29+$0x0] =	vst.idx.msk vm0, v12  }
0x52: {  	s24 =	simm.s32 $0x80;
	s9 =	simm.s32 $0x0;
	s6 =	simm.s32 $0x10;
	[tilespmem:v15+s30+$0x0] =	vst.idx.msk vm0, v13  }
.LBB2_2:
0x53: {  	p0 =	sne.s32 s24, $0xFC0;
	v13 =	vld [tilespmem:s6+$0x0];
	_ =	sdelay $0x4  }
0x54: {  	v13 =	vsub.s32 v13, v0  }
0x55: {  	vm0 =	vlt.u32 v13, $0x1000  }
0x56: {  	v14 =	vsel vm0, $0x1, v10  }
0x57: {  	(xrf0) =	vadd.scan.msk.s32 $0xffff, v14;
	s6 =	spop (v2sf)  }
0x58: {  	s9 =	sadd.s32 s9, s6  }
0x59: {  	v14 =	vmov s9  }
0x5a: {  	v14 =	vadd.s32 $0xFFFFFFFF, v14  }
0x5b: {  	v14 =	vbroadcast v14, $0x0;
	_ =	sdelay $0x1  }
0x5c: {  	v15, _, _ =	vpop (xrf0)  }
0x5d: {  	v14 =	vadd.s32 v15, v14;
	(v2sf) =	vpush v15, $0xF;
	_ =	sdelay $0x1  }
.Ltmp2:
0x5e: {  	(pc) =	sbr.rel @p0 .LBB2_2-.Ltmp2, $4  }
0x5f: {  	s5 =	sadd.s32 $0x10, s5  }
0x60: {  	v15 =	vor.u32 s5, v4  }
0x61: {  	[tilespmem:v14+s29+$0x0] =	vst.idx.msk vm0, v15  }
0x62: {  	s6 =	sshra.s32 s24, $0x2;
	s24 =	sadd.s32 $0x40, s24;
	[tilespmem:v14+s30+$0x0] =	vst.idx.msk vm0, v13  }
0x63: {  	v13 =	vld [tilespmem:s6+$0x0];
	_ =	sdelay $0x4  }
0x64: {  	v13 =	vsub.s32 v13, v0  }
0x65: {  	vm0 =	vlt.u32 v13, $0x1000  }
0x66: {  	v14 =	vsel vm0, $0x1, v10  }
0x67: {  	(xrf0) =	vadd.scan.msk.s32 $0xffff, v14;
	_ =	sdelay $0x5  }
0x68: {  	v14, _, _ =	vpop (xrf0)  }
0x69: {  	(v2sf) =	vpush v14, $0xF;
	_ =	sdelay $0xd  }
0x6a: {  	s26 =	spop (v2sf)  }
0x6b: {  	s6 =	sadd.s32 s9, s26;
	s9 =	spop (v2sf)  }
0x6c: {  	s26 =	sadd.s32 s6, s9  }
0x6d: {  	s24 =	sadd.s32 $0x7F, s26  }
0x6e: {  	s25 =	sand.u32 $0x7F, s24  }
0x6f: {  	s31 =	sshra.s32 s24, $0x1F;
	p0 =	slt.s32 s24, $0x1;
	p1 =	sne.s32 s25, $0x0  }
0x70: {  	s31 =	sshrl.u32 s31, $0x19;
	p0 =	por !p0, !p1  }
0x71: {  	s25 =	simm.s32 $0x1;
	s24 =	sadd.s32 s31, s24;
	p0 =	por !p0, !p0  }
0x72: {  	s24 =	sshra.s32 s24, $0x7;
	s25 =	simm.s32 @!p0 $0x0  }
0x73: {  	[smem:$0x7FA] =	sst s24;
	s24 =	ssub.s32 s24, s25  }
0x74: {  	[smem:$0x7FB] =	sst s24;
	s24 =	sshll.u32 s24, $0x7  }
0x75: {  	s26 =	ssub.s32 s24, s26  }
0x76: {  	s26 =	sadd.s32 $0xF, s26  }
0x77: {  	s25 =	sand.u32 $0xF, s26  }
0x78: {  	v15 =	vmov s6;
	p2 =	slt.s32 s26, $0x1;
	p6 =	sne.s32 s25, $0x0;
	s25 =	sshra.s32 s26, $0x1F  }
0x79: {  	v15 =	vadd.s32 $0xFFFFFFFF, v15;
	s31 =	sshrl.u32 s25, $0x1C;
	p1 =	por !p2, !p6  }
0x7a: {  	v15 =	vbroadcast v15, $0x0;
	s26 =	sadd.s32 s31, s26;
	p1 =	por !p1, !p1;
	s31 =	simm.s32 $0x1  }
0x7b: {  	s5 =	sadd.s32 $0x10, s5;
	s26 =	sshra.s32 s26, $0x4;
	s31 =	simm.s32 @!p1 $0x0  }
0x7c: {  	v14 =	vadd.s32 v14, v15;
	v15 =	vor.u32 s5, v4;
	s5 =	ssub.s32 s26, s31  }
0x7d: {  	p1 =	slt.s32 s5, $0x1  }
.Ltmp3:
0x7e: {  	_ = 	snop;
	(pc) =	sbr.rel @p1 .LBB2_7-.Ltmp3, $3  }
0x7f: {  	_ =	sdelay $0x1  }
0x80: {  	[tilespmem:v14+s29+$0x0] =	vst.idx.msk vm0, v15  }
0x81: {  	[tilespmem:v14+s30+$0x0] =	vst.idx.msk vm0, v13  }
0x82: {  	s6 =	sadd.s32 s6, s9  }
0x83: {  	v14 =	vmov s24;
	p1 =	sne.s32 s5, $0x1;
	v13 =	vadd.s32 s6, v4  }
.Ltmp4:
0x84: {  	vm0 =	vlt.s32 v13, v14;
	(pc) =	sbr.rel @!p1 .LBB2_6-.Ltmp4, $2  }
0x85: {  	vm1 =	vmmov vm0;
	_ =	sdelay $0x2  }
0x86: {  	s5 =	sadd.s32 $0xFFFFFFFF, s5;
	s6 =	sadd.s32 $0x10, s6  }
.LBB2_5:
0x87: {  	v15 =	vadd.s32 s6, v4;
	p1 =	sne.s32 s5, $0x1  }
.Ltmp5:
0x88: {  	s5 =	sadd.s32 $0xFFFFFFFF, s5;
	[tilespmem:v13+s29+$0x0] =	vst.idx.msk vm0, v9;
	vm0 =	vlt.s32 v15, v14;
	(pc) =	sbr.rel @p1 .LBB2_5-.Ltmp5, $2  }
0x89: {  	[tilespmem:v13+s30+$0x0] =	vst.idx.msk vm1, v11;
	v13 =	vmov v15;
	vm1 =	vmmov vm0;
	_ =	sdelay $0x2  }
0x8a: {  	s6 =	sadd.s32 $0x10, s6  }
.LBB2_6:
0x8b: {  	_ =	sdelay $0x4  }
0x8c: {  	[tilespmem:v13+s29+$0x0] =	vst.idx.msk vm0, v9  }
0x8d: {  	[tilespmem:v13+s30+$0x0] =	vst.idx.msk vm1, v11  }
.LBB2_7:
0x8e: {  	s5 =	simm.s32 $0x0  }
0x8f: {  	v13 =	vld [tilespmem:s5+$0x0];
	_ =	sdelay $0x4  }
0x90: {  	v13 =	vsub.s32 v13, v1  }
0x91: {  	vm0 =	vlt.u32 v13, $0x1000  }
0x92: {  	v14 =	vsel vm0, $0x1, v10  }
0x93: {  	(xrf0) =	vadd.scan.msk.s32 $0xffff, v14;
	_ =	sdelay $0x1  }
0x94: {  	s9 =	simm.s32 $0x0  }
0x95: {  	v14 =	vmov s9  }
0x96: {  	v14 =	vadd.s32 $0xFFFFFFFF, v14  }
0x97: {  	v14 =	vbroadcast v14, $0x0  }
0x98: {  	v15, _, _ =	vpop (xrf0)  }
0x99: {  	v14 =	vadd.s32 v15, v14;
	(v2sf) =	vpush v15, $0xF;
	_ =	sdelay $0x2  }
0x9a: {  	s5 =	simm.s32 $0xFFFFFFFF  }
0x9b: {  	s5 =	simm.s32 @!p0 $0x0  }
0x9c: {  	[smem:$0x7F9] =	sst s5;
	[tilespmem:v14+s16+$0x0] =	vst.idx.msk vm0, v12  }
0x9d: {  	s6 =	simm.s32 $0x10;
	s24 =	simm.s32 $0x80;
	s5 =	rddreg [dreg:$0x1b];
	[tilespmem:v14+s0+$0x0] =	vst.idx.msk vm0, v13  }
.LBB2_8:
0x9e: {  	p0 =	sne.s32 s24, $0xFC0;
	v13 =	vld [tilespmem:s6+$0x0];
	_ =	sdelay $0x4  }
0x9f: {  	v13 =	vsub.s32 v13, v1  }
0xa0: {  	vm0 =	vlt.u32 v13, $0x1000  }
0xa1: {  	v14 =	vsel vm0, $0x1, v10  }
0xa2: {  	(xrf0) =	vadd.scan.msk.s32 $0xffff, v14;
	s6 =	spop (v2sf)  }
0xa3: {  	s9 =	sadd.s32 s9, s6  }
0xa4: {  	v14 =	vmov s9  }
0xa5: {  	v14 =	vadd.s32 $0xFFFFFFFF, v14  }
0xa6: {  	v14 =	vbroadcast v14, $0x0;
	_ =	sdelay $0x1  }
0xa7: {  	v15, _, _ =	vpop (xrf0)  }
0xa8: {  	v14 =	vadd.s32 v15, v14;
	(v2sf) =	vpush v15, $0xF;
	_ =	sdelay $0x1  }
.Ltmp6:
0xa9: {  	(pc) =	sbr.rel @p0 .LBB2_8-.Ltmp6, $4  }
0xaa: {  	s5 =	sadd.s32 $0x10, s5  }
0xab: {  	v15 =	vor.u32 s5, v4  }
0xac: {  	[tilespmem:v14+s16+$0x0] =	vst.idx.msk vm0, v15  }
0xad: {  	s6 =	sshra.s32 s24, $0x2;
	s24 =	sadd.s32 $0x40, s24;
	[tilespmem:v14+s0+$0x0] =	vst.idx.msk vm0, v13  }
0xae: {  	v13 =	vld [tilespmem:s6+$0x0];
	_ =	sdelay $0x4  }
0xaf: {  	v13 =	vsub.s32 v13, v1  }
0xb0: {  	vm0 =	vlt.u32 v13, $0x1000  }
0xb1: {  	v14 =	vsel vm0, $0x1, v10  }
0xb2: {  	(xrf0) =	vadd.scan.msk.s32 $0xffff, v14;
	_ =	sdelay $0x5  }
0xb3: {  	v14, _, _ =	vpop (xrf0)  }
0xb4: {  	(v2sf) =	vpush v14, $0xF;
	_ =	sdelay $0xd  }
0xb5: {  	s25 =	spop (v2sf)  }
0xb6: {  	s6 =	sadd.s32 s9, s25;
	s9 =	spop (v2sf)  }
0xb7: {  	s26 =	sadd.s32 s6, s9  }
0xb8: {  	s24 =	sadd.s32 $0x7F, s26  }
0xb9: {  	s25 =	sand.u32 $0x7F, s24  }
0xba: {  	s31 =	sshra.s32 s24, $0x1F;
	p0 =	slt.s32 s24, $0x1;
	p1 =	sne.s32 s25, $0x0  }
0xbb: {  	s25 =	sshrl.u32 s31, $0x19;
	p0 =	por !p0, !p1  }
0xbc: {  	s24 =	sadd.s32 s25, s24;
	s25 =	simm.s32 $0x1;
	p2 =	por !p0, !p0  }
0xbd: {  	s24 =	sshra.s32 s24, $0x7;
	s25 =	simm.s32 @!p2 $0x0  }
0xbe: {  	s31 =	ssub.s32 s24, s25  }
0xbf: {  	[smem:$0x7F8] =	sst s24;
	s24 =	sshll.u32 s31, $0x7  }
0xc0: {  	s26 =	ssub.s32 s24, s26  }
0xc1: {  	s25 =	sadd.s32 $0xF, s26  }
0xc2: {  	s26 =	sand.u32 $0xF, s25  }
0xc3: {  	v15 =	vmov s6;
	p6 =	slt.s32 s25, $0x1;
	p5 =	sne.s32 s26, $0x0;
	s26 =	sshra.s32 s25, $0x1F  }
0xc4: {  	v15 =	vadd.s32 $0xFFFFFFFF, v15;
	s26 =	sshrl.u32 s26, $0x1C;
	p0 =	por !p6, !p5  }
0xc5: {  	v15 =	vbroadcast v15, $0x0;
	s25 =	sadd.s32 s26, s25;
	p0 =	por !p0, !p0;
	s26 =	simm.s32 $0x1  }
0xc6: {  	s5 =	sadd.s32 $0x10, s5;
	s25 =	sshra.s32 s25, $0x4;
	s26 =	simm.s32 @!p0 $0x0  }
0xc7: {  	v14 =	vadd.s32 v14, v15;
	v15 =	vor.u32 s5, v4;
	s5 =	ssub.s32 s25, s26  }
0xc8: {  	p0 =	slt.s32 s5, $0x1  }
.Ltmp7:
0xc9: {  	_ = 	snop;
	(pc) =	sbr.rel @p0 .LBB2_13-.Ltmp7, $3  }
0xca: {  	_ =	sdelay $0x1  }
0xcb: {  	[tilespmem:v14+s16+$0x0] =	vst.idx.msk vm0, v15  }
0xcc: {  	[tilespmem:v14+s0+$0x0] =	vst.idx.msk vm0, v13  }
0xcd: {  	s6 =	sadd.s32 s6, s9  }
0xce: {  	v14 =	vmov s24;
	p0 =	sne.s32 s5, $0x1;
	v13 =	vadd.s32 s6, v4  }
.Ltmp8:
0xcf: {  	vm0 =	vlt.s32 v13, v14;
	(pc) =	sbr.rel @!p0 .LBB2_12-.Ltmp8, $2  }
0xd0: {  	vm1 =	vmmov vm0;
	_ =	sdelay $0x2  }
0xd1: {  	s5 =	sadd.s32 $0xFFFFFFFF, s5;
	s6 =	sadd.s32 $0x10, s6  }
.LBB2_11:
0xd2: {  	v15 =	vadd.s32 s6, v4;
	p0 =	sne.s32 s5, $0x1  }
.Ltmp9:
0xd3: {  	s5 =	sadd.s32 $0xFFFFFFFF, s5;
	[tilespmem:v13+s16+$0x0] =	vst.idx.msk vm0, v9;
	vm0 =	vlt.s32 v15, v14;
	(pc) =	sbr.rel @p0 .LBB2_11-.Ltmp9, $2  }
0xd4: {  	[tilespmem:v13+s0+$0x0] =	vst.idx.msk vm1, v11;
	v13 =	vmov v15;
	vm1 =	vmmov vm0;
	_ =	sdelay $0x2  }
0xd5: {  	s6 =	sadd.s32 $0x10, s6  }
.LBB2_12:
0xd6: {  	_ =	sdelay $0x4  }
0xd7: {  	[tilespmem:v13+s16+$0x0] =	vst.idx.msk vm0, v9  }
0xd8: {  	[tilespmem:v13+s0+$0x0] =	vst.idx.msk vm1, v11  }
.LBB2_13:
0xd9: {  	s5 =	sld [smem:$0x7FB];
	_ =	sdelay $0x1  }
0xda: {  	[smem:$0x7F6] =	sst s31  }
0xdb: {  	p1 =	slt.s32 s31, $0x1;
	s31 =	simm.s32 $0x0;
	p0 =	slt.s32 s5, $0x1  }
0xdc: {  	s5 =	simm.s32 @!p0 $0x80;
	s6 =	simm.s32 @!p0 $0x400;
	s9 =	simm.s32 @!p0 $0x4400  }
0xdd: {  	[tilespmem:s9], [sflag:$0x5] =	stream.indirect.gather @!p0 [hbm4b:s13+s5], $0x80, s6, s5, $0xb8;
	[tilespmem:$0x1C480] =	vst v63  }
0xde: {  	s5 =	simm.s32 @!p1 $0x80;
	s6 =	simm.s32 @!p1 $0x800;
	s9 =	simm.s32 @!p1 $0x8400  }
0xdf: {  	[tilespmem:s9], [sflag:$0x6] =	stream.indirect.gather @!p1 [hbm4b:s13+s5], $0x80, s6, s5, $0xb8;
	[tilespmem:$0x1C480] =	vst v63  }
0xe0: {  	v13 =	vld [tilespmem:s31+$0x0];
	_ =	sdelay $0x4  }
0xe1: {  	v13 =	vsub.s32 v13, v2  }
0xe2: {  	vm0 =	vlt.u32 v13, $0x1000  }
0xe3: {  	v14 =	vsel vm0, $0x1, v10  }
0xe4: {  	(xrf0) =	vadd.scan.msk.s32 $0xffff, v14;
	_ =	sdelay $0x1  }
0xe5: {  	s5 =	simm.s32 $0x0  }
0xe6: {  	v14 =	vmov s5  }
0xe7: {  	v14 =	vadd.s32 $0xFFFFFFFF, v14  }
0xe8: {  	v14 =	vbroadcast v14, $0x0  }
0xe9: {  	v15, _, _ =	vpop (xrf0)  }
0xea: {  	v14 =	vadd.s32 v15, v14;
	(v2sf) =	vpush v15, $0xF;
	_ =	sdelay $0x3  }
0xeb: {  	s6 =	simm.s32 $0xFFFFFFFF  }
0xec: {  	s9 =	rddreg [dreg:$0x1b];
	s6 =	simm.s32 @!p2 $0x0;
	[tilespmem:v14+s1+$0x0] =	vst.idx.msk vm0, v12  }
0xed: {  	s26 =	simm.s32 $0x10;
	[smem:$0x7F7] =	sst s6;
	s6 =	simm.s32 $0x80;
	[tilespmem:v14+s2+$0x0] =	vst.idx.msk vm0, v13  }
.LBB2_14:
0xee: {  	p2 =	sne.s32 s6, $0xFC0;
	v13 =	vld [tilespmem:s26+$0x0];
	_ =	sdelay $0x4  }
0xef: {  	v13 =	vsub.s32 v13, v2  }
0xf0: {  	vm0 =	vlt.u32 v13, $0x1000  }
0xf1: {  	v14 =	vsel vm0, $0x1, v10  }
0xf2: {  	(xrf0) =	vadd.scan.msk.s32 $0xffff, v14;
	s25 =	spop (v2sf)  }
0xf3: {  	s5 =	sadd.s32 s5, s25  }
0xf4: {  	v14 =	vmov s5  }
0xf5: {  	v14 =	vadd.s32 $0xFFFFFFFF, v14  }
0xf6: {  	v14 =	vbroadcast v14, $0x0;
	_ =	sdelay $0x1  }
0xf7: {  	v15, _, _ =	vpop (xrf0)  }
0xf8: {  	v14 =	vadd.s32 v15, v14;
	(v2sf) =	vpush v15, $0xF;
	_ =	sdelay $0x1  }
.Ltmp10:
0xf9: {  	(pc) =	sbr.rel @p2 .LBB2_14-.Ltmp10, $4  }
0xfa: {  	s9 =	sadd.s32 $0x10, s9  }
0xfb: {  	v15 =	vor.u32 s9, v4  }
0xfc: {  	[tilespmem:v14+s1+$0x0] =	vst.idx.msk vm0, v15  }
0xfd: {  	s26 =	sshra.s32 s6, $0x2;
	s6 =	sadd.s32 $0x40, s6;
	[tilespmem:v14+s2+$0x0] =	vst.idx.msk vm0, v13  }
0xfe: {  	v13 =	vld [tilespmem:s26+$0x0];
	_ =	sdelay $0x4  }
0xff: {  	v13 =	vsub.s32 v13, v2  }
0x100: {  	vm0 =	vlt.u32 v13, $0x1000  }
0x101: {  	v14 =	vsel vm0, $0x1, v10  }
0x102: {  	(xrf0) =	vadd.scan.msk.s32 $0xffff, v14;
	_ =	sdelay $0x5  }
0x103: {  	v14, _, _ =	vpop (xrf0)  }
0x104: {  	(v2sf) =	vpush v14, $0xF;
	_ =	sdelay $0xd  }
0x105: {  	s6 =	spop (v2sf)  }
0x106: {  	s6 =	sadd.s32 s5, s6;
	s5 =	spop (v2sf)  }
0x107: {  	s25 =	sadd.s32 s6, s5  }
0x108: {  	s26 =	sadd.s32 $0x7F, s25  }
0x109: {  	s31 =	sand.u32 $0x7F, s26  }
0x10a: {  	s24 =	sshra.s32 s26, $0x1F;
	p2 =	slt.s32 s26, $0x1;
	p3 =	sne.s32 s31, $0x0  }
0x10b: {  	s24 =	sshrl.u32 s24, $0x19;
	p2 =	por !p2, !p3  }
0x10c: {  	s24 =	sadd.s32 s24, s26;
	s26 =	simm.s32 $0x1;
	p2 =	por !p2, !p2  }
0x10d: {  	s24 =	sshra.s32 s24, $0x7;
	s26 =	simm.s32 @!p2 $0x0  }
0x10e: {  	s31 =	ssub.s32 s24, s26  }
0x10f: {  	s26 =	sshll.u32 s31, $0x7  }
0x110: {  	s25 =	ssub.s32 s26, s25  }
0x111: {  	[smem:$0x7F5] =	sst s24;
	s24 =	sadd.s32 $0xF, s25  }
0x112: {  	s25 =	sand.u32 $0xF, s24  }
0x113: {  	v15 =	vmov s6;
	p4 =	slt.s32 s24, $0x1;
	p6 =	sne.s32 s25, $0x0;
	s25 =	sshra.s32 s24, $0x1F  }
0x114: {  	v15 =	vadd.s32 $0xFFFFFFFF, v15;
	s25 =	sshrl.u32 s25, $0x1C;
	p3 =	por !p4, !p6  }
0x115: {  	v15 =	vbroadcast v15, $0x0;
	s24 =	sadd.s32 s25, s24;
	p3 =	por !p3, !p3;
	s25 =	simm.s32 $0x1  }
0x116: {  	s9 =	sadd.s32 $0x10, s9;
	s24 =	sshra.s32 s24, $0x4;
	s25 =	simm.s32 @!p3 $0x0  }
0x117: {  	v14 =	vadd.s32 v14, v15;
	v15 =	vor.u32 s9, v4;
	s9 =	ssub.s32 s24, s25  }
0x118: {  	p3 =	slt.s32 s9, $0x1  }
.Ltmp11:
0x119: {  	_ = 	snop;
	(pc) =	sbr.rel @p3 .LBB2_19-.Ltmp11, $3  }
0x11a: {  	_ =	sdelay $0x1  }
0x11b: {  	[tilespmem:v14+s1+$0x0] =	vst.idx.msk vm0, v15  }
0x11c: {  	[tilespmem:v14+s2+$0x0] =	vst.idx.msk vm0, v13  }
0x11d: {  	s6 =	sadd.s32 s6, s5  }
0x11e: {  	v14 =	vmov s26;
	p3 =	sne.s32 s9, $0x1;
	v13 =	vadd.s32 s6, v4  }
.Ltmp12:
0x11f: {  	vm0 =	vlt.s32 v13, v14;
	(pc) =	sbr.rel @!p3 .LBB2_18-.Ltmp12, $2  }
0x120: {  	vm1 =	vmmov vm0;
	_ =	sdelay $0x2  }
0x121: {  	s5 =	sadd.s32 $0xFFFFFFFF, s9;
	s6 =	sadd.s32 $0x10, s6  }
.LBB2_17:
0x122: {  	v15 =	vadd.s32 s6, v4;
	p3 =	sne.s32 s5, $0x1  }
.Ltmp13:
0x123: {  	s5 =	sadd.s32 $0xFFFFFFFF, s5;
	[tilespmem:v13+s1+$0x0] =	vst.idx.msk vm0, v9;
	vm0 =	vlt.s32 v15, v14;
	(pc) =	sbr.rel @p3 .LBB2_17-.Ltmp13, $2  }
0x124: {  	[tilespmem:v13+s2+$0x0] =	vst.idx.msk vm1, v11;
	v13 =	vmov v15;
	vm1 =	vmmov vm0;
	_ =	sdelay $0x2  }
0x125: {  	s6 =	sadd.s32 $0x10, s6  }
.LBB2_18:
0x126: {  	_ =	sdelay $0x4  }
0x127: {  	[tilespmem:v13+s1+$0x0] =	vst.idx.msk vm0, v9  }
0x128: {  	[tilespmem:v13+s2+$0x0] =	vst.idx.msk vm1, v11  }
.LBB2_19:
0x129: {  	s5 =	simm.s32 $0x1  }
0x12a: {  	_ =	swait.ge [sflag:s5], $0x1000  }
0x12b: {  	[sflag:s5] =	ssyncset.done $0x0  }
0x12c: {  	[sflag:s5] =	ssyncadd.s32 $0xFFFFF000  }
0x12d: {  	s5 =	simm.s32 @!p0 $0x5;
	[bflag:$0x0] =	sbarrier.arrive $0xFFFF  }
0x12e: {  	_ =	swait.ge @!p0 [sflag:s5], $0x4000  }
0x12f: {  	s6 =	simm.s32 @!p0 $0x2400;
	[sflag:s5] =	ssyncset.done @!p0 $0x0  }
0x130: {  	s9 =	simm.s32 @!p0 $0x4400;
	[sflag:s5] =	ssyncadd.s32 @!p0 $0xFFFFC000;
	s5 =	simm.s32 @!p0 $0x80  }
0x131: {  	[spmem:s17] =	stream.indirect.scatter.add.f32 @!p0 [tilespmem:s9], [sflag:$0x8], $0x80, s6, s5, $0xb8;
	[tilespmem:$0x1C480] =	vst v63  }
0x132: {  	s5 =	simm.s32 @!p0 $0x8  }
0x133: {  	_ =	swait.ge @!p0 [sflag:s5], $0x4000  }
0x134: {  	s6 =	sld [smem:$0x7FB];
	_ =	sdelay $0x2  }
0x135: {  	p3 =	seq.s32 @!p0 s6, $0x1  }
0x136: {  	p3 =	por p0, p3  }
.Ltmp14:
0x137: {  	_ = 	snop;
	(pc) =	sbr.rel @p3 .LBB2_23-.Ltmp14, $3  }
0x138: {  	_ =	sdelay $0x1  }
0x139: {  	[sflag:s5] =	ssyncset.done @!p0 $0x0  }
0x13a: {  	[sflag:s5] =	ssyncadd.s32 @!p0 $0xFFFFC000  }
0x13b: {  	s5 =	simm.s32 $0x480  }
0x13c: {  	[tilespmem:s23], [sflag:$0x7] =	stream.indirect.gather [hbm4b:s13+s20], $0x80, s5, s20, $0xb8;
	[tilespmem:$0x1C480] =	vst v63  }
0x13d: {  	_ =	swait.ge [sflag:s22], $0x4000  }
0x13e: {  	s6 =	sld [smem:$0x7FA]  }
0x13f: {  	s9 =	sld [smem:$0x7F9];
	_ =	sdelay $0x2  }
0x140: {  	s6 =	sadd.s32 s9, s6  }
0x141: {  	s9 =	sadd.s32 $0xFFFFFFFF, s6  }
0x142: {  	p0 =	sne.s32 s9, $0x1  }
.Ltmp15:
0x143: {  	[sflag:s22] =	ssyncset.done $0x0;
	(pc) =	sbr.rel @!p0 .LBB2_22-.Ltmp15, $4  }
0x144: {  	[sflag:s22] =	ssyncadd.s32 $0xFFFFC000;
	s6 =	simm.s32 $0x2480  }
0x145: {  	[spmem:s17] =	stream.indirect.scatter.add.f32 [tilespmem:s23], [sflag:$0x8], $0x80, s6, s20, $0xb8;
	[tilespmem:$0x1C480] =	vst v63  }
0x146: {  	_ =	swait.ge [sflag:s28], $0x4000  }
0x147: {  	s9 =	sadd.s32 $0xFFFFFFFF, s9;
	[sflag:s28] =	ssyncset.done $0x0  }
.LBB2_21:
0x148: {  	[sflag:s28] =	ssyncadd.s32 $0xFFFFC000;
	s5 =	sadd.s32 $0x80, s5;
	s6 =	sadd.s32 $0x80, s6  }
0x149: {  	[tilespmem:s23], [sflag:$0x7] =	stream.indirect.gather [hbm4b:s13+s20], $0x80, s5, s20, $0xb8;
	[tilespmem:$0x1C480] =	vst v63  }
0x14a: {  	p0 =	sne.s32 s9, $0x1;
	s9 =	sadd.s32 $0xFFFFFFFF, s9;
	_ =	swait.ge [sflag:s22], $0x4000  }
.Ltmp16:
0x14b: {  	[sflag:s22] =	ssyncset.done $0x0;
	(pc) =	sbr.rel @p0 .LBB2_21-.Ltmp16, $4  }
0x14c: {  	[sflag:s22] =	ssyncadd.s32 $0xFFFFC000  }
0x14d: {  	[spmem:s17] =	stream.indirect.scatter.add.f32 [tilespmem:s23], [sflag:$0x8], $0x80, s6, s20, $0xb8;
	[tilespmem:$0x1C480] =	vst v63  }
0x14e: {  	_ =	swait.ge [sflag:s28], $0x4000  }
0x14f: {  	[sflag:s28] =	ssyncset.done $0x0  }
.LBB2_22:
0x150: {  	[sflag:s28] =	ssyncadd.s32 $0xFFFFC000  }
.LBB2_23:
0x151: {  	[bflag:$0x0] =	sbarrier.arrive $0xFFFF  }
0x152: {  	s5 =	sld [smem:$0x7FD];
	_ =	sdelay $0x1  }
0x153: {  	s25 =	rddreg [dreg:$0xa]  }
0x154: {  	s6 =	rddreg [dreg:$0x1e];
	s9 =	sor.u32 $0x1C03, s5  }
0x155: {  	p0 =	slt.s32 s31, $0x1;
	s26 =	simm.s32 $0x0;
	[smem:$0x7F2] =	sst s9  }
0x156: {  	[hbm:s25], [sflag:s9] =	dma.local [spmem:s6], $0x1000  }
0x157: {  	s5 =	simm.s32 @!p0 $0x80;
	s6 =	simm.s32 @!p0 $0xC00;
	s9 =	simm.s32 @!p0 $0x4400  }
0x158: {  	[tilespmem:s9], [sflag:$0x5] =	stream.indirect.gather @!p0 [hbm4b:s13+s5], $0x80, s6, s5, $0xb8;
	[tilespmem:$0x1C480] =	vst v63  }
0x159: {  	v13 =	vld [tilespmem:s26+$0x0];
	_ =	sdelay $0x4  }
0x15a: {  	v13 =	vsub.s32 v13, v3  }
0x15b: {  	vm0 =	vlt.u32 v13, $0x1000  }
0x15c: {  	v14 =	vsel vm0, $0x1, v10  }
0x15d: {  	(xrf0) =	vadd.scan.msk.s32 $0xffff, v14;
	_ =	sdelay $0x1  }
0x15e: {  	s9 =	simm.s32 $0x0  }
0x15f: {  	v14 =	vmov s9  }
0x160: {  	v14 =	vadd.s32 $0xFFFFFFFF, v14  }
0x161: {  	v14 =	vbroadcast v14, $0x0  }
0x162: {  	v15, _, _ =	vpop (xrf0)  }
0x163: {  	v14 =	vadd.s32 v15, v14;
	(v2sf) =	vpush v15, $0xF;
	_ =	sdelay $0x3  }
0x164: {  	[smem:$0x7F3] =	sst s31;
	s5 =	simm.s32 $0xFFFFFFFF  }
0x165: {  	s31 =	rddreg [dreg:$0x1b];
	s5 =	simm.s32 @!p2 $0x0;
	[tilespmem:v14+s3+$0x0] =	vst.idx.msk vm0, v12  }
0x166: {  	s6 =	simm.s32 $0x80;
	[smem:$0x7F4] =	sst s5;
	s5 =	simm.s32 $0x10;
	[tilespmem:v14+s4+$0x0] =	vst.idx.msk vm0, v13  }
.LBB2_24:
0x167: {  	p2 =	sne.s32 s6, $0xFC0;
	v13 =	vld [tilespmem:s5+$0x0];
	_ =	sdelay $0x4  }
0x168: {  	v13 =	vsub.s32 v13, v3  }
0x169: {  	vm0 =	vlt.u32 v13, $0x1000  }
0x16a: {  	v14 =	vsel vm0, $0x1, v10  }
0x16b: {  	(xrf0) =	vadd.scan.msk.s32 $0xffff, v14;
	s5 =	spop (v2sf)  }
0x16c: {  	s9 =	sadd.s32 s9, s5  }
0x16d: {  	v14 =	vmov s9  }
0x16e: {  	v14 =	vadd.s32 $0xFFFFFFFF, v14  }
0x16f: {  	v14 =	vbroadcast v14, $0x0;
	_ =	sdelay $0x1  }
0x170: {  	v15, _, _ =	vpop (xrf0)  }
0x171: {  	v14 =	vadd.s32 v15, v14;
	(v2sf) =	vpush v15, $0xF;
	_ =	sdelay $0x1  }
.Ltmp17:
0x172: {  	(pc) =	sbr.rel @p2 .LBB2_24-.Ltmp17, $4  }
0x173: {  	s31 =	sadd.s32 $0x10, s31  }
0x174: {  	v15 =	vor.u32 s31, v4  }
0x175: {  	[tilespmem:v14+s3+$0x0] =	vst.idx.msk vm0, v15  }
0x176: {  	s5 =	sshra.s32 s6, $0x2;
	s6 =	sadd.s32 $0x40, s6;
	[tilespmem:v14+s4+$0x0] =	vst.idx.msk vm0, v13  }
0x177: {  	v13 =	vld [tilespmem:s5+$0x0];
	_ =	sdelay $0x4  }
0x178: {  	v13 =	vsub.s32 v13, v3  }
0x179: {  	vm0 =	vlt.u32 v13, $0x1000  }
0x17a: {  	v14 =	vsel vm0, $0x1, v10  }
0x17b: {  	(xrf0) =	vadd.scan.msk.s32 $0xffff, v14;
	_ =	sdelay $0x5  }
0x17c: {  	v14, _, _ =	vpop (xrf0)  }
0x17d: {  	(v2sf) =	vpush v14, $0xF;
	_ =	sdelay $0xd  }
0x17e: {  	s24 =	spop (v2sf)  }
0x17f: {  	s6 =	sadd.s32 s9, s24;
	s5 =	spop (v2sf)  }
0x180: {  	s9 =	sadd.s32 s6, s5  }
0x181: {  	s24 =	sadd.s32 $0x7F, s9  }
0x182: {  	s26 =	sand.u32 $0x7F, s24  }
0x183: {  	s25 =	sshra.s32 s24, $0x1F;
	p2 =	slt.s32 s24, $0x1;
	p3 =	sne.s32 s26, $0x0  }
0x184: {  	s25 =	sshrl.u32 s25, $0x19;
	p2 =	por !p2, !p3  }
0x185: {  	s24 =	sadd.s32 s25, s24;
	s25 =	simm.s32 $0x1;
	p2 =	por !p2, !p2  }
0x186: {  	s24 =	sshra.s32 s24, $0x7;
	s25 =	simm.s32 @!p2 $0x0  }
0x187: {  	[smem:$0x7F0] =	sst s24;
	s24 =	ssub.s32 s24, s25  }
0x188: {  	s26 =	sshll.u32 s24, $0x7  }
0x189: {  	s9 =	ssub.s32 s26, s9  }
0x18a: {  	s9 =	sadd.s32 $0xF, s9  }
0x18b: {  	s25 =	sand.u32 $0xF, s9  }
0x18c: {  	v15 =	vmov s6;
	p4 =	slt.s32 s9, $0x1;
	p6 =	sne.s32 s25, $0x0;
	s25 =	sshra.s32 s9, $0x1F  }
0x18d: {  	v15 =	vadd.s32 $0xFFFFFFFF, v15;
	[smem:$0x7F1] =	sst s24;
	s24 =	sshrl.u32 s25, $0x1C;
	p3 =	por !p4, !p6  }
0x18e: {  	v15 =	vbroadcast v15, $0x0;
	s9 =	sadd.s32 s24, s9;
	p3 =	por !p3, !p3;
	s24 =	simm.s32 $0x1  }
0x18f: {  	s9 =	sshra.s32 s9, $0x4;
	s24 =	simm.s32 @!p3 $0x0  }
0x190: {  	v14 =	vadd.s32 v14, v15;
	s9 =	ssub.s32 s9, s24  }
0x191: {  	p3 =	slt.s32 s9, $0x1  }
.Ltmp18:
0x192: {  	_ = 	snop;
	(pc) =	sbr.rel @p3 .LBB2_29-.Ltmp18, $4  }
0x193: {  	s31 =	sadd.s32 $0x10, s31  }
0x194: {  	v15 =	vor.u32 s31, v4  }
0x195: {  	[tilespmem:v14+s3+$0x0] =	vst.idx.msk vm0, v15  }
0x196: {  	[tilespmem:v14+s4+$0x0] =	vst.idx.msk vm0, v13;
	s24 =	sld [smem:$0x7F6]  }
0x197: {  	s6 =	sadd.s32 s6, s5  }
0x198: {  	v14 =	vmov s26;
	p3 =	sne.s32 s9, $0x1;
	v13 =	vadd.s32 s6, v4  }
.Ltmp19:
0x199: {  	vm0 =	vlt.s32 v13, v14;
	(pc) =	sbr.rel @!p3 .LBB2_28-.Ltmp19, $2  }
0x19a: {  	vm1 =	vmmov vm0;
	_ =	sdelay $0x2  }
0x19b: {  	s5 =	sadd.s32 $0xFFFFFFFF, s9;
	s6 =	sadd.s32 $0x10, s6  }
.LBB2_27:
0x19c: {  	v15 =	vadd.s32 s6, v4;
	p3 =	sne.s32 s5, $0x1  }
.Ltmp20:
0x19d: {  	s5 =	sadd.s32 $0xFFFFFFFF, s5;
	[tilespmem:v13+s3+$0x0] =	vst.idx.msk vm0, v9;
	vm0 =	vlt.s32 v15, v14;
	(pc) =	sbr.rel @p3 .LBB2_27-.Ltmp20, $2  }
0x19e: {  	[tilespmem:v13+s4+$0x0] =	vst.idx.msk vm1, v11;
	v13 =	vmov v15;
	vm1 =	vmmov vm0;
	_ =	sdelay $0x2  }
0x19f: {  	s6 =	sadd.s32 $0x10, s6  }
.LBB2_28:
0x1a0: {  	_ =	sdelay $0x4  }
0x1a1: {  	[tilespmem:v13+s3+$0x0] =	vst.idx.msk vm0, v9  }
0x1a2: {  	[tilespmem:v13+s4+$0x0] =	vst.idx.msk vm1, v11  }
.LBB2_29:
0x1a3: {  	s5 =	simm.s32 $0x2  }
0x1a4: {  	_ =	swait.ge [sflag:s5], $0x1000  }
0x1a5: {  	[sflag:s5] =	ssyncset.done $0x0  }
0x1a6: {  	[sflag:s5] =	ssyncadd.s32 $0xFFFFF000  }
0x1a7: {  	s5 =	simm.s32 @!p1 $0x6;
	[bflag:$0x0] =	sbarrier.arrive $0xFFFF  }
0x1a8: {  	s6 =	simm.s32 @!p1 $0x2800;
	_ =	swait.ge @!p1 [sflag:s5], $0x4000  }
0x1a9: {  	s9 =	simm.s32 @!p1 $0x8400;
	p3 =	seq.s32 @!p1 s24, $0x1;
	[sflag:s5] =	ssyncset.done @!p1 $0x0  }
0x1aa: {  	p3 =	por p1, p3;
	[sflag:s5] =	ssyncadd.s32 @!p1 $0xFFFFC000;
	s5 =	simm.s32 @!p1 $0x80  }
0x1ab: {  	[spmem:s18] =	stream.indirect.scatter.add.f32 @!p1 [tilespmem:s9], [sflag:$0x8], $0x80, s6, s5, $0xb8;
	[tilespmem:$0x1C480] =	vst v63  }
.Ltmp21:
0x1ac: {  	_ = 	snop;
	(pc) =	sbr.rel @p3 .LBB2_33-.Ltmp21, $4  }
0x1ad: {  	s5 =	simm.s32 @!p1 $0x8  }
0x1ae: {  	_ =	swait.ge @!p1 [sflag:s5], $0x4000  }
0x1af: {  	[sflag:s5] =	ssyncset.done @!p1 $0x0  }
0x1b0: {  	[sflag:s5] =	ssyncadd.s32 @!p1 $0xFFFFC000  }
0x1b1: {  	s5 =	simm.s32 $0x880  }
0x1b2: {  	[tilespmem:s21], [sflag:$0x7] =	stream.indirect.gather [hbm4b:s13+s20], $0x80, s5, s20, $0xb8;
	[tilespmem:$0x1C480] =	vst v63  }
0x1b3: {  	_ =	swait.ge [sflag:s22], $0x4000  }
0x1b4: {  	s6 =	sld [smem:$0x7F8]  }
0x1b5: {  	s9 =	sld [smem:$0x7F7];
	_ =	sdelay $0x2  }
0x1b6: {  	s6 =	sadd.s32 s9, s6  }
0x1b7: {  	s9 =	sadd.s32 $0xFFFFFFFF, s6  }
0x1b8: {  	p1 =	sne.s32 s9, $0x1  }
.Ltmp22:
0x1b9: {  	[sflag:s22] =	ssyncset.done $0x0;
	(pc) =	sbr.rel @!p1 .LBB2_32-.Ltmp22, $4  }
0x1ba: {  	[sflag:s22] =	ssyncadd.s32 $0xFFFFC000;
	s6 =	simm.s32 $0x2880  }
0x1bb: {  	[spmem:s18] =	stream.indirect.scatter.add.f32 [tilespmem:s21], [sflag:$0x8], $0x80, s6, s20, $0xb8;
	[tilespmem:$0x1C480] =	vst v63  }
0x1bc: {  	_ =	swait.ge [sflag:s28], $0x4000  }
0x1bd: {  	s9 =	sadd.s32 $0xFFFFFFFF, s9;
	[sflag:s28] =	ssyncset.done $0x0  }
.LBB2_31:
0x1be: {  	[sflag:s28] =	ssyncadd.s32 $0xFFFFC000;
	s5 =	sadd.s32 $0x80, s5;
	s6 =	sadd.s32 $0x80, s6  }
0x1bf: {  	[tilespmem:s21], [sflag:$0x7] =	stream.indirect.gather [hbm4b:s13+s20], $0x80, s5, s20, $0xb8;
	[tilespmem:$0x1C480] =	vst v63  }
0x1c0: {  	p1 =	sne.s32 s9, $0x1;
	s9 =	sadd.s32 $0xFFFFFFFF, s9;
	_ =	swait.ge [sflag:s22], $0x4000  }
.Ltmp23:
0x1c1: {  	[sflag:s22] =	ssyncset.done $0x0;
	(pc) =	sbr.rel @p1 .LBB2_31-.Ltmp23, $4  }
0x1c2: {  	[sflag:s22] =	ssyncadd.s32 $0xFFFFC000  }
0x1c3: {  	[spmem:s18] =	stream.indirect.scatter.add.f32 [tilespmem:s21], [sflag:$0x8], $0x80, s6, s20, $0xb8;
	[tilespmem:$0x1C480] =	vst v63  }
0x1c4: {  	_ =	swait.ge [sflag:s28], $0x4000  }
0x1c5: {  	[sflag:s28] =	ssyncset.done $0x0  }
.LBB2_32:
0x1c6: {  	[sflag:s28] =	ssyncadd.s32 $0xFFFFC000  }
.LBB2_33:
0x1c7: {  	[bflag:$0x0] =	sbarrier.arrive $0xFFFF;
	s5 =	simm.s32 $0x3  }
0x1c8: {  	_ =	swait.ge [sflag:s5], $0x1000  }
0x1c9: {  	s9 =	sld [smem:$0x7FC]  }
0x1ca: {  	[sflag:s5] =	ssyncset.done $0x0;
	s26 =	rddreg [dreg:$0xb]  }
0x1cb: {  	s6 =	rddreg [dreg:$0x1e];
	[sflag:s5] =	ssyncadd.s32 $0xFFFFF000  }
0x1cc: {  	[spmem:s6], [sflag:s9] =	dma.local [hbm:s26], $0x1000  }
0x1cd: {  	s5 =	sld [smem:$0x7FD];
	_ =	sdelay $0x1  }
0x1ce: {  	s25 =	rddreg [dreg:$0xc]  }
0x1cf: {  	s6 =	rddreg [dreg:$0x1d];
	s24 =	sor.u32 $0x1C04, s5  }
0x1d0: {  	[smem:$0x7EE] =	sst s24  }
0x1d1: {  	[hbm:s25], [sflag:s24] =	dma.local [spmem:s6], $0x1000  }
0x1d2: {  	s5 =	sld [smem:$0x7F1];
	_ =	sdelay $0x2  }
0x1d3: {  	s26 =	simm.s32 $0x0;
	p1 =	slt.s32 s5, $0x1  }
0x1d4: {  	s5 =	simm.s32 @!p1 $0x80;
	s6 =	simm.s32 @!p1 $0x1000;
	s9 =	simm.s32 @!p1 $0x8400  }
0x1d5: {  	[tilespmem:s9], [sflag:$0x6] =	stream.indirect.gather @!p1 [hbm4b:s13+s5], $0x80, s6, s5, $0xb8;
	[tilespmem:$0x1C480] =	vst v63  }
0x1d6: {  	v13 =	vld [tilespmem:s26+$0x0];
	_ =	sdelay $0x4  }
0x1d7: {  	v13 =	vsub.s32 v13, v5  }
0x1d8: {  	vm0 =	vlt.u32 v13, $0x1000  }
0x1d9: {  	v14 =	vsel vm0, $0x1, v10  }
0x1da: {  	(xrf0) =	vadd.scan.msk.s32 $0xffff, v14;
	_ =	sdelay $0x1  }
0x1db: {  	s24 =	simm.s32 $0x0  }
0x1dc: {  	v14 =	vmov s24  }
0x1dd: {  	v14 =	vadd.s32 $0xFFFFFFFF, v14  }
0x1de: {  	v14 =	vbroadcast v14, $0x0  }
0x1df: {  	v15, _, _ =	vpop (xrf0)  }
0x1e0: {  	v14 =	vadd.s32 v15, v14;
	(v2sf) =	vpush v15, $0xF;
	_ =	sdelay $0x3  }
0x1e1: {  	s5 =	simm.s32 $0xFFFFFFFF  }
0x1e2: {  	s6 =	rddreg [dreg:$0x1b];
	s5 =	simm.s32 @!p2 $0x0;
	[tilespmem:v14+s7+$0x0] =	vst.idx.msk vm0, v12  }
0x1e3: {  	s31 =	simm.s32 $0x80;
	[smem:$0x7EF] =	sst s5;
	s5 =	simm.s32 $0x10;
	[tilespmem:v14+s8+$0x0] =	vst.idx.msk vm0, v13  }
.LBB2_34:
0x1e4: {  	p2 =	sne.s32 s31, $0xFC0;
	v13 =	vld [tilespmem:s5+$0x0];
	_ =	sdelay $0x4  }
0x1e5: {  	v13 =	vsub.s32 v13, v5  }
0x1e6: {  	vm0 =	vlt.u32 v13, $0x1000  }
0x1e7: {  	v14 =	vsel vm0, $0x1, v10  }
0x1e8: {  	(xrf0) =	vadd.scan.msk.s32 $0xffff, v14;
	s5 =	spop (v2sf)  }
0x1e9: {  	s24 =	sadd.s32 s24, s5  }
0x1ea: {  	v14 =	vmov s24  }
0x1eb: {  	v14 =	vadd.s32 $0xFFFFFFFF, v14  }
0x1ec: {  	v14 =	vbroadcast v14, $0x0;
	_ =	sdelay $0x1  }
0x1ed: {  	v15, _, _ =	vpop (xrf0)  }
0x1ee: {  	v14 =	vadd.s32 v15, v14;
	(v2sf) =	vpush v15, $0xF;
	_ =	sdelay $0x1  }
.Ltmp24:
0x1ef: {  	(pc) =	sbr.rel @p2 .LBB2_34-.Ltmp24, $4  }
0x1f0: {  	s6 =	sadd.s32 $0x10, s6  }
0x1f1: {  	v15 =	vor.u32 s6, v4  }
0x1f2: {  	[tilespmem:v14+s7+$0x0] =	vst.idx.msk vm0, v15  }
0x1f3: {  	s5 =	sshra.s32 s31, $0x2;
	s31 =	sadd.s32 $0x40, s31;
	[tilespmem:v14+s8+$0x0] =	vst.idx.msk vm0, v13  }
0x1f4: {  	v13 =	vld [tilespmem:s5+$0x0];
	_ =	sdelay $0x4  }
0x1f5: {  	v13 =	vsub.s32 v13, v5  }
0x1f6: {  	vm0 =	vlt.u32 v13, $0x1000  }
0x1f7: {  	v14 =	vsel vm0, $0x1, v10  }
0x1f8: {  	(xrf0) =	vadd.scan.msk.s32 $0xffff, v14;
	_ =	sdelay $0x5  }
0x1f9: {  	v14, _, _ =	vpop (xrf0)  }
0x1fa: {  	(v2sf) =	vpush v14, $0xF;
	_ =	sdelay $0xd  }
0x1fb: {  	s25 =	spop (v2sf)  }
0x1fc: {  	s31 =	sadd.s32 s24, s25;
	s5 =	spop (v2sf)  }
0x1fd: {  	s25 =	sadd.s32 s31, s5  }
0x1fe: {  	s9 =	sadd.s32 $0x7F, s25  }
0x1ff: {  	s24 =	sand.u32 $0x7F, s9  }
0x200: {  	s26 =	sshra.s32 s9, $0x1F;
	p2 =	slt.s32 s9, $0x1;
	p3 =	sne.s32 s24, $0x0  }
0x201: {  	s26 =	sshrl.u32 s26, $0x19;
	p2 =	por !p2, !p3  }
0x202: {  	s24 =	simm.s32 $0x1;
	s9 =	sadd.s32 s26, s9;
	p2 =	por !p2, !p2  }
0x203: {  	s9 =	sshra.s32 s9, $0x7;
	s24 =	simm.s32 @!p2 $0x0  }
0x204: {  	s24 =	ssub.s32 s9, s24  }
0x205: {  	[smem:$0x7ED] =	sst s9;
	s9 =	sshll.u32 s24, $0x7  }
0x206: {  	s25 =	ssub.s32 s9, s25  }
0x207: {  	s25 =	sadd.s32 $0xF, s25  }
0x208: {  	s26 =	sand.u32 $0xF, s25  }
0x209: {  	v15 =	vmov s31;
	p4 =	slt.s32 s25, $0x1;
	p6 =	sne.s32 s26, $0x0;
	s26 =	sshra.s32 s25, $0x1F  }
0x20a: {  	v15 =	vadd.s32 $0xFFFFFFFF, v15;
	s26 =	sshrl.u32 s26, $0x1C;
	p3 =	por !p4, !p6  }
0x20b: {  	v15 =	vbroadcast v15, $0x0;
	s25 =	sadd.s32 s26, s25;
	p3 =	por !p3, !p3;
	s26 =	simm.s32 $0x1  }
0x20c: {  	s6 =	sadd.s32 $0x10, s6;
	s25 =	sshra.s32 s25, $0x4;
	s26 =	simm.s32 @!p3 $0x0  }
0x20d: {  	v14 =	vadd.s32 v14, v15;
	v15 =	vor.u32 s6, v4;
	s6 =	ssub.s32 s25, s26  }
0x20e: {  	p3 =	slt.s32 s6, $0x1  }
.Ltmp25:
0x20f: {  	_ = 	snop;
	(pc) =	sbr.rel @p3 .LBB2_39-.Ltmp25, $3  }
0x210: {  	_ =	sdelay $0x1  }
0x211: {  	[tilespmem:v14+s7+$0x0] =	vst.idx.msk vm0, v15  }
0x212: {  	[tilespmem:v14+s8+$0x0] =	vst.idx.msk vm0, v13  }
0x213: {  	s25 =	sadd.s32 s31, s5  }
0x214: {  	v14 =	vmov s9;
	p3 =	sne.s32 s6, $0x1;
	v13 =	vadd.s32 s25, v4  }
.Ltmp26:
0x215: {  	vm0 =	vlt.s32 v13, v14;
	(pc) =	sbr.rel @!p3 .LBB2_38-.Ltmp26, $2  }
0x216: {  	vm1 =	vmmov vm0;
	_ =	sdelay $0x2  }
0x217: {  	s5 =	sadd.s32 $0xFFFFFFFF, s6;
	s6 =	sadd.s32 $0x10, s25  }
.LBB2_37:
0x218: {  	v15 =	vadd.s32 s6, v4;
	p3 =	sne.s32 s5, $0x1  }
.Ltmp27:
0x219: {  	s5 =	sadd.s32 $0xFFFFFFFF, s5;
	[tilespmem:v13+s7+$0x0] =	vst.idx.msk vm0, v9;
	vm0 =	vlt.s32 v15, v14;
	(pc) =	sbr.rel @p3 .LBB2_37-.Ltmp27, $2  }
0x21a: {  	[tilespmem:v13+s8+$0x0] =	vst.idx.msk vm1, v11;
	v13 =	vmov v15;
	vm1 =	vmmov vm0;
	_ =	sdelay $0x2  }
0x21b: {  	s6 =	sadd.s32 $0x10, s6  }
.LBB2_38:
0x21c: {  	_ =	sdelay $0x4  }
0x21d: {  	[tilespmem:v13+s7+$0x0] =	vst.idx.msk vm0, v9  }
0x21e: {  	[tilespmem:v13+s8+$0x0] =	vst.idx.msk vm1, v11  }
.LBB2_39:
0x21f: {  	s5 =	simm.s32 $0x1  }
0x220: {  	_ =	swait.ge [sflag:s5], $0x1000  }
0x221: {  	[sflag:s5] =	ssyncset.done $0x0  }
0x222: {  	[sflag:s5] =	ssyncadd.s32 $0xFFFFF000  }
0x223: {  	s5 =	simm.s32 @!p0 $0x5;
	[bflag:$0x0] =	sbarrier.arrive $0xFFFF  }
0x224: {  	_ =	swait.ge @!p0 [sflag:s5], $0x4000  }
0x225: {  	s6 =	simm.s32 @!p0 $0x2C00;
	[sflag:s5] =	ssyncset.done @!p0 $0x0  }
0x226: {  	s9 =	simm.s32 @!p0 $0x4400;
	[sflag:s5] =	ssyncadd.s32 @!p0 $0xFFFFC000;
	s5 =	simm.s32 @!p0 $0x80  }
0x227: {  	[spmem:s17] =	stream.indirect.scatter.add.f32 @!p0 [tilespmem:s9], [sflag:$0x8], $0x80, s6, s5, $0xb8;
	[tilespmem:$0x1C480] =	vst v63  }
0x228: {  	s5 =	simm.s32 @!p0 $0x8  }
0x229: {  	_ =	swait.ge @!p0 [sflag:s5], $0x4000  }
0x22a: {  	s6 =	sld [smem:$0x7F3];
	_ =	sdelay $0x2  }
0x22b: {  	p3 =	seq.s32 @!p0 s6, $0x1  }
0x22c: {  	p3 =	por p0, p3  }
.Ltmp28:
0x22d: {  	_ = 	snop;
	(pc) =	sbr.rel @p3 .LBB2_43-.Ltmp28, $3  }
0x22e: {  	_ =	sdelay $0x1  }
0x22f: {  	[sflag:s5] =	ssyncset.done @!p0 $0x0  }
0x230: {  	[sflag:s5] =	ssyncadd.s32 @!p0 $0xFFFFC000  }
0x231: {  	s5 =	simm.s32 $0xC80  }
0x232: {  	[tilespmem:s23], [sflag:$0x7] =	stream.indirect.gather [hbm4b:s13+s20], $0x80, s5, s20, $0xb8;
	[tilespmem:$0x1C480] =	vst v63  }
0x233: {  	_ =	swait.ge [sflag:s22], $0x4000  }
0x234: {  	s6 =	sld [smem:$0x7F5]  }
0x235: {  	s9 =	sld [smem:$0x7F4];
	_ =	sdelay $0x2  }
0x236: {  	s6 =	sadd.s32 s9, s6  }
0x237: {  	s9 =	sadd.s32 $0xFFFFFFFF, s6  }
0x238: {  	p0 =	sne.s32 s9, $0x1  }
.Ltmp29:
0x239: {  	[sflag:s22] =	ssyncset.done $0x0;
	(pc) =	sbr.rel @!p0 .LBB2_42-.Ltmp29, $4  }
0x23a: {  	[sflag:s22] =	ssyncadd.s32 $0xFFFFC000;
	s6 =	simm.s32 $0x2C80  }
0x23b: {  	[spmem:s17] =	stream.indirect.scatter.add.f32 [tilespmem:s23], [sflag:$0x8], $0x80, s6, s20, $0xb8;
	[tilespmem:$0x1C480] =	vst v63  }
0x23c: {  	_ =	swait.ge [sflag:s28], $0x4000  }
0x23d: {  	s9 =	sadd.s32 $0xFFFFFFFF, s9;
	[sflag:s28] =	ssyncset.done $0x0  }
.LBB2_41:
0x23e: {  	[sflag:s28] =	ssyncadd.s32 $0xFFFFC000;
	s5 =	sadd.s32 $0x80, s5;
	s6 =	sadd.s32 $0x80, s6  }
0x23f: {  	[tilespmem:s23], [sflag:$0x7] =	stream.indirect.gather [hbm4b:s13+s20], $0x80, s5, s20, $0xb8;
	[tilespmem:$0x1C480] =	vst v63  }
0x240: {  	p0 =	sne.s32 s9, $0x1;
	s9 =	sadd.s32 $0xFFFFFFFF, s9;
	_ =	swait.ge [sflag:s22], $0x4000  }
.Ltmp30:
0x241: {  	[sflag:s22] =	ssyncset.done $0x0;
	(pc) =	sbr.rel @p0 .LBB2_41-.Ltmp30, $4  }
0x242: {  	[sflag:s22] =	ssyncadd.s32 $0xFFFFC000  }
0x243: {  	[spmem:s17] =	stream.indirect.scatter.add.f32 [tilespmem:s23], [sflag:$0x8], $0x80, s6, s20, $0xb8;
	[tilespmem:$0x1C480] =	vst v63  }
0x244: {  	_ =	swait.ge [sflag:s28], $0x4000  }
0x245: {  	[sflag:s28] =	ssyncset.done $0x0  }
.LBB2_42:
0x246: {  	[sflag:s28] =	ssyncadd.s32 $0xFFFFC000  }
.LBB2_43:
0x247: {  	[bflag:$0x0] =	sbarrier.arrive $0xFFFF;
	s5 =	simm.s32 $0x4  }
0x248: {  	_ =	swait.ge [sflag:s5], $0x1000  }
0x249: {  	s25 =	rddreg [dreg:$0xd]  }
0x24a: {  	[sflag:s5] =	ssyncset.done $0x0;
	s6 =	rddreg [dreg:$0x1d]  }
0x24b: {  	s9 =	rddreg [dreg:$0x1f];
	[sflag:s5] =	ssyncadd.s32 $0xFFFFF000  }
0x24c: {  	[spmem:s6], [sflag:s9] =	dma.local [hbm:s25], $0x1000  }
0x24d: {  	s9 =	sld [smem:$0x7F2]  }
0x24e: {  	s5 =	rddreg [dreg:$0xe]  }
0x24f: {  	p0 =	slt.s32 s24, $0x1;
	s26 =	simm.s32 $0x0;
	s6 =	rddreg [dreg:$0x1e]  }
0x250: {  	[hbm:s5], [sflag:s9] =	dma.local [spmem:s6], $0x1000  }
0x251: {  	s5 =	simm.s32 @!p0 $0x80;
	s6 =	simm.s32 @!p0 $0x1400;
	s9 =	simm.s32 @!p0 $0x4400  }
0x252: {  	[tilespmem:s9], [sflag:$0x5] =	stream.indirect.gather @!p0 [hbm4b:s13+s5], $0x80, s6, s5, $0xb8;
	[tilespmem:$0x1C480] =	vst v63  }
0x253: {  	v13 =	vld [tilespmem:s26+$0x0];
	_ =	sdelay $0x4  }
0x254: {  	v13 =	vsub.s32 v13, v6  }
0x255: {  	vm0 =	vlt.u32 v13, $0x1000  }
0x256: {  	v14 =	vsel vm0, $0x1, v10  }
0x257: {  	(xrf0) =	vadd.scan.msk.s32 $0xffff, v14;
	_ =	sdelay $0x1  }
0x258: {  	s5 =	simm.s32 $0x0  }
0x259: {  	v14 =	vmov s5  }
0x25a: {  	v14 =	vadd.s32 $0xFFFFFFFF, v14  }
0x25b: {  	v14 =	vbroadcast v14, $0x0  }
0x25c: {  	v15, _, _ =	vpop (xrf0)  }
0x25d: {  	v14 =	vadd.s32 v15, v14;
	(v2sf) =	vpush v15, $0xF;
	_ =	sdelay $0x2  }
0x25e: {  	s6 =	simm.s32 $0xFFFFFFFF  }
0x25f: {  	[smem:$0x7EB] =	sst s24;
	s6 =	simm.s32 @!p2 $0x0  }
0x260: {  	[smem:$0x7EC] =	sst s6;
	[tilespmem:v14+s10+$0x0] =	vst.idx.msk vm0, v12  }
0x261: {  	s31 =	simm.s32 $0x80;
	s9 =	simm.s32 $0x10;
	s6 =	rddreg [dreg:$0x1b];
	[tilespmem:v14+s11+$0x0] =	vst.idx.msk vm0, v13  }
.LBB2_44:
0x262: {  	p2 =	sne.s32 s31, $0xFC0;
	v13 =	vld [tilespmem:s9+$0x0];
	_ =	sdelay $0x4  }
0x263: {  	v13 =	vsub.s32 v13, v6  }
0x264: {  	vm0 =	vlt.u32 v13, $0x1000  }
0x265: {  	v14 =	vsel vm0, $0x1, v10  }
0x266: {  	(xrf0) =	vadd.scan.msk.s32 $0xffff, v14;
	s9 =	spop (v2sf)  }
0x267: {  	s5 =	sadd.s32 s5, s9  }
0x268: {  	v14 =	vmov s5  }
0x269: {  	v14 =	vadd.s32 $0xFFFFFFFF, v14  }
0x26a: {  	v14 =	vbroadcast v14, $0x0;
	_ =	sdelay $0x1  }
0x26b: {  	v15, _, _ =	vpop (xrf0)  }
0x26c: {  	v14 =	vadd.s32 v15, v14;
	(v2sf) =	vpush v15, $0xF;
	_ =	sdelay $0x1  }
.Ltmp31:
0x26d: {  	(pc) =	sbr.rel @p2 .LBB2_44-.Ltmp31, $4  }
0x26e: {  	s6 =	sadd.s32 $0x10, s6  }
0x26f: {  	v15 =	vor.u32 s6, v4  }
0x270: {  	[tilespmem:v14+s10+$0x0] =	vst.idx.msk vm0, v15  }
0x271: {  	s9 =	sshra.s32 s31, $0x2;
	s31 =	sadd.s32 $0x40, s31;
	[tilespmem:v14+s11+$0x0] =	vst.idx.msk vm0, v13  }
0x272: {  	v13 =	vld [tilespmem:s9+$0x0];
	_ =	sdelay $0x4  }
0x273: {  	v13 =	vsub.s32 v13, v6  }
0x274: {  	vm0 =	vlt.u32 v13, $0x1000  }
0x275: {  	v14 =	vsel vm0, $0x1, v10  }
0x276: {  	(xrf0) =	vadd.scan.msk.s32 $0xffff, v14;
	_ =	sdelay $0x5  }
0x277: {  	v14, _, _ =	vpop (xrf0)  }
0x278: {  	(v2sf) =	vpush v14, $0xF;
	_ =	sdelay $0xd  }
0x279: {  	s24 =	spop (v2sf)  }
0x27a: {  	s31 =	sadd.s32 s5, s24;
	s5 =	spop (v2sf)  }
0x27b: {  	s26 =	sadd.s32 s31, s5  }
0x27c: {  	s9 =	sadd.s32 $0x7F, s26  }
0x27d: {  	s24 =	sand.u32 $0x7F, s9  }
0x27e: {  	s25 =	sshra.s32 s9, $0x1F;
	p2 =	slt.s32 s9, $0x1;
	p3 =	sne.s32 s24, $0x0  }
0x27f: {  	s25 =	sshrl.u32 s25, $0x19;
	p2 =	por !p2, !p3  }
0x280: {  	s24 =	simm.s32 $0x1;
	s9 =	sadd.s32 s25, s9;
	p2 =	por !p2, !p2  }
0x281: {  	s9 =	sshra.s32 s9, $0x7;
	s24 =	simm.s32 @!p2 $0x0  }
0x282: {  	[smem:$0x7E9] =	sst s9;
	s9 =	ssub.s32 s9, s24  }
0x283: {  	[smem:$0x7EA] =	sst s9;
	s9 =	sshll.u32 s9, $0x7  }
0x284: {  	s25 =	ssub.s32 s9, s26  }
0x285: {  	s24 =	sadd.s32 $0xF, s25  }
0x286: {  	s26 =	sand.u32 $0xF, s24  }
0x287: {  	v15 =	vmov s31;
	p4 =	slt.s32 s24, $0x1;
	p6 =	sne.s32 s26, $0x0;
	s26 =	sshra.s32 s24, $0x1F  }
0x288: {  	v15 =	vadd.s32 $0xFFFFFFFF, v15;
	s25 =	sshrl.u32 s26, $0x1C;
	p3 =	por !p4, !p6  }
0x289: {  	v15 =	vbroadcast v15, $0x0;
	s24 =	sadd.s32 s25, s24;
	p3 =	por !p3, !p3;
	s25 =	simm.s32 $0x1  }
0x28a: {  	s6 =	sadd.s32 $0x10, s6;
	s24 =	sshra.s32 s24, $0x4;
	s25 =	simm.s32 @!p3 $0x0  }
0x28b: {  	v14 =	vadd.s32 v14, v15;
	v15 =	vor.u32 s6, v4;
	s6 =	ssub.s32 s24, s25  }
0x28c: {  	p3 =	slt.s32 s6, $0x1  }
.Ltmp32:
0x28d: {  	_ = 	snop;
	(pc) =	sbr.rel @p3 .LBB2_49-.Ltmp32, $3  }
0x28e: {  	_ =	sdelay $0x1  }
0x28f: {  	[tilespmem:v14+s10+$0x0] =	vst.idx.msk vm0, v15  }
0x290: {  	[tilespmem:v14+s11+$0x0] =	vst.idx.msk vm0, v13  }
0x291: {  	s24 =	sadd.s32 s31, s5  }
0x292: {  	v14 =	vmov s9;
	p3 =	sne.s32 s6, $0x1;
	v13 =	vadd.s32 s24, v4  }
.Ltmp33:
0x293: {  	vm0 =	vlt.s32 v13, v14;
	(pc) =	sbr.rel @!p3 .LBB2_48-.Ltmp33, $2  }
0x294: {  	vm1 =	vmmov vm0;
	_ =	sdelay $0x2  }
0x295: {  	s5 =	sadd.s32 $0xFFFFFFFF, s6;
	s6 =	sadd.s32 $0x10, s24  }
.LBB2_47:
0x296: {  	v15 =	vadd.s32 s6, v4;
	p3 =	sne.s32 s5, $0x1  }
.Ltmp34:
0x297: {  	s5 =	sadd.s32 $0xFFFFFFFF, s5;
	[tilespmem:v13+s10+$0x0] =	vst.idx.msk vm0, v9;
	vm0 =	vlt.s32 v15, v14;
	(pc) =	sbr.rel @p3 .LBB2_47-.Ltmp34, $2  }
0x298: {  	[tilespmem:v13+s11+$0x0] =	vst.idx.msk vm1, v11;
	v13 =	vmov v15;
	vm1 =	vmmov vm0;
	_ =	sdelay $0x2  }
0x299: {  	s6 =	sadd.s32 $0x10, s6  }
.LBB2_48:
0x29a: {  	_ =	sdelay $0x4  }
0x29b: {  	[tilespmem:v13+s10+$0x0] =	vst.idx.msk vm0, v9  }
0x29c: {  	[tilespmem:v13+s11+$0x0] =	vst.idx.msk vm1, v11  }
.LBB2_49:
0x29d: {  	s5 =	simm.s32 $0x2  }
0x29e: {  	_ =	swait.ge [sflag:s5], $0x1000  }
0x29f: {  	[sflag:s5] =	ssyncset.done $0x0  }
0x2a0: {  	[sflag:s5] =	ssyncadd.s32 $0xFFFFF000  }
0x2a1: {  	s5 =	simm.s32 @!p1 $0x6;
	[bflag:$0x0] =	sbarrier.arrive $0xFFFF  }
0x2a2: {  	_ =	swait.ge @!p1 [sflag:s5], $0x4000  }
0x2a3: {  	s6 =	simm.s32 @!p1 $0x3000;
	[sflag:s5] =	ssyncset.done @!p1 $0x0  }
0x2a4: {  	s9 =	simm.s32 @!p1 $0x8400;
	[sflag:s5] =	ssyncadd.s32 @!p1 $0xFFFFC000;
	s5 =	simm.s32 @!p1 $0x80  }
0x2a5: {  	[spmem:s18] =	stream.indirect.scatter.add.f32 @!p1 [tilespmem:s9], [sflag:$0x8], $0x80, s6, s5, $0xb8;
	[tilespmem:$0x1C480] =	vst v63  }
0x2a6: {  	s5 =	simm.s32 @!p1 $0x8  }
0x2a7: {  	_ =	swait.ge @!p1 [sflag:s5], $0x4000  }
0x2a8: {  	s6 =	sld [smem:$0x7F1];
	_ =	sdelay $0x2  }
0x2a9: {  	p3 =	seq.s32 @!p1 s6, $0x1  }
0x2aa: {  	p3 =	por p1, p3  }
.Ltmp35:
0x2ab: {  	_ = 	snop;
	(pc) =	sbr.rel @p3 .LBB2_53-.Ltmp35, $3  }
0x2ac: {  	_ =	sdelay $0x1  }
0x2ad: {  	[sflag:s5] =	ssyncset.done @!p1 $0x0  }
0x2ae: {  	[sflag:s5] =	ssyncadd.s32 @!p1 $0xFFFFC000  }
0x2af: {  	s5 =	simm.s32 $0x1080  }
0x2b0: {  	[tilespmem:s21], [sflag:$0x7] =	stream.indirect.gather [hbm4b:s13+s20], $0x80, s5, s20, $0xb8;
	[tilespmem:$0x1C480] =	vst v63  }
0x2b1: {  	_ =	swait.ge [sflag:s22], $0x4000  }
0x2b2: {  	s6 =	sld [smem:$0x7F0]  }
0x2b3: {  	s9 =	sld [smem:$0x7EF];
	_ =	sdelay $0x2  }
0x2b4: {  	s6 =	sadd.s32 s9, s6  }
0x2b5: {  	s9 =	sadd.s32 $0xFFFFFFFF, s6  }
0x2b6: {  	p1 =	sne.s32 s9, $0x1  }
.Ltmp36:
0x2b7: {  	[sflag:s22] =	ssyncset.done $0x0;
	(pc) =	sbr.rel @!p1 .LBB2_52-.Ltmp36, $4  }
0x2b8: {  	[sflag:s22] =	ssyncadd.s32 $0xFFFFC000;
	s6 =	simm.s32 $0x3080  }
0x2b9: {  	[spmem:s18] =	stream.indirect.scatter.add.f32 [tilespmem:s21], [sflag:$0x8], $0x80, s6, s20, $0xb8;
	[tilespmem:$0x1C480] =	vst v63  }
0x2ba: {  	_ =	swait.ge [sflag:s28], $0x4000  }
0x2bb: {  	s9 =	sadd.s32 $0xFFFFFFFF, s9;
	[sflag:s28] =	ssyncset.done $0x0  }
.LBB2_51:
0x2bc: {  	[sflag:s28] =	ssyncadd.s32 $0xFFFFC000;
	s5 =	sadd.s32 $0x80, s5;
	s6 =	sadd.s32 $0x80, s6  }
0x2bd: {  	[tilespmem:s21], [sflag:$0x7] =	stream.indirect.gather [hbm4b:s13+s20], $0x80, s5, s20, $0xb8;
	[tilespmem:$0x1C480] =	vst v63  }
0x2be: {  	p1 =	sne.s32 s9, $0x1;
	s9 =	sadd.s32 $0xFFFFFFFF, s9;
	_ =	swait.ge [sflag:s22], $0x4000  }
.Ltmp37:
0x2bf: {  	[sflag:s22] =	ssyncset.done $0x0;
	(pc) =	sbr.rel @p1 .LBB2_51-.Ltmp37, $4  }
0x2c0: {  	[sflag:s22] =	ssyncadd.s32 $0xFFFFC000  }
0x2c1: {  	[spmem:s18] =	stream.indirect.scatter.add.f32 [tilespmem:s21], [sflag:$0x8], $0x80, s6, s20, $0xb8;
	[tilespmem:$0x1C480] =	vst v63  }
0x2c2: {  	_ =	swait.ge [sflag:s28], $0x4000  }
0x2c3: {  	[sflag:s28] =	ssyncset.done $0x0  }
.LBB2_52:
0x2c4: {  	[sflag:s28] =	ssyncadd.s32 $0xFFFFC000  }
.LBB2_53:
0x2c5: {  	[bflag:$0x0] =	sbarrier.arrive $0xFFFF;
	s5 =	simm.s32 $0x3  }
0x2c6: {  	_ =	swait.ge [sflag:s5], $0x1000  }
0x2c7: {  	s9 =	sld [smem:$0x7FC]  }
0x2c8: {  	[sflag:s5] =	ssyncset.done $0x0;
	s25 =	rddreg [dreg:$0xf]  }
0x2c9: {  	s6 =	rddreg [dreg:$0x1e];
	[sflag:s5] =	ssyncadd.s32 $0xFFFFF000  }
0x2ca: {  	[spmem:s6], [sflag:s9] =	dma.local [hbm:s25], $0x1000  }
0x2cb: {  	s9 =	sld [smem:$0x7EE]  }
0x2cc: {  	s5 =	rddreg [dreg:$0x10]  }
0x2cd: {  	s6 =	rddreg [dreg:$0x1d]  }
0x2ce: {  	[hbm:s5], [sflag:s9] =	dma.local [spmem:s6], $0x1000  }
0x2cf: {  	s5 =	sld [smem:$0x7EA];
	_ =	sdelay $0x2  }
0x2d0: {  	s26 =	simm.s32 $0x0;
	p1 =	slt.s32 s5, $0x1  }
0x2d1: {  	s5 =	simm.s32 @!p1 $0x80;
	s6 =	simm.s32 @!p1 $0x1800;
	s9 =	simm.s32 @!p1 $0x8400  }
0x2d2: {  	[tilespmem:s9], [sflag:$0x6] =	stream.indirect.gather @!p1 [hbm4b:s13+s5], $0x80, s6, s5, $0xb8;
	[tilespmem:$0x1C480] =	vst v63  }
0x2d3: {  	v13 =	vld [tilespmem:s26+$0x0];
	_ =	sdelay $0x4  }
0x2d4: {  	v13 =	vsub.s32 v13, v7  }
0x2d5: {  	vm0 =	vlt.u32 v13, $0x1000  }
0x2d6: {  	v14 =	vsel vm0, $0x1, v10  }
0x2d7: {  	(xrf0) =	vadd.scan.msk.s32 $0xffff, v14;
	_ =	sdelay $0x1  }
0x2d8: {  	s6 =	simm.s32 $0x0  }
0x2d9: {  	v14 =	vmov s6  }
0x2da: {  	v14 =	vadd.s32 $0xFFFFFFFF, v14  }
0x2db: {  	v14 =	vbroadcast v14, $0x0  }
0x2dc: {  	v15, _, _ =	vpop (xrf0)  }
0x2dd: {  	v14 =	vadd.s32 v15, v14;
	(v2sf) =	vpush v15, $0xF;
	_ =	sdelay $0x3  }
0x2de: {  	s5 =	simm.s32 $0xFFFFFFFF  }
0x2df: {  	s31 =	rddreg [dreg:$0x1b];
	s5 =	simm.s32 @!p2 $0x0;
	[tilespmem:v14+s12+$0x0] =	vst.idx.msk vm0, v12  }
0x2e0: {  	s26 =	simm.s32 $0x80;
	[smem:$0x7E8] =	sst s5;
	s5 =	simm.s32 $0x10;
	[tilespmem:v14+s14+$0x0] =	vst.idx.msk vm0, v13  }
.LBB2_54:
0x2e1: {  	p2 =	sne.s32 s26, $0xFC0;
	v13 =	vld [tilespmem:s5+$0x0];
	_ =	sdelay $0x4  }
0x2e2: {  	v13 =	vsub.s32 v13, v7  }
0x2e3: {  	vm0 =	vlt.u32 v13, $0x1000  }
0x2e4: {  	v14 =	vsel vm0, $0x1, v10  }
0x2e5: {  	(xrf0) =	vadd.scan.msk.s32 $0xffff, v14;
	s5 =	spop (v2sf)  }
0x2e6: {  	s6 =	sadd.s32 s6, s5  }
0x2e7: {  	v14 =	vmov s6  }
0x2e8: {  	v14 =	vadd.s32 $0xFFFFFFFF, v14  }
0x2e9: {  	v14 =	vbroadcast v14, $0x0;
	_ =	sdelay $0x1  }
0x2ea: {  	v15, _, _ =	vpop (xrf0)  }
0x2eb: {  	v14 =	vadd.s32 v15, v14;
	(v2sf) =	vpush v15, $0xF;
	_ =	sdelay $0x1  }
.Ltmp38:
0x2ec: {  	(pc) =	sbr.rel @p2 .LBB2_54-.Ltmp38, $4  }
0x2ed: {  	s31 =	sadd.s32 $0x10, s31  }
0x2ee: {  	v15 =	vor.u32 s31, v4  }
0x2ef: {  	[tilespmem:v14+s12+$0x0] =	vst.idx.msk vm0, v15  }
0x2f0: {  	s5 =	sshra.s32 s26, $0x2;
	s26 =	sadd.s32 $0x40, s26;
	[tilespmem:v14+s14+$0x0] =	vst.idx.msk vm0, v13  }
0x2f1: {  	v13 =	vld [tilespmem:s5+$0x0];
	_ =	sdelay $0x4  }
0x2f2: {  	v13 =	vsub.s32 v13, v7  }
0x2f3: {  	vm0 =	vlt.u32 v13, $0x1000  }
0x2f4: {  	v14 =	vsel vm0, $0x1, v10  }
0x2f5: {  	(xrf0) =	vadd.scan.msk.s32 $0xffff, v14;
	_ =	sdelay $0x5  }
0x2f6: {  	v14, _, _ =	vpop (xrf0)  }
0x2f7: {  	(v2sf) =	vpush v14, $0xF;
	_ =	sdelay $0xd  }
0x2f8: {  	s24 =	spop (v2sf)  }
0x2f9: {  	s26 =	sadd.s32 s6, s24;
	s5 =	spop (v2sf)  }
0x2fa: {  	s24 =	sadd.s32 s26, s5  }
0x2fb: {  	s6 =	sadd.s32 $0x7F, s24  }
0x2fc: {  	s9 =	sand.u32 $0x7F, s6  }
0x2fd: {  	s25 =	sshra.s32 s6, $0x1F;
	p2 =	slt.s32 s6, $0x1;
	p3 =	sne.s32 s9, $0x0  }
0x2fe: {  	s25 =	sshrl.u32 s25, $0x19;
	p2 =	por !p2, !p3  }
0x2ff: {  	s9 =	simm.s32 $0x1;
	s6 =	sadd.s32 s25, s6;
	p2 =	por !p2, !p2  }
0x300: {  	s6 =	sshra.s32 s6, $0x7;
	s9 =	simm.s32 @!p2 $0x0  }
0x301: {  	[smem:$0x7E6] =	sst s6;
	s6 =	ssub.s32 s6, s9  }
0x302: {  	s9 =	sshll.u32 s6, $0x7  }
0x303: {  	s24 =	ssub.s32 s9, s24  }
0x304: {  	s24 =	sadd.s32 $0xF, s24  }
0x305: {  	[smem:$0x7E7] =	sst s6;
	s6 =	sand.u32 $0xF, s24  }
0x306: {  	v15 =	vmov s26;
	p4 =	slt.s32 s24, $0x1;
	p6 =	sne.s32 s6, $0x0;
	s6 =	sshra.s32 s24, $0x1F  }
0x307: {  	v15 =	vadd.s32 $0xFFFFFFFF, v15;
	s25 =	sshrl.u32 s6, $0x1C;
	p3 =	por !p4, !p6  }
0x308: {  	v15 =	vbroadcast v15, $0x0;
	s24 =	sadd.s32 s25, s24;
	p3 =	por !p3, !p3;
	s25 =	simm.s32 $0x1  }
0x309: {  	s31 =	sadd.s32 $0x10, s31;
	s24 =	sshra.s32 s24, $0x4;
	s25 =	simm.s32 @!p3 $0x0  }
0x30a: {  	v14 =	vadd.s32 v14, v15;
	v15 =	vor.u32 s31, v4;
	s31 =	ssub.s32 s24, s25  }
0x30b: {  	p3 =	slt.s32 s31, $0x1  }
.Ltmp39:
0x30c: {  	_ = 	snop;
	(pc) =	sbr.rel @p3 .LBB2_59-.Ltmp39, $3  }
0x30d: {  	_ =	sdelay $0x1  }
0x30e: {  	[tilespmem:v14+s12+$0x0] =	vst.idx.msk vm0, v15  }
0x30f: {  	[tilespmem:v14+s14+$0x0] =	vst.idx.msk vm0, v13  }
0x310: {  	s24 =	sadd.s32 s26, s5  }
0x311: {  	v14 =	vmov s9;
	p3 =	sne.s32 s31, $0x1;
	v13 =	vadd.s32 s24, v4  }
.Ltmp40:
0x312: {  	vm0 =	vlt.s32 v13, v14;
	(pc) =	sbr.rel @!p3 .LBB2_58-.Ltmp40, $2  }
0x313: {  	vm1 =	vmmov vm0;
	_ =	sdelay $0x2  }
0x314: {  	s5 =	sadd.s32 $0xFFFFFFFF, s31;
	s9 =	sadd.s32 $0x10, s24  }
.LBB2_57:
0x315: {  	v15 =	vadd.s32 s9, v4;
	p3 =	sne.s32 s5, $0x1  }
.Ltmp41:
0x316: {  	s5 =	sadd.s32 $0xFFFFFFFF, s5;
	[tilespmem:v13+s12+$0x0] =	vst.idx.msk vm0, v9;
	vm0 =	vlt.s32 v15, v14;
	(pc) =	sbr.rel @p3 .LBB2_57-.Ltmp41, $2  }
0x317: {  	[tilespmem:v13+s14+$0x0] =	vst.idx.msk vm1, v11;
	v13 =	vmov v15;
	vm1 =	vmmov vm0;
	_ =	sdelay $0x2  }
0x318: {  	s9 =	sadd.s32 $0x10, s9  }
.LBB2_58:
0x319: {  	_ =	sdelay $0x4  }
0x31a: {  	[tilespmem:v13+s12+$0x0] =	vst.idx.msk vm0, v9  }
0x31b: {  	[tilespmem:v13+s14+$0x0] =	vst.idx.msk vm1, v11  }
.LBB2_59:
0x31c: {  	s5 =	simm.s32 $0x1  }
0x31d: {  	_ =	swait.ge [sflag:s5], $0x1000  }
0x31e: {  	[sflag:s5] =	ssyncset.done $0x0  }
0x31f: {  	[sflag:s5] =	ssyncadd.s32 $0xFFFFF000  }
0x320: {  	s5 =	simm.s32 @!p0 $0x5;
	[bflag:$0x0] =	sbarrier.arrive $0xFFFF  }
0x321: {  	_ =	swait.ge @!p0 [sflag:s5], $0x4000  }
0x322: {  	s9 =	simm.s32 @!p0 $0x3400;
	[sflag:s5] =	ssyncset.done @!p0 $0x0  }
0x323: {  	s24 =	simm.s32 @!p0 $0x4400;
	[sflag:s5] =	ssyncadd.s32 @!p0 $0xFFFFC000;
	s5 =	simm.s32 @!p0 $0x80  }
0x324: {  	[spmem:s17] =	stream.indirect.scatter.add.f32 @!p0 [tilespmem:s24], [sflag:$0x8], $0x80, s9, s5, $0xb8;
	[tilespmem:$0x1C480] =	vst v63  }
0x325: {  	s5 =	simm.s32 @!p0 $0x8  }
0x326: {  	_ =	swait.ge @!p0 [sflag:s5], $0x4000  }
0x327: {  	s6 =	sld [smem:$0x7EB];
	_ =	sdelay $0x2  }
0x328: {  	p3 =	seq.s32 @!p0 s6, $0x1  }
0x329: {  	p3 =	por p0, p3  }
.Ltmp42:
0x32a: {  	_ = 	snop;
	(pc) =	sbr.rel @p3 .LBB2_63-.Ltmp42, $3  }
0x32b: {  	_ =	sdelay $0x1  }
0x32c: {  	[sflag:s5] =	ssyncset.done @!p0 $0x0  }
0x32d: {  	[sflag:s5] =	ssyncadd.s32 @!p0 $0xFFFFC000  }
0x32e: {  	s5 =	simm.s32 $0x1480  }
0x32f: {  	[tilespmem:s23], [sflag:$0x7] =	stream.indirect.gather [hbm4b:s13+s20], $0x80, s5, s20, $0xb8;
	[tilespmem:$0x1C480] =	vst v63  }
0x330: {  	_ =	swait.ge [sflag:s22], $0x4000  }
0x331: {  	s6 =	sld [smem:$0x7ED]  }
0x332: {  	s9 =	sld [smem:$0x7EC];
	_ =	sdelay $0x2  }
0x333: {  	s9 =	sadd.s32 s9, s6  }
0x334: {  	s24 =	sadd.s32 $0xFFFFFFFF, s9  }
0x335: {  	p0 =	sne.s32 s24, $0x1  }
.Ltmp43:
0x336: {  	[sflag:s22] =	ssyncset.done $0x0;
	(pc) =	sbr.rel @!p0 .LBB2_62-.Ltmp43, $4  }
0x337: {  	[sflag:s22] =	ssyncadd.s32 $0xFFFFC000;
	s9 =	simm.s32 $0x3480  }
0x338: {  	[spmem:s17] =	stream.indirect.scatter.add.f32 [tilespmem:s23], [sflag:$0x8], $0x80, s9, s20, $0xb8;
	[tilespmem:$0x1C480] =	vst v63  }
0x339: {  	_ =	swait.ge [sflag:s28], $0x4000  }
0x33a: {  	s24 =	sadd.s32 $0xFFFFFFFF, s24;
	[sflag:s28] =	ssyncset.done $0x0  }
.LBB2_61:
0x33b: {  	[sflag:s28] =	ssyncadd.s32 $0xFFFFC000;
	s5 =	sadd.s32 $0x80, s5;
	s9 =	sadd.s32 $0x80, s9  }
0x33c: {  	[tilespmem:s23], [sflag:$0x7] =	stream.indirect.gather [hbm4b:s13+s20], $0x80, s5, s20, $0xb8;
	[tilespmem:$0x1C480] =	vst v63  }
0x33d: {  	p0 =	sne.s32 s24, $0x1;
	s24 =	sadd.s32 $0xFFFFFFFF, s24;
	_ =	swait.ge [sflag:s22], $0x4000  }
.Ltmp44:
0x33e: {  	[sflag:s22] =	ssyncset.done $0x0;
	(pc) =	sbr.rel @p0 .LBB2_61-.Ltmp44, $4  }
0x33f: {  	[sflag:s22] =	ssyncadd.s32 $0xFFFFC000  }
0x340: {  	[spmem:s17] =	stream.indirect.scatter.add.f32 [tilespmem:s23], [sflag:$0x8], $0x80, s9, s20, $0xb8;
	[tilespmem:$0x1C480] =	vst v63  }
0x341: {  	_ =	swait.ge [sflag:s28], $0x4000  }
0x342: {  	[sflag:s28] =	ssyncset.done $0x0  }
.LBB2_62:
0x343: {  	[sflag:s28] =	ssyncadd.s32 $0xFFFFC000  }
.LBB2_63:
0x344: {  	[bflag:$0x0] =	sbarrier.arrive $0xFFFF;
	s5 =	simm.s32 $0x4  }
0x345: {  	_ =	swait.ge [sflag:s5], $0x1000  }
0x346: {  	s25 =	rddreg [dreg:$0x12]  }
0x347: {  	[sflag:s5] =	ssyncset.done $0x0;
	s6 =	rddreg [dreg:$0x1d]  }
0x348: {  	s9 =	rddreg [dreg:$0x1f];
	[sflag:s5] =	ssyncadd.s32 $0xFFFFF000  }
0x349: {  	[spmem:s6], [sflag:s9] =	dma.local [hbm:s25], $0x1000  }
0x34a: {  	s9 =	sld [smem:$0x7F2]  }
0x34b: {  	s5 =	rddreg [dreg:$0x11]  }
0x34c: {  	s6 =	rddreg [dreg:$0x1e]  }
0x34d: {  	[hbm:s5], [sflag:s9] =	dma.local [spmem:s6], $0x1000  }
0x34e: {  	s5 =	sld [smem:$0x7E7];
	_ =	sdelay $0x2  }
0x34f: {  	s26 =	simm.s32 $0x0;
	p0 =	slt.s32 s5, $0x1  }
0x350: {  	s5 =	simm.s32 @!p0 $0x80;
	s9 =	simm.s32 @!p0 $0x1C00;
	s24 =	simm.s32 @!p0 $0x4400  }
0x351: {  	[tilespmem:s24], [sflag:$0x5] =	stream.indirect.gather @!p0 [hbm4b:s13+s5], $0x80, s9, s5, $0xb8;
	[tilespmem:$0x1C480] =	vst v63  }
0x352: {  	v13 =	vld [tilespmem:s26+$0x0];
	_ =	sdelay $0x4  }
0x353: {  	v13 =	vsub.s32 v13, v8  }
0x354: {  	vm0 =	vlt.u32 v13, $0x1000  }
0x355: {  	v14 =	vsel vm0, $0x1, v10  }
0x356: {  	(xrf0) =	vadd.scan.msk.s32 $0xffff, v14;
	_ =	sdelay $0x1  }
0x357: {  	s25 =	simm.s32 $0x0  }
0x358: {  	v63 =	vmov s25  }
0x359: {  	v14 =	vadd.s32 $0xFFFFFFFF, v63  }
0x35a: {  	v14 =	vbroadcast v14, $0x0  }
0x35b: {  	v15, _, _ =	vpop (xrf0)  }
0x35c: {  	v14 =	vadd.s32 v15, v14;
	(v2sf) =	vpush v15, $0xF;
	_ =	sdelay $0x3  }
0x35d: {  	s5 =	simm.s32 $0xFFFFFFFF  }
0x35e: {  	s5 =	simm.s32 @!p2 $0x0;
	s26 =	rddreg [dreg:$0x1b];
	[tilespmem:v14+s15+$0x0] =	vst.idx.msk vm0, v12  }
0x35f: {  	s31 =	simm.s32 $0x80;
	[smem:$0x7E5] =	sst s5;
	s5 =	simm.s32 $0x10;
	[tilespmem:v14+s19+$0x0] =	vst.idx.msk vm0, v13  }
.LBB2_64:
0x360: {  	p2 =	sne.s32 s31, $0xFC0;
	v12 =	vld [tilespmem:s5+$0x0];
	_ =	sdelay $0x4  }
0x361: {  	v12 =	vsub.s32 v12, v8  }
0x362: {  	vm0 =	vlt.u32 v12, $0x1000  }
0x363: {  	v13 =	vsel vm0, $0x1, v10  }
0x364: {  	(xrf0) =	vadd.scan.msk.s32 $0xffff, v13;
	s5 =	spop (v2sf)  }
0x365: {  	s25 =	sadd.s32 s25, s5  }
0x366: {  	v13 =	vmov s25  }
0x367: {  	v13 =	vadd.s32 $0xFFFFFFFF, v13  }
0x368: {  	v13 =	vbroadcast v13, $0x0;
	_ =	sdelay $0x1  }
0x369: {  	v14, _, _ =	vpop (xrf0)  }
0x36a: {  	v13 =	vadd.s32 v14, v13;
	(v2sf) =	vpush v14, $0xF;
	_ =	sdelay $0x1  }
.Ltmp45:
0x36b: {  	(pc) =	sbr.rel @p2 .LBB2_64-.Ltmp45, $4  }
0x36c: {  	s26 =	sadd.s32 $0x10, s26  }
0x36d: {  	v14 =	vor.u32 s26, v4  }
0x36e: {  	[tilespmem:v13+s15+$0x0] =	vst.idx.msk vm0, v14  }
0x36f: {  	s5 =	sshra.s32 s31, $0x2;
	s31 =	sadd.s32 $0x40, s31;
	[tilespmem:v13+s19+$0x0] =	vst.idx.msk vm0, v12  }
0x370: {  	v12 =	vld [tilespmem:s5+$0x0];
	_ =	sdelay $0x4  }
0x371: {  	v12 =	vsub.s32 v12, v8  }
0x372: {  	vm0 =	vlt.u32 v12, $0x1000  }
0x373: {  	v13 =	vsel vm0, $0x1, v10  }
0x374: {  	(xrf0) =	vadd.scan.msk.s32 $0xffff, v13;
	_ =	sdelay $0x5  }
0x375: {  	v13, _, _ =	vpop (xrf0)  }
0x376: {  	(v2sf) =	vpush v13, $0xF;
	_ =	sdelay $0xd  }
0x377: {  	s24 =	spop (v2sf)  }
0x378: {  	s5 =	sadd.s32 s25, s24;
	s9 =	spop (v2sf)  }
0x379: {  	s6 =	sadd.s32 s5, s9  }
0x37a: {  	s25 =	sadd.s32 $0x7F, s6  }
0x37b: {  	s31 =	sand.u32 $0x7F, s25  }
0x37c: {  	s24 =	sshra.s32 s25, $0x1F;
	p2 =	slt.s32 s25, $0x1;
	p3 =	sne.s32 s31, $0x0  }
0x37d: {  	s24 =	sshrl.u32 s24, $0x19;
	p2 =	por !p2, !p3  }
0x37e: {  	s24 =	sadd.s32 s24, s25;
	s25 =	simm.s32 $0x1;
	p2 =	por !p2, !p2  }
0x37f: {  	s24 =	sshra.s32 s24, $0x7;
	s25 =	simm.s32 @!p2 $0x0  }
0x380: {  	s31 =	ssub.s32 s24, s25  }
0x381: {  	s25 =	sshll.u32 s31, $0x7  }
0x382: {  	s6 =	ssub.s32 s25, s6  }
0x383: {  	s6 =	sadd.s32 $0xF, s6  }
0x384: {  	[smem:$0x7E4] =	sst s24;
	s24 =	sand.u32 $0xF, s6  }
0x385: {  	v14 =	vmov s5;
	p4 =	slt.s32 s6, $0x1;
	p6 =	sne.s32 s24, $0x0;
	s24 =	sshra.s32 s6, $0x1F  }
0x386: {  	v14 =	vadd.s32 $0xFFFFFFFF, v14;
	s24 =	sshrl.u32 s24, $0x1C;
	p3 =	por !p4, !p6  }
0x387: {  	v14 =	vbroadcast v14, $0x0;
	s6 =	sadd.s32 s24, s6;
	p3 =	por !p3, !p3;
	s24 =	simm.s32 $0x1  }
0x388: {  	s26 =	sadd.s32 $0x10, s26;
	s6 =	sshra.s32 s6, $0x4;
	s24 =	simm.s32 @!p3 $0x0  }
0x389: {  	v63 =	vor.u32 s26, v4;
	v13 =	vadd.s32 v13, v14;
	s26 =	ssub.s32 s6, s24  }
0x38a: {  	p3 =	slt.s32 s26, $0x1  }
.Ltmp46:
0x38b: {  	_ = 	snop;
	(pc) =	sbr.rel @p3 .LBB2_69-.Ltmp46, $3  }
0x38c: {  	_ =	sdelay $0x1  }
0x38d: {  	[tilespmem:v13+s15+$0x0] =	vst.idx.msk vm0, v63  }
0x38e: {  	[tilespmem:v13+s19+$0x0] =	vst.idx.msk vm0, v12  }
0x38f: {  	s6 =	sadd.s32 s5, s9  }
0x390: {  	v13 =	vmov s25;
	p3 =	sne.s32 s26, $0x1;
	v12 =	vadd.s32 s6, v4  }
.Ltmp47:
0x391: {  	vm0 =	vlt.s32 v12, v13;
	(pc) =	sbr.rel @!p3 .LBB2_68-.Ltmp47, $2  }
0x392: {  	vm1 =	vmmov vm0;
	_ =	sdelay $0x2  }
0x393: {  	s5 =	sadd.s32 $0xFFFFFFFF, s26;
	s9 =	sadd.s32 $0x10, s6  }
.LBB2_67:
0x394: {  	v14 =	vadd.s32 s9, v4;
	p3 =	sne.s32 s5, $0x1  }
.Ltmp48:
0x395: {  	s5 =	sadd.s32 $0xFFFFFFFF, s5;
	[tilespmem:v12+s15+$0x0] =	vst.idx.msk vm0, v9;
	vm0 =	vlt.s32 v14, v13;
	(pc) =	sbr.rel @p3 .LBB2_67-.Ltmp48, $2  }
0x396: {  	[tilespmem:v12+s19+$0x0] =	vst.idx.msk vm1, v11;
	v12 =	vmov v14;
	vm1 =	vmmov vm0;
	_ =	sdelay $0x2  }
0x397: {  	s9 =	sadd.s32 $0x10, s9  }
.LBB2_68:
0x398: {  	_ =	sdelay $0x4  }
0x399: {  	[tilespmem:v12+s15+$0x0] =	vst.idx.msk vm0, v9  }
0x39a: {  	[tilespmem:v12+s19+$0x0] =	vst.idx.msk vm1, v11  }
.LBB2_69:
0x39b: {  	s5 =	simm.s32 $0x2  }
0x39c: {  	_ =	swait.ge [sflag:s5], $0x1000  }
0x39d: {  	[sflag:s5] =	ssyncset.done $0x0  }
0x39e: {  	[sflag:s5] =	ssyncadd.s32 $0xFFFFF000  }
0x39f: {  	s5 =	simm.s32 @!p1 $0x6;
	[bflag:$0x0] =	sbarrier.arrive $0xFFFF  }
0x3a0: {  	_ =	swait.ge @!p1 [sflag:s5], $0x4000  }
0x3a1: {  	s6 =	simm.s32 @!p1 $0x3800;
	[sflag:s5] =	ssyncset.done @!p1 $0x0  }
0x3a2: {  	s9 =	simm.s32 @!p1 $0x8400;
	[sflag:s5] =	ssyncadd.s32 @!p1 $0xFFFFC000;
	s5 =	simm.s32 @!p1 $0x80  }
0x3a3: {  	[spmem:s18] =	stream.indirect.scatter.add.f32 @!p1 [tilespmem:s9], [sflag:$0x8], $0x80, s6, s5, $0xb8;
	[tilespmem:$0x1C480] =	vst v63  }
0x3a4: {  	s5 =	simm.s32 @!p1 $0x8  }
0x3a5: {  	_ =	swait.ge @!p1 [sflag:s5], $0x4000  }
0x3a6: {  	s6 =	sld [smem:$0x7EA];
	_ =	sdelay $0x2  }
0x3a7: {  	p3 =	seq.s32 @!p1 s6, $0x1  }
0x3a8: {  	p3 =	por p1, p3  }
.Ltmp49:
0x3a9: {  	_ = 	snop;
	(pc) =	sbr.rel @p3 .LBB2_73-.Ltmp49, $3  }
0x3aa: {  	_ =	sdelay $0x1  }
0x3ab: {  	[sflag:s5] =	ssyncset.done @!p1 $0x0  }
0x3ac: {  	[sflag:s5] =	ssyncadd.s32 @!p1 $0xFFFFC000  }
0x3ad: {  	s5 =	simm.s32 $0x1880  }
0x3ae: {  	[tilespmem:s21], [sflag:$0x7] =	stream.indirect.gather [hbm4b:s13+s20], $0x80, s5, s20, $0xb8;
	[tilespmem:$0x1C480] =	vst v63  }
0x3af: {  	_ =	swait.ge [sflag:s22], $0x4000  }
0x3b0: {  	s6 =	sld [smem:$0x7E9]  }
0x3b1: {  	s9 =	sld [smem:$0x7E8];
	_ =	sdelay $0x2  }
0x3b2: {  	s6 =	sadd.s32 s9, s6  }
0x3b3: {  	s6 =	sadd.s32 $0xFFFFFFFF, s6  }
0x3b4: {  	p1 =	sne.s32 s6, $0x1  }
.Ltmp50:
0x3b5: {  	[sflag:s22] =	ssyncset.done $0x0;
	(pc) =	sbr.rel @!p1 .LBB2_72-.Ltmp50, $4  }
0x3b6: {  	[sflag:s22] =	ssyncadd.s32 $0xFFFFC000;
	s9 =	simm.s32 $0x3880  }
0x3b7: {  	[spmem:s18] =	stream.indirect.scatter.add.f32 [tilespmem:s21], [sflag:$0x8], $0x80, s9, s20, $0xb8;
	[tilespmem:$0x1C480] =	vst v63  }
0x3b8: {  	_ =	swait.ge [sflag:s28], $0x4000  }
0x3b9: {  	s25 =	sadd.s32 $0xFFFFFFFF, s6;
	[sflag:s28] =	ssyncset.done $0x0  }
.LBB2_71:
0x3ba: {  	[sflag:s28] =	ssyncadd.s32 $0xFFFFC000;
	s5 =	sadd.s32 $0x80, s5;
	s9 =	sadd.s32 $0x80, s9  }
0x3bb: {  	[tilespmem:s21], [sflag:$0x7] =	stream.indirect.gather [hbm4b:s13+s20], $0x80, s5, s20, $0xb8;
	[tilespmem:$0x1C480] =	vst v63  }
0x3bc: {  	p1 =	sne.s32 s25, $0x1;
	s25 =	sadd.s32 $0xFFFFFFFF, s25;
	_ =	swait.ge [sflag:s22], $0x4000  }
.Ltmp51:
0x3bd: {  	[sflag:s22] =	ssyncset.done $0x0;
	(pc) =	sbr.rel @p1 .LBB2_71-.Ltmp51, $4  }
0x3be: {  	[sflag:s22] =	ssyncadd.s32 $0xFFFFC000  }
0x3bf: {  	[spmem:s18] =	stream.indirect.scatter.add.f32 [tilespmem:s21], [sflag:$0x8], $0x80, s9, s20, $0xb8;
	[tilespmem:$0x1C480] =	vst v63  }
0x3c0: {  	_ =	swait.ge [sflag:s28], $0x4000  }
0x3c1: {  	[sflag:s28] =	ssyncset.done $0x0  }
.LBB2_72:
0x3c2: {  	[sflag:s28] =	ssyncadd.s32 $0xFFFFC000  }
.LBB2_73:
0x3c3: {  	[bflag:$0x0] =	sbarrier.arrive $0xFFFF;
	s5 =	simm.s32 $0x3  }
0x3c4: {  	_ =	swait.ge [sflag:s5], $0x1000  }
0x3c5: {  	s9 =	sld [smem:$0x7FC]  }
0x3c6: {  	[sflag:s5] =	ssyncset.done $0x0;
	s25 =	rddreg [dreg:$0x14]  }
0x3c7: {  	s6 =	rddreg [dreg:$0x1e];
	[sflag:s5] =	ssyncadd.s32 $0xFFFFF000  }
0x3c8: {  	[spmem:s6], [sflag:s9] =	dma.local [hbm:s25], $0x1000  }
0x3c9: {  	s9 =	sld [smem:$0x7EE]  }
0x3ca: {  	s5 =	rddreg [dreg:$0x13]  }
0x3cb: {  	p1 =	slt.s32 s31, $0x1;
	s26 =	simm.s32 $0x1;
	s6 =	rddreg [dreg:$0x1d]  }
0x3cc: {  	[hbm:s5], [sflag:s9] =	dma.local [spmem:s6], $0x1000  }
0x3cd: {  	s5 =	simm.s32 @!p1 $0x80;
	s6 =	simm.s32 @!p1 $0x2000;
	s9 =	simm.s32 @!p1 $0x8400  }
0x3ce: {  	[tilespmem:s9], [sflag:$0x6] =	stream.indirect.gather @!p1 [hbm4b:s13+s5], $0x80, s6, s5, $0xb8;
	[tilespmem:$0x1C480] =	vst v63  }
0x3cf: {  	_ =	swait.ge [sflag:s26], $0x1000  }
0x3d0: {  	[sflag:s26] =	ssyncset.done $0x0  }
0x3d1: {  	[sflag:s26] =	ssyncadd.s32 $0xFFFFF000  }
0x3d2: {  	s6 =	simm.s32 @!p0 $0x5;
	[bflag:$0x0] =	sbarrier.arrive $0xFFFF  }
0x3d3: {  	_ =	swait.ge @!p0 [sflag:s6], $0x4000  }
0x3d4: {  	s24 =	simm.s32 @!p0 $0x3C00;
	[sflag:s6] =	ssyncset.done @!p0 $0x0  }
0x3d5: {  	s25 =	simm.s32 @!p0 $0x4400;
	[sflag:s6] =	ssyncadd.s32 @!p0 $0xFFFFC000;
	s6 =	simm.s32 @!p0 $0x80  }
0x3d6: {  	[spmem:s17] =	stream.indirect.scatter.add.f32 @!p0 [tilespmem:s25], [sflag:$0x8], $0x80, s24, s6, $0xb8;
	[tilespmem:$0x1C480] =	vst v63  }
0x3d7: {  	s6 =	simm.s32 @!p0 $0x8  }
0x3d8: {  	_ =	swait.ge @!p0 [sflag:s6], $0x4000  }
0x3d9: {  	s24 =	sld [smem:$0x7E7];
	_ =	sdelay $0x2  }
0x3da: {  	p3 =	seq.s32 @!p0 s24, $0x1  }
0x3db: {  	p3 =	por p0, p3  }
.Ltmp52:
0x3dc: {  	_ = 	snop;
	(pc) =	sbr.rel @p3 .LBB2_77-.Ltmp52, $3  }
0x3dd: {  	_ =	sdelay $0x1  }
0x3de: {  	[sflag:s6] =	ssyncset.done @!p0 $0x0  }
0x3df: {  	[sflag:s6] =	ssyncadd.s32 @!p0 $0xFFFFC000  }
0x3e0: {  	s6 =	simm.s32 $0x1C80  }
0x3e1: {  	[tilespmem:s23], [sflag:$0x7] =	stream.indirect.gather [hbm4b:s13+s20], $0x80, s6, s20, $0xb8;
	[tilespmem:$0x1C480] =	vst v63  }
0x3e2: {  	_ =	swait.ge [sflag:s22], $0x4000  }
0x3e3: {  	s24 =	sld [smem:$0x7E6]  }
0x3e4: {  	s25 =	sld [smem:$0x7E5];
	_ =	sdelay $0x2  }
0x3e5: {  	s24 =	sadd.s32 s25, s24  }
0x3e6: {  	s25 =	sadd.s32 $0xFFFFFFFF, s24  }
0x3e7: {  	p0 =	sne.s32 s25, $0x1  }
.Ltmp53:
0x3e8: {  	[sflag:s22] =	ssyncset.done $0x0;
	(pc) =	sbr.rel @!p0 .LBB2_76-.Ltmp53, $4  }
0x3e9: {  	[sflag:s22] =	ssyncadd.s32 $0xFFFFC000;
	s24 =	simm.s32 $0x3C80  }
0x3ea: {  	[spmem:s17] =	stream.indirect.scatter.add.f32 [tilespmem:s23], [sflag:$0x8], $0x80, s24, s20, $0xb8;
	[tilespmem:$0x1C480] =	vst v63  }
0x3eb: {  	_ =	swait.ge [sflag:s28], $0x4000  }
0x3ec: {  	s25 =	sadd.s32 $0xFFFFFFFF, s25;
	[sflag:s28] =	ssyncset.done $0x0  }
.LBB2_75:
0x3ed: {  	[sflag:s28] =	ssyncadd.s32 $0xFFFFC000;
	s6 =	sadd.s32 $0x80, s6;
	s24 =	sadd.s32 $0x80, s24  }
0x3ee: {  	[tilespmem:s23], [sflag:$0x7] =	stream.indirect.gather [hbm4b:s13+s20], $0x80, s6, s20, $0xb8;
	[tilespmem:$0x1C480] =	vst v63  }
0x3ef: {  	p0 =	sne.s32 s25, $0x1;
	s25 =	sadd.s32 $0xFFFFFFFF, s25;
	_ =	swait.ge [sflag:s22], $0x4000  }
.Ltmp54:
0x3f0: {  	[sflag:s22] =	ssyncset.done $0x0;
	(pc) =	sbr.rel @p0 .LBB2_75-.Ltmp54, $4  }
0x3f1: {  	[sflag:s22] =	ssyncadd.s32 $0xFFFFC000  }
0x3f2: {  	[spmem:s17] =	stream.indirect.scatter.add.f32 [tilespmem:s23], [sflag:$0x8], $0x80, s24, s20, $0xb8;
	[tilespmem:$0x1C480] =	vst v63  }
0x3f3: {  	_ =	swait.ge [sflag:s28], $0x4000  }
0x3f4: {  	[sflag:s28] =	ssyncset.done $0x0  }
.LBB2_76:
0x3f5: {  	[sflag:s28] =	ssyncadd.s32 $0xFFFFC000  }
.LBB2_77:
0x3f6: {  	[bflag:$0x0] =	sbarrier.arrive $0xFFFF;
	s6 =	simm.s32 $0x4  }
0x3f7: {  	_ =	swait.ge [sflag:s6], $0x1000  }
0x3f8: {  	s26 =	rddreg [dreg:$0x15]  }
0x3f9: {  	[sflag:s6] =	ssyncset.done $0x0;
	s24 =	rddreg [dreg:$0x1d]  }
0x3fa: {  	s25 =	rddreg [dreg:$0x1f];
	[sflag:s6] =	ssyncadd.s32 $0xFFFFF000  }
0x3fb: {  	[spmem:s24], [sflag:s25] =	dma.local [hbm:s26], $0x1000  }
0x3fc: {  	s25 =	sld [smem:$0x7F2]  }
0x3fd: {  	s6 =	rddreg [dreg:$0x16]  }
0x3fe: {  	s26 =	simm.s32 $0x2;
	s24 =	rddreg [dreg:$0x1e]  }
0x3ff: {  	[hbm:s6], [sflag:s25] =	dma.local [spmem:s24], $0x1000  }
0x400: {  	_ =	swait.ge [sflag:s26], $0x1000  }
0x401: {  	[sflag:s26] =	ssyncset.done $0x0  }
0x402: {  	[sflag:s26] =	ssyncadd.s32 $0xFFFFF000  }
0x403: {  	s6 =	simm.s32 @!p1 $0x6;
	[bflag:$0x0] =	sbarrier.arrive $0xFFFF  }
0x404: {  	_ =	swait.ge @!p1 [sflag:s6], $0x4000  }
0x405: {  	p0 =	seq.s32 @!p1 s31, $0x1;
	[sflag:s6] =	ssyncset.done @!p1 $0x0  }
0x406: {  	p0 =	por p1, p0;
	[sflag:s6] =	ssyncadd.s32 @!p1 $0xFFFFC000;
	s6 =	simm.s32 @!p1 $0x4000  }
0x407: {  	[spmem:s18] =	stream.indirect.scatter.add.f32 @!p1 [tilespmem:s9], [sflag:$0x8], $0x80, s6, s5, $0xb8;
	[tilespmem:$0x1C480] =	vst v63  }
.Ltmp55:
0x408: {  	_ = 	snop;
	(pc) =	sbr.rel @p0 .LBB2_81-.Ltmp55, $4  }
0x409: {  	s5 =	simm.s32 @!p1 $0x8  }
0x40a: {  	_ =	swait.ge @!p1 [sflag:s5], $0x4000  }
0x40b: {  	[sflag:s5] =	ssyncset.done @!p1 $0x0  }
0x40c: {  	s9 =	rddreg [dreg:$0x1c];
	[sflag:s5] =	ssyncadd.s32 @!p1 $0xFFFFC000  }
0x40d: {  	s5 =	simm.s32 $0x2080  }
0x40e: {  	[tilespmem:s21], [sflag:$0x7] =	stream.indirect.gather [hbm4b:s13+s20], $0x80, s5, s20, $0xb8;
	[tilespmem:$0x1C480] =	vst v63  }
0x40f: {  	_ =	swait.ge [sflag:s22], $0x4000  }
0x410: {  	s9 =	sld [smem:$0x7E4]  }
0x411: {  	s6 =	simm.s32 $0xFFFFFFFF  }
0x412: {  	s6 =	simm.s32 @!p2 $0x0  }
0x413: {  	s6 =	sadd.s32 s6, s9  }
0x414: {  	s9 =	sadd.s32 $0xFFFFFFFF, s6  }
0x415: {  	p0 =	sne.s32 s9, $0x1  }
.Ltmp56:
0x416: {  	[sflag:s22] =	ssyncset.done $0x0;
	(pc) =	sbr.rel @!p0 .LBB2_80-.Ltmp56, $4  }
0x417: {  	[sflag:s22] =	ssyncadd.s32 $0xFFFFC000;
	s6 =	simm.s32 $0x4080  }
0x418: {  	[spmem:s18] =	stream.indirect.scatter.add.f32 [tilespmem:s21], [sflag:$0x8], $0x80, s6, s20, $0xb8;
	[tilespmem:$0x1C480] =	vst v63  }
0x419: {  	_ =	swait.ge [sflag:s28], $0x4000  }
0x41a: {  	s9 =	sadd.s32 $0xFFFFFFFF, s9;
	[sflag:s28] =	ssyncset.done $0x0  }
.LBB2_79:
0x41b: {  	[sflag:s28] =	ssyncadd.s32 $0xFFFFC000;
	s5 =	sadd.s32 $0x80, s5;
	s6 =	sadd.s32 $0x80, s6  }
0x41c: {  	[tilespmem:s21], [sflag:$0x7] =	stream.indirect.gather [hbm4b:s13+s20], $0x80, s5, s20, $0xb8;
	[tilespmem:$0x1C480] =	vst v63  }
0x41d: {  	p0 =	sne.s32 s9, $0x1;
	s9 =	sadd.s32 $0xFFFFFFFF, s9;
	_ =	swait.ge [sflag:s22], $0x4000  }
.Ltmp57:
0x41e: {  	[sflag:s22] =	ssyncset.done $0x0;
	(pc) =	sbr.rel @p0 .LBB2_79-.Ltmp57, $4  }
0x41f: {  	[sflag:s22] =	ssyncadd.s32 $0xFFFFC000  }
0x420: {  	[spmem:s18] =	stream.indirect.scatter.add.f32 [tilespmem:s21], [sflag:$0x8], $0x80, s6, s20, $0xb8;
	[tilespmem:$0x1C480] =	vst v63  }
0x421: {  	_ =	swait.ge [sflag:s28], $0x4000  }
0x422: {  	[sflag:s28] =	ssyncset.done $0x0  }
.Ltmp58:
0x423: {  	_ = 	snop;
	(pc) =	sbr.rel .LBB2_80-.Ltmp58, $1  }
0x424: {  	_ =	sdelay $0x3  }
.LBB2_82:
0x425: {  	_ =	sfence.sel $0x180000  }
0x426: {  	[bflag:$0x0] =	sbarrier.arrive $0xFFFF  }
0x427: {  	_ =	strace $0x90000047  }
0x428: {  	s0 =	stileid.u32;
	[bflag:$0x2] =	sbarrier.arrive $0xFFFF  }
0x429: {  	p0 =	sne.s32 s0, $0x0;
	s0 =	rddreg [dreg:$0x6]  }
0x42a: {  	s0 =	sadd.s32 @!p0 $0x100000, s0  }
0x42b: {  	[sflag:s0] =	ssyncadd.tile.s32 @!p0 $0x1;
	_ =	shalt  }
.Lfunc_end2:
_tile_overlayer_lowered:
.L_overlay_start_2:
0x42c: {  	(tag) =	ssettag $0x2  }
0x42d: {  	s0 =	rddreg [dreg:$0x0];
	s2 =	stileid.u32  }
0x42e: {  	s1 =	rddreg [dreg:$0x1];
	p0 =	sne.s32 s2, $0x0  }
0x42f: {  	s3 =	rddreg [dreg:$0x2];
	[bflag:$0x3] =	sbarrier.arrive $0xFFFF;
	s2 =	simm.s32 @!p0 $0x1C08  }
0x430: {  	[timem:s3], [sflag:s2] =	dma.local @!p0 [hbm:s0], s1  }
0x431: {  	s0 =	simm.s32 @!p0 $0x8  }
0x432: {  	_ =	swait.ge @!p0 [sflag:s0], s1  }
0x433: {  	s1 =	ssub.s32 @!p0 $0x0, s1;
	[sflag:s0] =	ssyncset.done @!p0 $0x0  }
0x434: {  	[sflag:s0] =	ssyncadd.s32 @!p0 s1  }
0x435: {  	[bflag:$0x3] =	sbarrier.arrive $0xFFFF  }
0x436: {  	_ =	shalt  }

// kernel: kernel.8.cloned.1.call-start
scs
__scs_entry_jumppad:
0x0: {  	(pc) =	sbr.rel $0x88, $3  }
0x1: {  	(tag) =	ssettag $0x0;
	lr =	simm.s32 $0x1  }
0x2: {  	[smem:$0x3F9D] =	sst lr;
	_ =	strace $0xD0000000  }
0x3: {  	_ = 	snop  }
0x4: {  	_ = 	snop  }
0x5: {  	_ = 	snop  }
0x6: {  	_ = 	snop  }
0x7: {  	_ = 	snop  }
__scs_overlays_trampoline_lowered:
0x8: {  	[smem:$0x3FAC] =	sst s0  }
0x9: {  	[smem:$0x3FAD] =	sst s1  }
0xa: {  	[smem:$0x3FAE] =	sst s2  }
0xb: {  	[smem:$0x3FAF] =	sst s3  }
0xc: {  	[smem:$0x3FB0] =	sst s4  }
0xd: {  	[smem:$0x3FB1] =	sst s5  }
0xe: {  	[smem:$0x3FB2] =	sst s6  }
0xf: {  	[smem:$0x3FB3] =	sst s7  }
0x10: {  	[smem:$0x3FB4] =	sst s8  }
0x11: {  	[smem:$0x3FB5] =	sst s9;
	s0 =	simm.s32 @!p0 $0x0  }
0x12: {  	s1 =	sld [smem:$0x3F9B];
	s0 =	simm.s32 @p0 $0x1  }
0x13: {  	[smem:$0x3FB6] =	sst s0;
	s0 =	simm.s32 @!p1 $0x0  }
0x14: {  	s2 =	sld [smem:$0x3F9A];
	s0 =	simm.s32 @p1 $0x1  }
0x15: {  	[smem:$0x3FB7] =	sst s0;
	s0 =	simm.s32 @!p2 $0x0  }
0x16: {  	s3 =	sld [smem:$0x3FDB];
	s0 =	simm.s32 @p2 $0x1  }
0x17: {  	s4 =	simm.s32 $0x1BF5;
	[smem:$0x3FB9] =	sst s0  }
0x18: {  	s0 =	sld [smem:$0x3F9C];
	_ =	swait.ge [sflag:s4], $0x0  }
0x19: {  	s7 =	sld [smem:$0x3F9D]  }
0x1a: {  	s8 =	sadd.s32 $0xFFFFE003, lr  }
0x1b: {  	s9 =	sadd.s32 $0xFFFFFEF7, lr;
	s5 =	simm.s32 $0xFFFFFFFF;
	p2 =	slt.u32 s8, $0xFFFFF086  }
0x1c: {  	p1 =	slt.u32 s9, $0xF7A;
	s5 =	simm.s32 @!p2 $0x0  }
0x1d: {  	s5 =	simm.s32 @p1 $0x1;
	p0 =	seq.s32 s7, s2  }
0x1e: {  	s7 =	smul.u32 @!p0 $0xF7A, s2;
	p2 =	seq.s32 @!p0 s5, $0x0  }
0x1f: {  	s9 =	smul.u32 $0xF7A, s1;
	s8 =	simm.s32 @!p0 $0x1BF5;
	p2 =	por !p2, p0  }
0x20: {  	[sflag:s8] =	ssyncset.s32 @!p0 $0xFFFFF086;
	s6 =	sadd.s32 @!p0 s3, s7;
	s7 =	simm.s32 @!p0 $0x108  }
0x21: {  	s3 =	sadd.s32 s3, s9;
	s6 =	sadd.s32 @!p0 $0x88, s6;
	s7 =	simm.s32 @p2 $0x1082  }
0x22: {  	[simem:s7], [sflag:s8] =	dma.local @!p0 [hbm:s6], $0xF7A  }
0x23: {  	s9 =	sor.u32 $0xD0000000, s2;
	s6 =	simm.s32 $0x108;
	_ =	swait.ge @!p0 [sflag:s8], $0x0  }
0x24: {  	s3 =	sadd.s32 $0x88, s3;
	s6 =	simm.s32 @!p1 $0x1082;
	[sflag:s4] =	ssyncset.s32 $0xFFFFF086  }
0x25: {  	[simem:s6], [sflag:s4] =	dma.local [hbm:s3], $0xF7A  }
0x26: {  	[smem:$0x3F9D] =	sst s1;
	(tag) =	ssettag s2;
	_ =	strace s9  }
0x27: {  	s1 =	sld [smem:$0x3FAD]  }
0x28: {  	s2 =	sld [smem:$0x3FAE]  }
0x29: {  	s4 =	sld [smem:$0x3FB0]  }
0x2a: {  	p0 =	seq.s32 s5, $0x0;
	s5 =	sld [smem:$0x3FB1]  }
0x2b: {  	s6 =	sld [smem:$0x3FB2]  }
0x2c: {  	s7 =	sld [smem:$0x3FB3]  }
0x2d: {  	s3 =	simm.s32 $0x108;
	s8 =	sld [smem:$0x3FB4]  }
0x2e: {  	s3 =	simm.s32 @!p0 $0x1082;
	s9 =	sld [smem:$0x3FB5]  }
0x2f: {  	lr =	sadd.s32 s0, s3;
	s0 =	sld [smem:$0x3FAC]  }
0x30: {  	s3 =	sld [smem:$0x3FAF]  }
0x31: {  	[smem:$0x3FB8] =	sst s10  }
0x32: {  	s10 =	sld [smem:$0x3FB6];
	_ =	sdelay $0x3  }
0x33: {  	p0 =	seq.s32 s10, $0x1;
	s10 =	sld [smem:$0x3FB8];
	_ =	sdelay $0x3  }
0x34: {  	[smem:$0x3FB8] =	sst s10  }
0x35: {  	s10 =	sld [smem:$0x3FB7];
	_ =	sdelay $0x3  }
0x36: {  	p1 =	seq.s32 s10, $0x1;
	s10 =	sld [smem:$0x3FB8];
	_ =	sdelay $0x3  }
0x37: {  	[smem:$0x3FB8] =	sst s10  }
0x38: {  	s10 =	sld [smem:$0x3FB9]  }
0x39: {  	_ = 	snop;
	(pc) =	sbr.ind lr, $3  }
0x3a: {  	_ = 	snop  }
0x3b: {  	_ = 	snop  }
0x3c: {  	p2 =	seq.s32 s10, $0x1;
	s10 =	sld [smem:$0x3FB8]  }
0x3d: {  	_ =	shalt  }
0x3e: {  	_ =	shalt  }
0x3f: {  	_ =	shalt  }
0x40: {  	_ =	shalt  }
0x41: {  	_ =	shalt  }
0x42: {  	_ =	shalt  }
0x43: {  	_ =	shalt  }
0x44: {  	_ =	shalt  }
0x45: {  	_ =	shalt  }
0x46: {  	_ =	shalt  }
0x47: {  	_ =	shalt  }
0x48: {  	_ =	shalt  }
0x49: {  	_ =	shalt  }
0x4a: {  	_ =	shalt  }
0x4b: {  	_ =	shalt  }
0x4c: {  	_ =	shalt  }
0x4d: {  	_ =	shalt  }
0x4e: {  	_ =	shalt  }
0x4f: {  	_ =	shalt  }
0x50: {  	_ =	shalt  }
0x51: {  	_ =	shalt  }
0x52: {  	_ =	shalt  }
0x53: {  	_ =	shalt  }
0x54: {  	_ =	shalt  }
0x55: {  	_ =	shalt  }
0x56: {  	_ =	shalt  }
0x57: {  	_ =	shalt  }
0x58: {  	_ =	shalt  }
0x59: {  	_ =	shalt  }
0x5a: {  	_ =	shalt  }
0x5b: {  	_ =	shalt  }
0x5c: {  	_ =	shalt  }
0x5d: {  	_ =	shalt  }
0x5e: {  	_ =	shalt  }
0x5f: {  	_ =	shalt  }
0x60: {  	_ =	shalt  }
0x61: {  	_ =	shalt  }
0x62: {  	_ =	shalt  }
0x63: {  	_ =	shalt  }
0x64: {  	_ =	shalt  }
0x65: {  	_ =	shalt  }
0x66: {  	_ =	shalt  }
0x67: {  	_ =	shalt  }
0x68: {  	_ =	shalt  }
0x69: {  	_ =	shalt  }
0x6a: {  	_ =	shalt  }
0x6b: {  	_ =	shalt  }
0x6c: {  	_ =	shalt  }
0x6d: {  	_ =	shalt  }
0x6e: {  	_ =	shalt  }
0x6f: {  	_ =	shalt  }
0x70: {  	_ =	shalt  }
0x71: {  	_ =	shalt  }
0x72: {  	_ =	shalt  }
0x73: {  	_ =	shalt  }
0x74: {  	_ =	shalt  }
0x75: {  	_ =	shalt  }
0x76: {  	_ =	shalt  }
0x77: {  	_ =	shalt  }
0x78: {  	_ =	shalt  }
0x79: {  	_ =	shalt  }
0x7a: {  	_ =	shalt  }
0x7b: {  	_ =	shalt  }
0x7c: {  	_ =	shalt  }
0x7d: {  	_ =	shalt  }
0x7e: {  	_ =	shalt  }
0x7f: {  	_ =	shalt  }
0x80: {  	_ =	shalt  }
0x81: {  	_ =	shalt  }
0x82: {  	_ =	shalt  }
0x83: {  	_ =	shalt  }
0x84: {  	_ =	shalt  }
0x85: {  	_ =	shalt  }
0x86: {  	_ =	shalt  }
0x87: {  	_ =	shalt  }
.Lfunc_end0:
.L_simem_size_0:
called_computation.1_lowered:
.L_overlay_start_0:
0x88: {  	s2 =	sld [smem:$0x3FD9]  }
0x89: {  	s3 =	sld [smem:$0x3FFE];
	_ =	sdelay $0x1  }
0x8a: {  	s1 =	srdreg.scid  }
0x8b: {  	s0 =	sand.u32 $0x1, s1  }
0x8c: {  	s15 =	sshll.u32 s0, $0xA;
	s2 =	sadd.s32 s3, s2  }
0x8d: {  	s2 =	sadd.s32 s2, s15  }
0x8e: {  	[smem:$0x3FC4] =	sst s2  }
0x8f: {  	_ = 	snop  }
0x90: {  	s2 =	sld [smem:$0x3FD0];
	_ =	sdelay $0x2  }
0x91: {  	s4 =	simm.s32 $0xA;
	s5 =	simm.s32 $0x10;
	s16 =	sld [smem:$0x3FC7]  }
0x92: {  	[smem:s5], [sflag:s4] =	dma.local [hbm:s2], $0x1  }
0x93: {  	_ =	swait.eq [sflag:s4], $0x1  }
0x94: {  	[sflag:s4] =	ssyncset.done $0x0  }
0x95: {  	s17 =	sld [smem:$0x10];
	[sflag:s4] =	ssyncadd.s32 $0xFFFFFFFF  }
0x96: {  	s18 =	sld [smem:$0x11];
	(tm) =	ssettm $0x1  }
0x97: {  	s19 =	sld [smem:$0x3FFB];
	_ =	sdelay $0x3  }
0x98: {  	_ =	strace s19  }
0x99: {  	s5 =	sld [smem:$0x3FFC];
	_ =	sdelay $0x3  }
0x9a: {  	_ =	strace s5  }
0x9b: {  	s5 =	sld [smem:$0x3FFD];
	_ =	sdelay $0x3  }
0x9c: {  	_ =	strace s5  }
0x9d: {  	_ =	strace $0x8FFFFFFF  }
0x9e: {  	s20 =	sld [smem:$0x3FDB];
	_ =	sdelay $0x1  }
0x9f: {  	s6 =	simm.s32 $_scs_section_size  }
0xa0: {  	s7 =	simm.s32 $_size__tile_overlayer_lowered;
	s8 =	simm.s32 $_tile_overlayer_lowered  }
0xa1: {  	s23 =	simm.s32 $0x1BFF;
	s22 =	sshll.u32 s8, $0x1;
	s5 =	sadd.s32 s6, s20  }
0xa2: {  	s9 =	simm.s32 $0x0;
	s21 =	sshll.u32 s7, $0x1;
	s7 =	sadd.s32 s22, s5  }
0xa3: {  	[timem:s9], [sflag:s23] =	dma.local [hbm:s7], s21  }
0xa4: {  	_ =	swait.ge [sflag:s23], s21  }
0xa5: {  	s6 =	ssub.s32 $0x0, s21;
	[sflag:s23] =	ssyncset.done $0x0  }
0xa6: {  	[sflag:s23] =	ssyncadd.s32 s6;
	_ =	sdelay $0x1  }
0xa7: {  	s24 =	simm.s32 $0x1B8B  }
0xa8: {  	_ =	swait.ge [sflag:s24], $0x1  }
0xa9: {  	[sflag:s24] =	ssyncset.done $0x0  }
0xaa: {  	s25 =	simm.s32 $0x1B8E;
	[sflag:s24] =	ssyncadd.s32 $0xFFFFFFFF  }
0xab: {  	s26 =	simm.s32 $execute0_lowered;
	[smem:$0x3FD2] =	sst s25  }
0xac: {  	s6 =	sshll.u32 s26, $0x1;
	_ =	strace $0x80000049;
	[dreg:$0x1] =	wrdreg $0xFFFFFFFF  }
0xad: {  	s28 =	simm.s32 $_size_execute0_lowered;
	s5 =	sadd.s32 s5, s6;
	[dreg:$0x0] =	wrdreg $0x0  }
0xae: {  	s6 =	sshll.u32 s28, $0x1;
	[dreg:$0x2] =	wrdreg s5  }
0xaf: {  	[dreg:$0x3] =	wrdreg s6  }
0xb0: {  	[dreg:$0x4] =	wrdreg $0xC0  }
0xb1: {  	_ =	task [dreg:s9], $0x5FFFF  }
0xb2: {  	[dreg:$0x1] =	wrdreg $0xFFFFFFFF  }
0xb3: {  	[dreg:$0x0] =	wrdreg $0x60  }
0xb4: {  	[dreg:$0x2] =	wrdreg s17  }
0xb5: {  	[dreg:$0x3] =	wrdreg s16  }
0xb6: {  	[dreg:$0x4] =	wrdreg s18  }
0xb7: {  	[dreg:$0x5] =	wrdreg $0x9  }
0xb8: {  	_ =	task.clear_ibuf [dreg:s9], $0x6FFFF;
	_ =	strace $0x90000049  }
0xb9: {  	s29 =	simm.s32 $0x9;
	_ =	strace $0x8000004B  }
0xba: {  	_ =	swait.ge [sflag:s29], $0x1  }
0xbb: {  	[sflag:s29] =	ssyncadd.s32 $0xFFFFFFFF  }
0xbc: {  	_ =	strace $0x9000004B  }
0xbd: {  	_ =	sfence  }
0xbe: {  	s30 =	sld [smem:$0x0];
	_ =	sdelay $0x2  }
0xbf: {  	s31 =	sshll.u32 s1, $0xD;
	s1 =	sshrl.u32 s1, $0x2  }
0xc0: {  	s3 =	sand.u32 $0x4000, s31;
	s1 =	sadd.s32 s1, s30  }
0xc1: {  	s0 =	sor.u32 s3, s0;
	s1 =	sshll.u32 s1, $0x11  }
0xc2: {  	s0 =	sor.u32 s1, s0  }
0xc3: {  	s0 =	sadd.s32 $0x8F2B, s0  }
0xc4: {  	[sflag:s0] =	ssyncadd.remote.s32 $0x1  }
0xc5: {  	_ =	sfence.sel $0xFFFF  }
0xc6: {  	[dreg:$0x0] =	wrdreg $0xFFFFFFFF;
	(pc) =	sbr.abs _section_cstart, $3  }
0xc7: {  	[dreg:$0x1] =	wrdreg $0xFFFFFFFF  }
0xc8: {  	_ =	task.clear_ibuf [dreg:s9], $0x2FFFF;
	_ =	strace $0x9FFFFFFF  }
0xc9: {  	(tm) =	ssettm $0x7FFFFFFF  }
tec
execute0_lowered:
.L_overlay_start_1:
0x0: {  	(tag) =	ssettag $0x1  }
0x1: {  	s1 =	rddreg [dreg:$0x0];
	s2 =	srdreg.scid  }
0x2: {  	s4 =	rddreg [dreg:$0x1];
	s0 =	stileid.u32;
	s16 =	sand.u32 $0x1, s2  }
0x3: {  	s10 =	rddreg [dreg:$0x2];
	s5 =	sshll.u32 s0, $0xA;
	s6 =	sshll.u32 s16, $0x9  }
0x4: {  	s3 =	simm.s32 $0x0;
	s2 =	rddreg [dreg:$0x3];
	s11 =	sor.u32 s6, s5  }
0x5: {  	[smem:$0x7FF] =	sst s3;
	s5 =	sshrl.u32 s11, $0x3  }
0x6: {  	_ =	strace $0x8000004A;
	s5 =	sadd.s32 s4, s5;
	s4 =	simm.s32 $0x3  }
0x7: {  	[tilespmem:s3], [sflag:$0x3] =	stream.linear.gather [hbm4b:s5+s3], $0x200, $0x38;
	[tilespmem:$0x8200] =	vst v63  }
0x8: {  	_ =	swait.ge [sflag:s4], $0x200  }
0x9: {  	[sflag:s4] =	ssyncset.done $0x0  }
0xa: {  	s7 =	simm.s32 $0x200;
	s6 =	simm.s32 $0x80;
	[sflag:s4] =	ssyncadd.s32 $0xFFFFFE00  }
0xb: {  	[tilespmem:s7], [sflag:$0x1] =	stream.indirect.gather [hbm4b:s1+s6], $0x80, s3, s6, $0xb8;
	[tilespmem:$0x8200] =	vst v63  }
0xc: {  	s8 =	simm.s32 $0x4200;
	s9 =	simm.s32 $0x1  }
0xd: {  	[tilespmem:s8], [sflag:$0x2] =	stream.indirect.gather [hbm4b:s1+s6], $0x80, s6, s6, $0xb8;
	[tilespmem:$0x8200] =	vst v63  }
0xe: {  	_ =	swait.ge [sflag:s9], $0x4000  }
0xf: {  	s11 =	sshll.u32 s11, $0x4;
	[sflag:s9] =	ssyncset.done $0x0  }
0x10: {  	s10 =	sadd.s32 s10, s11;
	[sflag:s9] =	ssyncadd.s32 $0xFFFFC000  }
0x11: {  	[hbm4b:s10+s3] =	stream.linear.scatter [tilespmem:s7], [sflag:$0x3], $0x4000, $0x38;
	[tilespmem:$0x8200] =	vst v63  }
0x12: {  	_ =	swait.ge [sflag:s4], $0x4000  }
0x13: {  	[sflag:s4] =	ssyncset.done $0x0  }
0x14: {  	s12 =	simm.s32 $0x2;
	s11 =	simm.s32 $0x100;
	[sflag:s4] =	ssyncadd.s32 $0xFFFFC000  }
0x15: {  	[tilespmem:s7], [sflag:$0x1] =	stream.indirect.gather [hbm4b:s1+s6], $0x80, s11, s6, $0xb8;
	[tilespmem:$0x8200] =	vst v63  }
0x16: {  	_ =	swait.ge [sflag:s12], $0x4000  }
0x17: {  	[sflag:s12] =	ssyncset.done $0x0  }
0x18: {  	s13 =	sadd.s32 $0x800, s10;
	[sflag:s12] =	ssyncadd.s32 $0xFFFFC000  }
0x19: {  	[hbm4b:s13+s3] =	stream.linear.scatter [tilespmem:s8], [sflag:$0x3], $0x4000, $0x38;
	[tilespmem:$0x8200] =	vst v63  }
0x1a: {  	_ =	swait.ge [sflag:s4], $0x4000  }
0x1b: {  	[sflag:s4] =	ssyncset.done $0x0  }
0x1c: {  	s14 =	simm.s32 $0x180;
	[sflag:s4] =	ssyncadd.s32 $0xFFFFC000  }
0x1d: {  	[tilespmem:s8], [sflag:$0x2] =	stream.indirect.gather [hbm4b:s1+s6], $0x80, s14, s6, $0xb8;
	[tilespmem:$0x8200] =	vst v63  }
0x1e: {  	_ =	swait.ge [sflag:s9], $0x4000  }
0x1f: {  	[sflag:s9] =	ssyncset.done $0x0  }
0x20: {  	s16 =	ssub.s32 $0x2, s16;
	s15 =	sadd.s32 $0x1000, s10;
	[sflag:s9] =	ssyncadd.s32 $0xFFFFC000  }
0x21: {  	[hbm4b:s15+s3] =	stream.linear.scatter [tilespmem:s7], [sflag:$0x3], $0x4000, $0x38;
	[tilespmem:$0x8200] =	vst v63  }
0x22: {  	s17 =	sshrl.u32 s16, $0x1;
	_ =	swait.ge [sflag:s4], $0x4000  }
0x23: {  	s17 =	ssub.s32 s16, s17;
	[sflag:s4] =	ssyncset.done $0x0  }
0x24: {  	s17 =	smax.u32 s17, $0x1;
	[sflag:s4] =	ssyncadd.s32 $0xFFFFC000  }
0x25: {  	p0 =	sne.s32 s17, $0x1;
	_ =	swait.ge [sflag:s12], $0x4000  }
.Ltmp0:
0x26: {  	[sflag:s12] =	ssyncset.done $0x0;
	(pc) =	sbr.rel @!p0 .LBB2_2-.Ltmp0, $4  }
0x27: {  	s16 =	sadd.s32 $0x1800, s10;
	[sflag:s12] =	ssyncadd.s32 $0xFFFFC000  }
0x28: {  	[hbm4b:s16+s3] =	stream.linear.scatter [tilespmem:s8], [sflag:$0x3], $0x4000, $0x38;
	[tilespmem:$0x8200] =	vst v63  }
0x29: {  	_ =	swait.ge [sflag:s4], $0x4000  }
0x2a: {  	s17 =	sadd.s32 $0xFFFFFFFF, s17;
	[sflag:s4] =	ssyncset.done $0x0  }
.LBB2_1:
0x2b: {  	p0 =	sne.s32 s17, $0x1;
	s17 =	sadd.s32 $0xFFFFFFFF, s17;
	[sflag:s4] =	ssyncadd.s32 $0xFFFFC000  }
0x2c: {  	[tilespmem:s3], [sflag:$0x3] =	stream.linear.gather [hbm4b:s5+s3], $0x200, $0x38;
	[tilespmem:$0x8200] =	vst v63  }
0x2d: {  	_ =	swait.ge [sflag:s4], $0x200  }
0x2e: {  	[sflag:s4] =	ssyncset.done $0x0  }
0x2f: {  	[sflag:s4] =	ssyncadd.s32 $0xFFFFFE00  }
0x30: {  	[tilespmem:s7], [sflag:$0x1] =	stream.indirect.gather [hbm4b:s1+s6], $0x80, s3, s6, $0xb8;
	[tilespmem:$0x8200] =	vst v63  }
0x31: {  	_ = 	snop  }
0x32: {  	[tilespmem:s8], [sflag:$0x2] =	stream.indirect.gather [hbm4b:s1+s6], $0x80, s6, s6, $0xb8;
	[tilespmem:$0x8200] =	vst v63  }
0x33: {  	_ =	swait.ge [sflag:s9], $0x4000  }
0x34: {  	[sflag:s9] =	ssyncset.done $0x0  }
0x35: {  	[sflag:s9] =	ssyncadd.s32 $0xFFFFC000  }
0x36: {  	[hbm4b:s10+s3] =	stream.linear.scatter [tilespmem:s7], [sflag:$0x3], $0x4000, $0x38;
	[tilespmem:$0x8200] =	vst v63  }
0x37: {  	_ =	swait.ge [sflag:s4], $0x4000  }
0x38: {  	[sflag:s4] =	ssyncset.done $0x0  }
0x39: {  	[sflag:s4] =	ssyncadd.s32 $0xFFFFC000  }
0x3a: {  	[tilespmem:s7], [sflag:$0x1] =	stream.indirect.gather [hbm4b:s1+s6], $0x80, s11, s6, $0xb8;
	[tilespmem:$0x8200] =	vst v63  }
0x3b: {  	_ =	swait.ge [sflag:s12], $0x4000  }
0x3c: {  	[sflag:s12] =	ssyncset.done $0x0  }
0x3d: {  	[sflag:s12] =	ssyncadd.s32 $0xFFFFC000  }
0x3e: {  	[hbm4b:s13+s3] =	stream.linear.scatter [tilespmem:s8], [sflag:$0x3], $0x4000, $0x38;
	[tilespmem:$0x8200] =	vst v63  }
0x3f: {  	_ =	swait.ge [sflag:s4], $0x4000  }
0x40: {  	[sflag:s4] =	ssyncset.done $0x0  }
0x41: {  	[sflag:s4] =	ssyncadd.s32 $0xFFFFC000  }
0x42: {  	[tilespmem:s8], [sflag:$0x2] =	stream.indirect.gather [hbm4b:s1+s6], $0x80, s14, s6, $0xb8;
	[tilespmem:$0x8200] =	vst v63  }
0x43: {  	_ =	swait.ge [sflag:s9], $0x4000  }
0x44: {  	[sflag:s9] =	ssyncset.done $0x0  }
0x45: {  	[sflag:s9] =	ssyncadd.s32 $0xFFFFC000  }
0x46: {  	[hbm4b:s15+s3] =	stream.linear.scatter [tilespmem:s7], [sflag:$0x3], $0x4000, $0x38;
	[tilespmem:$0x8200] =	vst v63  }
0x47: {  	_ =	swait.ge [sflag:s4], $0x4000  }
0x48: {  	[sflag:s4] =	ssyncset.done $0x0  }
0x49: {  	[sflag:s4] =	ssyncadd.s32 $0xFFFFC000  }
0x4a: {  	_ =	swait.ge [sflag:s12], $0x4000  }
.Ltmp1:
0x4b: {  	[sflag:s12] =	ssyncset.done $0x0;
	(pc) =	sbr.rel @p0 .LBB2_1-.Ltmp1, $4  }
0x4c: {  	[sflag:s12] =	ssyncadd.s32 $0xFFFFC000  }
0x4d: {  	[hbm4b:s16+s3] =	stream.linear.scatter [tilespmem:s8], [sflag:$0x3], $0x4000, $0x38;
	[tilespmem:$0x8200] =	vst v63  }
0x4e: {  	_ =	swait.ge [sflag:s4], $0x4000  }
0x4f: {  	[sflag:s4] =	ssyncset.done $0x0  }
.LBB2_2:
0x50: {  	[sflag:s4] =	ssyncadd.s32 $0xFFFFC000  }
0x51: {  	_ =	sfence.sel $0x180000  }
0x52: {  	[bflag:$0x0] =	sbarrier.arrive $0xFFFF  }
0x53: {  	p0 =	sne.s32 s0, $0x0;
	_ =	strace $0x9000004A  }
0x54: {  	s0 =	sadd.s32 @!p0 $0x100000, s2;
	[bflag:$0x2] =	sbarrier.arrive $0xFFFF  }
0x55: {  	[sflag:s0] =	ssyncadd.tile.s32 @!p0 $0x1;
	_ =	shalt  }
.Lfunc_end2:
_tile_overlayer_lowered:
.L_overlay_start_2:
0x56: {  	(tag) =	ssettag $0x2  }
0x57: {  	s0 =	rddreg [dreg:$0x0];
	s2 =	stileid.u32  }
0x58: {  	s1 =	rddreg [dreg:$0x1];
	p0 =	sne.s32 s2, $0x0  }
0x59: {  	s3 =	rddreg [dreg:$0x2];
	[bflag:$0x3] =	sbarrier.arrive $0xFFFF;
	s2 =	simm.s32 @!p0 $0x1C03  }
0x5a: {  	[timem:s3], [sflag:s2] =	dma.local @!p0 [hbm:s0], s1  }
0x5b: {  	s0 =	simm.s32 @!p0 $0x3  }
0x5c: {  	_ =	swait.ge @!p0 [sflag:s0], s1  }
0x5d: {  	s1 =	ssub.s32 @!p0 $0x0, s1;
	[sflag:s0] =	ssyncset.done @!p0 $0x0  }
0x5e: {  	[sflag:s0] =	ssyncadd.s32 @!p0 s1  }
0x5f: {  	[bflag:$0x3] =	sbarrier.arrive $0xFFFF  }
0x60: {  	_ =	shalt  }

</sc_bundles>
